<compile_context>
chip_gen: v7x
topology: tpu7x:2x2x1
jax: 0.10.2.dev20260603
libtpu: 0.0.44.dev20260713+nightly
codegen_flags: <defaults>
</compile_context>

<pallas_src>
import functools

import jax
import jax.numpy as jnp
from jax import lax
from jax.experimental import pallas as pl
from jax.experimental.pallas import tpu as pltpu
from jax.experimental.pallas import tpu_sc as plsc

N = 4096
A = 768
D = 16384
TOP_K = 32
K_TOT = TOP_K * N
L1_COEFF = 0.0003

NC = 2
NS = 16
L = 16
NW = NC * NS

NBINS = 2048
HIST_W = L * NBINS
SHIFTS = (20, 10, 0)
SPANS = (2048, 1024, 1024)

ELEMS = N * D
PER_W = ELEMS // NW
WIN = 16384
N_WIN = PER_W // WIN


def _prep_body(x_ref, bdec_ref, xn_ref, xe_ref, mean_ref, std_ref):
    x = x_ref[...]
    mu = jnp.mean(x, axis=1, keepdims=True)
    xc = x - mu
    var = jnp.sum(xc * xc, axis=1, keepdims=True) / (A - 1)
    sd = jnp.sqrt(var)
    xn = xc / (sd + 1e-5)
    xn_ref[...] = xn
    xe_ref[...] = xn - bdec_ref[...]
    mean_ref[...] = mu
    std_ref[...] = sd


def _prep(x, b_dec, interpret=False):
    blk = 512
    return pl.pallas_call(
        _prep_body,
        grid=(N // blk,),
        in_specs=[
            pl.BlockSpec((blk, A), lambda i: (i, 0)),
            pl.BlockSpec((1, A), lambda i: (0, 0)),
        ],
        out_specs=[
            pl.BlockSpec((blk, A), lambda i: (i, 0)),
            pl.BlockSpec((blk, A), lambda i: (i, 0)),
            pl.BlockSpec((blk, 1), lambda i: (i, 0)),
            pl.BlockSpec((blk, 1), lambda i: (i, 0)),
        ],
        out_shape=[
            jax.ShapeDtypeStruct((N, A), jnp.float32),
            jax.ShapeDtypeStruct((N, A), jnp.float32),
            jax.ShapeDtypeStruct((N, 1), jnp.float32),
            jax.ShapeDtypeStruct((N, 1), jnp.float32),
        ],
        interpret=interpret,
    )(x, b_dec.reshape(1, A))


def _enc_body(xe_ref, w_ref, acts_ref, s1_ref, s0_ref):
    j = pl.program_id(0)
    a = jnp.dot(xe_ref[...], w_ref[...], preferred_element_type=jnp.float32)
    a = jnp.maximum(a, 0.0)
    acts_ref[...] = a

    @pl.when(j == 0)
    def _():
        s1_ref[0, 0] = 0.0
        s0_ref[0, 0] = 0.0

    s1_ref[0, 0] += jnp.sum(a)
    s0_ref[0, 0] += jnp.sum((a > 0.0).astype(jnp.float32))


def _encode(xe, w_enc, interpret=False):
    blk = 512
    return pl.pallas_call(
        _enc_body,
        grid=(D // blk,),
        in_specs=[
            pl.BlockSpec((N, A), lambda j: (0, 0)),
            pl.BlockSpec((A, blk), lambda j: (0, j)),
        ],
        out_specs=[
            pl.BlockSpec((N, blk), lambda j: (0, j)),
            pl.BlockSpec((1, 1), lambda j: (0, 0), memory_space=pltpu.SMEM),
            pl.BlockSpec((1, 1), lambda j: (0, 0), memory_space=pltpu.SMEM),
        ],
        out_shape=[
            jax.ShapeDtypeStruct((N, D), jnp.float32),
            jax.ShapeDtypeStruct((1, 1), jnp.float32),
            jax.ShapeDtypeStruct((1, 1), jnp.float32),
        ],
        interpret=interpret,
    )(xe, w_enc)


def _hist_body(shift, span, acts_hbm, lo_hbm, out_hbm,
               hist, buf0, buf1, lo_v, sem0, sem1):
    wid = lax.axis_index("s") * NC + lax.axis_index("c")
    base = wid * PER_W

    def zbody(i, _):
        hist[pl.ds(i * L, L)] = jnp.zeros((L,), jnp.int32)
        return 0
    lax.fori_loop(0, HIST_W // L, zbody, 0, unroll=4)

    pltpu.sync_copy(lo_hbm, lo_v)
    lo = lo_v[...]
    lane_base = lax.iota(jnp.int32, L) * NBINS
    ones = jnp.ones((L,), jnp.int32)

    def win_slice(g):
        return acts_hbm.at[pl.ds(base + g * WIN, WIN)]

    def compute(buf):
        @plsc.parallel_loop(0, WIN, step=L * 8)
        def _(c0):
            for u in range(8):
                    c = c0 + u * L
                    vals = buf[pl.ds(c, L)]
                    bits = plsc.bitcast(vals, jnp.int32)
                    if shift == SHIFTS[0]:
                        m = bits != 0
                        plsc.addupdate_scatter(
                            hist, [(bits >> shift) + lane_base], ones, mask=m)
                    else:
                        bin_ = (bits >> shift) - lo
                        m = bin_.astype(jnp.uint32) < jnp.uint32(span)
                        plsc.addupdate_scatter(
                            hist, [bin_ + lane_base], ones, mask=m)

    pltpu.make_async_copy(win_slice(0), buf0, sem0).start()
    pltpu.make_async_copy(win_slice(1), buf1, sem1).start()

    def gbody(gg, _):
        g0 = 2 * gg
        pltpu.make_async_copy(win_slice(g0), buf0, sem0).wait()
        compute(buf0)
        pltpu.make_async_copy(win_slice(g0 + 2), buf0, sem0).start()
        pltpu.make_async_copy(win_slice(g0 + 1), buf1, sem1).wait()
        compute(buf1)
        pltpu.make_async_copy(win_slice(g0 + 3), buf1, sem1).start()
        return 0

    lax.fori_loop(0, N_WIN // 2 - 1, gbody, 0)
    pltpu.make_async_copy(win_slice(N_WIN - 2), buf0, sem0).wait()
    compute(buf0)
    pltpu.make_async_copy(win_slice(N_WIN - 1), buf1, sem1).wait()
    compute(buf1)
    pltpu.sync_copy(hist, out_hbm.at[wid])


def _sc_hist(shift, span):
    mesh = plsc.VectorSubcoreMesh(core_axis_name="c", subcore_axis_name="s")
    return pl.kernel(
        functools.partial(_hist_body, shift, span),
        out_type=jax.ShapeDtypeStruct((NW, HIST_W), jnp.int32),
        mesh=mesh,
        compiler_params=pltpu.CompilerParams(needs_layout_passes=False),
        scratch_types=[
            pltpu.VMEM((HIST_W,), jnp.int32),
            pltpu.VMEM((WIN,), jnp.float32),
            pltpu.VMEM((WIN,), jnp.float32),
            pltpu.VMEM((L,), jnp.int32),
            pltpu.SemaphoreType.DMA,
            pltpu.SemaphoreType.DMA,
        ],
    )


def _sel_body(shift, next_shift, hist_ref, t_ref, r_ref, *outs):
    h = hist_ref[...].astype(jnp.int32)
    hsum = jnp.sum(h, axis=0, keepdims=True)
    t = jnp.zeros((1, NBINS), jnp.int32)
    for l in range(L):
        t = t + hsum[:, l * NBINS:(l + 1) * NBINS]
    idx = lax.broadcasted_iota(jnp.int32, (1, NBINS), 1)
    csum = t
    s = 1
    while s < NBINS:
        csum = csum + jnp.where(idx >= s, pltpu.roll(csum, s, 1), 0)
        s *= 2
    suf = jnp.sum(t) - csum + t
    r = r_ref[0, 0]
    bstar = jnp.max(jnp.where(suf >= r, idx, -1))
    cnt_at = jnp.sum(jnp.where(idx == bstar, t, 0))
    suf_at = jnp.sum(jnp.where(idx == bstar, suf, 0))
    t_out = t_ref[0, 0] + (bstar << shift)
    r_out = r - (suf_at - cnt_at)
    if next_shift is None:
        tau_ref, = outs
        tau_ref[0, 0] = lax.bitcast_convert_type(t_out, jnp.float32)
    else:
        to_ref, ro_ref, lo_ref = outs
        to_ref[0, 0] = t_out
        ro_ref[0, 0] = r_out
        lo_ref[...] = jnp.full((1, L), t_out >> next_shift, jnp.int32)


def _select(shift, next_shift, hist, t_in, r_in, interpret=False):
    smem11 = pl.BlockSpec((1, 1), lambda: (0, 0), memory_space=pltpu.SMEM)
    if next_shift is None:
        out_specs = [smem11]
        out_shape = [jax.ShapeDtypeStruct((1, 1), jnp.float32)]
    else:
        out_specs = [smem11, smem11,
                     pl.BlockSpec((1, L), lambda: (0, 0))]
        out_shape = [jax.ShapeDtypeStruct((1, 1), jnp.int32),
                     jax.ShapeDtypeStruct((1, 1), jnp.int32),
                     jax.ShapeDtypeStruct((1, L), jnp.int32)]
    res = pl.pallas_call(
        functools.partial(_sel_body, shift, next_shift),
        in_specs=[
            pl.BlockSpec((NW, HIST_W), lambda: (0, 0)),
            smem11,
            smem11,
        ],
        out_specs=out_specs,
        out_shape=out_shape,
        interpret=interpret,
    )(hist, t_in, r_in)
    return res[0] if next_shift is None else res


def _dec_body(acts_ref, w_ref, bdec_ref, tau_ref, atk_ref, recon_ref):
    j = pl.program_id(0)
    tau = tau_ref[0, 0]
    a = acts_ref[...]
    atk = jnp.where(a >= tau, a, 0.0)
    atk_ref[...] = atk

    @pl.when(j == 0)
    def _():
        recon_ref[...] = jnp.broadcast_to(bdec_ref[...], (N, A))

    recon_ref[...] += jnp.dot(atk, w_ref[...],
                              preferred_element_type=jnp.float32)


def _decode(acts, w_dec, b_dec, tau, interpret=False):
    blk = 256
    return pl.pallas_call(
        _dec_body,
        grid=(D // blk,),
        in_specs=[
            pl.BlockSpec((N, blk), lambda j: (0, j)),
            pl.BlockSpec((blk, A), lambda j: (j, 0)),
            pl.BlockSpec((1, A), lambda j: (0, 0)),
            pl.BlockSpec((1, 1), lambda j: (0, 0), memory_space=pltpu.SMEM),
        ],
        out_specs=[
            pl.BlockSpec((N, blk), lambda j: (0, j)),
            pl.BlockSpec((N, A), lambda j: (0, 0)),
        ],
        out_shape=[
            jax.ShapeDtypeStruct((N, D), jnp.float32),
            jax.ShapeDtypeStruct((N, A), jnp.float32),
        ],
        interpret=interpret,
    )(acts, w_dec, b_dec.reshape(1, A), tau)


def _fin_body(recon_ref, xn_ref, mean_ref, std_ref, s1_ref, s0_ref,
              sae_ref, loss_ref, l2_ref, l1l_ref, l0n_ref, l1n_ref, fvu_ref,
              se_acc, xs_acc, x2_acc):
    i = pl.program_id(0)
    nblk = pl.num_programs(0)
    recon = recon_ref[...]
    xn = xn_ref[...]
    sae_ref[...] = recon * std_ref[...] + mean_ref[...]
    d = recon - xn

    @pl.when(i == 0)
    def _():
        se_acc[0, 0] = 0.0
        xs_acc[0, 0] = 0.0
        x2_acc[0, 0] = 0.0

    se_acc[0, 0] += jnp.sum(d * d)
    xs_acc[0, 0] += jnp.sum(xn)
    x2_acc[0, 0] += jnp.sum(xn * xn)

    @pl.when(i == nblk - 1)
    def _():
        m = N * A
        l2 = se_acc[0, 0] / m
        mean_xn = xs_acc[0, 0] / m
        x_var = (x2_acc[0, 0] - xs_acc[0, 0] * mean_xn) / (m - 1)
        l1n = s1_ref[0, 0] / N
        l0n = s0_ref[0, 0] / N
        l1l = L1_COEFF * l1n
        l2_ref[0, 0] = l2
        l1l_ref[0, 0] = l1l
        l0n_ref[0, 0] = l0n
        l1n_ref[0, 0] = l1n
        fvu_ref[0, 0] = l2 / (x_var + 1e-10)
        loss_ref[0, 0] = l2 + l1l


def _finalize(recon, xn, mean, std, s1, s0, interpret=False):
    blk = 512
    smem11 = pl.BlockSpec((1, 1), lambda i: (0, 0), memory_space=pltpu.SMEM)
    sca = jax.ShapeDtypeStruct((1, 1), jnp.float32)
    return pl.pallas_call(
        _fin_body,
        grid=(N // blk,),
        in_specs=[
            pl.BlockSpec((blk, A), lambda i: (i, 0)),
            pl.BlockSpec((blk, A), lambda i: (i, 0)),
            pl.BlockSpec((blk, 1), lambda i: (i, 0)),
            pl.BlockSpec((blk, 1), lambda i: (i, 0)),
            smem11,
            smem11,
        ],
        out_specs=[pl.BlockSpec((blk, A), lambda i: (i, 0))] + [smem11] * 6,
        out_shape=[jax.ShapeDtypeStruct((N, A), jnp.float32)] + [sca] * 6,
        scratch_shapes=[pltpu.SMEM((1, 1), jnp.float32)] * 3,
        interpret=interpret,
    )(recon, xn, mean, std, s1, s0)


def _threshold(acts):
    acts_flat = acts.reshape(ELEMS)
    t = jnp.zeros((1, 1), jnp.int32)
    r = jnp.full((1, 1), K_TOT, jnp.int32)
    lo = jnp.zeros((16,), jnp.int32)
    for p in range(3):
        hist = _sc_hist(SHIFTS[p], SPANS[p])(acts_flat, lo)
        if p < 2:
            t, r, lo2 = _select(SHIFTS[p], SHIFTS[p + 1], hist, t, r)
            lo = lo2.reshape(L)
        else:
            tau = _select(SHIFTS[p], None, hist, t, r)
    return tau


def kernel(x, W_enc, W_dec, b_enc, b_dec):
    xn, xe, mean, std = _prep(x, b_dec)
    acts, s1, s0 = _encode(xe, W_enc)
    tau = _threshold(acts)
    acts_topk, recon = _decode(acts, W_dec, b_dec, tau)
    sae_out, loss, l2, l1l, l0n, l1n, fvu = _finalize(
        recon, xn, mean, std, s1, s0)
    sc = lambda a: a.reshape(())
    return (sae_out, acts_topk, sc(loss), sc(l2), sc(l1l),
            sc(l0n), sc(l1n), sc(fvu))

# --- scband reference (transcript-rebuilt; emitter-appended) ---
"""Pipeline reference for scband-batch-top-ksae-9156870275255 (READ-ONLY COPY).

The authoritative reference and input builder live on the scoring server;
editing this copy changes nothing except your own understanding.
"""

import jax, jax.numpy as jnp
import numpy as np

N = 4096
ACT_SIZE = 768
DICT_SIZE = 16384
TOP_K = 32
L1_COEFF = 0.0003


def setup_inputs(seed: int = 0) -> dict:
    key = jax.random.key(seed)
    k1, k2 = jax.random.split(key, 2)
    x = jax.random.normal(k1, (N, ACT_SIZE), dtype=jnp.float32)
    # kaiming_uniform_ on [act_size, dict_size]: bound = sqrt(6 / fan_in), fan_in = dict_size
    bound = float(np.sqrt(6.0 / DICT_SIZE))
    W_enc = jax.random.uniform(k2, (ACT_SIZE, DICT_SIZE), dtype=jnp.float32, minval=-bound, maxval=bound)
    # W_dec initialized to W_enc.T then row-normalized (as in BaseAutoencoder.__init__)
    W_dec = W_enc.T
    W_dec = W_dec / jnp.linalg.norm(W_dec, axis=-1, keepdims=True)
    b_enc = jnp.zeros((DICT_SIZE,), dtype=jnp.float32)
    b_dec = jnp.zeros((ACT_SIZE,), dtype=jnp.float32)
    return {"x": x, "W_enc": W_enc, "W_dec": W_dec, "b_enc": b_enc, "b_dec": b_dec}


def reference(x, W_enc, W_dec, b_enc, b_dec):
    # preprocess_input with input_unit_norm=True
    x_mean = jnp.mean(x, axis=-1, keepdims=True)
    xc = x - x_mean
    x_std = jnp.std(xc, axis=-1, keepdims=True, ddof=1)  # torch .std() is unbiased
    xn = xc / (x_std + 1e-05)

    # compute_activations (training branch: batch-level flat top-k)
    x_cent = xn - b_dec
    pre_acts = x_cent @ W_enc
    acts = jax.nn.relu(pre_acts)
    flat = acts.reshape(-1)
    k = TOP_K * xn.shape[0]
    vals, idx = jax.lax.top_k(flat, k)
    acts_topk = jnp.zeros_like(flat).at[idx].set(vals).reshape(acts.shape)

    # decode
    x_reconstruct = acts_topk @ W_dec + b_dec

    # get_loss_dict (aux_loss == 0: num_batches_not_active starts at zeros, no dead features)
    l2_loss = jnp.mean((x_reconstruct.astype(jnp.float32) - xn.astype(jnp.float32)) ** 2)
    x_var = jnp.var(xn.astype(jnp.float32), ddof=1)
    fvu = l2_loss / (x_var + 1e-10)
    l1_norm = jnp.mean(jnp.sum(jnp.abs(acts.astype(jnp.float32)), axis=-1))
    l0_norm = jnp.mean(jnp.sum((acts > 0).astype(jnp.float32), axis=-1))
    l1_loss = L1_COEFF * l1_norm
    aux_loss = jnp.float32(0.0)
    loss = l2_loss + l1_loss + aux_loss

    # postprocess_output
    sae_out = x_reconstruct * x_std + x_mean
    return (sae_out, acts_topk, loss, l2_loss, l1_loss, l0_norm, l1_norm, fvu)

if __name__ == "__main__":
    import jax
    _d = setup_inputs()
    print(jax.jit(kernel)(*tuple(_d.values())))

</pallas_src>

<mosaic_0001>
#map = affine_map<(d0, d1) -> (0)>
#map1 = affine_map<(d0, d1) -> (0, 0)>
module attributes {stable_mosaic.version = 14 : i64} {
  func.func @_hist_body(%arg0: i32, %arg1: i32, %arg2: memref<67108864xf32, #tpu.memory_space<hbm>>, %arg3: memref<16xi32, #tpu.memory_space<hbm>>, %arg4: memref<32x32768xi32, #tpu.memory_space<hbm>>, %arg5: memref<32768xi32, #tpu.memory_space<vmem>>, %arg6: memref<16384xf32, #tpu.memory_space<vmem>>, %arg7: memref<16384xf32, #tpu.memory_space<vmem>>, %arg8: memref<16xi32, #tpu.memory_space<vmem>>, %arg9: memref<!tpu.dma_semaphore, #tpu.memory_space<semaphore_mem>>, %arg10: memref<!tpu.dma_semaphore, #tpu.memory_space<semaphore_mem>>) attributes {dimension_semantics = [#tpu.dimension_semantics<core_parallel>, #tpu.dimension_semantics<subcore_parallel>], iteration_bounds = array<i64: 2, 16>, scalar_prefetch = 0 : i64, scratch_operands = 6 : i64, tpu.core_type = #tpu.core_type<sc_vector_subcore>, window_params = [{transform_indices = #map}, {transform_indices = #map}, {transform_indices = #map1}]} {
    %mul3A = arith.constant 2 : i32
    %mul3A_0 = arith.muli %arg1, %mul3A : i32
    %add3A = arith.addi %mul3A_0, %arg0 : i32
    %mul3A_1 = arith.constant 2097152 : i32
    %mul3A_2 = arith.muli %add3A, %mul3A_1 : i32
    %scan3A = arith.constant 0 : i32
    %scan3A_3 = arith.constant 0 : i32
    %scan3A_4 = arith.constant 2048 : i32
    %scan3A_5 = arith.addi %scan3A_3, %scan3A_4 : i32
    %scan3A_6 = arith.constant 4 : i32
    %scan3A_7 = scf.for %scan3A_40 = %scan3A_3 to %scan3A_5 step %scan3A_6 iter_args(%scan3A_41 = %scan3A) -> (i32)  : i32 {
      %broadcast_in_dim3A_42 = arith.constant 0 : i32
      %broadcast_in_dim3A_43 = vector.broadcast %broadcast_in_dim3A_42 : i32 to vector<16xi32>
      %mul3A_44 = arith.constant 16 : i32
      %mul3A_45 = arith.muli %scan3A_40, %mul3A_44 : i32
      %swap3A = arith.index_cast %mul3A_45 : i32 to index
      %swap3A_46 = tpu.vector_load %arg5[%swap3A] {strides = array<i32>} : memref<32768xi32, #tpu.memory_space<vmem>>, vector<16xi32>,
      tpu.vector_store %arg5[%swap3A], %broadcast_in_dim3A_43 {strides = array<i32>} : memref<32768xi32, #tpu.memory_space<vmem>>, vector<16xi32>,
      %scan3A_47 = arith.constant 0 : i32
      %scan3A_48 = arith.constant 1 : i32
      %scan3A_49 = arith.addi %scan3A_40, %scan3A_48 : i32
      %broadcast_in_dim3A_50 = arith.constant 0 : i32
      %broadcast_in_dim3A_51 = vector.broadcast %broadcast_in_dim3A_50 : i32 to vector<16xi32>
      %mul3A_52 = arith.constant 16 : i32
      %mul3A_53 = arith.muli %scan3A_49, %mul3A_52 : i32
      %swap3A_54 = arith.index_cast %mul3A_53 : i32 to index
      %swap3A_55 = tpu.vector_load %arg5[%swap3A_54] {strides = array<i32>} : memref<32768xi32, #tpu.memory_space<vmem>>, vector<16xi32>,
      tpu.vector_store %arg5[%swap3A_54], %broadcast_in_dim3A_51 {strides = array<i32>} : memref<32768xi32, #tpu.memory_space<vmem>>, vector<16xi32>,
      %scan3A_56 = arith.constant 0 : i32
      %scan3A_57 = arith.constant 2 : i32
      %scan3A_58 = arith.addi %scan3A_40, %scan3A_57 : i32
      %broadcast_in_dim3A_59 = arith.constant 0 : i32
      %broadcast_in_dim3A_60 = vector.broadcast %broadcast_in_dim3A_59 : i32 to vector<16xi32>
      %mul3A_61 = arith.constant 16 : i32
      %mul3A_62 = arith.muli %scan3A_58, %mul3A_61 : i32
      %swap3A_63 = arith.index_cast %mul3A_62 : i32 to index
      %swap3A_64 = tpu.vector_load %arg5[%swap3A_63] {strides = array<i32>} : memref<32768xi32, #tpu.memory_space<vmem>>, vector<16xi32>,
      tpu.vector_store %arg5[%swap3A_63], %broadcast_in_dim3A_60 {strides = array<i32>} : memref<32768xi32, #tpu.memory_space<vmem>>, vector<16xi32>,
      %scan3A_65 = arith.constant 0 : i32
      %scan3A_66 = arith.constant 3 : i32
      %scan3A_67 = arith.addi %scan3A_40, %scan3A_66 : i32
      %broadcast_in_dim3A_68 = arith.constant 0 : i32
      %broadcast_in_dim3A_69 = vector.broadcast %broadcast_in_dim3A_68 : i32 to vector<16xi32>
      %mul3A_70 = arith.constant 16 : i32
      %mul3A_71 = arith.muli %scan3A_67, %mul3A_70 : i32
      %swap3A_72 = arith.index_cast %mul3A_71 : i32 to index
      %swap3A_73 = tpu.vector_load %arg5[%swap3A_72] {strides = array<i32>} : memref<32768xi32, #tpu.memory_space<vmem>>, vector<16xi32>,
      tpu.vector_store %arg5[%swap3A_72], %broadcast_in_dim3A_69 {strides = array<i32>} : memref<32768xi32, #tpu.memory_space<vmem>>, vector<16xi32>,
      %scan3A_74 = arith.constant 0 : i32
      scf.yield %scan3A_74 : i32
    }
    %scan3A_8 = arith.constant 2048 : i32
    "tpu.region"() ({
      %run_scoped3A = tpu.sem_alloc : memref<!tpu.dma_semaphore, #tpu.memory_space<semaphore_mem>>
      tpu.enqueue_dma source(%arg3 : memref<16xi32, #tpu.memory_space<hbm>>) target(%arg8 : memref<16xi32, #tpu.memory_space<vmem>>) target_semaphore(%run_scoped3A : memref<!tpu.dma_semaphore, #tpu.memory_space<semaphore_mem>>)
      tpu.wait_dma2 semaphore(%run_scoped3A : memref<!tpu.dma_semaphore, #tpu.memory_space<semaphore_mem>>) src(%arg3 : memref<16xi32, #tpu.memory_space<hbm>>) dst(%arg8 : memref<16xi32, #tpu.memory_space<vmem>>)
      tpu.yield
    }) : () -> ()
    %get3A = arith.constant 0 : index
    %get3A_9 = tpu.vector_load %arg8[%get3A] {strides = array<i32>} : memref<16xi32, #tpu.memory_space<vmem>>, vector<16xi32>,
    %iota3A = tpu.iota {dimensions = array<i32: 0>} : vector<16xi32>
    %mul3A_10 = arith.constant 2048 : i32
    %mul3A_11 = vector.broadcast %mul3A_10 : i32 to vector<16xi32>
    %mul3A_12 = arith.muli %iota3A, %mul3A_11 : vector<16xi32>
    %broadcast_in_dim3A = arith.constant 1 : i32
    %broadcast_in_dim3A_13 = vector.broadcast %broadcast_in_dim3A : i32 to vector<16xi32>
    %add3A_14 = arith.constant 0 : i32
    %add3A_15 = arith.addi %mul3A_2, %add3A_14 : i32
    %dma_start3A = tpu.memref_slice %arg2[%add3A_15] : memref<67108864xf32, #tpu.memory_space<hbm>> -> memref<16384xf32, #tpu.memory_space<hbm>>
    %dma_start3A_16 = tpu.memref_slice %arg2[%add3A_15] : memref<67108864xf32, #tpu.memory_space<hbm>> -> memref<16384xf32, #tpu.memory_space<hbm>>
    tpu.enqueue_dma source(%dma_start3A_16 : memref<16384xf32, #tpu.memory_space<hbm>>) target(%arg6 : memref<16384xf32, #tpu.memory_space<vmem>>) target_semaphore(%arg9 : memref<!tpu.dma_semaphore, #tpu.memory_space<semaphore_mem>>)
    %add3A_17 = arith.constant 16384 : i32
    %add3A_18 = arith.addi %mul3A_2, %add3A_17 : i32
    %dma_start3A_19 = tpu.memref_slice %arg2[%add3A_18] : memref<67108864xf32, #tpu.memory_space<hbm>> -> memref<16384xf32, #tpu.memory_space<hbm>>
    %dma_start3A_20 = tpu.memref_slice %arg2[%add3A_18] : memref<67108864xf32, #tpu.memory_space<hbm>> -> memref<16384xf32, #tpu.memory_space<hbm>>
    tpu.enqueue_dma source(%dma_start3A_20 : memref<16384xf32, #tpu.memory_space<hbm>>) target(%arg7 : memref<16384xf32, #tpu.memory_space<vmem>>) target_semaphore(%arg10 : memref<!tpu.dma_semaphore, #tpu.memory_space<semaphore_mem>>)
    %scan3A_21 = arith.constant 0 : i32
    %scan3A_22 = arith.constant 0 : i32
    %scan3A_23 = arith.constant 63 : i32
    %scan3A_24 = arith.addi %scan3A_22, %scan3A_23 : i32
    %scan3A_25 = arith.constant 1 : i32
    %scan3A_26 = scf.for %scan3A_40 = %scan3A_22 to %scan3A_24 step %scan3A_25 iter_args(%scan3A_41 = %scan3A_21) -> (i32)  : i32 {
      %mul3A_42 = arith.constant 2 : i32
      %mul3A_43 = arith.muli %mul3A_42, %scan3A_40 : i32
      %mul3A_44 = arith.constant 16384 : i32
      %mul3A_45 = arith.muli %mul3A_43, %mul3A_44 : i32
      %add3A_46 = arith.addi %mul3A_2, %mul3A_45 : i32
      %dma_wait3A_47 = tpu.memref_slice %arg2[%add3A_46] : memref<67108864xf32, #tpu.memory_space<hbm>> -> memref<16384xf32, #tpu.memory_space<hbm>>
      %dma_wait3A_48 = tpu.memref_slice %arg2[%add3A_46] : memref<67108864xf32, #tpu.memory_space<hbm>> -> memref<16384xf32, #tpu.memory_space<hbm>>
      tpu.wait_dma2 semaphore(%arg9 : memref<!tpu.dma_semaphore, #tpu.memory_space<semaphore_mem>>) src(%dma_wait3A_48 : memref<16384xf32, #tpu.memory_space<hbm>>) dst(%arg6 : memref<16384xf32, #tpu.memory_space<vmem>>)
      %parallel_loop3A_49 = arith.constant 0 : i32
      %parallel_loop3A_50 = arith.constant 16384 : i32
      %parallel_loop3A_51 = arith.constant 128 : i32
      scf.for %parallel_loop3A_77 = %parallel_loop3A_49 to %parallel_loop3A_50 step %parallel_loop3A_51  : i32 {
        %parallel_loop3A_78 = arith.constant 0 : i32
        %parallel_loop3A_79 = arith.addi %parallel_loop3A_77, %parallel_loop3A_78 : i32
        %parallel_loop3A_80 = arith.index_cast %parallel_loop3A_79 : i32 to index
        %parallel_loop3A_81 = tpu.vector_load %arg6[%parallel_loop3A_80] {strides = array<i32>} : memref<16384xf32, #tpu.memory_space<vmem>>, vector<16xf32>,
        %parallel_loop3A_82 = vector.bitcast %parallel_loop3A_81 : vector<16xf32> to vector<16xi32>
        %parallel_loop3A_83 = arith.constant 0 : i32
        %parallel_loop3A_84 = vector.broadcast %parallel_loop3A_83 : i32 to vector<16xi32>
        %parallel_loop3A_85 = arith.cmpi ne, %parallel_loop3A_82, %parallel_loop3A_84 : vector<16xi32>
        %parallel_loop3A_86 = arith.constant 20 : i32
        %parallel_loop3A_87 = vector.broadcast %parallel_loop3A_86 : i32 to vector<16xi32>
        %parallel_loop3A_88 = arith.shrsi %parallel_loop3A_82, %parallel_loop3A_87 : vector<16xi32>
        %parallel_loop3A_89 = arith.addi %parallel_loop3A_88, %mul3A_12 : vector<16xi32>
        tpu.vector_store_idx %arg5[%parallel_loop3A_89], %broadcast_in_dim3A_13 masked %parallel_loop3A_85 {add = true} : memref<32768xi32, #tpu.memory_space<vmem>>[vector<16xi32>], vector<16xi32>, vector<16xi1>
        %parallel_loop3A_90 = arith.constant 16 : i32
        %parallel_loop3A_91 = arith.addi %parallel_loop3A_77, %parallel_loop3A_90 : i32
        %parallel_loop3A_92 = arith.index_cast %parallel_loop3A_91 : i32 to index
        %parallel_loop3A_93 = tpu.vector_load %arg6[%parallel_loop3A_92] {strides = array<i32>} : memref<16384xf32, #tpu.memory_space<vmem>>, vector<16xf32>,
        %parallel_loop3A_94 = vector.bitcast %parallel_loop3A_93 : vector<16xf32> to vector<16xi32>
        %parallel_loop3A_95 = arith.constant 0 : i32
        %parallel_loop3A_96 = vector.broadcast %parallel_loop3A_95 : i32 to vector<16xi32>
        %parallel_loop3A_97 = arith.cmpi ne, %parallel_loop3A_94, %parallel_loop3A_96 : vector<16xi32>
        %parallel_loop3A_98 = arith.constant 20 : i32
        %parallel_loop3A_99 = vector.broadcast %parallel_loop3A_98 : i32 to vector<16xi32>
        %parallel_loop3A_100 = arith.shrsi %parallel_loop3A_94, %parallel_loop3A_99 : vector<16xi32>
        %parallel_loop3A_101 = arith.addi %parallel_loop3A_100, %mul3A_12 : vector<16xi32>
        tpu.vector_store_idx %arg5[%parallel_loop3A_101], %broadcast_in_dim3A_13 masked %parallel_loop3A_97 {add = true} : memref<32768xi32, #tpu.memory_space<vmem>>[vector<16xi32>], vector<16xi32>, vector<16xi1>
        %parallel_loop3A_102 = arith.constant 32 : i32
        %parallel_loop3A_103 = arith.addi %parallel_loop3A_77, %parallel_loop3A_102 : i32
        %parallel_loop3A_104 = arith.index_cast %parallel_loop3A_103 : i32 to index
        %parallel_loop3A_105 = tpu.vector_load %arg6[%parallel_loop3A_104] {strides = array<i32>} : memref<16384xf32, #tpu.memory_space<vmem>>, vector<16xf32>,
        %parallel_loop3A_106 = vector.bitcast %parallel_loop3A_105 : vector<16xf32> to vector<16xi32>
        %parallel_loop3A_107 = arith.constant 0 : i32
        %parallel_loop3A_108 = vector.broadcast %parallel_loop3A_107 : i32 to vector<16xi32>
        %parallel_loop3A_109 = arith.cmpi ne, %parallel_loop3A_106, %parallel_loop3A_108 : vector<16xi32>
        %parallel_loop3A_110 = arith.constant 20 : i32
        %parallel_loop3A_111 = vector.broadcast %parallel_loop3A_110 : i32 to vector<16xi32>
        %parallel_loop3A_112 = arith.shrsi %parallel_loop3A_106, %parallel_loop3A_111 : vector<16xi32>
        %parallel_loop3A_113 = arith.addi %parallel_loop3A_112, %mul3A_12 : vector<16xi32>
        tpu.vector_store_idx %arg5[%parallel_loop3A_113], %broadcast_in_dim3A_13 masked %parallel_loop3A_109 {add = true} : memref<32768xi32, #tpu.memory_space<vmem>>[vector<16xi32>], vector<16xi32>, vector<16xi1>
        %parallel_loop3A_114 = arith.constant 48 : i32
        %parallel_loop3A_115 = arith.addi %parallel_loop3A_77, %parallel_loop3A_114 : i32
        %parallel_loop3A_116 = arith.index_cast %parallel_loop3A_115 : i32 to index
        %parallel_loop3A_117 = tpu.vector_load %arg6[%parallel_loop3A_116] {strides = array<i32>} : memref<16384xf32, #tpu.memory_space<vmem>>, vector<16xf32>,
        %parallel_loop3A_118 = vector.bitcast %parallel_loop3A_117 : vector<16xf32> to vector<16xi32>
        %parallel_loop3A_119 = arith.constant 0 : i32
        %parallel_loop3A_120 = vector.broadcast %parallel_loop3A_119 : i32 to vector<16xi32>
        %parallel_loop3A_121 = arith.cmpi ne, %parallel_loop3A_118, %parallel_loop3A_120 : vector<16xi32>
        %parallel_loop3A_122 = arith.constant 20 : i32
        %parallel_loop3A_123 = vector.broadcast %parallel_loop3A_122 : i32 to vector<16xi32>
        %parallel_loop3A_124 = arith.shrsi %parallel_loop3A_118, %parallel_loop3A_123 : vector<16xi32>
        %parallel_loop3A_125 = arith.addi %parallel_loop3A_124, %mul3A_12 : vector<16xi32>
        tpu.vector_store_idx %arg5[%parallel_loop3A_125], %broadcast_in_dim3A_13 masked %parallel_loop3A_121 {add = true} : memref<32768xi32, #tpu.memory_space<vmem>>[vector<16xi32>], vector<16xi32>, vector<16xi1>
        %parallel_loop3A_126 = arith.constant 64 : i32
        %parallel_loop3A_127 = arith.addi %parallel_loop3A_77, %parallel_loop3A_126 : i32
        %parallel_loop3A_128 = arith.index_cast %parallel_loop3A_127 : i32 to index
        %parallel_loop3A_129 = tpu.vector_load %arg6[%parallel_loop3A_128] {strides = array<i32>} : memref<16384xf32, #tpu.memory_space<vmem>>, vector<16xf32>,
        %parallel_loop3A_130 = vector.bitcast %parallel_loop3A_129 : vector<16xf32> to vector<16xi32>
        %parallel_loop3A_131 = arith.constant 0 : i32
        %parallel_loop3A_132 = vector.broadcast %parallel_loop3A_131 : i32 to vector<16xi32>
        %parallel_loop3A_133 = arith.cmpi ne, %parallel_loop3A_130, %parallel_loop3A_132 : vector<16xi32>
        %parallel_loop3A_134 = arith.constant 20 : i32
        %parallel_loop3A_135 = vector.broadcast %parallel_loop3A_134 : i32 to vector<16xi32>
        %parallel_loop3A_136 = arith.shrsi %parallel_loop3A_130, %parallel_loop3A_135 : vector<16xi32>
        %parallel_loop3A_137 = arith.addi %parallel_loop3A_136, %mul3A_12 : vector<16xi32>
        tpu.vector_store_idx %arg5[%parallel_loop3A_137], %broadcast_in_dim3A_13 masked %parallel_loop3A_133 {add = true} : memref<32768xi32, #tpu.memory_space<vmem>>[vector<16xi32>], vector<16xi32>, vector<16xi1>
        %parallel_loop3A_138 = arith.constant 80 : i32
        %parallel_loop3A_139 = arith.addi %parallel_loop3A_77, %parallel_loop3A_138 : i32
        %parallel_loop3A_140 = arith.index_cast %parallel_loop3A_139 : i32 to index
        %parallel_loop3A_141 = tpu.vector_load %arg6[%parallel_loop3A_140] {strides = array<i32>} : memref<16384xf32, #tpu.memory_space<vmem>>, vector<16xf32>,
        %parallel_loop3A_142 = vector.bitcast %parallel_loop3A_141 : vector<16xf32> to vector<16xi32>
        %parallel_loop3A_143 = arith.constant 0 : i32
        %parallel_loop3A_144 = vector.broadcast %parallel_loop3A_143 : i32 to vector<16xi32>
        %parallel_loop3A_145 = arith.cmpi ne, %parallel_loop3A_142, %parallel_loop3A_144 : vector<16xi32>
        %parallel_loop3A_146 = arith.constant 20 : i32
        %parallel_loop3A_147 = vector.broadcast %parallel_loop3A_146 : i32 to vector<16xi32>
        %parallel_loop3A_148 = arith.shrsi %parallel_loop3A_142, %parallel_loop3A_147 : vector<16xi32>
        %parallel_loop3A_149 = arith.addi %parallel_loop3A_148, %mul3A_12 : vector<16xi32>
        tpu.vector_store_idx %arg5[%parallel_loop3A_149], %broadcast_in_dim3A_13 masked %parallel_loop3A_145 {add = true} : memref<32768xi32, #tpu.memory_space<vmem>>[vector<16xi32>], vector<16xi32>, vector<16xi1>
        %parallel_loop3A_150 = arith.constant 96 : i32
        %parallel_loop3A_151 = arith.addi %parallel_loop3A_77, %parallel_loop3A_150 : i32
        %parallel_loop3A_152 = arith.index_cast %parallel_loop3A_151 : i32 to index
        %parallel_loop3A_153 = tpu.vector_load %arg6[%parallel_loop3A_152] {strides = array<i32>} : memref<16384xf32, #tpu.memory_space<vmem>>, vector<16xf32>,
        %parallel_loop3A_154 = vector.bitcast %parallel_loop3A_153 : vector<16xf32> to vector<16xi32>
        %parallel_loop3A_155 = arith.constant 0 : i32
        %parallel_loop3A_156 = vector.broadcast %parallel_loop3A_155 : i32 to vector<16xi32>
        %parallel_loop3A_157 = arith.cmpi ne, %parallel_loop3A_154, %parallel_loop3A_156 : vector<16xi32>
        %parallel_loop3A_158 = arith.constant 20 : i32
        %parallel_loop3A_159 = vector.broadcast %parallel_loop3A_158 : i32 to vector<16xi32>
        %parallel_loop3A_160 = arith.shrsi %parallel_loop3A_154, %parallel_loop3A_159 : vector<16xi32>
        %parallel_loop3A_161 = arith.addi %parallel_loop3A_160, %mul3A_12 : vector<16xi32>
        tpu.vector_store_idx %arg5[%parallel_loop3A_161], %broadcast_in_dim3A_13 masked %parallel_loop3A_157 {add = true} : memref<32768xi32, #tpu.memory_space<vmem>>[vector<16xi32>], vector<16xi32>, vector<16xi1>
        %parallel_loop3A_162 = arith.constant 112 : i32
        %parallel_loop3A_163 = arith.addi %parallel_loop3A_77, %parallel_loop3A_162 : i32
        %parallel_loop3A_164 = arith.index_cast %parallel_loop3A_163 : i32 to index
        %parallel_loop3A_165 = tpu.vector_load %arg6[%parallel_loop3A_164] {strides = array<i32>} : memref<16384xf32, #tpu.memory_space<vmem>>, vector<16xf32>,
        %parallel_loop3A_166 = vector.bitcast %parallel_loop3A_165 : vector<16xf32> to vector<16xi32>
        %parallel_loop3A_167 = arith.constant 0 : i32
        %parallel_loop3A_168 = vector.broadcast %parallel_loop3A_167 : i32 to vector<16xi32>
        %parallel_loop3A_169 = arith.cmpi ne, %parallel_loop3A_166, %parallel_loop3A_168 : vector<16xi32>
        %parallel_loop3A_170 = arith.constant 20 : i32
        %parallel_loop3A_171 = vector.broadcast %parallel_loop3A_170 : i32 to vector<16xi32>
        %parallel_loop3A_172 = arith.shrsi %parallel_loop3A_166, %parallel_loop3A_171 : vector<16xi32>
        %parallel_loop3A_173 = arith.addi %parallel_loop3A_172, %mul3A_12 : vector<16xi32>
        tpu.vector_store_idx %arg5[%parallel_loop3A_173], %broadcast_in_dim3A_13 masked %parallel_loop3A_169 {add = true} : memref<32768xi32, #tpu.memory_space<vmem>>[vector<16xi32>], vector<16xi32>, vector<16xi1>
      } {sc.loop_unroll_factor = 1 : i64, sc.parallel_access}
      %add3A_52 = arith.constant 2 : i32
      %add3A_53 = arith.addi %mul3A_43, %add3A_52 : i32
      %mul3A_54 = arith.constant 16384 : i32
      %mul3A_55 = arith.muli %add3A_53, %mul3A_54 : i32
      %add3A_56 = arith.addi %mul3A_2, %mul3A_55 : i32
      %dma_start3A_57 = tpu.memref_slice %arg2[%add3A_56] : memref<67108864xf32, #tpu.memory_space<hbm>> -> memref<16384xf32, #tpu.memory_space<hbm>>
      %dma_start3A_58 = tpu.memref_slice %arg2[%add3A_56] : memref<67108864xf32, #tpu.memory_space<hbm>> -> memref<16384xf32, #tpu.memory_space<hbm>>
      tpu.enqueue_dma source(%dma_start3A_58 : memref<16384xf32, #tpu.memory_space<hbm>>) target(%arg6 : memref<16384xf32, #tpu.memory_space<vmem>>) target_semaphore(%arg9 : memref<!tpu.dma_semaphore, #tpu.memory_space<semaphore_mem>>)
      %add3A_59 = arith.constant 1 : i32
      %add3A_60 = arith.addi %mul3A_43, %add3A_59 : i32
      %mul3A_61 = arith.constant 16384 : i32
      %mul3A_62 = arith.muli %add3A_60, %mul3A_61 : i32
      %add3A_63 = arith.addi %mul3A_2, %mul3A_62 : i32
      %dma_wait3A_64 = tpu.memref_slice %arg2[%add3A_63] : memref<67108864xf32, #tpu.memory_space<hbm>> -> memref<16384xf32, #tpu.memory_space<hbm>>
      %dma_wait3A_65 = tpu.memref_slice %arg2[%add3A_63] : memref<67108864xf32, #tpu.memory_space<hbm>> -> memref<16384xf32, #tpu.memory_space<hbm>>
      tpu.wait_dma2 semaphore(%arg10 : memref<!tpu.dma_semaphore, #tpu.memory_space<semaphore_mem>>) src(%dma_wait3A_65 : memref<16384xf32, #tpu.memory_space<hbm>>) dst(%arg7 : memref<16384xf32, #tpu.memory_space<vmem>>)
      %parallel_loop3A_66 = arith.constant 0 : i32
      %parallel_loop3A_67 = arith.constant 16384 : i32
      %parallel_loop3A_68 = arith.constant 128 : i32
      scf.for %parallel_loop3A_77 = %parallel_loop3A_66 to %parallel_loop3A_67 step %parallel_loop3A_68  : i32 {
        %parallel_loop3A_78 = arith.constant 0 : i32
        %parallel_loop3A_79 = arith.addi %parallel_loop3A_77, %parallel_loop3A_78 : i32
        %parallel_loop3A_80 = arith.index_cast %parallel_loop3A_79 : i32 to index
        %parallel_loop3A_81 = tpu.vector_load %arg7[%parallel_loop3A_80] {strides = array<i32>} : memref<16384xf32, #tpu.memory_space<vmem>>, vector<16xf32>,
        %parallel_loop3A_82 = vector.bitcast %parallel_loop3A_81 : vector<16xf32> to vector<16xi32>
        %parallel_loop3A_83 = arith.constant 0 : i32
        %parallel_loop3A_84 = vector.broadcast %parallel_loop3A_83 : i32 to vector<16xi32>
        %parallel_loop3A_85 = arith.cmpi ne, %parallel_loop3A_82, %parallel_loop3A_84 : vector<16xi32>
        %parallel_loop3A_86 = arith.constant 20 : i32
        %parallel_loop3A_87 = vector.broadcast %parallel_loop3A_86 : i32 to vector<16xi32>
        %parallel_loop3A_88 = arith.shrsi %parallel_loop3A_82, %parallel_loop3A_87 : vector<16xi32>
        %parallel_loop3A_89 = arith.addi %parallel_loop3A_88, %mul3A_12 : vector<16xi32>
        tpu.vector_store_idx %arg5[%parallel_loop3A_89], %broadcast_in_dim3A_13 masked %parallel_loop3A_85 {add = true} : memref<32768xi32, #tpu.memory_space<vmem>>[vector<16xi32>], vector<16xi32>, vector<16xi1>
        %parallel_loop3A_90 = arith.constant 16 : i32
        %parallel_loop3A_91 = arith.addi %parallel_loop3A_77, %parallel_loop3A_90 : i32
        %parallel_loop3A_92 = arith.index_cast %parallel_loop3A_91 : i32 to index
        %parallel_loop3A_93 = tpu.vector_load %arg7[%parallel_loop3A_92] {strides = array<i32>} : memref<16384xf32, #tpu.memory_space<vmem>>, vector<16xf32>,
        %parallel_loop3A_94 = vector.bitcast %parallel_loop3A_93 : vector<16xf32> to vector<16xi32>
        %parallel_loop3A_95 = arith.constant 0 : i32
        %parallel_loop3A_96 = vector.broadcast %parallel_loop3A_95 : i32 to vector<16xi32>
        %parallel_loop3A_97 = arith.cmpi ne, %parallel_loop3A_94, %parallel_loop3A_96 : vector<16xi32>
        %parallel_loop3A_98 = arith.constant 20 : i32
        %parallel_loop3A_99 = vector.broadcast %parallel_loop3A_98 : i32 to vector<16xi32>
        %parallel_loop3A_100 = arith.shrsi %parallel_loop3A_94, %parallel_loop3A_99 : vector<16xi32>
        %parallel_loop3A_101 = arith.addi %parallel_loop3A_100, %mul3A_12 : vector<16xi32>
        tpu.vector_store_idx %arg5[%parallel_loop3A_101], %broadcast_in_dim3A_13 masked %parallel_loop3A_97 {add = true} : memref<32768xi32, #tpu.memory_space<vmem>>[vector<16xi32>], vector<16xi32>, vector<16xi1>
        %parallel_loop3A_102 = arith.constant 32 : i32
        %parallel_loop3A_103 = arith.addi %parallel_loop3A_77, %parallel_loop3A_102 : i32
        %parallel_loop3A_104 = arith.index_cast %parallel_loop3A_103 : i32 to index
        %parallel_loop3A_105 = tpu.vector_load %arg7[%parallel_loop3A_104] {strides = array<i32>} : memref<16384xf32, #tpu.memory_space<vmem>>, vector<16xf32>,
        %parallel_loop3A_106 = vector.bitcast %parallel_loop3A_105 : vector<16xf32> to vector<16xi32>
        %parallel_loop3A_107 = arith.constant 0 : i32
        %parallel_loop3A_108 = vector.broadcast %parallel_loop3A_107 : i32 to vector<16xi32>
        %parallel_loop3A_109 = arith.cmpi ne, %parallel_loop3A_106, %parallel_loop3A_108 : vector<16xi32>
        %parallel_loop3A_110 = arith.constant 20 : i32
        %parallel_loop3A_111 = vector.broadcast %parallel_loop3A_110 : i32 to vector<16xi32>
        %parallel_loop3A_112 = arith.shrsi %parallel_loop3A_106, %parallel_loop3A_111 : vector<16xi32>
        %parallel_loop3A_113 = arith.addi %parallel_loop3A_112, %mul3A_12 : vector<16xi32>
        tpu.vector_store_idx %arg5[%parallel_loop3A_113], %broadcast_in_dim3A_13 masked %parallel_loop3A_109 {add = true} : memref<32768xi32, #tpu.memory_space<vmem>>[vector<16xi32>], vector<16xi32>, vector<16xi1>
        %parallel_loop3A_114 = arith.constant 48 : i32
        %parallel_loop3A_115 = arith.addi %parallel_loop3A_77, %parallel_loop3A_114 : i32
        %parallel_loop3A_116 = arith.index_cast %parallel_loop3A_115 : i32 to index
        %parallel_loop3A_117 = tpu.vector_load %arg7[%parallel_loop3A_116] {strides = array<i32>} : memref<16384xf32, #tpu.memory_space<vmem>>, vector<16xf32>,
        %parallel_loop3A_118 = vector.bitcast %parallel_loop3A_117 : vector<16xf32> to vector<16xi32>
        %parallel_loop3A_119 = arith.constant 0 : i32
        %parallel_loop3A_120 = vector.broadcast %parallel_loop3A_119 : i32 to vector<16xi32>
        %parallel_loop3A_121 = arith.cmpi ne, %parallel_loop3A_118, %parallel_loop3A_120 : vector<16xi32>
        %parallel_loop3A_122 = arith.constant 20 : i32
        %parallel_loop3A_123 = vector.broadcast %parallel_loop3A_122 : i32 to vector<16xi32>
        %parallel_loop3A_124 = arith.shrsi %parallel_loop3A_118, %parallel_loop3A_123 : vector<16xi32>
        %parallel_loop3A_125 = arith.addi %parallel_loop3A_124, %mul3A_12 : vector<16xi32>
        tpu.vector_store_idx %arg5[%parallel_loop3A_125], %broadcast_in_dim3A_13 masked %parallel_loop3A_121 {add = true} : memref<32768xi32, #tpu.memory_space<vmem>>[vector<16xi32>], vector<16xi32>, vector<16xi1>
        %parallel_loop3A_126 = arith.constant 64 : i32
        %parallel_loop3A_127 = arith.addi %parallel_loop3A_77, %parallel_loop3A_126 : i32
        %parallel_loop3A_128 = arith.index_cast %parallel_loop3A_127 : i32 to index
        %parallel_loop3A_129 = tpu.vector_load %arg7[%parallel_loop3A_128] {strides = array<i32>} : memref<16384xf32, #tpu.memory_space<vmem>>, vector<16xf32>,
        %parallel_loop3A_130 = vector.bitcast %parallel_loop3A_129 : vector<16xf32> to vector<16xi32>
        %parallel_loop3A_131 = arith.constant 0 : i32
        %parallel_loop3A_132 = vector.broadcast %parallel_loop3A_131 : i32 to vector<16xi32>
        %parallel_loop3A_133 = arith.cmpi ne, %parallel_loop3A_130, %parallel_loop3A_132 : vector<16xi32>
        %parallel_loop3A_134 = arith.constant 20 : i32
        %parallel_loop3A_135 = vector.broadcast %parallel_loop3A_134 : i32 to vector<16xi32>
        %parallel_loop3A_136 = arith.shrsi %parallel_loop3A_130, %parallel_loop3A_135 : vector<16xi32>
        %parallel_loop3A_137 = arith.addi %parallel_loop3A_136, %mul3A_12 : vector<16xi32>
        tpu.vector_store_idx %arg5[%parallel_loop3A_137], %broadcast_in_dim3A_13 masked %parallel_loop3A_133 {add = true} : memref<32768xi32, #tpu.memory_space<vmem>>[vector<16xi32>], vector<16xi32>, vector<16xi1>
        %parallel_loop3A_138 = arith.constant 80 : i32
        %parallel_loop3A_139 = arith.addi %parallel_loop3A_77, %parallel_loop3A_138 : i32
        %parallel_loop3A_140 = arith.index_cast %parallel_loop3A_139 : i32 to index
        %parallel_loop3A_141 = tpu.vector_load %arg7[%parallel_loop3A_140] {strides = array<i32>} : memref<16384xf32, #tpu.memory_space<vmem>>, vector<16xf32>,
        %parallel_loop3A_142 = vector.bitcast %parallel_loop3A_141 : vector<16xf32> to vector<16xi32>
        %parallel_loop3A_143 = arith.constant 0 : i32
        %parallel_loop3A_144 = vector.broadcast %parallel_loop3A_143 : i32 to vector<16xi32>
        %parallel_loop3A_145 = arith.cmpi ne, %parallel_loop3A_142, %parallel_loop3A_144 : vector<16xi32>
        %parallel_loop3A_146 = arith.constant 20 : i32
        %parallel_loop3A_147 = vector.broadcast %parallel_loop3A_146 : i32 to vector<16xi32>
        %parallel_loop3A_148 = arith.shrsi %parallel_loop3A_142, %parallel_loop3A_147 : vector<16xi32>
        %parallel_loop3A_149 = arith.addi %parallel_loop3A_148, %mul3A_12 : vector<16xi32>
        tpu.vector_store_idx %arg5[%parallel_loop3A_149], %broadcast_in_dim3A_13 masked %parallel_loop3A_145 {add = true} : memref<32768xi32, #tpu.memory_space<vmem>>[vector<16xi32>], vector<16xi32>, vector<16xi1>
        %parallel_loop3A_150 = arith.constant 96 : i32
        %parallel_loop3A_151 = arith.addi %parallel_loop3A_77, %parallel_loop3A_150 : i32
        %parallel_loop3A_152 = arith.index_cast %parallel_loop3A_151 : i32 to index
        %parallel_loop3A_153 = tpu.vector_load %arg7[%parallel_loop3A_152] {strides = array<i32>} : memref<16384xf32, #tpu.memory_space<vmem>>, vector<16xf32>,
        %parallel_loop3A_154 = vector.bitcast %parallel_loop3A_153 : vector<16xf32> to vector<16xi32>
        %parallel_loop3A_155 = arith.constant 0 : i32
        %parallel_loop3A_156 = vector.broadcast %parallel_loop3A_155 : i32 to vector<16xi32>
        %parallel_loop3A_157 = arith.cmpi ne, %parallel_loop3A_154, %parallel_loop3A_156 : vector<16xi32>
        %parallel_loop3A_158 = arith.constant 20 : i32
        %parallel_loop3A_159 = vector.broadcast %parallel_loop3A_158 : i32 to vector<16xi32>
        %parallel_loop3A_160 = arith.shrsi %parallel_loop3A_154, %parallel_loop3A_159 : vector<16xi32>
        %parallel_loop3A_161 = arith.addi %parallel_loop3A_160, %mul3A_12 : vector<16xi32>
        tpu.vector_store_idx %arg5[%parallel_loop3A_161], %broadcast_in_dim3A_13 masked %parallel_loop3A_157 {add = true} : memref<32768xi32, #tpu.memory_space<vmem>>[vector<16xi32>], vector<16xi32>, vector<16xi1>
        %parallel_loop3A_162 = arith.constant 112 : i32
        %parallel_loop3A_163 = arith.addi %parallel_loop3A_77, %parallel_loop3A_162 : i32
        %parallel_loop3A_164 = arith.index_cast %parallel_loop3A_163 : i32 to index
        %parallel_loop3A_165 = tpu.vector_load %arg7[%parallel_loop3A_164] {strides = array<i32>} : memref<16384xf32, #tpu.memory_space<vmem>>, vector<16xf32>,
        %parallel_loop3A_166 = vector.bitcast %parallel_loop3A_165 : vector<16xf32> to vector<16xi32>
        %parallel_loop3A_167 = arith.constant 0 : i32
        %parallel_loop3A_168 = vector.broadcast %parallel_loop3A_167 : i32 to vector<16xi32>
        %parallel_loop3A_169 = arith.cmpi ne, %parallel_loop3A_166, %parallel_loop3A_168 : vector<16xi32>
        %parallel_loop3A_170 = arith.constant 20 : i32
        %parallel_loop3A_171 = vector.broadcast %parallel_loop3A_170 : i32 to vector<16xi32>
        %parallel_loop3A_172 = arith.shrsi %parallel_loop3A_166, %parallel_loop3A_171 : vector<16xi32>
        %parallel_loop3A_173 = arith.addi %parallel_loop3A_172, %mul3A_12 : vector<16xi32>
        tpu.vector_store_idx %arg5[%parallel_loop3A_173], %broadcast_in_dim3A_13 masked %parallel_loop3A_169 {add = true} : memref<32768xi32, #tpu.memory_space<vmem>>[vector<16xi32>], vector<16xi32>, vector<16xi1>
      } {sc.loop_unroll_factor = 1 : i64, sc.parallel_access}
      %add3A_69 = arith.constant 3 : i32
      %add3A_70 = arith.addi %mul3A_43, %add3A_69 : i32
      %mul3A_71 = arith.constant 16384 : i32
      %mul3A_72 = arith.muli %add3A_70, %mul3A_71 : i32
      %add3A_73 = arith.addi %mul3A_2, %mul3A_72 : i32
      %dma_start3A_74 = tpu.memref_slice %arg2[%add3A_73] : memref<67108864xf32, #tpu.memory_space<hbm>> -> memref<16384xf32, #tpu.memory_space<hbm>>
      %dma_start3A_75 = tpu.memref_slice %arg2[%add3A_73] : memref<67108864xf32, #tpu.memory_space<hbm>> -> memref<16384xf32, #tpu.memory_space<hbm>>
      tpu.enqueue_dma source(%dma_start3A_75 : memref<16384xf32, #tpu.memory_space<hbm>>) target(%arg7 : memref<16384xf32, #tpu.memory_space<vmem>>) target_semaphore(%arg10 : memref<!tpu.dma_semaphore, #tpu.memory_space<semaphore_mem>>)
      %scan3A_76 = arith.constant 0 : i32
      scf.yield %scan3A_76 : i32
    }
    %scan3A_27 = arith.constant 63 : i32
    %add3A_28 = arith.constant 2064384 : i32
    %add3A_29 = arith.addi %mul3A_2, %add3A_28 : i32
    %dma_wait3A = tpu.memref_slice %arg2[%add3A_29] : memref<67108864xf32, #tpu.memory_space<hbm>> -> memref<16384xf32, #tpu.memory_space<hbm>>
    %dma_wait3A_30 = tpu.memref_slice %arg2[%add3A_29] : memref<67108864xf32, #tpu.memory_space<hbm>> -> memref<16384xf32, #tpu.memory_space<hbm>>
    tpu.wait_dma2 semaphore(%arg9 : memref<!tpu.dma_semaphore, #tpu.memory_space<semaphore_mem>>) src(%dma_wait3A_30 : memref<16384xf32, #tpu.memory_space<hbm>>) dst(%arg6 : memref<16384xf32, #tpu.memory_space<vmem>>)
    %parallel_loop3A = arith.constant 0 : i32
    %parallel_loop3A_31 = arith.constant 16384 : i32
    %parallel_loop3A_32 = arith.constant 128 : i32
    scf.for %parallel_loop3A_40 = %parallel_loop3A to %parallel_loop3A_31 step %parallel_loop3A_32  : i32 {
      %parallel_loop3A_41 = arith.constant 0 : i32
      %parallel_loop3A_42 = arith.addi %parallel_loop3A_40, %parallel_loop3A_41 : i32
      %parallel_loop3A_43 = arith.index_cast %parallel_loop3A_42 : i32 to index
      %parallel_loop3A_44 = tpu.vector_load %arg6[%parallel_loop3A_43] {strides = array<i32>} : memref<16384xf32, #tpu.memory_space<vmem>>, vector<16xf32>,
      %parallel_loop3A_45 = vector.bitcast %parallel_loop3A_44 : vector<16xf32> to vector<16xi32>
      %parallel_loop3A_46 = arith.constant 0 : i32
      %parallel_loop3A_47 = vector.broadcast %parallel_loop3A_46 : i32 to vector<16xi32>
      %parallel_loop3A_48 = arith.cmpi ne, %parallel_loop3A_45, %parallel_loop3A_47 : vector<16xi32>
      %parallel_loop3A_49 = arith.constant 20 : i32
      %parallel_loop3A_50 = vector.broadcast %parallel_loop3A_49 : i32 to vector<16xi32>
      %parallel_loop3A_51 = arith.shrsi %parallel_loop3A_45, %parallel_loop3A_50 : vector<16xi32>
      %parallel_loop3A_52 = arith.addi %parallel_loop3A_51, %mul3A_12 : vector<16xi32>
      tpu.vector_store_idx %arg5[%parallel_loop3A_52], %broadcast_in_dim3A_13 masked %parallel_loop3A_48 {add = true} : memref<32768xi32, #tpu.memory_space<vmem>>[vector<16xi32>], vector<16xi32>, vector<16xi1>
      %parallel_loop3A_53 = arith.constant 16 : i32
      %parallel_loop3A_54 = arith.addi %parallel_loop3A_40, %parallel_loop3A_53 : i32
      %parallel_loop3A_55 = arith.index_cast %parallel_loop3A_54 : i32 to index
      %parallel_loop3A_56 = tpu.vector_load %arg6[%parallel_loop3A_55] {strides = array<i32>} : memref<16384xf32, #tpu.memory_space<vmem>>, vector<16xf32>,
      %parallel_loop3A_57 = vector.bitcast %parallel_loop3A_56 : vector<16xf32> to vector<16xi32>
      %parallel_loop3A_58 = arith.constant 0 : i32
      %parallel_loop3A_59 = vector.broadcast %parallel_loop3A_58 : i32 to vector<16xi32>
      %parallel_loop3A_60 = arith.cmpi ne, %parallel_loop3A_57, %parallel_loop3A_59 : vector<16xi32>
      %parallel_loop3A_61 = arith.constant 20 : i32
      %parallel_loop3A_62 = vector.broadcast %parallel_loop3A_61 : i32 to vector<16xi32>
      %parallel_loop3A_63 = arith.shrsi %parallel_loop3A_57, %parallel_loop3A_62 : vector<16xi32>
      %parallel_loop3A_64 = arith.addi %parallel_loop3A_63, %mul3A_12 : vector<16xi32>
      tpu.vector_store_idx %arg5[%parallel_loop3A_64], %broadcast_in_dim3A_13 masked %parallel_loop3A_60 {add = true} : memref<32768xi32, #tpu.memory_space<vmem>>[vector<16xi32>], vector<16xi32>, vector<16xi1>
      %parallel_loop3A_65 = arith.constant 32 : i32
      %parallel_loop3A_66 = arith.addi %parallel_loop3A_40, %parallel_loop3A_65 : i32
      %parallel_loop3A_67 = arith.index_cast %parallel_loop3A_66 : i32 to index
      %parallel_loop3A_68 = tpu.vector_load %arg6[%parallel_loop3A_67] {strides = array<i32>} : memref<16384xf32, #tpu.memory_space<vmem>>, vector<16xf32>,
      %parallel_loop3A_69 = vector.bitcast %parallel_loop3A_68 : vector<16xf32> to vector<16xi32>
      %parallel_loop3A_70 = arith.constant 0 : i32
      %parallel_loop3A_71 = vector.broadcast %parallel_loop3A_70 : i32 to vector<16xi32>
      %parallel_loop3A_72 = arith.cmpi ne, %parallel_loop3A_69, %parallel_loop3A_71 : vector<16xi32>
      %parallel_loop3A_73 = arith.constant 20 : i32
      %parallel_loop3A_74 = vector.broadcast %parallel_loop3A_73 : i32 to vector<16xi32>
      %parallel_loop3A_75 = arith.shrsi %parallel_loop3A_69, %parallel_loop3A_74 : vector<16xi32>
      %parallel_loop3A_76 = arith.addi %parallel_loop3A_75, %mul3A_12 : vector<16xi32>
      tpu.vector_store_idx %arg5[%parallel_loop3A_76], %broadcast_in_dim3A_13 masked %parallel_loop3A_72 {add = true} : memref<32768xi32, #tpu.memory_space<vmem>>[vector<16xi32>], vector<16xi32>, vector<16xi1>
      %parallel_loop3A_77 = arith.constant 48 : i32
      %parallel_loop3A_78 = arith.addi %parallel_loop3A_40, %parallel_loop3A_77 : i32
      %parallel_loop3A_79 = arith.index_cast %parallel_loop3A_78 : i32 to index
      %parallel_loop3A_80 = tpu.vector_load %arg6[%parallel_loop3A_79] {strides = array<i32>} : memref<16384xf32, #tpu.memory_space<vmem>>, vector<16xf32>,
      %parallel_loop3A_81 = vector.bitcast %parallel_loop3A_80 : vector<16xf32> to vector<16xi32>
      %parallel_loop3A_82 = arith.constant 0 : i32
      %parallel_loop3A_83 = vector.broadcast %parallel_loop3A_82 : i32 to vector<16xi32>
      %parallel_loop3A_84 = arith.cmpi ne, %parallel_loop3A_81, %parallel_loop3A_83 : vector<16xi32>
      %parallel_loop3A_85 = arith.constant 20 : i32
      %parallel_loop3A_86 = vector.broadcast %parallel_loop3A_85 : i32 to vector<16xi32>
      %parallel_loop3A_87 = arith.shrsi %parallel_loop3A_81, %parallel_loop3A_86 : vector<16xi32>
      %parallel_loop3A_88 = arith.addi %parallel_loop3A_87, %mul3A_12 : vector<16xi32>
      tpu.vector_store_idx %arg5[%parallel_loop3A_88], %broadcast_in_dim3A_13 masked %parallel_loop3A_84 {add = true} : memref<32768xi32, #tpu.memory_space<vmem>>[vector<16xi32>], vector<16xi32>, vector<16xi1>
      %parallel_loop3A_89 = arith.constant 64 : i32
      %parallel_loop3A_90 = arith.addi %parallel_loop3A_40, %parallel_loop3A_89 : i32
      %parallel_loop3A_91 = arith.index_cast %parallel_loop3A_90 : i32 to index
      %parallel_loop3A_92 = tpu.vector_load %arg6[%parallel_loop3A_91] {strides = array<i32>} : memref<16384xf32, #tpu.memory_space<vmem>>, vector<16xf32>,
      %parallel_loop3A_93 = vector.bitcast %parallel_loop3A_92 : vector<16xf32> to vector<16xi32>
      %parallel_loop3A_94 = arith.constant 0 : i32
      %parallel_loop3A_95 = vector.broadcast %parallel_loop3A_94 : i32 to vector<16xi32>
      %parallel_loop3A_96 = arith.cmpi ne, %parallel_loop3A_93, %parallel_loop3A_95 : vector<16xi32>
      %parallel_loop3A_97 = arith.constant 20 : i32
      %parallel_loop3A_98 = vector.broadcast %parallel_loop3A_97 : i32 to vector<16xi32>
      %parallel_loop3A_99 = arith.shrsi %parallel_loop3A_93, %parallel_loop3A_98 : vector<16xi32>
      %parallel_loop3A_100 = arith.addi %parallel_loop3A_99, %mul3A_12 : vector<16xi32>
      tpu.vector_store_idx %arg5[%parallel_loop3A_100], %broadcast_in_dim3A_13 masked %parallel_loop3A_96 {add = true} : memref<32768xi32, #tpu.memory_space<vmem>>[vector<16xi32>], vector<16xi32>, vector<16xi1>
      %parallel_loop3A_101 = arith.constant 80 : i32
      %parallel_loop3A_102 = arith.addi %parallel_loop3A_40, %parallel_loop3A_101 : i32
      %parallel_loop3A_103 = arith.index_cast %parallel_loop3A_102 : i32 to index
      %parallel_loop3A_104 = tpu.vector_load %arg6[%parallel_loop3A_103] {strides = array<i32>} : memref<16384xf32, #tpu.memory_space<vmem>>, vector<16xf32>,
      %parallel_loop3A_105 = vector.bitcast %parallel_loop3A_104 : vector<16xf32> to vector<16xi32>
      %parallel_loop3A_106 = arith.constant 0 : i32
      %parallel_loop3A_107 = vector.broadcast %parallel_loop3A_106 : i32 to vector<16xi32>
      %parallel_loop3A_108 = arith.cmpi ne, %parallel_loop3A_105, %parallel_loop3A_107 : vector<16xi32>
      %parallel_loop3A_109 = arith.constant 20 : i32
      %parallel_loop3A_110 = vector.broadcast %parallel_loop3A_109 : i32 to vector<16xi32>
      %parallel_loop3A_111 = arith.shrsi %parallel_loop3A_105, %parallel_loop3A_110 : vector<16xi32>
      %parallel_loop3A_112 = arith.addi %parallel_loop3A_111, %mul3A_12 : vector<16xi32>
      tpu.vector_store_idx %arg5[%parallel_loop3A_112], %broadcast_in_dim3A_13 masked %parallel_loop3A_108 {add = true} : memref<32768xi32, #tpu.memory_space<vmem>>[vector<16xi32>], vector<16xi32>, vector<16xi1>
      %parallel_loop3A_113 = arith.constant 96 : i32
      %parallel_loop3A_114 = arith.addi %parallel_loop3A_40, %parallel_loop3A_113 : i32
      %parallel_loop3A_115 = arith.index_cast %parallel_loop3A_114 : i32 to index
      %parallel_loop3A_116 = tpu.vector_load %arg6[%parallel_loop3A_115] {strides = array<i32>} : memref<16384xf32, #tpu.memory_space<vmem>>, vector<16xf32>,
      %parallel_loop3A_117 = vector.bitcast %parallel_loop3A_116 : vector<16xf32> to vector<16xi32>
      %parallel_loop3A_118 = arith.constant 0 : i32
      %parallel_loop3A_119 = vector.broadcast %parallel_loop3A_118 : i32 to vector<16xi32>
      %parallel_loop3A_120 = arith.cmpi ne, %parallel_loop3A_117, %parallel_loop3A_119 : vector<16xi32>
      %parallel_loop3A_121 = arith.constant 20 : i32
      %parallel_loop3A_122 = vector.broadcast %parallel_loop3A_121 : i32 to vector<16xi32>
      %parallel_loop3A_123 = arith.shrsi %parallel_loop3A_117, %parallel_loop3A_122 : vector<16xi32>
      %parallel_loop3A_124 = arith.addi %parallel_loop3A_123, %mul3A_12 : vector<16xi32>
      tpu.vector_store_idx %arg5[%parallel_loop3A_124], %broadcast_in_dim3A_13 masked %parallel_loop3A_120 {add = true} : memref<32768xi32, #tpu.memory_space<vmem>>[vector<16xi32>], vector<16xi32>, vector<16xi1>
      %parallel_loop3A_125 = arith.constant 112 : i32
      %parallel_loop3A_126 = arith.addi %parallel_loop3A_40, %parallel_loop3A_125 : i32
      %parallel_loop3A_127 = arith.index_cast %parallel_loop3A_126 : i32 to index
      %parallel_loop3A_128 = tpu.vector_load %arg6[%parallel_loop3A_127] {strides = array<i32>} : memref<16384xf32, #tpu.memory_space<vmem>>, vector<16xf32>,
      %parallel_loop3A_129 = vector.bitcast %parallel_loop3A_128 : vector<16xf32> to vector<16xi32>
      %parallel_loop3A_130 = arith.constant 0 : i32
      %parallel_loop3A_131 = vector.broadcast %parallel_loop3A_130 : i32 to vector<16xi32>
      %parallel_loop3A_132 = arith.cmpi ne, %parallel_loop3A_129, %parallel_loop3A_131 : vector<16xi32>
      %parallel_loop3A_133 = arith.constant 20 : i32
      %parallel_loop3A_134 = vector.broadcast %parallel_loop3A_133 : i32 to vector<16xi32>
      %parallel_loop3A_135 = arith.shrsi %parallel_loop3A_129, %parallel_loop3A_134 : vector<16xi32>
      %parallel_loop3A_136 = arith.addi %parallel_loop3A_135, %mul3A_12 : vector<16xi32>
      tpu.vector_store_idx %arg5[%parallel_loop3A_136], %broadcast_in_dim3A_13 masked %parallel_loop3A_132 {add = true} : memref<32768xi32, #tpu.memory_space<vmem>>[vector<16xi32>], vector<16xi32>, vector<16xi1>
    } {sc.loop_unroll_factor = 1 : i64, sc.parallel_access}
    %add3A_33 = arith.constant 2080768 : i32
    %add3A_34 = arith.addi %mul3A_2, %add3A_33 : i32
    %dma_wait3A_35 = tpu.memref_slice %arg2[%add3A_34] : memref<67108864xf32, #tpu.memory_space<hbm>> -> memref<16384xf32, #tpu.memory_space<hbm>>
    %dma_wait3A_36 = tpu.memref_slice %arg2[%add3A_34] : memref<67108864xf32, #tpu.memory_space<hbm>> -> memref<16384xf32, #tpu.memory_space<hbm>>
    tpu.wait_dma2 semaphore(%arg10 : memref<!tpu.dma_semaphore, #tpu.memory_space<semaphore_mem>>) src(%dma_wait3A_36 : memref<16384xf32, #tpu.memory_space<hbm>>) dst(%arg7 : memref<16384xf32, #tpu.memory_space<vmem>>)
    %parallel_loop3A_37 = arith.constant 0 : i32
    %parallel_loop3A_38 = arith.constant 16384 : i32
    %parallel_loop3A_39 = arith.constant 128 : i32
    scf.for %parallel_loop3A_40 = %parallel_loop3A_37 to %parallel_loop3A_38 step %parallel_loop3A_39  : i32 {
      %parallel_loop3A_41 = arith.constant 0 : i32
      %parallel_loop3A_42 = arith.addi %parallel_loop3A_40, %parallel_loop3A_41 : i32
      %parallel_loop3A_43 = arith.index_cast %parallel_loop3A_42 : i32 to index
      %parallel_loop3A_44 = tpu.vector_load %arg7[%parallel_loop3A_43] {strides = array<i32>} : memref<16384xf32, #tpu.memory_space<vmem>>, vector<16xf32>,
      %parallel_loop3A_45 = vector.bitcast %parallel_loop3A_44 : vector<16xf32> to vector<16xi32>
      %parallel_loop3A_46 = arith.constant 0 : i32
      %parallel_loop3A_47 = vector.broadcast %parallel_loop3A_46 : i32 to vector<16xi32>
      %parallel_loop3A_48 = arith.cmpi ne, %parallel_loop3A_45, %parallel_loop3A_47 : vector<16xi32>
      %parallel_loop3A_49 = arith.constant 20 : i32
      %parallel_loop3A_50 = vector.broadcast %parallel_loop3A_49 : i32 to vector<16xi32>
      %parallel_loop3A_51 = arith.shrsi %parallel_loop3A_45, %parallel_loop3A_50 : vector<16xi32>
      %parallel_loop3A_52 = arith.addi %parallel_loop3A_51, %mul3A_12 : vector<16xi32>
      tpu.vector_store_idx %arg5[%parallel_loop3A_52], %broadcast_in_dim3A_13 masked %parallel_loop3A_48 {add = true} : memref<32768xi32, #tpu.memory_space<vmem>>[vector<16xi32>], vector<16xi32>, vector<16xi1>
      %parallel_loop3A_53 = arith.constant 16 : i32
      %parallel_loop3A_54 = arith.addi %parallel_loop3A_40, %parallel_loop3A_53 : i32
      %parallel_loop3A_55 = arith.index_cast %parallel_loop3A_54 : i32 to index
      %parallel_loop3A_56 = tpu.vector_load %arg7[%parallel_loop3A_55] {strides = array<i32>} : memref<16384xf32, #tpu.memory_space<vmem>>, vector<16xf32>,
      %parallel_loop3A_57 = vector.bitcast %parallel_loop3A_56 : vector<16xf32> to vector<16xi32>
      %parallel_loop3A_58 = arith.constant 0 : i32
      %parallel_loop3A_59 = vector.broadcast %parallel_loop3A_58 : i32 to vector<16xi32>
      %parallel_loop3A_60 = arith.cmpi ne, %parallel_loop3A_57, %parallel_loop3A_59 : vector<16xi32>
      %parallel_loop3A_61 = arith.constant 20 : i32
      %parallel_loop3A_62 = vector.broadcast %parallel_loop3A_61 : i32 to vector<16xi32>
      %parallel_loop3A_63 = arith.shrsi %parallel_loop3A_57, %parallel_loop3A_62 : vector<16xi32>
      %parallel_loop3A_64 = arith.addi %parallel_loop3A_63, %mul3A_12 : vector<16xi32>
      tpu.vector_store_idx %arg5[%parallel_loop3A_64], %broadcast_in_dim3A_13 masked %parallel_loop3A_60 {add = true} : memref<32768xi32, #tpu.memory_space<vmem>>[vector<16xi32>], vector<16xi32>, vector<16xi1>
      %parallel_loop3A_65 = arith.constant 32 : i32
      %parallel_loop3A_66 = arith.addi %parallel_loop3A_40, %parallel_loop3A_65 : i32
      %parallel_loop3A_67 = arith.index_cast %parallel_loop3A_66 : i32 to index
      %parallel_loop3A_68 = tpu.vector_load %arg7[%parallel_loop3A_67] {strides = array<i32>} : memref<16384xf32, #tpu.memory_space<vmem>>, vector<16xf32>,
      %parallel_loop3A_69 = vector.bitcast %parallel_loop3A_68 : vector<16xf32> to vector<16xi32>
      %parallel_loop3A_70 = arith.constant 0 : i32
      %parallel_loop3A_71 = vector.broadcast %parallel_loop3A_70 : i32 to vector<16xi32>
      %parallel_loop3A_72 = arith.cmpi ne, %parallel_loop3A_69, %parallel_loop3A_71 : vector<16xi32>
      %parallel_loop3A_73 = arith.constant 20 : i32
      %parallel_loop3A_74 = vector.broadcast %parallel_loop3A_73 : i32 to vector<16xi32>
      %parallel_loop3A_75 = arith.shrsi %parallel_loop3A_69, %parallel_loop3A_74 : vector<16xi32>
      %parallel_loop3A_76 = arith.addi %parallel_loop3A_75, %mul3A_12 : vector<16xi32>
      tpu.vector_store_idx %arg5[%parallel_loop3A_76], %broadcast_in_dim3A_13 masked %parallel_loop3A_72 {add = true} : memref<32768xi32, #tpu.memory_space<vmem>>[vector<16xi32>], vector<16xi32>, vector<16xi1>
      %parallel_loop3A_77 = arith.constant 48 : i32
      %parallel_loop3A_78 = arith.addi %parallel_loop3A_40, %parallel_loop3A_77 : i32
      %parallel_loop3A_79 = arith.index_cast %parallel_loop3A_78 : i32 to index
      %parallel_loop3A_80 = tpu.vector_load %arg7[%parallel_loop3A_79] {strides = array<i32>} : memref<16384xf32, #tpu.memory_space<vmem>>, vector<16xf32>,
      %parallel_loop3A_81 = vector.bitcast %parallel_loop3A_80 : vector<16xf32> to vector<16xi32>
      %parallel_loop3A_82 = arith.constant 0 : i32
      %parallel_loop3A_83 = vector.broadcast %parallel_loop3A_82 : i32 to vector<16xi32>
      %parallel_loop3A_84 = arith.cmpi ne, %parallel_loop3A_81, %parallel_loop3A_83 : vector<16xi32>
      %parallel_loop3A_85 = arith.constant 20 : i32
      %parallel_loop3A_86 = vector.broadcast %parallel_loop3A_85 : i32 to vector<16xi32>
      %parallel_loop3A_87 = arith.shrsi %parallel_loop3A_81, %parallel_loop3A_86 : vector<16xi32>
      %parallel_loop3A_88 = arith.addi %parallel_loop3A_87, %mul3A_12 : vector<16xi32>
      tpu.vector_store_idx %arg5[%parallel_loop3A_88], %broadcast_in_dim3A_13 masked %parallel_loop3A_84 {add = true} : memref<32768xi32, #tpu.memory_space<vmem>>[vector<16xi32>], vector<16xi32>, vector<16xi1>
      %parallel_loop3A_89 = arith.constant 64 : i32
      %parallel_loop3A_90 = arith.addi %parallel_loop3A_40, %parallel_loop3A_89 : i32
      %parallel_loop3A_91 = arith.index_cast %parallel_loop3A_90 : i32 to index
      %parallel_loop3A_92 = tpu.vector_load %arg7[%parallel_loop3A_91] {strides = array<i32>} : memref<16384xf32, #tpu.memory_space<vmem>>, vector<16xf32>,
      %parallel_loop3A_93 = vector.bitcast %parallel_loop3A_92 : vector<16xf32> to vector<16xi32>
      %parallel_loop3A_94 = arith.constant 0 : i32
      %parallel_loop3A_95 = vector.broadcast %parallel_loop3A_94 : i32 to vector<16xi32>
      %parallel_loop3A_96 = arith.cmpi ne, %parallel_loop3A_93, %parallel_loop3A_95 : vector<16xi32>
      %parallel_loop3A_97 = arith.constant 20 : i32
      %parallel_loop3A_98 = vector.broadcast %parallel_loop3A_97 : i32 to vector<16xi32>
      %parallel_loop3A_99 = arith.shrsi %parallel_loop3A_93, %parallel_loop3A_98 : vector<16xi32>
      %parallel_loop3A_100 = arith.addi %parallel_loop3A_99, %mul3A_12 : vector<16xi32>
      tpu.vector_store_idx %arg5[%parallel_loop3A_100], %broadcast_in_dim3A_13 masked %parallel_loop3A_96 {add = true} : memref<32768xi32, #tpu.memory_space<vmem>>[vector<16xi32>], vector<16xi32>, vector<16xi1>
      %parallel_loop3A_101 = arith.constant 80 : i32
      %parallel_loop3A_102 = arith.addi %parallel_loop3A_40, %parallel_loop3A_101 : i32
      %parallel_loop3A_103 = arith.index_cast %parallel_loop3A_102 : i32 to index
      %parallel_loop3A_104 = tpu.vector_load %arg7[%parallel_loop3A_103] {strides = array<i32>} : memref<16384xf32, #tpu.memory_space<vmem>>, vector<16xf32>,
      %parallel_loop3A_105 = vector.bitcast %parallel_loop3A_104 : vector<16xf32> to vector<16xi32>
      %parallel_loop3A_106 = arith.constant 0 : i32
      %parallel_loop3A_107 = vector.broadcast %parallel_loop3A_106 : i32 to vector<16xi32>
      %parallel_loop3A_108 = arith.cmpi ne, %parallel_loop3A_105, %parallel_loop3A_107 : vector<16xi32>
      %parallel_loop3A_109 = arith.constant 20 : i32
      %parallel_loop3A_110 = vector.broadcast %parallel_loop3A_109 : i32 to vector<16xi32>
      %parallel_loop3A_111 = arith.shrsi %parallel_loop3A_105, %parallel_loop3A_110 : vector<16xi32>
      %parallel_loop3A_112 = arith.addi %parallel_loop3A_111, %mul3A_12 : vector<16xi32>
      tpu.vector_store_idx %arg5[%parallel_loop3A_112], %broadcast_in_dim3A_13 masked %parallel_loop3A_108 {add = true} : memref<32768xi32, #tpu.memory_space<vmem>>[vector<16xi32>], vector<16xi32>, vector<16xi1>
      %parallel_loop3A_113 = arith.constant 96 : i32
      %parallel_loop3A_114 = arith.addi %parallel_loop3A_40, %parallel_loop3A_113 : i32
      %parallel_loop3A_115 = arith.index_cast %parallel_loop3A_114 : i32 to index
      %parallel_loop3A_116 = tpu.vector_load %arg7[%parallel_loop3A_115] {strides = array<i32>} : memref<16384xf32, #tpu.memory_space<vmem>>, vector<16xf32>,
      %parallel_loop3A_117 = vector.bitcast %parallel_loop3A_116 : vector<16xf32> to vector<16xi32>
      %parallel_loop3A_118 = arith.constant 0 : i32
      %parallel_loop3A_119 = vector.broadcast %parallel_loop3A_118 : i32 to vector<16xi32>
      %parallel_loop3A_120 = arith.cmpi ne, %parallel_loop3A_117, %parallel_loop3A_119 : vector<16xi32>
      %parallel_loop3A_121 = arith.constant 20 : i32
      %parallel_loop3A_122 = vector.broadcast %parallel_loop3A_121 : i32 to vector<16xi32>
      %parallel_loop3A_123 = arith.shrsi %parallel_loop3A_117, %parallel_loop3A_122 : vector<16xi32>
      %parallel_loop3A_124 = arith.addi %parallel_loop3A_123, %mul3A_12 : vector<16xi32>
      tpu.vector_store_idx %arg5[%parallel_loop3A_124], %broadcast_in_dim3A_13 masked %parallel_loop3A_120 {add = true} : memref<32768xi32, #tpu.memory_space<vmem>>[vector<16xi32>], vector<16xi32>, vector<16xi1>
      %parallel_loop3A_125 = arith.constant 112 : i32
      %parallel_loop3A_126 = arith.addi %parallel_loop3A_40, %parallel_loop3A_125 : i32
      %parallel_loop3A_127 = arith.index_cast %parallel_loop3A_126 : i32 to index
      %parallel_loop3A_128 = tpu.vector_load %arg7[%parallel_loop3A_127] {strides = array<i32>} : memref<16384xf32, #tpu.memory_space<vmem>>, vector<16xf32>,
      %parallel_loop3A_129 = vector.bitcast %parallel_loop3A_128 : vector<16xf32> to vector<16xi32>
      %parallel_loop3A_130 = arith.constant 0 : i32
      %parallel_loop3A_131 = vector.broadcast %parallel_loop3A_130 : i32 to vector<16xi32>
      %parallel_loop3A_132 = arith.cmpi ne, %parallel_loop3A_129, %parallel_loop3A_131 : vector<16xi32>
      %parallel_loop3A_133 = arith.constant 20 : i32
      %parallel_loop3A_134 = vector.broadcast %parallel_loop3A_133 : i32 to vector<16xi32>
      %parallel_loop3A_135 = arith.shrsi %parallel_loop3A_129, %parallel_loop3A_134 : vector<16xi32>
      %parallel_loop3A_136 = arith.addi %parallel_loop3A_135, %mul3A_12 : vector<16xi32>
      tpu.vector_store_idx %arg5[%parallel_loop3A_136], %broadcast_in_dim3A_13 masked %parallel_loop3A_132 {add = true} : memref<32768xi32, #tpu.memory_space<vmem>>[vector<16xi32>], vector<16xi32>, vector<16xi1>
    } {sc.loop_unroll_factor = 1 : i64, sc.parallel_access}
    "tpu.region"() ({
      %run_scoped3A = tpu.sem_alloc : memref<!tpu.dma_semaphore, #tpu.memory_space<semaphore_mem>>
      %dma_start3A_40 = arith.constant 0 : i32
      %dma_start3A_41 = tpu.memref_slice %arg4[%add3A, %dma_start3A_40] : memref<32x32768xi32, #tpu.memory_space<hbm>> -> memref<1x32768xi32, #tpu.memory_space<hbm>>
      %dma_start3A_42 = tpu.memref_squeeze %dma_start3A_41 : memref<1x32768xi32, #tpu.memory_space<hbm>> -> memref<32768xi32, #tpu.memory_space<hbm>>
      %dma_start3A_43 = arith.constant 0 : i32
      %dma_start3A_44 = tpu.memref_slice %arg4[%add3A, %dma_start3A_43] : memref<32x32768xi32, #tpu.memory_space<hbm>> -> memref<1x32768xi32, #tpu.memory_space<hbm>>
      %dma_start3A_45 = tpu.memref_squeeze %dma_start3A_44 : memref<1x32768xi32, #tpu.memory_space<hbm>> -> memref<32768xi32, #tpu.memory_space<hbm>>
      tpu.enqueue_dma source(%arg5 : memref<32768xi32, #tpu.memory_space<vmem>>) target(%dma_start3A_45 : memref<32768xi32, #tpu.memory_space<hbm>>) target_semaphore(%run_scoped3A : memref<!tpu.dma_semaphore, #tpu.memory_space<semaphore_mem>>)
      %dma_wait3A_46 = arith.constant 0 : i32
      %dma_wait3A_47 = tpu.memref_slice %arg4[%add3A, %dma_wait3A_46] : memref<32x32768xi32, #tpu.memory_space<hbm>> -> memref<1x32768xi32, #tpu.memory_space<hbm>>
      %dma_wait3A_48 = tpu.memref_squeeze %dma_wait3A_47 : memref<1x32768xi32, #tpu.memory_space<hbm>> -> memref<32768xi32, #tpu.memory_space<hbm>>
      %dma_wait3A_49 = arith.constant 0 : i32
      %dma_wait3A_50 = tpu.memref_slice %arg4[%add3A, %dma_wait3A_49] : memref<32x32768xi32, #tpu.memory_space<hbm>> -> memref<1x32768xi32, #tpu.memory_space<hbm>>
      %dma_wait3A_51 = tpu.memref_squeeze %dma_wait3A_50 : memref<1x32768xi32, #tpu.memory_space<hbm>> -> memref<32768xi32, #tpu.memory_space<hbm>>
      tpu.wait_dma2 semaphore(%run_scoped3A : memref<!tpu.dma_semaphore, #tpu.memory_space<semaphore_mem>>) src(%arg5 : memref<32768xi32, #tpu.memory_space<vmem>>) dst(%dma_wait3A_51 : memref<32768xi32, #tpu.memory_space<hbm>>)
      tpu.yield
    }) : () -> ()
    return
  }
}

#map = affine_map<(d0, d1) -> (0)>
#map1 = affine_map<(d0, d1) -> (0, 0)>
module attributes {stable_mosaic.version = 14 : i64} {
  func.func @_hist_body(%arg0: i32, %arg1: i32, %arg2: memref<67108864xf32, #tpu.memory_space<hbm>>, %arg3: memref<16xi32, #tpu.memory_space<hbm>>, %arg4: memref<32x32768xi32, #tpu.memory_space<hbm>>, %arg5: memref<32768xi32, #tpu.memory_space<vmem>>, %arg6: memref<16384xf32, #tpu.memory_space<vmem>>, %arg7: memref<16384xf32, #tpu.memory_space<vmem>>, %arg8: memref<16xi32, #tpu.memory_space<vmem>>, %arg9: memref<!tpu.dma_semaphore, #tpu.memory_space<semaphore_mem>>, %arg10: memref<!tpu.dma_semaphore, #tpu.memory_space<semaphore_mem>>) attributes {dimension_semantics = [#tpu.dimension_semantics<core_parallel>, #tpu.dimension_semantics<subcore_parallel>], iteration_bounds = array<i64: 2, 16>, scalar_prefetch = 0 : i64, scratch_operands = 6 : i64, tpu.core_type = #tpu.core_type<sc_vector_subcore>, window_params = [{transform_indices = #map}, {transform_indices = #map}, {transform_indices = #map1}]} {
    %mul3A = arith.constant 2 : i32
    %mul3A_0 = arith.muli %arg1, %mul3A : i32
    %add3A = arith.addi %mul3A_0, %arg0 : i32
    %mul3A_1 = arith.constant 2097152 : i32
    %mul3A_2 = arith.muli %add3A, %mul3A_1 : i32
    %scan3A = arith.constant 0 : i32
    %scan3A_3 = arith.constant 0 : i32
    %scan3A_4 = arith.constant 2048 : i32
    %scan3A_5 = arith.addi %scan3A_3, %scan3A_4 : i32
    %scan3A_6 = arith.constant 4 : i32
    %scan3A_7 = scf.for %scan3A_40 = %scan3A_3 to %scan3A_5 step %scan3A_6 iter_args(%scan3A_41 = %scan3A) -> (i32)  : i32 {
      %broadcast_in_dim3A_42 = arith.constant 0 : i32
      %broadcast_in_dim3A_43 = vector.broadcast %broadcast_in_dim3A_42 : i32 to vector<16xi32>
      %mul3A_44 = arith.constant 16 : i32
      %mul3A_45 = arith.muli %scan3A_40, %mul3A_44 : i32
      %swap3A = arith.index_cast %mul3A_45 : i32 to index
      %swap3A_46 = tpu.vector_load %arg5[%swap3A] {strides = array<i32>} : memref<32768xi32, #tpu.memory_space<vmem>>, vector<16xi32>,
      tpu.vector_store %arg5[%swap3A], %broadcast_in_dim3A_43 {strides = array<i32>} : memref<32768xi32, #tpu.memory_space<vmem>>, vector<16xi32>,
      %scan3A_47 = arith.constant 0 : i32
      %scan3A_48 = arith.constant 1 : i32
      %scan3A_49 = arith.addi %scan3A_40, %scan3A_48 : i32
      %broadcast_in_dim3A_50 = arith.constant 0 : i32
      %broadcast_in_dim3A_51 = vector.broadcast %broadcast_in_dim3A_50 : i32 to vector<16xi32>
      %mul3A_52 = arith.constant 16 : i32
      %mul3A_53 = arith.muli %scan3A_49, %mul3A_52 : i32
      %swap3A_54 = arith.index_cast %mul3A_53 : i32 to index
      %swap3A_55 = tpu.vector_load %arg5[%swap3A_54] {strides = array<i32>} : memref<32768xi32, #tpu.memory_space<vmem>>, vector<16xi32>,
      tpu.vector_store %arg5[%swap3A_54], %broadcast_in_dim3A_51 {strides = array<i32>} : memref<32768xi32, #tpu.memory_space<vmem>>, vector<16xi32>,
      %scan3A_56 = arith.constant 0 : i32
      %scan3A_57 = arith.constant 2 : i32
      %scan3A_58 = arith.addi %scan3A_40, %scan3A_57 : i32
      %broadcast_in_dim3A_59 = arith.constant 0 : i32
      %broadcast_in_dim3A_60 = vector.broadcast %broadcast_in_dim3A_59 : i32 to vector<16xi32>
      %mul3A_61 = arith.constant 16 : i32
      %mul3A_62 = arith.muli %scan3A_58, %mul3A_61 : i32
      %swap3A_63 = arith.index_cast %mul3A_62 : i32 to index
      %swap3A_64 = tpu.vector_load %arg5[%swap3A_63] {strides = array<i32>} : memref<32768xi32, #tpu.memory_space<vmem>>, vector<16xi32>,
      tpu.vector_store %arg5[%swap3A_63], %broadcast_in_dim3A_60 {strides = array<i32>} : memref<32768xi32, #tpu.memory_space<vmem>>, vector<16xi32>,
      %scan3A_65 = arith.constant 0 : i32
      %scan3A_66 = arith.constant 3 : i32
      %scan3A_67 = arith.addi %scan3A_40, %scan3A_66 : i32
      %broadcast_in_dim3A_68 = arith.constant 0 : i32
      %broadcast_in_dim3A_69 = vector.broadcast %broadcast_in_dim3A_68 : i32 to vector<16xi32>
      %mul3A_70 = arith.constant 16 : i32
      %mul3A_71 = arith.muli %scan3A_67, %mul3A_70 : i32
      %swap3A_72 = arith.index_cast %mul3A_71 : i32 to index
      %swap3A_73 = tpu.vector_load %arg5[%swap3A_72] {strides = array<i32>} : memref<32768xi32, #tpu.memory_space<vmem>>, vector<16xi32>,
      tpu.vector_store %arg5[%swap3A_72], %broadcast_in_dim3A_69 {strides = array<i32>} : memref<32768xi32, #tpu.memory_space<vmem>>, vector<16xi32>,
      %scan3A_74 = arith.constant 0 : i32
      scf.yield %scan3A_74 : i32
    }
    %scan3A_8 = arith.constant 2048 : i32
    "tpu.region"() ({
      %run_scoped3A = tpu.sem_alloc : memref<!tpu.dma_semaphore, #tpu.memory_space<semaphore_mem>>
      tpu.enqueue_dma source(%arg3 : memref<16xi32, #tpu.memory_space<hbm>>) target(%arg8 : memref<16xi32, #tpu.memory_space<vmem>>) target_semaphore(%run_scoped3A : memref<!tpu.dma_semaphore, #tpu.memory_space<semaphore_mem>>)
      tpu.wait_dma2 semaphore(%run_scoped3A : memref<!tpu.dma_semaphore, #tpu.memory_space<semaphore_mem>>) src(%arg3 : memref<16xi32, #tpu.memory_space<hbm>>) dst(%arg8 : memref<16xi32, #tpu.memory_space<vmem>>)
      tpu.yield
    }) : () -> ()
    %get3A = arith.constant 0 : index
    %get3A_9 = tpu.vector_load %arg8[%get3A] {strides = array<i32>} : memref<16xi32, #tpu.memory_space<vmem>>, vector<16xi32>,
    %iota3A = tpu.iota {dimensions = array<i32: 0>} : vector<16xi32>
    %mul3A_10 = arith.constant 2048 : i32
    %mul3A_11 = vector.broadcast %mul3A_10 : i32 to vector<16xi32>
    %mul3A_12 = arith.muli %iota3A, %mul3A_11 : vector<16xi32>
    %broadcast_in_dim3A = arith.constant 1 : i32
    %broadcast_in_dim3A_13 = vector.broadcast %broadcast_in_dim3A : i32 to vector<16xi32>
    %add3A_14 = arith.constant 0 : i32
    %add3A_15 = arith.addi %mul3A_2, %add3A_14 : i32
    %dma_start3A = tpu.memref_slice %arg2[%add3A_15] : memref<67108864xf32, #tpu.memory_space<hbm>> -> memref<16384xf32, #tpu.memory_space<hbm>>
    %dma_start3A_16 = tpu.memref_slice %arg2[%add3A_15] : memref<67108864xf32, #tpu.memory_space<hbm>> -> memref<16384xf32, #tpu.memory_space<hbm>>
    tpu.enqueue_dma source(%dma_start3A_16 : memref<16384xf32, #tpu.memory_space<hbm>>) target(%arg6 : memref<16384xf32, #tpu.memory_space<vmem>>) target_semaphore(%arg9 : memref<!tpu.dma_semaphore, #tpu.memory_space<semaphore_mem>>)
    %add3A_17 = arith.constant 16384 : i32
    %add3A_18 = arith.addi %mul3A_2, %add3A_17 : i32
    %dma_start3A_19 = tpu.memref_slice %arg2[%add3A_18] : memref<67108864xf32, #tpu.memory_space<hbm>> -> memref<16384xf32, #tpu.memory_space<hbm>>
    %dma_start3A_20 = tpu.memref_slice %arg2[%add3A_18] : memref<67108864xf32, #tpu.memory_space<hbm>> -> memref<16384xf32, #tpu.memory_space<hbm>>
    tpu.enqueue_dma source(%dma_start3A_20 : memref<16384xf32, #tpu.memory_space<hbm>>) target(%arg7 : memref<16384xf32, #tpu.memory_space<vmem>>) target_semaphore(%arg10 : memref<!tpu.dma_semaphore, #tpu.memory_space<semaphore_mem>>)
    %scan3A_21 = arith.constant 0 : i32
    %scan3A_22 = arith.constant 0 : i32
    %scan3A_23 = arith.constant 63 : i32
    %scan3A_24 = arith.addi %scan3A_22, %scan3A_23 : i32
    %scan3A_25 = arith.constant 1 : i32
    %scan3A_26 = scf.for %scan3A_40 = %scan3A_22 to %scan3A_24 step %scan3A_25 iter_args(%scan3A_41 = %scan3A_21) -> (i32)  : i32 {
      %mul3A_42 = arith.constant 2 : i32
      %mul3A_43 = arith.muli %mul3A_42, %scan3A_40 : i32
      %mul3A_44 = arith.constant 16384 : i32
      %mul3A_45 = arith.muli %mul3A_43, %mul3A_44 : i32
      %add3A_46 = arith.addi %mul3A_2, %mul3A_45 : i32
      %dma_wait3A_47 = tpu.memref_slice %arg2[%add3A_46] : memref<67108864xf32, #tpu.memory_space<hbm>> -> memref<16384xf32, #tpu.memory_space<hbm>>
      %dma_wait3A_48 = tpu.memref_slice %arg2[%add3A_46] : memref<67108864xf32, #tpu.memory_space<hbm>> -> memref<16384xf32, #tpu.memory_space<hbm>>
      tpu.wait_dma2 semaphore(%arg9 : memref<!tpu.dma_semaphore, #tpu.memory_space<semaphore_mem>>) src(%dma_wait3A_48 : memref<16384xf32, #tpu.memory_space<hbm>>) dst(%arg6 : memref<16384xf32, #tpu.memory_space<vmem>>)
      %parallel_loop3A_49 = arith.constant 0 : i32
      %parallel_loop3A_50 = arith.constant 16384 : i32
      %parallel_loop3A_51 = arith.constant 128 : i32
      scf.for %parallel_loop3A_77 = %parallel_loop3A_49 to %parallel_loop3A_50 step %parallel_loop3A_51  : i32 {
        %parallel_loop3A_78 = arith.constant 0 : i32
        %parallel_loop3A_79 = arith.addi %parallel_loop3A_77, %parallel_loop3A_78 : i32
        %parallel_loop3A_80 = arith.index_cast %parallel_loop3A_79 : i32 to index
        %parallel_loop3A_81 = tpu.vector_load %arg6[%parallel_loop3A_80] {strides = array<i32>} : memref<16384xf32, #tpu.memory_space<vmem>>, vector<16xf32>,
        %parallel_loop3A_82 = vector.bitcast %parallel_loop3A_81 : vector<16xf32> to vector<16xi32>
        %parallel_loop3A_83 = arith.constant 10 : i32
        %parallel_loop3A_84 = vector.broadcast %parallel_loop3A_83 : i32 to vector<16xi32>
        %parallel_loop3A_85 = arith.shrsi %parallel_loop3A_82, %parallel_loop3A_84 : vector<16xi32>
        %parallel_loop3A_86 = arith.subi %parallel_loop3A_85, %get3A_9 : vector<16xi32>
        %parallel_loop3A_87 = arith.constant 1024 : i32
        %parallel_loop3A_88 = vector.broadcast %parallel_loop3A_87 : i32 to vector<16xi32>
        %parallel_loop3A_89 = arith.cmpi ult, %parallel_loop3A_86, %parallel_loop3A_88 : vector<16xi32>
        %parallel_loop3A_90 = arith.addi %parallel_loop3A_86, %mul3A_12 : vector<16xi32>
        tpu.vector_store_idx %arg5[%parallel_loop3A_90], %broadcast_in_dim3A_13 masked %parallel_loop3A_89 {add = true} : memref<32768xi32, #tpu.memory_space<vmem>>[vector<16xi32>], vector<16xi32>, vector<16xi1>
        %parallel_loop3A_91 = arith.constant 16 : i32
        %parallel_loop3A_92 = arith.addi %parallel_loop3A_77, %parallel_loop3A_91 : i32
        %parallel_loop3A_93 = arith.index_cast %parallel_loop3A_92 : i32 to index
        %parallel_loop3A_94 = tpu.vector_load %arg6[%parallel_loop3A_93] {strides = array<i32>} : memref<16384xf32, #tpu.memory_space<vmem>>, vector<16xf32>,
        %parallel_loop3A_95 = vector.bitcast %parallel_loop3A_94 : vector<16xf32> to vector<16xi32>
        %parallel_loop3A_96 = arith.constant 10 : i32
        %parallel_loop3A_97 = vector.broadcast %parallel_loop3A_96 : i32 to vector<16xi32>
        %parallel_loop3A_98 = arith.shrsi %parallel_loop3A_95, %parallel_loop3A_97 : vector<16xi32>
        %parallel_loop3A_99 = arith.subi %parallel_loop3A_98, %get3A_9 : vector<16xi32>
        %parallel_loop3A_100 = arith.constant 1024 : i32
        %parallel_loop3A_101 = vector.broadcast %parallel_loop3A_100 : i32 to vector<16xi32>
        %parallel_loop3A_102 = arith.cmpi ult, %parallel_loop3A_99, %parallel_loop3A_101 : vector<16xi32>
        %parallel_loop3A_103 = arith.addi %parallel_loop3A_99, %mul3A_12 : vector<16xi32>
        tpu.vector_store_idx %arg5[%parallel_loop3A_103], %broadcast_in_dim3A_13 masked %parallel_loop3A_102 {add = true} : memref<32768xi32, #tpu.memory_space<vmem>>[vector<16xi32>], vector<16xi32>, vector<16xi1>
        %parallel_loop3A_104 = arith.constant 32 : i32
        %parallel_loop3A_105 = arith.addi %parallel_loop3A_77, %parallel_loop3A_104 : i32
        %parallel_loop3A_106 = arith.index_cast %parallel_loop3A_105 : i32 to index
        %parallel_loop3A_107 = tpu.vector_load %arg6[%parallel_loop3A_106] {strides = array<i32>} : memref<16384xf32, #tpu.memory_space<vmem>>, vector<16xf32>,
        %parallel_loop3A_108 = vector.bitcast %parallel_loop3A_107 : vector<16xf32> to vector<16xi32>
        %parallel_loop3A_109 = arith.constant 10 : i32
        %parallel_loop3A_110 = vector.broadcast %parallel_loop3A_109 : i32 to vector<16xi32>
        %parallel_loop3A_111 = arith.shrsi %parallel_loop3A_108, %parallel_loop3A_110 : vector<16xi32>
        %parallel_loop3A_112 = arith.subi %parallel_loop3A_111, %get3A_9 : vector<16xi32>
        %parallel_loop3A_113 = arith.constant 1024 : i32
        %parallel_loop3A_114 = vector.broadcast %parallel_loop3A_113 : i32 to vector<16xi32>
        %parallel_loop3A_115 = arith.cmpi ult, %parallel_loop3A_112, %parallel_loop3A_114 : vector<16xi32>
        %parallel_loop3A_116 = arith.addi %parallel_loop3A_112, %mul3A_12 : vector<16xi32>
        tpu.vector_store_idx %arg5[%parallel_loop3A_116], %broadcast_in_dim3A_13 masked %parallel_loop3A_115 {add = true} : memref<32768xi32, #tpu.memory_space<vmem>>[vector<16xi32>], vector<16xi32>, vector<16xi1>
        %parallel_loop3A_117 = arith.constant 48 : i32
        %parallel_loop3A_118 = arith.addi %parallel_loop3A_77, %parallel_loop3A_117 : i32
        %parallel_loop3A_119 = arith.index_cast %parallel_loop3A_118 : i32 to index
        %parallel_loop3A_120 = tpu.vector_load %arg6[%parallel_loop3A_119] {strides = array<i32>} : memref<16384xf32, #tpu.memory_space<vmem>>, vector<16xf32>,
        %parallel_loop3A_121 = vector.bitcast %parallel_loop3A_120 : vector<16xf32> to vector<16xi32>
        %parallel_loop3A_122 = arith.constant 10 : i32
        %parallel_loop3A_123 = vector.broadcast %parallel_loop3A_122 : i32 to vector<16xi32>
        %parallel_loop3A_124 = arith.shrsi %parallel_loop3A_121, %parallel_loop3A_123 : vector<16xi32>
        %parallel_loop3A_125 = arith.subi %parallel_loop3A_124, %get3A_9 : vector<16xi32>
        %parallel_loop3A_126 = arith.constant 1024 : i32
        %parallel_loop3A_127 = vector.broadcast %parallel_loop3A_126 : i32 to vector<16xi32>
        %parallel_loop3A_128 = arith.cmpi ult, %parallel_loop3A_125, %parallel_loop3A_127 : vector<16xi32>
        %parallel_loop3A_129 = arith.addi %parallel_loop3A_125, %mul3A_12 : vector<16xi32>
        tpu.vector_store_idx %arg5[%parallel_loop3A_129], %broadcast_in_dim3A_13 masked %parallel_loop3A_128 {add = true} : memref<32768xi32, #tpu.memory_space<vmem>>[vector<16xi32>], vector<16xi32>, vector<16xi1>
        %parallel_loop3A_130 = arith.constant 64 : i32
        %parallel_loop3A_131 = arith.addi %parallel_loop3A_77, %parallel_loop3A_130 : i32
        %parallel_loop3A_132 = arith.index_cast %parallel_loop3A_131 : i32 to index
        %parallel_loop3A_133 = tpu.vector_load %arg6[%parallel_loop3A_132] {strides = array<i32>} : memref<16384xf32, #tpu.memory_space<vmem>>, vector<16xf32>,
        %parallel_loop3A_134 = vector.bitcast %parallel_loop3A_133 : vector<16xf32> to vector<16xi32>
        %parallel_loop3A_135 = arith.constant 10 : i32
        %parallel_loop3A_136 = vector.broadcast %parallel_loop3A_135 : i32 to vector<16xi32>
        %parallel_loop3A_137 = arith.shrsi %parallel_loop3A_134, %parallel_loop3A_136 : vector<16xi32>
        %parallel_loop3A_138 = arith.subi %parallel_loop3A_137, %get3A_9 : vector<16xi32>
        %parallel_loop3A_139 = arith.constant 1024 : i32
        %parallel_loop3A_140 = vector.broadcast %parallel_loop3A_139 : i32 to vector<16xi32>
        %parallel_loop3A_141 = arith.cmpi ult, %parallel_loop3A_138, %parallel_loop3A_140 : vector<16xi32>
        %parallel_loop3A_142 = arith.addi %parallel_loop3A_138, %mul3A_12 : vector<16xi32>
        tpu.vector_store_idx %arg5[%parallel_loop3A_142], %broadcast_in_dim3A_13 masked %parallel_loop3A_141 {add = true} : memref<32768xi32, #tpu.memory_space<vmem>>[vector<16xi32>], vector<16xi32>, vector<16xi1>
        %parallel_loop3A_143 = arith.constant 80 : i32
        %parallel_loop3A_144 = arith.addi %parallel_loop3A_77, %parallel_loop3A_143 : i32
        %parallel_loop3A_145 = arith.index_cast %parallel_loop3A_144 : i32 to index
        %parallel_loop3A_146 = tpu.vector_load %arg6[%parallel_loop3A_145] {strides = array<i32>} : memref<16384xf32, #tpu.memory_space<vmem>>, vector<16xf32>,
        %parallel_loop3A_147 = vector.bitcast %parallel_loop3A_146 : vector<16xf32> to vector<16xi32>
        %parallel_loop3A_148 = arith.constant 10 : i32
        %parallel_loop3A_149 = vector.broadcast %parallel_loop3A_148 : i32 to vector<16xi32>
        %parallel_loop3A_150 = arith.shrsi %parallel_loop3A_147, %parallel_loop3A_149 : vector<16xi32>
        %parallel_loop3A_151 = arith.subi %parallel_loop3A_150, %get3A_9 : vector<16xi32>
        %parallel_loop3A_152 = arith.constant 1024 : i32
        %parallel_loop3A_153 = vector.broadcast %parallel_loop3A_152 : i32 to vector<16xi32>
        %parallel_loop3A_154 = arith.cmpi ult, %parallel_loop3A_151, %parallel_loop3A_153 : vector<16xi32>
        %parallel_loop3A_155 = arith.addi %parallel_loop3A_151, %mul3A_12 : vector<16xi32>
        tpu.vector_store_idx %arg5[%parallel_loop3A_155], %broadcast_in_dim3A_13 masked %parallel_loop3A_154 {add = true} : memref<32768xi32, #tpu.memory_space<vmem>>[vector<16xi32>], vector<16xi32>, vector<16xi1>
        %parallel_loop3A_156 = arith.constant 96 : i32
        %parallel_loop3A_157 = arith.addi %parallel_loop3A_77, %parallel_loop3A_156 : i32
        %parallel_loop3A_158 = arith.index_cast %parallel_loop3A_157 : i32 to index
        %parallel_loop3A_159 = tpu.vector_load %arg6[%parallel_loop3A_158] {strides = array<i32>} : memref<16384xf32, #tpu.memory_space<vmem>>, vector<16xf32>,
        %parallel_loop3A_160 = vector.bitcast %parallel_loop3A_159 : vector<16xf32> to vector<16xi32>
        %parallel_loop3A_161 = arith.constant 10 : i32
        %parallel_loop3A_162 = vector.broadcast %parallel_loop3A_161 : i32 to vector<16xi32>
        %parallel_loop3A_163 = arith.shrsi %parallel_loop3A_160, %parallel_loop3A_162 : vector<16xi32>
        %parallel_loop3A_164 = arith.subi %parallel_loop3A_163, %get3A_9 : vector<16xi32>
        %parallel_loop3A_165 = arith.constant 1024 : i32
        %parallel_loop3A_166 = vector.broadcast %parallel_loop3A_165 : i32 to vector<16xi32>
        %parallel_loop3A_167 = arith.cmpi ult, %parallel_loop3A_164, %parallel_loop3A_166 : vector<16xi32>
        %parallel_loop3A_168 = arith.addi %parallel_loop3A_164, %mul3A_12 : vector<16xi32>
        tpu.vector_store_idx %arg5[%parallel_loop3A_168], %broadcast_in_dim3A_13 masked %parallel_loop3A_167 {add = true} : memref<32768xi32, #tpu.memory_space<vmem>>[vector<16xi32>], vector<16xi32>, vector<16xi1>
        %parallel_loop3A_169 = arith.constant 112 : i32
        %parallel_loop3A_170 = arith.addi %parallel_loop3A_77, %parallel_loop3A_169 : i32
        %parallel_loop3A_171 = arith.index_cast %parallel_loop3A_170 : i32 to index
        %parallel_loop3A_172 = tpu.vector_load %arg6[%parallel_loop3A_171] {strides = array<i32>} : memref<16384xf32, #tpu.memory_space<vmem>>, vector<16xf32>,
        %parallel_loop3A_173 = vector.bitcast %parallel_loop3A_172 : vector<16xf32> to vector<16xi32>
        %parallel_loop3A_174 = arith.constant 10 : i32
        %parallel_loop3A_175 = vector.broadcast %parallel_loop3A_174 : i32 to vector<16xi32>
        %parallel_loop3A_176 = arith.shrsi %parallel_loop3A_173, %parallel_loop3A_175 : vector<16xi32>
        %parallel_loop3A_177 = arith.subi %parallel_loop3A_176, %get3A_9 : vector<16xi32>
        %parallel_loop3A_178 = arith.constant 1024 : i32
        %parallel_loop3A_179 = vector.broadcast %parallel_loop3A_178 : i32 to vector<16xi32>
        %parallel_loop3A_180 = arith.cmpi ult, %parallel_loop3A_177, %parallel_loop3A_179 : vector<16xi32>
        %parallel_loop3A_181 = arith.addi %parallel_loop3A_177, %mul3A_12 : vector<16xi32>
        tpu.vector_store_idx %arg5[%parallel_loop3A_181], %broadcast_in_dim3A_13 masked %parallel_loop3A_180 {add = true} : memref<32768xi32, #tpu.memory_space<vmem>>[vector<16xi32>], vector<16xi32>, vector<16xi1>
      } {sc.loop_unroll_factor = 1 : i64, sc.parallel_access}
      %add3A_52 = arith.constant 2 : i32
      %add3A_53 = arith.addi %mul3A_43, %add3A_52 : i32
      %mul3A_54 = arith.constant 16384 : i32
      %mul3A_55 = arith.muli %add3A_53, %mul3A_54 : i32
      %add3A_56 = arith.addi %mul3A_2, %mul3A_55 : i32
      %dma_start3A_57 = tpu.memref_slice %arg2[%add3A_56] : memref<67108864xf32, #tpu.memory_space<hbm>> -> memref<16384xf32, #tpu.memory_space<hbm>>
      %dma_start3A_58 = tpu.memref_slice %arg2[%add3A_56] : memref<67108864xf32, #tpu.memory_space<hbm>> -> memref<16384xf32, #tpu.memory_space<hbm>>
      tpu.enqueue_dma source(%dma_start3A_58 : memref<16384xf32, #tpu.memory_space<hbm>>) target(%arg6 : memref<16384xf32, #tpu.memory_space<vmem>>) target_semaphore(%arg9 : memref<!tpu.dma_semaphore, #tpu.memory_space<semaphore_mem>>)
      %add3A_59 = arith.constant 1 : i32
      %add3A_60 = arith.addi %mul3A_43, %add3A_59 : i32
      %mul3A_61 = arith.constant 16384 : i32
      %mul3A_62 = arith.muli %add3A_60, %mul3A_61 : i32
      %add3A_63 = arith.addi %mul3A_2, %mul3A_62 : i32
      %dma_wait3A_64 = tpu.memref_slice %arg2[%add3A_63] : memref<67108864xf32, #tpu.memory_space<hbm>> -> memref<16384xf32, #tpu.memory_space<hbm>>
      %dma_wait3A_65 = tpu.memref_slice %arg2[%add3A_63] : memref<67108864xf32, #tpu.memory_space<hbm>> -> memref<16384xf32, #tpu.memory_space<hbm>>
      tpu.wait_dma2 semaphore(%arg10 : memref<!tpu.dma_semaphore, #tpu.memory_space<semaphore_mem>>) src(%dma_wait3A_65 : memref<16384xf32, #tpu.memory_space<hbm>>) dst(%arg7 : memref<16384xf32, #tpu.memory_space<vmem>>)
      %parallel_loop3A_66 = arith.constant 0 : i32
      %parallel_loop3A_67 = arith.constant 16384 : i32
      %parallel_loop3A_68 = arith.constant 128 : i32
      scf.for %parallel_loop3A_77 = %parallel_loop3A_66 to %parallel_loop3A_67 step %parallel_loop3A_68  : i32 {
        %parallel_loop3A_78 = arith.constant 0 : i32
        %parallel_loop3A_79 = arith.addi %parallel_loop3A_77, %parallel_loop3A_78 : i32
        %parallel_loop3A_80 = arith.index_cast %parallel_loop3A_79 : i32 to index
        %parallel_loop3A_81 = tpu.vector_load %arg7[%parallel_loop3A_80] {strides = array<i32>} : memref<16384xf32, #tpu.memory_space<vmem>>, vector<16xf32>,
        %parallel_loop3A_82 = vector.bitcast %parallel_loop3A_81 : vector<16xf32> to vector<16xi32>
        %parallel_loop3A_83 = arith.constant 10 : i32
        %parallel_loop3A_84 = vector.broadcast %parallel_loop3A_83 : i32 to vector<16xi32>
        %parallel_loop3A_85 = arith.shrsi %parallel_loop3A_82, %parallel_loop3A_84 : vector<16xi32>
        %parallel_loop3A_86 = arith.subi %parallel_loop3A_85, %get3A_9 : vector<16xi32>
        %parallel_loop3A_87 = arith.constant 1024 : i32
        %parallel_loop3A_88 = vector.broadcast %parallel_loop3A_87 : i32 to vector<16xi32>
        %parallel_loop3A_89 = arith.cmpi ult, %parallel_loop3A_86, %parallel_loop3A_88 : vector<16xi32>
        %parallel_loop3A_90 = arith.addi %parallel_loop3A_86, %mul3A_12 : vector<16xi32>
        tpu.vector_store_idx %arg5[%parallel_loop3A_90], %broadcast_in_dim3A_13 masked %parallel_loop3A_89 {add = true} : memref<32768xi32, #tpu.memory_space<vmem>>[vector<16xi32>], vector<16xi32>, vector<16xi1>
        %parallel_loop3A_91 = arith.constant 16 : i32
        %parallel_loop3A_92 = arith.addi %parallel_loop3A_77, %parallel_loop3A_91 : i32
        %parallel_loop3A_93 = arith.index_cast %parallel_loop3A_92 : i32 to index
        %parallel_loop3A_94 = tpu.vector_load %arg7[%parallel_loop3A_93] {strides = array<i32>} : memref<16384xf32, #tpu.memory_space<vmem>>, vector<16xf32>,
        %parallel_loop3A_95 = vector.bitcast %parallel_loop3A_94 : vector<16xf32> to vector<16xi32>
        %parallel_loop3A_96 = arith.constant 10 : i32
        %parallel_loop3A_97 = vector.broadcast %parallel_loop3A_96 : i32 to vector<16xi32>
        %parallel_loop3A_98 = arith.shrsi %parallel_loop3A_95, %parallel_loop3A_97 : vector<16xi32>
        %parallel_loop3A_99 = arith.subi %parallel_loop3A_98, %get3A_9 : vector<16xi32>
        %parallel_loop3A_100 = arith.constant 1024 : i32
        %parallel_loop3A_101 = vector.broadcast %parallel_loop3A_100 : i32 to vector<16xi32>
        %parallel_loop3A_102 = arith.cmpi ult, %parallel_loop3A_99, %parallel_loop3A_101 : vector<16xi32>
        %parallel_loop3A_103 = arith.addi %parallel_loop3A_99, %mul3A_12 : vector<16xi32>
        tpu.vector_store_idx %arg5[%parallel_loop3A_103], %broadcast_in_dim3A_13 masked %parallel_loop3A_102 {add = true} : memref<32768xi32, #tpu.memory_space<vmem>>[vector<16xi32>], vector<16xi32>, vector<16xi1>
        %parallel_loop3A_104 = arith.constant 32 : i32
        %parallel_loop3A_105 = arith.addi %parallel_loop3A_77, %parallel_loop3A_104 : i32
        %parallel_loop3A_106 = arith.index_cast %parallel_loop3A_105 : i32 to index
        %parallel_loop3A_107 = tpu.vector_load %arg7[%parallel_loop3A_106] {strides = array<i32>} : memref<16384xf32, #tpu.memory_space<vmem>>, vector<16xf32>,
        %parallel_loop3A_108 = vector.bitcast %parallel_loop3A_107 : vector<16xf32> to vector<16xi32>
        %parallel_loop3A_109 = arith.constant 10 : i32
        %parallel_loop3A_110 = vector.broadcast %parallel_loop3A_109 : i32 to vector<16xi32>
        %parallel_loop3A_111 = arith.shrsi %parallel_loop3A_108, %parallel_loop3A_110 : vector<16xi32>
        %parallel_loop3A_112 = arith.subi %parallel_loop3A_111, %get3A_9 : vector<16xi32>
        %parallel_loop3A_113 = arith.constant 1024 : i32
        %parallel_loop3A_114 = vector.broadcast %parallel_loop3A_113 : i32 to vector<16xi32>
        %parallel_loop3A_115 = arith.cmpi ult, %parallel_loop3A_112, %parallel_loop3A_114 : vector<16xi32>
        %parallel_loop3A_116 = arith.addi %parallel_loop3A_112, %mul3A_12 : vector<16xi32>
        tpu.vector_store_idx %arg5[%parallel_loop3A_116], %broadcast_in_dim3A_13 masked %parallel_loop3A_115 {add = true} : memref<32768xi32, #tpu.memory_space<vmem>>[vector<16xi32>], vector<16xi32>, vector<16xi1>
        %parallel_loop3A_117 = arith.constant 48 : i32
        %parallel_loop3A_118 = arith.addi %parallel_loop3A_77, %parallel_loop3A_117 : i32
        %parallel_loop3A_119 = arith.index_cast %parallel_loop3A_118 : i32 to index
        %parallel_loop3A_120 = tpu.vector_load %arg7[%parallel_loop3A_119] {strides = array<i32>} : memref<16384xf32, #tpu.memory_space<vmem>>, vector<16xf32>,
        %parallel_loop3A_121 = vector.bitcast %parallel_loop3A_120 : vector<16xf32> to vector<16xi32>
        %parallel_loop3A_122 = arith.constant 10 : i32
        %parallel_loop3A_123 = vector.broadcast %parallel_loop3A_122 : i32 to vector<16xi32>
        %parallel_loop3A_124 = arith.shrsi %parallel_loop3A_121, %parallel_loop3A_123 : vector<16xi32>
        %parallel_loop3A_125 = arith.subi %parallel_loop3A_124, %get3A_9 : vector<16xi32>
        %parallel_loop3A_126 = arith.constant 1024 : i32
        %parallel_loop3A_127 = vector.broadcast %parallel_loop3A_126 : i32 to vector<16xi32>
        %parallel_loop3A_128 = arith.cmpi ult, %parallel_loop3A_125, %parallel_loop3A_127 : vector<16xi32>
        %parallel_loop3A_129 = arith.addi %parallel_loop3A_125, %mul3A_12 : vector<16xi32>
        tpu.vector_store_idx %arg5[%parallel_loop3A_129], %broadcast_in_dim3A_13 masked %parallel_loop3A_128 {add = true} : memref<32768xi32, #tpu.memory_space<vmem>>[vector<16xi32>], vector<16xi32>, vector<16xi1>
        %parallel_loop3A_130 = arith.constant 64 : i32
        %parallel_loop3A_131 = arith.addi %parallel_loop3A_77, %parallel_loop3A_130 : i32
        %parallel_loop3A_132 = arith.index_cast %parallel_loop3A_131 : i32 to index
        %parallel_loop3A_133 = tpu.vector_load %arg7[%parallel_loop3A_132] {strides = array<i32>} : memref<16384xf32, #tpu.memory_space<vmem>>, vector<16xf32>,
        %parallel_loop3A_134 = vector.bitcast %parallel_loop3A_133 : vector<16xf32> to vector<16xi32>
        %parallel_loop3A_135 = arith.constant 10 : i32
        %parallel_loop3A_136 = vector.broadcast %parallel_loop3A_135 : i32 to vector<16xi32>
        %parallel_loop3A_137 = arith.shrsi %parallel_loop3A_134, %parallel_loop3A_136 : vector<16xi32>
        %parallel_loop3A_138 = arith.subi %parallel_loop3A_137, %get3A_9 : vector<16xi32>
        %parallel_loop3A_139 = arith.constant 1024 : i32
        %parallel_loop3A_140 = vector.broadcast %parallel_loop3A_139 : i32 to vector<16xi32>
        %parallel_loop3A_141 = arith.cmpi ult, %parallel_loop3A_138, %parallel_loop3A_140 : vector<16xi32>
        %parallel_loop3A_142 = arith.addi %parallel_loop3A_138, %mul3A_12 : vector<16xi32>
        tpu.vector_store_idx %arg5[%parallel_loop3A_142], %broadcast_in_dim3A_13 masked %parallel_loop3A_141 {add = true} : memref<32768xi32, #tpu.memory_space<vmem>>[vector<16xi32>], vector<16xi32>, vector<16xi1>
        %parallel_loop3A_143 = arith.constant 80 : i32
        %parallel_loop3A_144 = arith.addi %parallel_loop3A_77, %parallel_loop3A_143 : i32
        %parallel_loop3A_145 = arith.index_cast %parallel_loop3A_144 : i32 to index
        %parallel_loop3A_146 = tpu.vector_load %arg7[%parallel_loop3A_145] {strides = array<i32>} : memref<16384xf32, #tpu.memory_space<vmem>>, vector<16xf32>,
        %parallel_loop3A_147 = vector.bitcast %parallel_loop3A_146 : vector<16xf32> to vector<16xi32>
        %parallel_loop3A_148 = arith.constant 10 : i32
        %parallel_loop3A_149 = vector.broadcast %parallel_loop3A_148 : i32 to vector<16xi32>
        %parallel_loop3A_150 = arith.shrsi %parallel_loop3A_147, %parallel_loop3A_149 : vector<16xi32>
        %parallel_loop3A_151 = arith.subi %parallel_loop3A_150, %get3A_9 : vector<16xi32>
        %parallel_loop3A_152 = arith.constant 1024 : i32
        %parallel_loop3A_153 = vector.broadcast %parallel_loop3A_152 : i32 to vector<16xi32>
        %parallel_loop3A_154 = arith.cmpi ult, %parallel_loop3A_151, %parallel_loop3A_153 : vector<16xi32>
        %parallel_loop3A_155 = arith.addi %parallel_loop3A_151, %mul3A_12 : vector<16xi32>
        tpu.vector_store_idx %arg5[%parallel_loop3A_155], %broadcast_in_dim3A_13 masked %parallel_loop3A_154 {add = true} : memref<32768xi32, #tpu.memory_space<vmem>>[vector<16xi32>], vector<16xi32>, vector<16xi1>
        %parallel_loop3A_156 = arith.constant 96 : i32
        %parallel_loop3A_157 = arith.addi %parallel_loop3A_77, %parallel_loop3A_156 : i32
        %parallel_loop3A_158 = arith.index_cast %parallel_loop3A_157 : i32 to index
        %parallel_loop3A_159 = tpu.vector_load %arg7[%parallel_loop3A_158] {strides = array<i32>} : memref<16384xf32, #tpu.memory_space<vmem>>, vector<16xf32>,
        %parallel_loop3A_160 = vector.bitcast %parallel_loop3A_159 : vector<16xf32> to vector<16xi32>
        %parallel_loop3A_161 = arith.constant 10 : i32
        %parallel_loop3A_162 = vector.broadcast %parallel_loop3A_161 : i32 to vector<16xi32>
        %parallel_loop3A_163 = arith.shrsi %parallel_loop3A_160, %parallel_loop3A_162 : vector<16xi32>
        %parallel_loop3A_164 = arith.subi %parallel_loop3A_163, %get3A_9 : vector<16xi32>
        %parallel_loop3A_165 = arith.constant 1024 : i32
        %parallel_loop3A_166 = vector.broadcast %parallel_loop3A_165 : i32 to vector<16xi32>
        %parallel_loop3A_167 = arith.cmpi ult, %parallel_loop3A_164, %parallel_loop3A_166 : vector<16xi32>
        %parallel_loop3A_168 = arith.addi %parallel_loop3A_164, %mul3A_12 : vector<16xi32>
        tpu.vector_store_idx %arg5[%parallel_loop3A_168], %broadcast_in_dim3A_13 masked %parallel_loop3A_167 {add = true} : memref<32768xi32, #tpu.memory_space<vmem>>[vector<16xi32>], vector<16xi32>, vector<16xi1>
        %parallel_loop3A_169 = arith.constant 112 : i32
        %parallel_loop3A_170 = arith.addi %parallel_loop3A_77, %parallel_loop3A_169 : i32
        %parallel_loop3A_171 = arith.index_cast %parallel_loop3A_170 : i32 to index
        %parallel_loop3A_172 = tpu.vector_load %arg7[%parallel_loop3A_171] {strides = array<i32>} : memref<16384xf32, #tpu.memory_space<vmem>>, vector<16xf32>,
        %parallel_loop3A_173 = vector.bitcast %parallel_loop3A_172 : vector<16xf32> to vector<16xi32>
        %parallel_loop3A_174 = arith.constant 10 : i32
        %parallel_loop3A_175 = vector.broadcast %parallel_loop3A_174 : i32 to vector<16xi32>
        %parallel_loop3A_176 = arith.shrsi %parallel_loop3A_173, %parallel_loop3A_175 : vector<16xi32>
        %parallel_loop3A_177 = arith.subi %parallel_loop3A_176, %get3A_9 : vector<16xi32>
        %parallel_loop3A_178 = arith.constant 1024 : i32
        %parallel_loop3A_179 = vector.broadcast %parallel_loop3A_178 : i32 to vector<16xi32>
        %parallel_loop3A_180 = arith.cmpi ult, %parallel_loop3A_177, %parallel_loop3A_179 : vector<16xi32>
        %parallel_loop3A_181 = arith.addi %parallel_loop3A_177, %mul3A_12 : vector<16xi32>
        tpu.vector_store_idx %arg5[%parallel_loop3A_181], %broadcast_in_dim3A_13 masked %parallel_loop3A_180 {add = true} : memref<32768xi32, #tpu.memory_space<vmem>>[vector<16xi32>], vector<16xi32>, vector<16xi1>
      } {sc.loop_unroll_factor = 1 : i64, sc.parallel_access}
      %add3A_69 = arith.constant 3 : i32
      %add3A_70 = arith.addi %mul3A_43, %add3A_69 : i32
      %mul3A_71 = arith.constant 16384 : i32
      %mul3A_72 = arith.muli %add3A_70, %mul3A_71 : i32
      %add3A_73 = arith.addi %mul3A_2, %mul3A_72 : i32
      %dma_start3A_74 = tpu.memref_slice %arg2[%add3A_73] : memref<67108864xf32, #tpu.memory_space<hbm>> -> memref<16384xf32, #tpu.memory_space<hbm>>
      %dma_start3A_75 = tpu.memref_slice %arg2[%add3A_73] : memref<67108864xf32, #tpu.memory_space<hbm>> -> memref<16384xf32, #tpu.memory_space<hbm>>
      tpu.enqueue_dma source(%dma_start3A_75 : memref<16384xf32, #tpu.memory_space<hbm>>) target(%arg7 : memref<16384xf32, #tpu.memory_space<vmem>>) target_semaphore(%arg10 : memref<!tpu.dma_semaphore, #tpu.memory_space<semaphore_mem>>)
      %scan3A_76 = arith.constant 0 : i32
      scf.yield %scan3A_76 : i32
    }
    %scan3A_27 = arith.constant 63 : i32
    %add3A_28 = arith.constant 2064384 : i32
    %add3A_29 = arith.addi %mul3A_2, %add3A_28 : i32
    %dma_wait3A = tpu.memref_slice %arg2[%add3A_29] : memref<67108864xf32, #tpu.memory_space<hbm>> -> memref<16384xf32, #tpu.memory_space<hbm>>
    %dma_wait3A_30 = tpu.memref_slice %arg2[%add3A_29] : memref<67108864xf32, #tpu.memory_space<hbm>> -> memref<16384xf32, #tpu.memory_space<hbm>>
    tpu.wait_dma2 semaphore(%arg9 : memref<!tpu.dma_semaphore, #tpu.memory_space<semaphore_mem>>) src(%dma_wait3A_30 : memref<16384xf32, #tpu.memory_space<hbm>>) dst(%arg6 : memref<16384xf32, #tpu.memory_space<vmem>>)
    %parallel_loop3A = arith.constant 0 : i32
    %parallel_loop3A_31 = arith.constant 16384 : i32
    %parallel_loop3A_32 = arith.constant 128 : i32
    scf.for %parallel_loop3A_40 = %parallel_loop3A to %parallel_loop3A_31 step %parallel_loop3A_32  : i32 {
      %parallel_loop3A_41 = arith.constant 0 : i32
      %parallel_loop3A_42 = arith.addi %parallel_loop3A_40, %parallel_loop3A_41 : i32
      %parallel_loop3A_43 = arith.index_cast %parallel_loop3A_42 : i32 to index
      %parallel_loop3A_44 = tpu.vector_load %arg6[%parallel_loop3A_43] {strides = array<i32>} : memref<16384xf32, #tpu.memory_space<vmem>>, vector<16xf32>,
      %parallel_loop3A_45 = vector.bitcast %parallel_loop3A_44 : vector<16xf32> to vector<16xi32>
      %parallel_loop3A_46 = arith.constant 10 : i32
      %parallel_loop3A_47 = vector.broadcast %parallel_loop3A_46 : i32 to vector<16xi32>
      %parallel_loop3A_48 = arith.shrsi %parallel_loop3A_45, %parallel_loop3A_47 : vector<16xi32>
      %parallel_loop3A_49 = arith.subi %parallel_loop3A_48, %get3A_9 : vector<16xi32>
      %parallel_loop3A_50 = arith.constant 1024 : i32
      %parallel_loop3A_51 = vector.broadcast %parallel_loop3A_50 : i32 to vector<16xi32>
      %parallel_loop3A_52 = arith.cmpi ult, %parallel_loop3A_49, %parallel_loop3A_51 : vector<16xi32>
      %parallel_loop3A_53 = arith.addi %parallel_loop3A_49, %mul3A_12 : vector<16xi32>
      tpu.vector_store_idx %arg5[%parallel_loop3A_53], %broadcast_in_dim3A_13 masked %parallel_loop3A_52 {add = true} : memref<32768xi32, #tpu.memory_space<vmem>>[vector<16xi32>], vector<16xi32>, vector<16xi1>
      %parallel_loop3A_54 = arith.constant 16 : i32
      %parallel_loop3A_55 = arith.addi %parallel_loop3A_40, %parallel_loop3A_54 : i32
      %parallel_loop3A_56 = arith.index_cast %parallel_loop3A_55 : i32 to index
      %parallel_loop3A_57 = tpu.vector_load %arg6[%parallel_loop3A_56] {strides = array<i32>} : memref<16384xf32, #tpu.memory_space<vmem>>, vector<16xf32>,
      %parallel_loop3A_58 = vector.bitcast %parallel_loop3A_57 : vector<16xf32> to vector<16xi32>
      %parallel_loop3A_59 = arith.constant 10 : i32
      %parallel_loop3A_60 = vector.broadcast %parallel_loop3A_59 : i32 to vector<16xi32>
      %parallel_loop3A_61 = arith.shrsi %parallel_loop3A_58, %parallel_loop3A_60 : vector<16xi32>
      %parallel_loop3A_62 = arith.subi %parallel_loop3A_61, %get3A_9 : vector<16xi32>
      %parallel_loop3A_63 = arith.constant 1024 : i32
      %parallel_loop3A_64 = vector.broadcast %parallel_loop3A_63 : i32 to vector<16xi32>
      %parallel_loop3A_65 = arith.cmpi ult, %parallel_loop3A_62, %parallel_loop3A_64 : vector<16xi32>
      %parallel_loop3A_66 = arith.addi %parallel_loop3A_62, %mul3A_12 : vector<16xi32>
      tpu.vector_store_idx %arg5[%parallel_loop3A_66], %broadcast_in_dim3A_13 masked %parallel_loop3A_65 {add = true} : memref<32768xi32, #tpu.memory_space<vmem>>[vector<16xi32>], vector<16xi32>, vector<16xi1>
      %parallel_loop3A_67 = arith.constant 32 : i32
      %parallel_loop3A_68 = arith.addi %parallel_loop3A_40, %parallel_loop3A_67 : i32
      %parallel_loop3A_69 = arith.index_cast %parallel_loop3A_68 : i32 to index
      %parallel_loop3A_70 = tpu.vector_load %arg6[%parallel_loop3A_69] {strides = array<i32>} : memref<16384xf32, #tpu.memory_space<vmem>>, vector<16xf32>,
      %parallel_loop3A_71 = vector.bitcast %parallel_loop3A_70 : vector<16xf32> to vector<16xi32>
      %parallel_loop3A_72 = arith.constant 10 : i32
      %parallel_loop3A_73 = vector.broadcast %parallel_loop3A_72 : i32 to vector<16xi32>
      %parallel_loop3A_74 = arith.shrsi %parallel_loop3A_71, %parallel_loop3A_73 : vector<16xi32>
      %parallel_loop3A_75 = arith.subi %parallel_loop3A_74, %get3A_9 : vector<16xi32>
      %parallel_loop3A_76 = arith.constant 1024 : i32
      %parallel_loop3A_77 = vector.broadcast %parallel_loop3A_76 : i32 to vector<16xi32>
      %parallel_loop3A_78 = arith.cmpi ult, %parallel_loop3A_75, %parallel_loop3A_77 : vector<16xi32>
      %parallel_loop3A_79 = arith.addi %parallel_loop3A_75, %mul3A_12 : vector<16xi32>
      tpu.vector_store_idx %arg5[%parallel_loop3A_79], %broadcast_in_dim3A_13 masked %parallel_loop3A_78 {add = true} : memref<32768xi32, #tpu.memory_space<vmem>>[vector<16xi32>], vector<16xi32>, vector<16xi1>
      %parallel_loop3A_80 = arith.constant 48 : i32
      %parallel_loop3A_81 = arith.addi %parallel_loop3A_40, %parallel_loop3A_80 : i32
      %parallel_loop3A_82 = arith.index_cast %parallel_loop3A_81 : i32 to index
      %parallel_loop3A_83 = tpu.vector_load %arg6[%parallel_loop3A_82] {strides = array<i32>} : memref<16384xf32, #tpu.memory_space<vmem>>, vector<16xf32>,
      %parallel_loop3A_84 = vector.bitcast %parallel_loop3A_83 : vector<16xf32> to vector<16xi32>
      %parallel_loop3A_85 = arith.constant 10 : i32
      %parallel_loop3A_86 = vector.broadcast %parallel_loop3A_85 : i32 to vector<16xi32>
      %parallel_loop3A_87 = arith.shrsi %parallel_loop3A_84, %parallel_loop3A_86 : vector<16xi32>
      %parallel_loop3A_88 = arith.subi %parallel_loop3A_87, %get3A_9 : vector<16xi32>
      %parallel_loop3A_89 = arith.constant 1024 : i32
      %parallel_loop3A_90 = vector.broadcast %parallel_loop3A_89 : i32 to vector<16xi32>
      %parallel_loop3A_91 = arith.cmpi ult, %parallel_loop3A_88, %parallel_loop3A_90 : vector<16xi32>
      %parallel_loop3A_92 = arith.addi %parallel_loop3A_88, %mul3A_12 : vector<16xi32>
      tpu.vector_store_idx %arg5[%parallel_loop3A_92], %broadcast_in_dim3A_13 masked %parallel_loop3A_91 {add = true} : memref<32768xi32, #tpu.memory_space<vmem>>[vector<16xi32>], vector<16xi32>, vector<16xi1>
      %parallel_loop3A_93 = arith.constant 64 : i32
      %parallel_loop3A_94 = arith.addi %parallel_loop3A_40, %parallel_loop3A_93 : i32
      %parallel_loop3A_95 = arith.index_cast %parallel_loop3A_94 : i32 to index
      %parallel_loop3A_96 = tpu.vector_load %arg6[%parallel_loop3A_95] {strides = array<i32>} : memref<16384xf32, #tpu.memory_space<vmem>>, vector<16xf32>,
      %parallel_loop3A_97 = vector.bitcast %parallel_loop3A_96 : vector<16xf32> to vector<16xi32>
      %parallel_loop3A_98 = arith.constant 10 : i32
      %parallel_loop3A_99 = vector.broadcast %parallel_loop3A_98 : i32 to vector<16xi32>
      %parallel_loop3A_100 = arith.shrsi %parallel_loop3A_97, %parallel_loop3A_99 : vector<16xi32>
      %parallel_loop3A_101 = arith.subi %parallel_loop3A_100, %get3A_9 : vector<16xi32>
      %parallel_loop3A_102 = arith.constant 1024 : i32
      %parallel_loop3A_103 = vector.broadcast %parallel_loop3A_102 : i32 to vector<16xi32>
      %parallel_loop3A_104 = arith.cmpi ult, %parallel_loop3A_101, %parallel_loop3A_103 : vector<16xi32>
      %parallel_loop3A_105 = arith.addi %parallel_loop3A_101, %mul3A_12 : vector<16xi32>
      tpu.vector_store_idx %arg5[%parallel_loop3A_105], %broadcast_in_dim3A_13 masked %parallel_loop3A_104 {add = true} : memref<32768xi32, #tpu.memory_space<vmem>>[vector<16xi32>], vector<16xi32>, vector<16xi1>
      %parallel_loop3A_106 = arith.constant 80 : i32
      %parallel_loop3A_107 = arith.addi %parallel_loop3A_40, %parallel_loop3A_106 : i32
      %parallel_loop3A_108 = arith.index_cast %parallel_loop3A_107 : i32 to index
      %parallel_loop3A_109 = tpu.vector_load %arg6[%parallel_loop3A_108] {strides = array<i32>} : memref<16384xf32, #tpu.memory_space<vmem>>, vector<16xf32>,
      %parallel_loop3A_110 = vector.bitcast %parallel_loop3A_109 : vector<16xf32> to vector<16xi32>
      %parallel_loop3A_111 = arith.constant 10 : i32
      %parallel_loop3A_112 = vector.broadcast %parallel_loop3A_111 : i32 to vector<16xi32>
      %parallel_loop3A_113 = arith.shrsi %parallel_loop3A_110, %parallel_loop3A_112 : vector<16xi32>
      %parallel_loop3A_114 = arith.subi %parallel_loop3A_113, %get3A_9 : vector<16xi32>
      %parallel_loop3A_115 = arith.constant 1024 : i32
      %parallel_loop3A_116 = vector.broadcast %parallel_loop3A_115 : i32 to vector<16xi32>
      %parallel_loop3A_117 = arith.cmpi ult, %parallel_loop3A_114, %parallel_loop3A_116 : vector<16xi32>
      %parallel_loop3A_118 = arith.addi %parallel_loop3A_114, %mul3A_12 : vector<16xi32>
      tpu.vector_store_idx %arg5[%parallel_loop3A_118], %broadcast_in_dim3A_13 masked %parallel_loop3A_117 {add = true} : memref<32768xi32, #tpu.memory_space<vmem>>[vector<16xi32>], vector<16xi32>, vector<16xi1>
      %parallel_loop3A_119 = arith.constant 96 : i32
      %parallel_loop3A_120 = arith.addi %parallel_loop3A_40, %parallel_loop3A_119 : i32
      %parallel_loop3A_121 = arith.index_cast %parallel_loop3A_120 : i32 to index
      %parallel_loop3A_122 = tpu.vector_load %arg6[%parallel_loop3A_121] {strides = array<i32>} : memref<16384xf32, #tpu.memory_space<vmem>>, vector<16xf32>,
      %parallel_loop3A_123 = vector.bitcast %parallel_loop3A_122 : vector<16xf32> to vector<16xi32>
      %parallel_loop3A_124 = arith.constant 10 : i32
      %parallel_loop3A_125 = vector.broadcast %parallel_loop3A_124 : i32 to vector<16xi32>
      %parallel_loop3A_126 = arith.shrsi %parallel_loop3A_123, %parallel_loop3A_125 : vector<16xi32>
      %parallel_loop3A_127 = arith.subi %parallel_loop3A_126, %get3A_9 : vector<16xi32>
      %parallel_loop3A_128 = arith.constant 1024 : i32
      %parallel_loop3A_129 = vector.broadcast %parallel_loop3A_128 : i32 to vector<16xi32>
      %parallel_loop3A_130 = arith.cmpi ult, %parallel_loop3A_127, %parallel_loop3A_129 : vector<16xi32>
      %parallel_loop3A_131 = arith.addi %parallel_loop3A_127, %mul3A_12 : vector<16xi32>
      tpu.vector_store_idx %arg5[%parallel_loop3A_131], %broadcast_in_dim3A_13 masked %parallel_loop3A_130 {add = true} : memref<32768xi32, #tpu.memory_space<vmem>>[vector<16xi32>], vector<16xi32>, vector<16xi1>
      %parallel_loop3A_132 = arith.constant 112 : i32
      %parallel_loop3A_133 = arith.addi %parallel_loop3A_40, %parallel_loop3A_132 : i32
      %parallel_loop3A_134 = arith.index_cast %parallel_loop3A_133 : i32 to index
      %parallel_loop3A_135 = tpu.vector_load %arg6[%parallel_loop3A_134] {strides = array<i32>} : memref<16384xf32, #tpu.memory_space<vmem>>, vector<16xf32>,
      %parallel_loop3A_136 = vector.bitcast %parallel_loop3A_135 : vector<16xf32> to vector<16xi32>
      %parallel_loop3A_137 = arith.constant 10 : i32
      %parallel_loop3A_138 = vector.broadcast %parallel_loop3A_137 : i32 to vector<16xi32>
      %parallel_loop3A_139 = arith.shrsi %parallel_loop3A_136, %parallel_loop3A_138 : vector<16xi32>
      %parallel_loop3A_140 = arith.subi %parallel_loop3A_139, %get3A_9 : vector<16xi32>
      %parallel_loop3A_141 = arith.constant 1024 : i32
      %parallel_loop3A_142 = vector.broadcast %parallel_loop3A_141 : i32 to vector<16xi32>
      %parallel_loop3A_143 = arith.cmpi ult, %parallel_loop3A_140, %parallel_loop3A_142 : vector<16xi32>
      %parallel_loop3A_144 = arith.addi %parallel_loop3A_140, %mul3A_12 : vector<16xi32>
      tpu.vector_store_idx %arg5[%parallel_loop3A_144], %broadcast_in_dim3A_13 masked %parallel_loop3A_143 {add = true} : memref<32768xi32, #tpu.memory_space<vmem>>[vector<16xi32>], vector<16xi32>, vector<16xi1>
    } {sc.loop_unroll_factor = 1 : i64, sc.parallel_access}
    %add3A_33 = arith.constant 2080768 : i32
    %add3A_34 = arith.addi %mul3A_2, %add3A_33 : i32
    %dma_wait3A_35 = tpu.memref_slice %arg2[%add3A_34] : memref<67108864xf32, #tpu.memory_space<hbm>> -> memref<16384xf32, #tpu.memory_space<hbm>>
    %dma_wait3A_36 = tpu.memref_slice %arg2[%add3A_34] : memref<67108864xf32, #tpu.memory_space<hbm>> -> memref<16384xf32, #tpu.memory_space<hbm>>
    tpu.wait_dma2 semaphore(%arg10 : memref<!tpu.dma_semaphore, #tpu.memory_space<semaphore_mem>>) src(%dma_wait3A_36 : memref<16384xf32, #tpu.memory_space<hbm>>) dst(%arg7 : memref<16384xf32, #tpu.memory_space<vmem>>)
    %parallel_loop3A_37 = arith.constant 0 : i32
    %parallel_loop3A_38 = arith.constant 16384 : i32
    %parallel_loop3A_39 = arith.constant 128 : i32
    scf.for %parallel_loop3A_40 = %parallel_loop3A_37 to %parallel_loop3A_38 step %parallel_loop3A_39  : i32 {
      %parallel_loop3A_41 = arith.constant 0 : i32
      %parallel_loop3A_42 = arith.addi %parallel_loop3A_40, %parallel_loop3A_41 : i32
      %parallel_loop3A_43 = arith.index_cast %parallel_loop3A_42 : i32 to index
      %parallel_loop3A_44 = tpu.vector_load %arg7[%parallel_loop3A_43] {strides = array<i32>} : memref<16384xf32, #tpu.memory_space<vmem>>, vector<16xf32>,
      %parallel_loop3A_45 = vector.bitcast %parallel_loop3A_44 : vector<16xf32> to vector<16xi32>
      %parallel_loop3A_46 = arith.constant 10 : i32
      %parallel_loop3A_47 = vector.broadcast %parallel_loop3A_46 : i32 to vector<16xi32>
      %parallel_loop3A_48 = arith.shrsi %parallel_loop3A_45, %parallel_loop3A_47 : vector<16xi32>
      %parallel_loop3A_49 = arith.subi %parallel_loop3A_48, %get3A_9 : vector<16xi32>
      %parallel_loop3A_50 = arith.constant 1024 : i32
      %parallel_loop3A_51 = vector.broadcast %parallel_loop3A_50 : i32 to vector<16xi32>
      %parallel_loop3A_52 = arith.cmpi ult, %parallel_loop3A_49, %parallel_loop3A_51 : vector<16xi32>
      %parallel_loop3A_53 = arith.addi %parallel_loop3A_49, %mul3A_12 : vector<16xi32>
      tpu.vector_store_idx %arg5[%parallel_loop3A_53], %broadcast_in_dim3A_13 masked %parallel_loop3A_52 {add = true} : memref<32768xi32, #tpu.memory_space<vmem>>[vector<16xi32>], vector<16xi32>, vector<16xi1>
      %parallel_loop3A_54 = arith.constant 16 : i32
      %parallel_loop3A_55 = arith.addi %parallel_loop3A_40, %parallel_loop3A_54 : i32
      %parallel_loop3A_56 = arith.index_cast %parallel_loop3A_55 : i32 to index
      %parallel_loop3A_57 = tpu.vector_load %arg7[%parallel_loop3A_56] {strides = array<i32>} : memref<16384xf32, #tpu.memory_space<vmem>>, vector<16xf32>,
      %parallel_loop3A_58 = vector.bitcast %parallel_loop3A_57 : vector<16xf32> to vector<16xi32>
      %parallel_loop3A_59 = arith.constant 10 : i32
      %parallel_loop3A_60 = vector.broadcast %parallel_loop3A_59 : i32 to vector<16xi32>
      %parallel_loop3A_61 = arith.shrsi %parallel_loop3A_58, %parallel_loop3A_60 : vector<16xi32>
      %parallel_loop3A_62 = arith.subi %parallel_loop3A_61, %get3A_9 : vector<16xi32>
      %parallel_loop3A_63 = arith.constant 1024 : i32
      %parallel_loop3A_64 = vector.broadcast %parallel_loop3A_63 : i32 to vector<16xi32>
      %parallel_loop3A_65 = arith.cmpi ult, %parallel_loop3A_62, %parallel_loop3A_64 : vector<16xi32>
      %parallel_loop3A_66 = arith.addi %parallel_loop3A_62, %mul3A_12 : vector<16xi32>
      tpu.vector_store_idx %arg5[%parallel_loop3A_66], %broadcast_in_dim3A_13 masked %parallel_loop3A_65 {add = true} : memref<32768xi32, #tpu.memory_space<vmem>>[vector<16xi32>], vector<16xi32>, vector<16xi1>
      %parallel_loop3A_67 = arith.constant 32 : i32
      %parallel_loop3A_68 = arith.addi %parallel_loop3A_40, %parallel_loop3A_67 : i32
      %parallel_loop3A_69 = arith.index_cast %parallel_loop3A_68 : i32 to index
      %parallel_loop3A_70 = tpu.vector_load %arg7[%parallel_loop3A_69] {strides = array<i32>} : memref<16384xf32, #tpu.memory_space<vmem>>, vector<16xf32>,
      %parallel_loop3A_71 = vector.bitcast %parallel_loop3A_70 : vector<16xf32> to vector<16xi32>
      %parallel_loop3A_72 = arith.constant 10 : i32
      %parallel_loop3A_73 = vector.broadcast %parallel_loop3A_72 : i32 to vector<16xi32>
      %parallel_loop3A_74 = arith.shrsi %parallel_loop3A_71, %parallel_loop3A_73 : vector<16xi32>
      %parallel_loop3A_75 = arith.subi %parallel_loop3A_74, %get3A_9 : vector<16xi32>
      %parallel_loop3A_76 = arith.constant 1024 : i32
      %parallel_loop3A_77 = vector.broadcast %parallel_loop3A_76 : i32 to vector<16xi32>
      %parallel_loop3A_78 = arith.cmpi ult, %parallel_loop3A_75, %parallel_loop3A_77 : vector<16xi32>
      %parallel_loop3A_79 = arith.addi %parallel_loop3A_75, %mul3A_12 : vector<16xi32>
      tpu.vector_store_idx %arg5[%parallel_loop3A_79], %broadcast_in_dim3A_13 masked %parallel_loop3A_78 {add = true} : memref<32768xi32, #tpu.memory_space<vmem>>[vector<16xi32>], vector<16xi32>, vector<16xi1>
      %parallel_loop3A_80 = arith.constant 48 : i32
      %parallel_loop3A_81 = arith.addi %parallel_loop3A_40, %parallel_loop3A_80 : i32
      %parallel_loop3A_82 = arith.index_cast %parallel_loop3A_81 : i32 to index
      %parallel_loop3A_83 = tpu.vector_load %arg7[%parallel_loop3A_82] {strides = array<i32>} : memref<16384xf32, #tpu.memory_space<vmem>>, vector<16xf32>,
      %parallel_loop3A_84 = vector.bitcast %parallel_loop3A_83 : vector<16xf32> to vector<16xi32>
      %parallel_loop3A_85 = arith.constant 10 : i32
      %parallel_loop3A_86 = vector.broadcast %parallel_loop3A_85 : i32 to vector<16xi32>
      %parallel_loop3A_87 = arith.shrsi %parallel_loop3A_84, %parallel_loop3A_86 : vector<16xi32>
      %parallel_loop3A_88 = arith.subi %parallel_loop3A_87, %get3A_9 : vector<16xi32>
      %parallel_loop3A_89 = arith.constant 1024 : i32
      %parallel_loop3A_90 = vector.broadcast %parallel_loop3A_89 : i32 to vector<16xi32>
      %parallel_loop3A_91 = arith.cmpi ult, %parallel_loop3A_88, %parallel_loop3A_90 : vector<16xi32>
      %parallel_loop3A_92 = arith.addi %parallel_loop3A_88, %mul3A_12 : vector<16xi32>
      tpu.vector_store_idx %arg5[%parallel_loop3A_92], %broadcast_in_dim3A_13 masked %parallel_loop3A_91 {add = true} : memref<32768xi32, #tpu.memory_space<vmem>>[vector<16xi32>], vector<16xi32>, vector<16xi1>
      %parallel_loop3A_93 = arith.constant 64 : i32
      %parallel_loop3A_94 = arith.addi %parallel_loop3A_40, %parallel_loop3A_93 : i32
      %parallel_loop3A_95 = arith.index_cast %parallel_loop3A_94 : i32 to index
      %parallel_loop3A_96 = tpu.vector_load %arg7[%parallel_loop3A_95] {strides = array<i32>} : memref<16384xf32, #tpu.memory_space<vmem>>, vector<16xf32>,
      %parallel_loop3A_97 = vector.bitcast %parallel_loop3A_96 : vector<16xf32> to vector<16xi32>
      %parallel_loop3A_98 = arith.constant 10 : i32
      %parallel_loop3A_99 = vector.broadcast %parallel_loop3A_98 : i32 to vector<16xi32>
      %parallel_loop3A_100 = arith.shrsi %parallel_loop3A_97, %parallel_loop3A_99 : vector<16xi32>
      %parallel_loop3A_101 = arith.subi %parallel_loop3A_100, %get3A_9 : vector<16xi32>
      %parallel_loop3A_102 = arith.constant 1024 : i32
      %parallel_loop3A_103 = vector.broadcast %parallel_loop3A_102 : i32 to vector<16xi32>
      %parallel_loop3A_104 = arith.cmpi ult, %parallel_loop3A_101, %parallel_loop3A_103 : vector<16xi32>
      %parallel_loop3A_105 = arith.addi %parallel_loop3A_101, %mul3A_12 : vector<16xi32>
      tpu.vector_store_idx %arg5[%parallel_loop3A_105], %broadcast_in_dim3A_13 masked %parallel_loop3A_104 {add = true} : memref<32768xi32, #tpu.memory_space<vmem>>[vector<16xi32>], vector<16xi32>, vector<16xi1>
      %parallel_loop3A_106 = arith.constant 80 : i32
      %parallel_loop3A_107 = arith.addi %parallel_loop3A_40, %parallel_loop3A_106 : i32
      %parallel_loop3A_108 = arith.index_cast %parallel_loop3A_107 : i32 to index
      %parallel_loop3A_109 = tpu.vector_load %arg7[%parallel_loop3A_108] {strides = array<i32>} : memref<16384xf32, #tpu.memory_space<vmem>>, vector<16xf32>,
      %parallel_loop3A_110 = vector.bitcast %parallel_loop3A_109 : vector<16xf32> to vector<16xi32>
      %parallel_loop3A_111 = arith.constant 10 : i32
      %parallel_loop3A_112 = vector.broadcast %parallel_loop3A_111 : i32 to vector<16xi32>
      %parallel_loop3A_113 = arith.shrsi %parallel_loop3A_110, %parallel_loop3A_112 : vector<16xi32>
      %parallel_loop3A_114 = arith.subi %parallel_loop3A_113, %get3A_9 : vector<16xi32>
      %parallel_loop3A_115 = arith.constant 1024 : i32
      %parallel_loop3A_116 = vector.broadcast %parallel_loop3A_115 : i32 to vector<16xi32>
      %parallel_loop3A_117 = arith.cmpi ult, %parallel_loop3A_114, %parallel_loop3A_116 : vector<16xi32>
      %parallel_loop3A_118 = arith.addi %parallel_loop3A_114, %mul3A_12 : vector<16xi32>
      tpu.vector_store_idx %arg5[%parallel_loop3A_118], %broadcast_in_dim3A_13 masked %parallel_loop3A_117 {add = true} : memref<32768xi32, #tpu.memory_space<vmem>>[vector<16xi32>], vector<16xi32>, vector<16xi1>
      %parallel_loop3A_119 = arith.constant 96 : i32
      %parallel_loop3A_120 = arith.addi %parallel_loop3A_40, %parallel_loop3A_119 : i32
      %parallel_loop3A_121 = arith.index_cast %parallel_loop3A_120 : i32 to index
      %parallel_loop3A_122 = tpu.vector_load %arg7[%parallel_loop3A_121] {strides = array<i32>} : memref<16384xf32, #tpu.memory_space<vmem>>, vector<16xf32>,
      %parallel_loop3A_123 = vector.bitcast %parallel_loop3A_122 : vector<16xf32> to vector<16xi32>
      %parallel_loop3A_124 = arith.constant 10 : i32
      %parallel_loop3A_125 = vector.broadcast %parallel_loop3A_124 : i32 to vector<16xi32>
      %parallel_loop3A_126 = arith.shrsi %parallel_loop3A_123, %parallel_loop3A_125 : vector<16xi32>
      %parallel_loop3A_127 = arith.subi %parallel_loop3A_126, %get3A_9 : vector<16xi32>
      %parallel_loop3A_128 = arith.constant 1024 : i32
      %parallel_loop3A_129 = vector.broadcast %parallel_loop3A_128 : i32 to vector<16xi32>
      %parallel_loop3A_130 = arith.cmpi ult, %parallel_loop3A_127, %parallel_loop3A_129 : vector<16xi32>
      %parallel_loop3A_131 = arith.addi %parallel_loop3A_127, %mul3A_12 : vector<16xi32>
      tpu.vector_store_idx %arg5[%parallel_loop3A_131], %broadcast_in_dim3A_13 masked %parallel_loop3A_130 {add = true} : memref<32768xi32, #tpu.memory_space<vmem>>[vector<16xi32>], vector<16xi32>, vector<16xi1>
      %parallel_loop3A_132 = arith.constant 112 : i32
      %parallel_loop3A_133 = arith.addi %parallel_loop3A_40, %parallel_loop3A_132 : i32
      %parallel_loop3A_134 = arith.index_cast %parallel_loop3A_133 : i32 to index
      %parallel_loop3A_135 = tpu.vector_load %arg7[%parallel_loop3A_134] {strides = array<i32>} : memref<16384xf32, #tpu.memory_space<vmem>>, vector<16xf32>,
      %parallel_loop3A_136 = vector.bitcast %parallel_loop3A_135 : vector<16xf32> to vector<16xi32>
      %parallel_loop3A_137 = arith.constant 10 : i32
      %parallel_loop3A_138 = vector.broadcast %parallel_loop3A_137 : i32 to vector<16xi32>
      %parallel_loop3A_139 = arith.shrsi %parallel_loop3A_136, %parallel_loop3A_138 : vector<16xi32>
      %parallel_loop3A_140 = arith.subi %parallel_loop3A_139, %get3A_9 : vector<16xi32>
      %parallel_loop3A_141 = arith.constant 1024 : i32
      %parallel_loop3A_142 = vector.broadcast %parallel_loop3A_141 : i32 to vector<16xi32>
      %parallel_loop3A_143 = arith.cmpi ult, %parallel_loop3A_140, %parallel_loop3A_142 : vector<16xi32>
      %parallel_loop3A_144 = arith.addi %parallel_loop3A_140, %mul3A_12 : vector<16xi32>
      tpu.vector_store_idx %arg5[%parallel_loop3A_144], %broadcast_in_dim3A_13 masked %parallel_loop3A_143 {add = true} : memref<32768xi32, #tpu.memory_space<vmem>>[vector<16xi32>], vector<16xi32>, vector<16xi1>
    } {sc.loop_unroll_factor = 1 : i64, sc.parallel_access}
    "tpu.region"() ({
      %run_scoped3A = tpu.sem_alloc : memref<!tpu.dma_semaphore, #tpu.memory_space<semaphore_mem>>
      %dma_start3A_40 = arith.constant 0 : i32
      %dma_start3A_41 = tpu.memref_slice %arg4[%add3A, %dma_start3A_40] : memref<32x32768xi32, #tpu.memory_space<hbm>> -> memref<1x32768xi32, #tpu.memory_space<hbm>>
      %dma_start3A_42 = tpu.memref_squeeze %dma_start3A_41 : memref<1x32768xi32, #tpu.memory_space<hbm>> -> memref<32768xi32, #tpu.memory_space<hbm>>
      %dma_start3A_43 = arith.constant 0 : i32
      %dma_start3A_44 = tpu.memref_slice %arg4[%add3A, %dma_start3A_43] : memref<32x32768xi32, #tpu.memory_space<hbm>> -> memref<1x32768xi32, #tpu.memory_space<hbm>>
      %dma_start3A_45 = tpu.memref_squeeze %dma_start3A_44 : memref<1x32768xi32, #tpu.memory_space<hbm>> -> memref<32768xi32, #tpu.memory_space<hbm>>
      tpu.enqueue_dma source(%arg5 : memref<32768xi32, #tpu.memory_space<vmem>>) target(%dma_start3A_45 : memref<32768xi32, #tpu.memory_space<hbm>>) target_semaphore(%run_scoped3A : memref<!tpu.dma_semaphore, #tpu.memory_space<semaphore_mem>>)
      %dma_wait3A_46 = arith.constant 0 : i32
      %dma_wait3A_47 = tpu.memref_slice %arg4[%add3A, %dma_wait3A_46] : memref<32x32768xi32, #tpu.memory_space<hbm>> -> memref<1x32768xi32, #tpu.memory_space<hbm>>
      %dma_wait3A_48 = tpu.memref_squeeze %dma_wait3A_47 : memref<1x32768xi32, #tpu.memory_space<hbm>> -> memref<32768xi32, #tpu.memory_space<hbm>>
      %dma_wait3A_49 = arith.constant 0 : i32
      %dma_wait3A_50 = tpu.memref_slice %arg4[%add3A, %dma_wait3A_49] : memref<32x32768xi32, #tpu.memory_space<hbm>> -> memref<1x32768xi32, #tpu.memory_space<hbm>>
      %dma_wait3A_51 = tpu.memref_squeeze %dma_wait3A_50 : memref<1x32768xi32, #tpu.memory_space<hbm>> -> memref<32768xi32, #tpu.memory_space<hbm>>
      tpu.wait_dma2 semaphore(%run_scoped3A : memref<!tpu.dma_semaphore, #tpu.memory_space<semaphore_mem>>) src(%arg5 : memref<32768xi32, #tpu.memory_space<vmem>>) dst(%dma_wait3A_51 : memref<32768xi32, #tpu.memory_space<hbm>>)
      tpu.yield
    }) : () -> ()
    return
  }
}

#map = affine_map<(d0, d1) -> (0)>
#map1 = affine_map<(d0, d1) -> (0, 0)>
module attributes {stable_mosaic.version = 14 : i64} {
  func.func @_hist_body(%arg0: i32, %arg1: i32, %arg2: memref<67108864xf32, #tpu.memory_space<hbm>>, %arg3: memref<16xi32, #tpu.memory_space<hbm>>, %arg4: memref<32x32768xi32, #tpu.memory_space<hbm>>, %arg5: memref<32768xi32, #tpu.memory_space<vmem>>, %arg6: memref<16384xf32, #tpu.memory_space<vmem>>, %arg7: memref<16384xf32, #tpu.memory_space<vmem>>, %arg8: memref<16xi32, #tpu.memory_space<vmem>>, %arg9: memref<!tpu.dma_semaphore, #tpu.memory_space<semaphore_mem>>, %arg10: memref<!tpu.dma_semaphore, #tpu.memory_space<semaphore_mem>>) attributes {dimension_semantics = [#tpu.dimension_semantics<core_parallel>, #tpu.dimension_semantics<subcore_parallel>], iteration_bounds = array<i64: 2, 16>, scalar_prefetch = 0 : i64, scratch_operands = 6 : i64, tpu.core_type = #tpu.core_type<sc_vector_subcore>, window_params = [{transform_indices = #map}, {transform_indices = #map}, {transform_indices = #map1}]} {
    %mul3A = arith.constant 2 : i32
    %mul3A_0 = arith.muli %arg1, %mul3A : i32
    %add3A = arith.addi %mul3A_0, %arg0 : i32
    %mul3A_1 = arith.constant 2097152 : i32
    %mul3A_2 = arith.muli %add3A, %mul3A_1 : i32
    %scan3A = arith.constant 0 : i32
    %scan3A_3 = arith.constant 0 : i32
    %scan3A_4 = arith.constant 2048 : i32
    %scan3A_5 = arith.addi %scan3A_3, %scan3A_4 : i32
    %scan3A_6 = arith.constant 4 : i32
    %scan3A_7 = scf.for %scan3A_40 = %scan3A_3 to %scan3A_5 step %scan3A_6 iter_args(%scan3A_41 = %scan3A) -> (i32)  : i32 {
      %broadcast_in_dim3A_42 = arith.constant 0 : i32
      %broadcast_in_dim3A_43 = vector.broadcast %broadcast_in_dim3A_42 : i32 to vector<16xi32>
      %mul3A_44 = arith.constant 16 : i32
      %mul3A_45 = arith.muli %scan3A_40, %mul3A_44 : i32
      %swap3A = arith.index_cast %mul3A_45 : i32 to index
      %swap3A_46 = tpu.vector_load %arg5[%swap3A] {strides = array<i32>} : memref<32768xi32, #tpu.memory_space<vmem>>, vector<16xi32>,
      tpu.vector_store %arg5[%swap3A], %broadcast_in_dim3A_43 {strides = array<i32>} : memref<32768xi32, #tpu.memory_space<vmem>>, vector<16xi32>,
      %scan3A_47 = arith.constant 0 : i32
      %scan3A_48 = arith.constant 1 : i32
      %scan3A_49 = arith.addi %scan3A_40, %scan3A_48 : i32
      %broadcast_in_dim3A_50 = arith.constant 0 : i32
      %broadcast_in_dim3A_51 = vector.broadcast %broadcast_in_dim3A_50 : i32 to vector<16xi32>
      %mul3A_52 = arith.constant 16 : i32
      %mul3A_53 = arith.muli %scan3A_49, %mul3A_52 : i32
      %swap3A_54 = arith.index_cast %mul3A_53 : i32 to index
      %swap3A_55 = tpu.vector_load %arg5[%swap3A_54] {strides = array<i32>} : memref<32768xi32, #tpu.memory_space<vmem>>, vector<16xi32>,
      tpu.vector_store %arg5[%swap3A_54], %broadcast_in_dim3A_51 {strides = array<i32>} : memref<32768xi32, #tpu.memory_space<vmem>>, vector<16xi32>,
      %scan3A_56 = arith.constant 0 : i32
      %scan3A_57 = arith.constant 2 : i32
      %scan3A_58 = arith.addi %scan3A_40, %scan3A_57 : i32
      %broadcast_in_dim3A_59 = arith.constant 0 : i32
      %broadcast_in_dim3A_60 = vector.broadcast %broadcast_in_dim3A_59 : i32 to vector<16xi32>
      %mul3A_61 = arith.constant 16 : i32
      %mul3A_62 = arith.muli %scan3A_58, %mul3A_61 : i32
      %swap3A_63 = arith.index_cast %mul3A_62 : i32 to index
      %swap3A_64 = tpu.vector_load %arg5[%swap3A_63] {strides = array<i32>} : memref<32768xi32, #tpu.memory_space<vmem>>, vector<16xi32>,
      tpu.vector_store %arg5[%swap3A_63], %broadcast_in_dim3A_60 {strides = array<i32>} : memref<32768xi32, #tpu.memory_space<vmem>>, vector<16xi32>,
      %scan3A_65 = arith.constant 0 : i32
      %scan3A_66 = arith.constant 3 : i32
      %scan3A_67 = arith.addi %scan3A_40, %scan3A_66 : i32
      %broadcast_in_dim3A_68 = arith.constant 0 : i32
      %broadcast_in_dim3A_69 = vector.broadcast %broadcast_in_dim3A_68 : i32 to vector<16xi32>
      %mul3A_70 = arith.constant 16 : i32
      %mul3A_71 = arith.muli %scan3A_67, %mul3A_70 : i32
      %swap3A_72 = arith.index_cast %mul3A_71 : i32 to index
      %swap3A_73 = tpu.vector_load %arg5[%swap3A_72] {strides = array<i32>} : memref<32768xi32, #tpu.memory_space<vmem>>, vector<16xi32>,
      tpu.vector_store %arg5[%swap3A_72], %broadcast_in_dim3A_69 {strides = array<i32>} : memref<32768xi32, #tpu.memory_space<vmem>>, vector<16xi32>,
      %scan3A_74 = arith.constant 0 : i32
      scf.yield %scan3A_74 : i32
    }
    %scan3A_8 = arith.constant 2048 : i32
    "tpu.region"() ({
      %run_scoped3A = tpu.sem_alloc : memref<!tpu.dma_semaphore, #tpu.memory_space<semaphore_mem>>
      tpu.enqueue_dma source(%arg3 : memref<16xi32, #tpu.memory_space<hbm>>) target(%arg8 : memref<16xi32, #tpu.memory_space<vmem>>) target_semaphore(%run_scoped3A : memref<!tpu.dma_semaphore, #tpu.memory_space<semaphore_mem>>)
      tpu.wait_dma2 semaphore(%run_scoped3A : memref<!tpu.dma_semaphore, #tpu.memory_space<semaphore_mem>>) src(%arg3 : memref<16xi32, #tpu.memory_space<hbm>>) dst(%arg8 : memref<16xi32, #tpu.memory_space<vmem>>)
      tpu.yield
    }) : () -> ()
    %get3A = arith.constant 0 : index
    %get3A_9 = tpu.vector_load %arg8[%get3A] {strides = array<i32>} : memref<16xi32, #tpu.memory_space<vmem>>, vector<16xi32>,
    %iota3A = tpu.iota {dimensions = array<i32: 0>} : vector<16xi32>
    %mul3A_10 = arith.constant 2048 : i32
    %mul3A_11 = vector.broadcast %mul3A_10 : i32 to vector<16xi32>
    %mul3A_12 = arith.muli %iota3A, %mul3A_11 : vector<16xi32>
    %broadcast_in_dim3A = arith.constant 1 : i32
    %broadcast_in_dim3A_13 = vector.broadcast %broadcast_in_dim3A : i32 to vector<16xi32>
    %add3A_14 = arith.constant 0 : i32
    %add3A_15 = arith.addi %mul3A_2, %add3A_14 : i32
    %dma_start3A = tpu.memref_slice %arg2[%add3A_15] : memref<67108864xf32, #tpu.memory_space<hbm>> -> memref<16384xf32, #tpu.memory_space<hbm>>
    %dma_start3A_16 = tpu.memref_slice %arg2[%add3A_15] : memref<67108864xf32, #tpu.memory_space<hbm>> -> memref<16384xf32, #tpu.memory_space<hbm>>
    tpu.enqueue_dma source(%dma_start3A_16 : memref<16384xf32, #tpu.memory_space<hbm>>) target(%arg6 : memref<16384xf32, #tpu.memory_space<vmem>>) target_semaphore(%arg9 : memref<!tpu.dma_semaphore, #tpu.memory_space<semaphore_mem>>)
    %add3A_17 = arith.constant 16384 : i32
    %add3A_18 = arith.addi %mul3A_2, %add3A_17 : i32
    %dma_start3A_19 = tpu.memref_slice %arg2[%add3A_18] : memref<67108864xf32, #tpu.memory_space<hbm>> -> memref<16384xf32, #tpu.memory_space<hbm>>
    %dma_start3A_20 = tpu.memref_slice %arg2[%add3A_18] : memref<67108864xf32, #tpu.memory_space<hbm>> -> memref<16384xf32, #tpu.memory_space<hbm>>
    tpu.enqueue_dma source(%dma_start3A_20 : memref<16384xf32, #tpu.memory_space<hbm>>) target(%arg7 : memref<16384xf32, #tpu.memory_space<vmem>>) target_semaphore(%arg10 : memref<!tpu.dma_semaphore, #tpu.memory_space<semaphore_mem>>)
    %scan3A_21 = arith.constant 0 : i32
    %scan3A_22 = arith.constant 0 : i32
    %scan3A_23 = arith.constant 63 : i32
    %scan3A_24 = arith.addi %scan3A_22, %scan3A_23 : i32
    %scan3A_25 = arith.constant 1 : i32
    %scan3A_26 = scf.for %scan3A_40 = %scan3A_22 to %scan3A_24 step %scan3A_25 iter_args(%scan3A_41 = %scan3A_21) -> (i32)  : i32 {
      %mul3A_42 = arith.constant 2 : i32
      %mul3A_43 = arith.muli %mul3A_42, %scan3A_40 : i32
      %mul3A_44 = arith.constant 16384 : i32
      %mul3A_45 = arith.muli %mul3A_43, %mul3A_44 : i32
      %add3A_46 = arith.addi %mul3A_2, %mul3A_45 : i32
      %dma_wait3A_47 = tpu.memref_slice %arg2[%add3A_46] : memref<67108864xf32, #tpu.memory_space<hbm>> -> memref<16384xf32, #tpu.memory_space<hbm>>
      %dma_wait3A_48 = tpu.memref_slice %arg2[%add3A_46] : memref<67108864xf32, #tpu.memory_space<hbm>> -> memref<16384xf32, #tpu.memory_space<hbm>>
      tpu.wait_dma2 semaphore(%arg9 : memref<!tpu.dma_semaphore, #tpu.memory_space<semaphore_mem>>) src(%dma_wait3A_48 : memref<16384xf32, #tpu.memory_space<hbm>>) dst(%arg6 : memref<16384xf32, #tpu.memory_space<vmem>>)
      %parallel_loop3A_49 = arith.constant 0 : i32
      %parallel_loop3A_50 = arith.constant 16384 : i32
      %parallel_loop3A_51 = arith.constant 128 : i32
      scf.for %parallel_loop3A_77 = %parallel_loop3A_49 to %parallel_loop3A_50 step %parallel_loop3A_51  : i32 {
        %parallel_loop3A_78 = arith.constant 0 : i32
        %parallel_loop3A_79 = arith.addi %parallel_loop3A_77, %parallel_loop3A_78 : i32
        %parallel_loop3A_80 = arith.index_cast %parallel_loop3A_79 : i32 to index
        %parallel_loop3A_81 = tpu.vector_load %arg6[%parallel_loop3A_80] {strides = array<i32>} : memref<16384xf32, #tpu.memory_space<vmem>>, vector<16xf32>,
        %parallel_loop3A_82 = vector.bitcast %parallel_loop3A_81 : vector<16xf32> to vector<16xi32>
        %parallel_loop3A_83 = arith.constant 0 : i32
        %parallel_loop3A_84 = vector.broadcast %parallel_loop3A_83 : i32 to vector<16xi32>
        %parallel_loop3A_85 = arith.shrsi %parallel_loop3A_82, %parallel_loop3A_84 : vector<16xi32>
        %parallel_loop3A_86 = arith.subi %parallel_loop3A_85, %get3A_9 : vector<16xi32>
        %parallel_loop3A_87 = arith.constant 1024 : i32
        %parallel_loop3A_88 = vector.broadcast %parallel_loop3A_87 : i32 to vector<16xi32>
        %parallel_loop3A_89 = arith.cmpi ult, %parallel_loop3A_86, %parallel_loop3A_88 : vector<16xi32>
        %parallel_loop3A_90 = arith.addi %parallel_loop3A_86, %mul3A_12 : vector<16xi32>
        tpu.vector_store_idx %arg5[%parallel_loop3A_90], %broadcast_in_dim3A_13 masked %parallel_loop3A_89 {add = true} : memref<32768xi32, #tpu.memory_space<vmem>>[vector<16xi32>], vector<16xi32>, vector<16xi1>
        %parallel_loop3A_91 = arith.constant 16 : i32
        %parallel_loop3A_92 = arith.addi %parallel_loop3A_77, %parallel_loop3A_91 : i32
        %parallel_loop3A_93 = arith.index_cast %parallel_loop3A_92 : i32 to index
        %parallel_loop3A_94 = tpu.vector_load %arg6[%parallel_loop3A_93] {strides = array<i32>} : memref<16384xf32, #tpu.memory_space<vmem>>, vector<16xf32>,
        %parallel_loop3A_95 = vector.bitcast %parallel_loop3A_94 : vector<16xf32> to vector<16xi32>
        %parallel_loop3A_96 = arith.constant 0 : i32
        %parallel_loop3A_97 = vector.broadcast %parallel_loop3A_96 : i32 to vector<16xi32>
        %parallel_loop3A_98 = arith.shrsi %parallel_loop3A_95, %parallel_loop3A_97 : vector<16xi32>
        %parallel_loop3A_99 = arith.subi %parallel_loop3A_98, %get3A_9 : vector<16xi32>
        %parallel_loop3A_100 = arith.constant 1024 : i32
        %parallel_loop3A_101 = vector.broadcast %parallel_loop3A_100 : i32 to vector<16xi32>
        %parallel_loop3A_102 = arith.cmpi ult, %parallel_loop3A_99, %parallel_loop3A_101 : vector<16xi32>
        %parallel_loop3A_103 = arith.addi %parallel_loop3A_99, %mul3A_12 : vector<16xi32>
        tpu.vector_store_idx %arg5[%parallel_loop3A_103], %broadcast_in_dim3A_13 masked %parallel_loop3A_102 {add = true} : memref<32768xi32, #tpu.memory_space<vmem>>[vector<16xi32>], vector<16xi32>, vector<16xi1>
        %parallel_loop3A_104 = arith.constant 32 : i32
        %parallel_loop3A_105 = arith.addi %parallel_loop3A_77, %parallel_loop3A_104 : i32
        %parallel_loop3A_106 = arith.index_cast %parallel_loop3A_105 : i32 to index
        %parallel_loop3A_107 = tpu.vector_load %arg6[%parallel_loop3A_106] {strides = array<i32>} : memref<16384xf32, #tpu.memory_space<vmem>>, vector<16xf32>,
        %parallel_loop3A_108 = vector.bitcast %parallel_loop3A_107 : vector<16xf32> to vector<16xi32>
        %parallel_loop3A_109 = arith.constant 0 : i32
        %parallel_loop3A_110 = vector.broadcast %parallel_loop3A_109 : i32 to vector<16xi32>
        %parallel_loop3A_111 = arith.shrsi %parallel_loop3A_108, %parallel_loop3A_110 : vector<16xi32>
        %parallel_loop3A_112 = arith.subi %parallel_loop3A_111, %get3A_9 : vector<16xi32>
        %parallel_loop3A_113 = arith.constant 1024 : i32
        %parallel_loop3A_114 = vector.broadcast %parallel_loop3A_113 : i32 to vector<16xi32>
        %parallel_loop3A_115 = arith.cmpi ult, %parallel_loop3A_112, %parallel_loop3A_114 : vector<16xi32>
        %parallel_loop3A_116 = arith.addi %parallel_loop3A_112, %mul3A_12 : vector<16xi32>
        tpu.vector_store_idx %arg5[%parallel_loop3A_116], %broadcast_in_dim3A_13 masked %parallel_loop3A_115 {add = true} : memref<32768xi32, #tpu.memory_space<vmem>>[vector<16xi32>], vector<16xi32>, vector<16xi1>
        %parallel_loop3A_117 = arith.constant 48 : i32
        %parallel_loop3A_118 = arith.addi %parallel_loop3A_77, %parallel_loop3A_117 : i32
        %parallel_loop3A_119 = arith.index_cast %parallel_loop3A_118 : i32 to index
        %parallel_loop3A_120 = tpu.vector_load %arg6[%parallel_loop3A_119] {strides = array<i32>} : memref<16384xf32, #tpu.memory_space<vmem>>, vector<16xf32>,
        %parallel_loop3A_121 = vector.bitcast %parallel_loop3A_120 : vector<16xf32> to vector<16xi32>
        %parallel_loop3A_122 = arith.constant 0 : i32
        %parallel_loop3A_123 = vector.broadcast %parallel_loop3A_122 : i32 to vector<16xi32>
        %parallel_loop3A_124 = arith.shrsi %parallel_loop3A_121, %parallel_loop3A_123 : vector<16xi32>
        %parallel_loop3A_125 = arith.subi %parallel_loop3A_124, %get3A_9 : vector<16xi32>
        %parallel_loop3A_126 = arith.constant 1024 : i32
        %parallel_loop3A_127 = vector.broadcast %parallel_loop3A_126 : i32 to vector<16xi32>
        %parallel_loop3A_128 = arith.cmpi ult, %parallel_loop3A_125, %parallel_loop3A_127 : vector<16xi32>
        %parallel_loop3A_129 = arith.addi %parallel_loop3A_125, %mul3A_12 : vector<16xi32>
        tpu.vector_store_idx %arg5[%parallel_loop3A_129], %broadcast_in_dim3A_13 masked %parallel_loop3A_128 {add = true} : memref<32768xi32, #tpu.memory_space<vmem>>[vector<16xi32>], vector<16xi32>, vector<16xi1>
        %parallel_loop3A_130 = arith.constant 64 : i32
        %parallel_loop3A_131 = arith.addi %parallel_loop3A_77, %parallel_loop3A_130 : i32
        %parallel_loop3A_132 = arith.index_cast %parallel_loop3A_131 : i32 to index
        %parallel_loop3A_133 = tpu.vector_load %arg6[%parallel_loop3A_132] {strides = array<i32>} : memref<16384xf32, #tpu.memory_space<vmem>>, vector<16xf32>,
        %parallel_loop3A_134 = vector.bitcast %parallel_loop3A_133 : vector<16xf32> to vector<16xi32>
        %parallel_loop3A_135 = arith.constant 0 : i32
        %parallel_loop3A_136 = vector.broadcast %parallel_loop3A_135 : i32 to vector<16xi32>
        %parallel_loop3A_137 = arith.shrsi %parallel_loop3A_134, %parallel_loop3A_136 : vector<16xi32>
        %parallel_loop3A_138 = arith.subi %parallel_loop3A_137, %get3A_9 : vector<16xi32>
        %parallel_loop3A_139 = arith.constant 1024 : i32
        %parallel_loop3A_140 = vector.broadcast %parallel_loop3A_139 : i32 to vector<16xi32>
        %parallel_loop3A_141 = arith.cmpi ult, %parallel_loop3A_138, %parallel_loop3A_140 : vector<16xi32>
        %parallel_loop3A_142 = arith.addi %parallel_loop3A_138, %mul3A_12 : vector<16xi32>
        tpu.vector_store_idx %arg5[%parallel_loop3A_142], %broadcast_in_dim3A_13 masked %parallel_loop3A_141 {add = true} : memref<32768xi32, #tpu.memory_space<vmem>>[vector<16xi32>], vector<16xi32>, vector<16xi1>
        %parallel_loop3A_143 = arith.constant 80 : i32
        %parallel_loop3A_144 = arith.addi %parallel_loop3A_77, %parallel_loop3A_143 : i32
        %parallel_loop3A_145 = arith.index_cast %parallel_loop3A_144 : i32 to index
        %parallel_loop3A_146 = tpu.vector_load %arg6[%parallel_loop3A_145] {strides = array<i32>} : memref<16384xf32, #tpu.memory_space<vmem>>, vector<16xf32>,
        %parallel_loop3A_147 = vector.bitcast %parallel_loop3A_146 : vector<16xf32> to vector<16xi32>
        %parallel_loop3A_148 = arith.constant 0 : i32
        %parallel_loop3A_149 = vector.broadcast %parallel_loop3A_148 : i32 to vector<16xi32>
        %parallel_loop3A_150 = arith.shrsi %parallel_loop3A_147, %parallel_loop3A_149 : vector<16xi32>
        %parallel_loop3A_151 = arith.subi %parallel_loop3A_150, %get3A_9 : vector<16xi32>
        %parallel_loop3A_152 = arith.constant 1024 : i32
        %parallel_loop3A_153 = vector.broadcast %parallel_loop3A_152 : i32 to vector<16xi32>
        %parallel_loop3A_154 = arith.cmpi ult, %parallel_loop3A_151, %parallel_loop3A_153 : vector<16xi32>
        %parallel_loop3A_155 = arith.addi %parallel_loop3A_151, %mul3A_12 : vector<16xi32>
        tpu.vector_store_idx %arg5[%parallel_loop3A_155], %broadcast_in_dim3A_13 masked %parallel_loop3A_154 {add = true} : memref<32768xi32, #tpu.memory_space<vmem>>[vector<16xi32>], vector<16xi32>, vector<16xi1>
        %parallel_loop3A_156 = arith.constant 96 : i32
        %parallel_loop3A_157 = arith.addi %parallel_loop3A_77, %parallel_loop3A_156 : i32
        %parallel_loop3A_158 = arith.index_cast %parallel_loop3A_157 : i32 to index
        %parallel_loop3A_159 = tpu.vector_load %arg6[%parallel_loop3A_158] {strides = array<i32>} : memref<16384xf32, #tpu.memory_space<vmem>>, vector<16xf32>,
        %parallel_loop3A_160 = vector.bitcast %parallel_loop3A_159 : vector<16xf32> to vector<16xi32>
        %parallel_loop3A_161 = arith.constant 0 : i32
        %parallel_loop3A_162 = vector.broadcast %parallel_loop3A_161 : i32 to vector<16xi32>
        %parallel_loop3A_163 = arith.shrsi %parallel_loop3A_160, %parallel_loop3A_162 : vector<16xi32>
        %parallel_loop3A_164 = arith.subi %parallel_loop3A_163, %get3A_9 : vector<16xi32>
        %parallel_loop3A_165 = arith.constant 1024 : i32
        %parallel_loop3A_166 = vector.broadcast %parallel_loop3A_165 : i32 to vector<16xi32>
        %parallel_loop3A_167 = arith.cmpi ult, %parallel_loop3A_164, %parallel_loop3A_166 : vector<16xi32>
        %parallel_loop3A_168 = arith.addi %parallel_loop3A_164, %mul3A_12 : vector<16xi32>
        tpu.vector_store_idx %arg5[%parallel_loop3A_168], %broadcast_in_dim3A_13 masked %parallel_loop3A_167 {add = true} : memref<32768xi32, #tpu.memory_space<vmem>>[vector<16xi32>], vector<16xi32>, vector<16xi1>
        %parallel_loop3A_169 = arith.constant 112 : i32
        %parallel_loop3A_170 = arith.addi %parallel_loop3A_77, %parallel_loop3A_169 : i32
        %parallel_loop3A_171 = arith.index_cast %parallel_loop3A_170 : i32 to index
        %parallel_loop3A_172 = tpu.vector_load %arg6[%parallel_loop3A_171] {strides = array<i32>} : memref<16384xf32, #tpu.memory_space<vmem>>, vector<16xf32>,
        %parallel_loop3A_173 = vector.bitcast %parallel_loop3A_172 : vector<16xf32> to vector<16xi32>
        %parallel_loop3A_174 = arith.constant 0 : i32
        %parallel_loop3A_175 = vector.broadcast %parallel_loop3A_174 : i32 to vector<16xi32>
        %parallel_loop3A_176 = arith.shrsi %parallel_loop3A_173, %parallel_loop3A_175 : vector<16xi32>
        %parallel_loop3A_177 = arith.subi %parallel_loop3A_176, %get3A_9 : vector<16xi32>
        %parallel_loop3A_178 = arith.constant 1024 : i32
        %parallel_loop3A_179 = vector.broadcast %parallel_loop3A_178 : i32 to vector<16xi32>
        %parallel_loop3A_180 = arith.cmpi ult, %parallel_loop3A_177, %parallel_loop3A_179 : vector<16xi32>
        %parallel_loop3A_181 = arith.addi %parallel_loop3A_177, %mul3A_12 : vector<16xi32>
        tpu.vector_store_idx %arg5[%parallel_loop3A_181], %broadcast_in_dim3A_13 masked %parallel_loop3A_180 {add = true} : memref<32768xi32, #tpu.memory_space<vmem>>[vector<16xi32>], vector<16xi32>, vector<16xi1>
      } {sc.loop_unroll_factor = 1 : i64, sc.parallel_access}
      %add3A_52 = arith.constant 2 : i32
      %add3A_53 = arith.addi %mul3A_43, %add3A_52 : i32
      %mul3A_54 = arith.constant 16384 : i32
      %mul3A_55 = arith.muli %add3A_53, %mul3A_54 : i32
      %add3A_56 = arith.addi %mul3A_2, %mul3A_55 : i32
      %dma_start3A_57 = tpu.memref_slice %arg2[%add3A_56] : memref<67108864xf32, #tpu.memory_space<hbm>> -> memref<16384xf32, #tpu.memory_space<hbm>>
      %dma_start3A_58 = tpu.memref_slice %arg2[%add3A_56] : memref<67108864xf32, #tpu.memory_space<hbm>> -> memref<16384xf32, #tpu.memory_space<hbm>>
      tpu.enqueue_dma source(%dma_start3A_58 : memref<16384xf32, #tpu.memory_space<hbm>>) target(%arg6 : memref<16384xf32, #tpu.memory_space<vmem>>) target_semaphore(%arg9 : memref<!tpu.dma_semaphore, #tpu.memory_space<semaphore_mem>>)
      %add3A_59 = arith.constant 1 : i32
      %add3A_60 = arith.addi %mul3A_43, %add3A_59 : i32
      %mul3A_61 = arith.constant 16384 : i32
      %mul3A_62 = arith.muli %add3A_60, %mul3A_61 : i32
      %add3A_63 = arith.addi %mul3A_2, %mul3A_62 : i32
      %dma_wait3A_64 = tpu.memref_slice %arg2[%add3A_63] : memref<67108864xf32, #tpu.memory_space<hbm>> -> memref<16384xf32, #tpu.memory_space<hbm>>
      %dma_wait3A_65 = tpu.memref_slice %arg2[%add3A_63] : memref<67108864xf32, #tpu.memory_space<hbm>> -> memref<16384xf32, #tpu.memory_space<hbm>>
      tpu.wait_dma2 semaphore(%arg10 : memref<!tpu.dma_semaphore, #tpu.memory_space<semaphore_mem>>) src(%dma_wait3A_65 : memref<16384xf32, #tpu.memory_space<hbm>>) dst(%arg7 : memref<16384xf32, #tpu.memory_space<vmem>>)
      %parallel_loop3A_66 = arith.constant 0 : i32
      %parallel_loop3A_67 = arith.constant 16384 : i32
      %parallel_loop3A_68 = arith.constant 128 : i32
      scf.for %parallel_loop3A_77 = %parallel_loop3A_66 to %parallel_loop3A_67 step %parallel_loop3A_68  : i32 {
        %parallel_loop3A_78 = arith.constant 0 : i32
        %parallel_loop3A_79 = arith.addi %parallel_loop3A_77, %parallel_loop3A_78 : i32
        %parallel_loop3A_80 = arith.index_cast %parallel_loop3A_79 : i32 to index
        %parallel_loop3A_81 = tpu.vector_load %arg7[%parallel_loop3A_80] {strides = array<i32>} : memref<16384xf32, #tpu.memory_space<vmem>>, vector<16xf32>,
        %parallel_loop3A_82 = vector.bitcast %parallel_loop3A_81 : vector<16xf32> to vector<16xi32>
        %parallel_loop3A_83 = arith.constant 0 : i32
        %parallel_loop3A_84 = vector.broadcast %parallel_loop3A_83 : i32 to vector<16xi32>
        %parallel_loop3A_85 = arith.shrsi %parallel_loop3A_82, %parallel_loop3A_84 : vector<16xi32>
        %parallel_loop3A_86 = arith.subi %parallel_loop3A_85, %get3A_9 : vector<16xi32>
        %parallel_loop3A_87 = arith.constant 1024 : i32
        %parallel_loop3A_88 = vector.broadcast %parallel_loop3A_87 : i32 to vector<16xi32>
        %parallel_loop3A_89 = arith.cmpi ult, %parallel_loop3A_86, %parallel_loop3A_88 : vector<16xi32>
        %parallel_loop3A_90 = arith.addi %parallel_loop3A_86, %mul3A_12 : vector<16xi32>
        tpu.vector_store_idx %arg5[%parallel_loop3A_90], %broadcast_in_dim3A_13 masked %parallel_loop3A_89 {add = true} : memref<32768xi32, #tpu.memory_space<vmem>>[vector<16xi32>], vector<16xi32>, vector<16xi1>
        %parallel_loop3A_91 = arith.constant 16 : i32
        %parallel_loop3A_92 = arith.addi %parallel_loop3A_77, %parallel_loop3A_91 : i32
        %parallel_loop3A_93 = arith.index_cast %parallel_loop3A_92 : i32 to index
        %parallel_loop3A_94 = tpu.vector_load %arg7[%parallel_loop3A_93] {strides = array<i32>} : memref<16384xf32, #tpu.memory_space<vmem>>, vector<16xf32>,
        %parallel_loop3A_95 = vector.bitcast %parallel_loop3A_94 : vector<16xf32> to vector<16xi32>
        %parallel_loop3A_96 = arith.constant 0 : i32
        %parallel_loop3A_97 = vector.broadcast %parallel_loop3A_96 : i32 to vector<16xi32>
        %parallel_loop3A_98 = arith.shrsi %parallel_loop3A_95, %parallel_loop3A_97 : vector<16xi32>
        %parallel_loop3A_99 = arith.subi %parallel_loop3A_98, %get3A_9 : vector<16xi32>
        %parallel_loop3A_100 = arith.constant 1024 : i32
        %parallel_loop3A_101 = vector.broadcast %parallel_loop3A_100 : i32 to vector<16xi32>
        %parallel_loop3A_102 = arith.cmpi ult, %parallel_loop3A_99, %parallel_loop3A_101 : vector<16xi32>
        %parallel_loop3A_103 = arith.addi %parallel_loop3A_99, %mul3A_12 : vector<16xi32>
        tpu.vector_store_idx %arg5[%parallel_loop3A_103], %broadcast_in_dim3A_13 masked %parallel_loop3A_102 {add = true} : memref<32768xi32, #tpu.memory_space<vmem>>[vector<16xi32>], vector<16xi32>, vector<16xi1>
        %parallel_loop3A_104 = arith.constant 32 : i32
        %parallel_loop3A_105 = arith.addi %parallel_loop3A_77, %parallel_loop3A_104 : i32
        %parallel_loop3A_106 = arith.index_cast %parallel_loop3A_105 : i32 to index
        %parallel_loop3A_107 = tpu.vector_load %arg7[%parallel_loop3A_106] {strides = array<i32>} : memref<16384xf32, #tpu.memory_space<vmem>>, vector<16xf32>,
        %parallel_loop3A_108 = vector.bitcast %parallel_loop3A_107 : vector<16xf32> to vector<16xi32>
        %parallel_loop3A_109 = arith.constant 0 : i32
        %parallel_loop3A_110 = vector.broadcast %parallel_loop3A_109 : i32 to vector<16xi32>
        %parallel_loop3A_111 = arith.shrsi %parallel_loop3A_108, %parallel_loop3A_110 : vector<16xi32>
        %parallel_loop3A_112 = arith.subi %parallel_loop3A_111, %get3A_9 : vector<16xi32>
        %parallel_loop3A_113 = arith.constant 1024 : i32
        %parallel_loop3A_114 = vector.broadcast %parallel_loop3A_113 : i32 to vector<16xi32>
        %parallel_loop3A_115 = arith.cmpi ult, %parallel_loop3A_112, %parallel_loop3A_114 : vector<16xi32>
        %parallel_loop3A_116 = arith.addi %parallel_loop3A_112, %mul3A_12 : vector<16xi32>
        tpu.vector_store_idx %arg5[%parallel_loop3A_116], %broadcast_in_dim3A_13 masked %parallel_loop3A_115 {add = true} : memref<32768xi32, #tpu.memory_space<vmem>>[vector<16xi32>], vector<16xi32>, vector<16xi1>
        %parallel_loop3A_117 = arith.constant 48 : i32
        %parallel_loop3A_118 = arith.addi %parallel_loop3A_77, %parallel_loop3A_117 : i32
        %parallel_loop3A_119 = arith.index_cast %parallel_loop3A_118 : i32 to index
        %parallel_loop3A_120 = tpu.vector_load %arg7[%parallel_loop3A_119] {strides = array<i32>} : memref<16384xf32, #tpu.memory_space<vmem>>, vector<16xf32>,
        %parallel_loop3A_121 = vector.bitcast %parallel_loop3A_120 : vector<16xf32> to vector<16xi32>
        %parallel_loop3A_122 = arith.constant 0 : i32
        %parallel_loop3A_123 = vector.broadcast %parallel_loop3A_122 : i32 to vector<16xi32>
        %parallel_loop3A_124 = arith.shrsi %parallel_loop3A_121, %parallel_loop3A_123 : vector<16xi32>
        %parallel_loop3A_125 = arith.subi %parallel_loop3A_124, %get3A_9 : vector<16xi32>
        %parallel_loop3A_126 = arith.constant 1024 : i32
        %parallel_loop3A_127 = vector.broadcast %parallel_loop3A_126 : i32 to vector<16xi32>
        %parallel_loop3A_128 = arith.cmpi ult, %parallel_loop3A_125, %parallel_loop3A_127 : vector<16xi32>
        %parallel_loop3A_129 = arith.addi %parallel_loop3A_125, %mul3A_12 : vector<16xi32>
        tpu.vector_store_idx %arg5[%parallel_loop3A_129], %broadcast_in_dim3A_13 masked %parallel_loop3A_128 {add = true} : memref<32768xi32, #tpu.memory_space<vmem>>[vector<16xi32>], vector<16xi32>, vector<16xi1>
        %parallel_loop3A_130 = arith.constant 64 : i32
        %parallel_loop3A_131 = arith.addi %parallel_loop3A_77, %parallel_loop3A_130 : i32
        %parallel_loop3A_132 = arith.index_cast %parallel_loop3A_131 : i32 to index
        %parallel_loop3A_133 = tpu.vector_load %arg7[%parallel_loop3A_132] {strides = array<i32>} : memref<16384xf32, #tpu.memory_space<vmem>>, vector<16xf32>,
        %parallel_loop3A_134 = vector.bitcast %parallel_loop3A_133 : vector<16xf32> to vector<16xi32>
        %parallel_loop3A_135 = arith.constant 0 : i32
        %parallel_loop3A_136 = vector.broadcast %parallel_loop3A_135 : i32 to vector<16xi32>
        %parallel_loop3A_137 = arith.shrsi %parallel_loop3A_134, %parallel_loop3A_136 : vector<16xi32>
        %parallel_loop3A_138 = arith.subi %parallel_loop3A_137, %get3A_9 : vector<16xi32>
        %parallel_loop3A_139 = arith.constant 1024 : i32
        %parallel_loop3A_140 = vector.broadcast %parallel_loop3A_139 : i32 to vector<16xi32>
        %parallel_loop3A_141 = arith.cmpi ult, %parallel_loop3A_138, %parallel_loop3A_140 : vector<16xi32>
        %parallel_loop3A_142 = arith.addi %parallel_loop3A_138, %mul3A_12 : vector<16xi32>
        tpu.vector_store_idx %arg5[%parallel_loop3A_142], %broadcast_in_dim3A_13 masked %parallel_loop3A_141 {add = true} : memref<32768xi32, #tpu.memory_space<vmem>>[vector<16xi32>], vector<16xi32>, vector<16xi1>
        %parallel_loop3A_143 = arith.constant 80 : i32
        %parallel_loop3A_144 = arith.addi %parallel_loop3A_77, %parallel_loop3A_143 : i32
        %parallel_loop3A_145 = arith.index_cast %parallel_loop3A_144 : i32 to index
        %parallel_loop3A_146 = tpu.vector_load %arg7[%parallel_loop3A_145] {strides = array<i32>} : memref<16384xf32, #tpu.memory_space<vmem>>, vector<16xf32>,
        %parallel_loop3A_147 = vector.bitcast %parallel_loop3A_146 : vector<16xf32> to vector<16xi32>
        %parallel_loop3A_148 = arith.constant 0 : i32
        %parallel_loop3A_149 = vector.broadcast %parallel_loop3A_148 : i32 to vector<16xi32>
        %parallel_loop3A_150 = arith.shrsi %parallel_loop3A_147, %parallel_loop3A_149 : vector<16xi32>
        %parallel_loop3A_151 = arith.subi %parallel_loop3A_150, %get3A_9 : vector<16xi32>
        %parallel_loop3A_152 = arith.constant 1024 : i32
        %parallel_loop3A_153 = vector.broadcast %parallel_loop3A_152 : i32 to vector<16xi32>
        %parallel_loop3A_154 = arith.cmpi ult, %parallel_loop3A_151, %parallel_loop3A_153 : vector<16xi32>
        %parallel_loop3A_155 = arith.addi %parallel_loop3A_151, %mul3A_12 : vector<16xi32>
        tpu.vector_store_idx %arg5[%parallel_loop3A_155], %broadcast_in_dim3A_13 masked %parallel_loop3A_154 {add = true} : memref<32768xi32, #tpu.memory_space<vmem>>[vector<16xi32>], vector<16xi32>, vector<16xi1>
        %parallel_loop3A_156 = arith.constant 96 : i32
        %parallel_loop3A_157 = arith.addi %parallel_loop3A_77, %parallel_loop3A_156 : i32
        %parallel_loop3A_158 = arith.index_cast %parallel_loop3A_157 : i32 to index
        %parallel_loop3A_159 = tpu.vector_load %arg7[%parallel_loop3A_158] {strides = array<i32>} : memref<16384xf32, #tpu.memory_space<vmem>>, vector<16xf32>,
        %parallel_loop3A_160 = vector.bitcast %parallel_loop3A_159 : vector<16xf32> to vector<16xi32>
        %parallel_loop3A_161 = arith.constant 0 : i32
        %parallel_loop3A_162 = vector.broadcast %parallel_loop3A_161 : i32 to vector<16xi32>
        %parallel_loop3A_163 = arith.shrsi %parallel_loop3A_160, %parallel_loop3A_162 : vector<16xi32>
        %parallel_loop3A_164 = arith.subi %parallel_loop3A_163, %get3A_9 : vector<16xi32>
        %parallel_loop3A_165 = arith.constant 1024 : i32
        %parallel_loop3A_166 = vector.broadcast %parallel_loop3A_165 : i32 to vector<16xi32>
        %parallel_loop3A_167 = arith.cmpi ult, %parallel_loop3A_164, %parallel_loop3A_166 : vector<16xi32>
        %parallel_loop3A_168 = arith.addi %parallel_loop3A_164, %mul3A_12 : vector<16xi32>
        tpu.vector_store_idx %arg5[%parallel_loop3A_168], %broadcast_in_dim3A_13 masked %parallel_loop3A_167 {add = true} : memref<32768xi32, #tpu.memory_space<vmem>>[vector<16xi32>], vector<16xi32>, vector<16xi1>
        %parallel_loop3A_169 = arith.constant 112 : i32
        %parallel_loop3A_170 = arith.addi %parallel_loop3A_77, %parallel_loop3A_169 : i32
        %parallel_loop3A_171 = arith.index_cast %parallel_loop3A_170 : i32 to index
        %parallel_loop3A_172 = tpu.vector_load %arg7[%parallel_loop3A_171] {strides = array<i32>} : memref<16384xf32, #tpu.memory_space<vmem>>, vector<16xf32>,
        %parallel_loop3A_173 = vector.bitcast %parallel_loop3A_172 : vector<16xf32> to vector<16xi32>
        %parallel_loop3A_174 = arith.constant 0 : i32
        %parallel_loop3A_175 = vector.broadcast %parallel_loop3A_174 : i32 to vector<16xi32>
        %parallel_loop3A_176 = arith.shrsi %parallel_loop3A_173, %parallel_loop3A_175 : vector<16xi32>
        %parallel_loop3A_177 = arith.subi %parallel_loop3A_176, %get3A_9 : vector<16xi32>
        %parallel_loop3A_178 = arith.constant 1024 : i32
        %parallel_loop3A_179 = vector.broadcast %parallel_loop3A_178 : i32 to vector<16xi32>
        %parallel_loop3A_180 = arith.cmpi ult, %parallel_loop3A_177, %parallel_loop3A_179 : vector<16xi32>
        %parallel_loop3A_181 = arith.addi %parallel_loop3A_177, %mul3A_12 : vector<16xi32>
        tpu.vector_store_idx %arg5[%parallel_loop3A_181], %broadcast_in_dim3A_13 masked %parallel_loop3A_180 {add = true} : memref<32768xi32, #tpu.memory_space<vmem>>[vector<16xi32>], vector<16xi32>, vector<16xi1>
      } {sc.loop_unroll_factor = 1 : i64, sc.parallel_access}
      %add3A_69 = arith.constant 3 : i32
      %add3A_70 = arith.addi %mul3A_43, %add3A_69 : i32
      %mul3A_71 = arith.constant 16384 : i32
      %mul3A_72 = arith.muli %add3A_70, %mul3A_71 : i32
      %add3A_73 = arith.addi %mul3A_2, %mul3A_72 : i32
      %dma_start3A_74 = tpu.memref_slice %arg2[%add3A_73] : memref<67108864xf32, #tpu.memory_space<hbm>> -> memref<16384xf32, #tpu.memory_space<hbm>>
      %dma_start3A_75 = tpu.memref_slice %arg2[%add3A_73] : memref<67108864xf32, #tpu.memory_space<hbm>> -> memref<16384xf32, #tpu.memory_space<hbm>>
      tpu.enqueue_dma source(%dma_start3A_75 : memref<16384xf32, #tpu.memory_space<hbm>>) target(%arg7 : memref<16384xf32, #tpu.memory_space<vmem>>) target_semaphore(%arg10 : memref<!tpu.dma_semaphore, #tpu.memory_space<semaphore_mem>>)
      %scan3A_76 = arith.constant 0 : i32
      scf.yield %scan3A_76 : i32
    }
    %scan3A_27 = arith.constant 63 : i32
    %add3A_28 = arith.constant 2064384 : i32
    %add3A_29 = arith.addi %mul3A_2, %add3A_28 : i32
    %dma_wait3A = tpu.memref_slice %arg2[%add3A_29] : memref<67108864xf32, #tpu.memory_space<hbm>> -> memref<16384xf32, #tpu.memory_space<hbm>>
    %dma_wait3A_30 = tpu.memref_slice %arg2[%add3A_29] : memref<67108864xf32, #tpu.memory_space<hbm>> -> memref<16384xf32, #tpu.memory_space<hbm>>
    tpu.wait_dma2 semaphore(%arg9 : memref<!tpu.dma_semaphore, #tpu.memory_space<semaphore_mem>>) src(%dma_wait3A_30 : memref<16384xf32, #tpu.memory_space<hbm>>) dst(%arg6 : memref<16384xf32, #tpu.memory_space<vmem>>)
    %parallel_loop3A = arith.constant 0 : i32
    %parallel_loop3A_31 = arith.constant 16384 : i32
    %parallel_loop3A_32 = arith.constant 128 : i32
    scf.for %parallel_loop3A_40 = %parallel_loop3A to %parallel_loop3A_31 step %parallel_loop3A_32  : i32 {
      %parallel_loop3A_41 = arith.constant 0 : i32
      %parallel_loop3A_42 = arith.addi %parallel_loop3A_40, %parallel_loop3A_41 : i32
      %parallel_loop3A_43 = arith.index_cast %parallel_loop3A_42 : i32 to index
      %parallel_loop3A_44 = tpu.vector_load %arg6[%parallel_loop3A_43] {strides = array<i32>} : memref<16384xf32, #tpu.memory_space<vmem>>, vector<16xf32>,
      %parallel_loop3A_45 = vector.bitcast %parallel_loop3A_44 : vector<16xf32> to vector<16xi32>
      %parallel_loop3A_46 = arith.constant 0 : i32
      %parallel_loop3A_47 = vector.broadcast %parallel_loop3A_46 : i32 to vector<16xi32>
      %parallel_loop3A_48 = arith.shrsi %parallel_loop3A_45, %parallel_loop3A_47 : vector<16xi32>
      %parallel_loop3A_49 = arith.subi %parallel_loop3A_48, %get3A_9 : vector<16xi32>
      %parallel_loop3A_50 = arith.constant 1024 : i32
      %parallel_loop3A_51 = vector.broadcast %parallel_loop3A_50 : i32 to vector<16xi32>
      %parallel_loop3A_52 = arith.cmpi ult, %parallel_loop3A_49, %parallel_loop3A_51 : vector<16xi32>
      %parallel_loop3A_53 = arith.addi %parallel_loop3A_49, %mul3A_12 : vector<16xi32>
      tpu.vector_store_idx %arg5[%parallel_loop3A_53], %broadcast_in_dim3A_13 masked %parallel_loop3A_52 {add = true} : memref<32768xi32, #tpu.memory_space<vmem>>[vector<16xi32>], vector<16xi32>, vector<16xi1>
      %parallel_loop3A_54 = arith.constant 16 : i32
      %parallel_loop3A_55 = arith.addi %parallel_loop3A_40, %parallel_loop3A_54 : i32
      %parallel_loop3A_56 = arith.index_cast %parallel_loop3A_55 : i32 to index
      %parallel_loop3A_57 = tpu.vector_load %arg6[%parallel_loop3A_56] {strides = array<i32>} : memref<16384xf32, #tpu.memory_space<vmem>>, vector<16xf32>,
      %parallel_loop3A_58 = vector.bitcast %parallel_loop3A_57 : vector<16xf32> to vector<16xi32>
      %parallel_loop3A_59 = arith.constant 0 : i32
      %parallel_loop3A_60 = vector.broadcast %parallel_loop3A_59 : i32 to vector<16xi32>
      %parallel_loop3A_61 = arith.shrsi %parallel_loop3A_58, %parallel_loop3A_60 : vector<16xi32>
      %parallel_loop3A_62 = arith.subi %parallel_loop3A_61, %get3A_9 : vector<16xi32>
      %parallel_loop3A_63 = arith.constant 1024 : i32
      %parallel_loop3A_64 = vector.broadcast %parallel_loop3A_63 : i32 to vector<16xi32>
      %parallel_loop3A_65 = arith.cmpi ult, %parallel_loop3A_62, %parallel_loop3A_64 : vector<16xi32>
      %parallel_loop3A_66 = arith.addi %parallel_loop3A_62, %mul3A_12 : vector<16xi32>
      tpu.vector_store_idx %arg5[%parallel_loop3A_66], %broadcast_in_dim3A_13 masked %parallel_loop3A_65 {add = true} : memref<32768xi32, #tpu.memory_space<vmem>>[vector<16xi32>], vector<16xi32>, vector<16xi1>
      %parallel_loop3A_67 = arith.constant 32 : i32
      %parallel_loop3A_68 = arith.addi %parallel_loop3A_40, %parallel_loop3A_67 : i32
      %parallel_loop3A_69 = arith.index_cast %parallel_loop3A_68 : i32 to index
      %parallel_loop3A_70 = tpu.vector_load %arg6[%parallel_loop3A_69] {strides = array<i32>} : memref<16384xf32, #tpu.memory_space<vmem>>, vector<16xf32>,
      %parallel_loop3A_71 = vector.bitcast %parallel_loop3A_70 : vector<16xf32> to vector<16xi32>
      %parallel_loop3A_72 = arith.constant 0 : i32
      %parallel_loop3A_73 = vector.broadcast %parallel_loop3A_72 : i32 to vector<16xi32>
      %parallel_loop3A_74 = arith.shrsi %parallel_loop3A_71, %parallel_loop3A_73 : vector<16xi32>
      %parallel_loop3A_75 = arith.subi %parallel_loop3A_74, %get3A_9 : vector<16xi32>
      %parallel_loop3A_76 = arith.constant 1024 : i32
      %parallel_loop3A_77 = vector.broadcast %parallel_loop3A_76 : i32 to vector<16xi32>
      %parallel_loop3A_78 = arith.cmpi ult, %parallel_loop3A_75, %parallel_loop3A_77 : vector<16xi32>
      %parallel_loop3A_79 = arith.addi %parallel_loop3A_75, %mul3A_12 : vector<16xi32>
      tpu.vector_store_idx %arg5[%parallel_loop3A_79], %broadcast_in_dim3A_13 masked %parallel_loop3A_78 {add = true} : memref<32768xi32, #tpu.memory_space<vmem>>[vector<16xi32>], vector<16xi32>, vector<16xi1>
      %parallel_loop3A_80 = arith.constant 48 : i32
      %parallel_loop3A_81 = arith.addi %parallel_loop3A_40, %parallel_loop3A_80 : i32
      %parallel_loop3A_82 = arith.index_cast %parallel_loop3A_81 : i32 to index
      %parallel_loop3A_83 = tpu.vector_load %arg6[%parallel_loop3A_82] {strides = array<i32>} : memref<16384xf32, #tpu.memory_space<vmem>>, vector<16xf32>,
      %parallel_loop3A_84 = vector.bitcast %parallel_loop3A_83 : vector<16xf32> to vector<16xi32>
      %parallel_loop3A_85 = arith.constant 0 : i32
      %parallel_loop3A_86 = vector.broadcast %parallel_loop3A_85 : i32 to vector<16xi32>
      %parallel_loop3A_87 = arith.shrsi %parallel_loop3A_84, %parallel_loop3A_86 : vector<16xi32>
      %parallel_loop3A_88 = arith.subi %parallel_loop3A_87, %get3A_9 : vector<16xi32>
      %parallel_loop3A_89 = arith.constant 1024 : i32
      %parallel_loop3A_90 = vector.broadcast %parallel_loop3A_89 : i32 to vector<16xi32>
      %parallel_loop3A_91 = arith.cmpi ult, %parallel_loop3A_88, %parallel_loop3A_90 : vector<16xi32>
      %parallel_loop3A_92 = arith.addi %parallel_loop3A_88, %mul3A_12 : vector<16xi32>
      tpu.vector_store_idx %arg5[%parallel_loop3A_92], %broadcast_in_dim3A_13 masked %parallel_loop3A_91 {add = true} : memref<32768xi32, #tpu.memory_space<vmem>>[vector<16xi32>], vector<16xi32>, vector<16xi1>
      %parallel_loop3A_93 = arith.constant 64 : i32
      %parallel_loop3A_94 = arith.addi %parallel_loop3A_40, %parallel_loop3A_93 : i32
      %parallel_loop3A_95 = arith.index_cast %parallel_loop3A_94 : i32 to index
      %parallel_loop3A_96 = tpu.vector_load %arg6[%parallel_loop3A_95] {strides = array<i32>} : memref<16384xf32, #tpu.memory_space<vmem>>, vector<16xf32>,
      %parallel_loop3A_97 = vector.bitcast %parallel_loop3A_96 : vector<16xf32> to vector<16xi32>
      %parallel_loop3A_98 = arith.constant 0 : i32
      %parallel_loop3A_99 = vector.broadcast %parallel_loop3A_98 : i32 to vector<16xi32>
      %parallel_loop3A_100 = arith.shrsi %parallel_loop3A_97, %parallel_loop3A_99 : vector<16xi32>
      %parallel_loop3A_101 = arith.subi %parallel_loop3A_100, %get3A_9 : vector<16xi32>
      %parallel_loop3A_102 = arith.constant 1024 : i32
      %parallel_loop3A_103 = vector.broadcast %parallel_loop3A_102 : i32 to vector<16xi32>
      %parallel_loop3A_104 = arith.cmpi ult, %parallel_loop3A_101, %parallel_loop3A_103 : vector<16xi32>
      %parallel_loop3A_105 = arith.addi %parallel_loop3A_101, %mul3A_12 : vector<16xi32>
      tpu.vector_store_idx %arg5[%parallel_loop3A_105], %broadcast_in_dim3A_13 masked %parallel_loop3A_104 {add = true} : memref<32768xi32, #tpu.memory_space<vmem>>[vector<16xi32>], vector<16xi32>, vector<16xi1>
      %parallel_loop3A_106 = arith.constant 80 : i32
      %parallel_loop3A_107 = arith.addi %parallel_loop3A_40, %parallel_loop3A_106 : i32
      %parallel_loop3A_108 = arith.index_cast %parallel_loop3A_107 : i32 to index
      %parallel_loop3A_109 = tpu.vector_load %arg6[%parallel_loop3A_108] {strides = array<i32>} : memref<16384xf32, #tpu.memory_space<vmem>>, vector<16xf32>,
      %parallel_loop3A_110 = vector.bitcast %parallel_loop3A_109 : vector<16xf32> to vector<16xi32>
      %parallel_loop3A_111 = arith.constant 0 : i32
      %parallel_loop3A_112 = vector.broadcast %parallel_loop3A_111 : i32 to vector<16xi32>
      %parallel_loop3A_113 = arith.shrsi %parallel_loop3A_110, %parallel_loop3A_112 : vector<16xi32>
      %parallel_loop3A_114 = arith.subi %parallel_loop3A_113, %get3A_9 : vector<16xi32>
      %parallel_loop3A_115 = arith.constant 1024 : i32
      %parallel_loop3A_116 = vector.broadcast %parallel_loop3A_115 : i32 to vector<16xi32>
      %parallel_loop3A_117 = arith.cmpi ult, %parallel_loop3A_114, %parallel_loop3A_116 : vector<16xi32>
      %parallel_loop3A_118 = arith.addi %parallel_loop3A_114, %mul3A_12 : vector<16xi32>
      tpu.vector_store_idx %arg5[%parallel_loop3A_118], %broadcast_in_dim3A_13 masked %parallel_loop3A_117 {add = true} : memref<32768xi32, #tpu.memory_space<vmem>>[vector<16xi32>], vector<16xi32>, vector<16xi1>
      %parallel_loop3A_119 = arith.constant 96 : i32
      %parallel_loop3A_120 = arith.addi %parallel_loop3A_40, %parallel_loop3A_119 : i32
      %parallel_loop3A_121 = arith.index_cast %parallel_loop3A_120 : i32 to index
      %parallel_loop3A_122 = tpu.vector_load %arg6[%parallel_loop3A_121] {strides = array<i32>} : memref<16384xf32, #tpu.memory_space<vmem>>, vector<16xf32>,
      %parallel_loop3A_123 = vector.bitcast %parallel_loop3A_122 : vector<16xf32> to vector<16xi32>
      %parallel_loop3A_124 = arith.constant 0 : i32
      %parallel_loop3A_125 = vector.broadcast %parallel_loop3A_124 : i32 to vector<16xi32>
      %parallel_loop3A_126 = arith.shrsi %parallel_loop3A_123, %parallel_loop3A_125 : vector<16xi32>
      %parallel_loop3A_127 = arith.subi %parallel_loop3A_126, %get3A_9 : vector<16xi32>
      %parallel_loop3A_128 = arith.constant 1024 : i32
      %parallel_loop3A_129 = vector.broadcast %parallel_loop3A_128 : i32 to vector<16xi32>
      %parallel_loop3A_130 = arith.cmpi ult, %parallel_loop3A_127, %parallel_loop3A_129 : vector<16xi32>
      %parallel_loop3A_131 = arith.addi %parallel_loop3A_127, %mul3A_12 : vector<16xi32>
      tpu.vector_store_idx %arg5[%parallel_loop3A_131], %broadcast_in_dim3A_13 masked %parallel_loop3A_130 {add = true} : memref<32768xi32, #tpu.memory_space<vmem>>[vector<16xi32>], vector<16xi32>, vector<16xi1>
      %parallel_loop3A_132 = arith.constant 112 : i32
      %parallel_loop3A_133 = arith.addi %parallel_loop3A_40, %parallel_loop3A_132 : i32
      %parallel_loop3A_134 = arith.index_cast %parallel_loop3A_133 : i32 to index
      %parallel_loop3A_135 = tpu.vector_load %arg6[%parallel_loop3A_134] {strides = array<i32>} : memref<16384xf32, #tpu.memory_space<vmem>>, vector<16xf32>,
      %parallel_loop3A_136 = vector.bitcast %parallel_loop3A_135 : vector<16xf32> to vector<16xi32>
      %parallel_loop3A_137 = arith.constant 0 : i32
      %parallel_loop3A_138 = vector.broadcast %parallel_loop3A_137 : i32 to vector<16xi32>
      %parallel_loop3A_139 = arith.shrsi %parallel_loop3A_136, %parallel_loop3A_138 : vector<16xi32>
      %parallel_loop3A_140 = arith.subi %parallel_loop3A_139, %get3A_9 : vector<16xi32>
      %parallel_loop3A_141 = arith.constant 1024 : i32
      %parallel_loop3A_142 = vector.broadcast %parallel_loop3A_141 : i32 to vector<16xi32>
      %parallel_loop3A_143 = arith.cmpi ult, %parallel_loop3A_140, %parallel_loop3A_142 : vector<16xi32>
      %parallel_loop3A_144 = arith.addi %parallel_loop3A_140, %mul3A_12 : vector<16xi32>
      tpu.vector_store_idx %arg5[%parallel_loop3A_144], %broadcast_in_dim3A_13 masked %parallel_loop3A_143 {add = true} : memref<32768xi32, #tpu.memory_space<vmem>>[vector<16xi32>], vector<16xi32>, vector<16xi1>
    } {sc.loop_unroll_factor = 1 : i64, sc.parallel_access}
    %add3A_33 = arith.constant 2080768 : i32
    %add3A_34 = arith.addi %mul3A_2, %add3A_33 : i32
    %dma_wait3A_35 = tpu.memref_slice %arg2[%add3A_34] : memref<67108864xf32, #tpu.memory_space<hbm>> -> memref<16384xf32, #tpu.memory_space<hbm>>
    %dma_wait3A_36 = tpu.memref_slice %arg2[%add3A_34] : memref<67108864xf32, #tpu.memory_space<hbm>> -> memref<16384xf32, #tpu.memory_space<hbm>>
    tpu.wait_dma2 semaphore(%arg10 : memref<!tpu.dma_semaphore, #tpu.memory_space<semaphore_mem>>) src(%dma_wait3A_36 : memref<16384xf32, #tpu.memory_space<hbm>>) dst(%arg7 : memref<16384xf32, #tpu.memory_space<vmem>>)
    %parallel_loop3A_37 = arith.constant 0 : i32
    %parallel_loop3A_38 = arith.constant 16384 : i32
    %parallel_loop3A_39 = arith.constant 128 : i32
    scf.for %parallel_loop3A_40 = %parallel_loop3A_37 to %parallel_loop3A_38 step %parallel_loop3A_39  : i32 {
      %parallel_loop3A_41 = arith.constant 0 : i32
      %parallel_loop3A_42 = arith.addi %parallel_loop3A_40, %parallel_loop3A_41 : i32
      %parallel_loop3A_43 = arith.index_cast %parallel_loop3A_42 : i32 to index
      %parallel_loop3A_44 = tpu.vector_load %arg7[%parallel_loop3A_43] {strides = array<i32>} : memref<16384xf32, #tpu.memory_space<vmem>>, vector<16xf32>,
      %parallel_loop3A_45 = vector.bitcast %parallel_loop3A_44 : vector<16xf32> to vector<16xi32>
      %parallel_loop3A_46 = arith.constant 0 : i32
      %parallel_loop3A_47 = vector.broadcast %parallel_loop3A_46 : i32 to vector<16xi32>
      %parallel_loop3A_48 = arith.shrsi %parallel_loop3A_45, %parallel_loop3A_47 : vector<16xi32>
      %parallel_loop3A_49 = arith.subi %parallel_loop3A_48, %get3A_9 : vector<16xi32>
      %parallel_loop3A_50 = arith.constant 1024 : i32
      %parallel_loop3A_51 = vector.broadcast %parallel_loop3A_50 : i32 to vector<16xi32>
      %parallel_loop3A_52 = arith.cmpi ult, %parallel_loop3A_49, %parallel_loop3A_51 : vector<16xi32>
      %parallel_loop3A_53 = arith.addi %parallel_loop3A_49, %mul3A_12 : vector<16xi32>
      tpu.vector_store_idx %arg5[%parallel_loop3A_53], %broadcast_in_dim3A_13 masked %parallel_loop3A_52 {add = true} : memref<32768xi32, #tpu.memory_space<vmem>>[vector<16xi32>], vector<16xi32>, vector<16xi1>
      %parallel_loop3A_54 = arith.constant 16 : i32
      %parallel_loop3A_55 = arith.addi %parallel_loop3A_40, %parallel_loop3A_54 : i32
      %parallel_loop3A_56 = arith.index_cast %parallel_loop3A_55 : i32 to index
      %parallel_loop3A_57 = tpu.vector_load %arg7[%parallel_loop3A_56] {strides = array<i32>} : memref<16384xf32, #tpu.memory_space<vmem>>, vector<16xf32>,
      %parallel_loop3A_58 = vector.bitcast %parallel_loop3A_57 : vector<16xf32> to vector<16xi32>
      %parallel_loop3A_59 = arith.constant 0 : i32
      %parallel_loop3A_60 = vector.broadcast %parallel_loop3A_59 : i32 to vector<16xi32>
      %parallel_loop3A_61 = arith.shrsi %parallel_loop3A_58, %parallel_loop3A_60 : vector<16xi32>
      %parallel_loop3A_62 = arith.subi %parallel_loop3A_61, %get3A_9 : vector<16xi32>
      %parallel_loop3A_63 = arith.constant 1024 : i32
      %parallel_loop3A_64 = vector.broadcast %parallel_loop3A_63 : i32 to vector<16xi32>
      %parallel_loop3A_65 = arith.cmpi ult, %parallel_loop3A_62, %parallel_loop3A_64 : vector<16xi32>
      %parallel_loop3A_66 = arith.addi %parallel_loop3A_62, %mul3A_12 : vector<16xi32>
      tpu.vector_store_idx %arg5[%parallel_loop3A_66], %broadcast_in_dim3A_13 masked %parallel_loop3A_65 {add = true} : memref<32768xi32, #tpu.memory_space<vmem>>[vector<16xi32>], vector<16xi32>, vector<16xi1>
      %parallel_loop3A_67 = arith.constant 32 : i32
      %parallel_loop3A_68 = arith.addi %parallel_loop3A_40, %parallel_loop3A_67 : i32
      %parallel_loop3A_69 = arith.index_cast %parallel_loop3A_68 : i32 to index
      %parallel_loop3A_70 = tpu.vector_load %arg7[%parallel_loop3A_69] {strides = array<i32>} : memref<16384xf32, #tpu.memory_space<vmem>>, vector<16xf32>,
      %parallel_loop3A_71 = vector.bitcast %parallel_loop3A_70 : vector<16xf32> to vector<16xi32>
      %parallel_loop3A_72 = arith.constant 0 : i32
      %parallel_loop3A_73 = vector.broadcast %parallel_loop3A_72 : i32 to vector<16xi32>
      %parallel_loop3A_74 = arith.shrsi %parallel_loop3A_71, %parallel_loop3A_73 : vector<16xi32>
      %parallel_loop3A_75 = arith.subi %parallel_loop3A_74, %get3A_9 : vector<16xi32>
      %parallel_loop3A_76 = arith.constant 1024 : i32
      %parallel_loop3A_77 = vector.broadcast %parallel_loop3A_76 : i32 to vector<16xi32>
      %parallel_loop3A_78 = arith.cmpi ult, %parallel_loop3A_75, %parallel_loop3A_77 : vector<16xi32>
      %parallel_loop3A_79 = arith.addi %parallel_loop3A_75, %mul3A_12 : vector<16xi32>
      tpu.vector_store_idx %arg5[%parallel_loop3A_79], %broadcast_in_dim3A_13 masked %parallel_loop3A_78 {add = true} : memref<32768xi32, #tpu.memory_space<vmem>>[vector<16xi32>], vector<16xi32>, vector<16xi1>
      %parallel_loop3A_80 = arith.constant 48 : i32
      %parallel_loop3A_81 = arith.addi %parallel_loop3A_40, %parallel_loop3A_80 : i32
      %parallel_loop3A_82 = arith.index_cast %parallel_loop3A_81 : i32 to index
      %parallel_loop3A_83 = tpu.vector_load %arg7[%parallel_loop3A_82] {strides = array<i32>} : memref<16384xf32, #tpu.memory_space<vmem>>, vector<16xf32>,
      %parallel_loop3A_84 = vector.bitcast %parallel_loop3A_83 : vector<16xf32> to vector<16xi32>
      %parallel_loop3A_85 = arith.constant 0 : i32
      %parallel_loop3A_86 = vector.broadcast %parallel_loop3A_85 : i32 to vector<16xi32>
      %parallel_loop3A_87 = arith.shrsi %parallel_loop3A_84, %parallel_loop3A_86 : vector<16xi32>
      %parallel_loop3A_88 = arith.subi %parallel_loop3A_87, %get3A_9 : vector<16xi32>
      %parallel_loop3A_89 = arith.constant 1024 : i32
      %parallel_loop3A_90 = vector.broadcast %parallel_loop3A_89 : i32 to vector<16xi32>
      %parallel_loop3A_91 = arith.cmpi ult, %parallel_loop3A_88, %parallel_loop3A_90 : vector<16xi32>
      %parallel_loop3A_92 = arith.addi %parallel_loop3A_88, %mul3A_12 : vector<16xi32>
      tpu.vector_store_idx %arg5[%parallel_loop3A_92], %broadcast_in_dim3A_13 masked %parallel_loop3A_91 {add = true} : memref<32768xi32, #tpu.memory_space<vmem>>[vector<16xi32>], vector<16xi32>, vector<16xi1>
      %parallel_loop3A_93 = arith.constant 64 : i32
      %parallel_loop3A_94 = arith.addi %parallel_loop3A_40, %parallel_loop3A_93 : i32
      %parallel_loop3A_95 = arith.index_cast %parallel_loop3A_94 : i32 to index
      %parallel_loop3A_96 = tpu.vector_load %arg7[%parallel_loop3A_95] {strides = array<i32>} : memref<16384xf32, #tpu.memory_space<vmem>>, vector<16xf32>,
      %parallel_loop3A_97 = vector.bitcast %parallel_loop3A_96 : vector<16xf32> to vector<16xi32>
      %parallel_loop3A_98 = arith.constant 0 : i32
      %parallel_loop3A_99 = vector.broadcast %parallel_loop3A_98 : i32 to vector<16xi32>
      %parallel_loop3A_100 = arith.shrsi %parallel_loop3A_97, %parallel_loop3A_99 : vector<16xi32>
      %parallel_loop3A_101 = arith.subi %parallel_loop3A_100, %get3A_9 : vector<16xi32>
      %parallel_loop3A_102 = arith.constant 1024 : i32
      %parallel_loop3A_103 = vector.broadcast %parallel_loop3A_102 : i32 to vector<16xi32>
      %parallel_loop3A_104 = arith.cmpi ult, %parallel_loop3A_101, %parallel_loop3A_103 : vector<16xi32>
      %parallel_loop3A_105 = arith.addi %parallel_loop3A_101, %mul3A_12 : vector<16xi32>
      tpu.vector_store_idx %arg5[%parallel_loop3A_105], %broadcast_in_dim3A_13 masked %parallel_loop3A_104 {add = true} : memref<32768xi32, #tpu.memory_space<vmem>>[vector<16xi32>], vector<16xi32>, vector<16xi1>
      %parallel_loop3A_106 = arith.constant 80 : i32
      %parallel_loop3A_107 = arith.addi %parallel_loop3A_40, %parallel_loop3A_106 : i32
      %parallel_loop3A_108 = arith.index_cast %parallel_loop3A_107 : i32 to index
      %parallel_loop3A_109 = tpu.vector_load %arg7[%parallel_loop3A_108] {strides = array<i32>} : memref<16384xf32, #tpu.memory_space<vmem>>, vector<16xf32>,
      %parallel_loop3A_110 = vector.bitcast %parallel_loop3A_109 : vector<16xf32> to vector<16xi32>
      %parallel_loop3A_111 = arith.constant 0 : i32
      %parallel_loop3A_112 = vector.broadcast %parallel_loop3A_111 : i32 to vector<16xi32>
      %parallel_loop3A_113 = arith.shrsi %parallel_loop3A_110, %parallel_loop3A_112 : vector<16xi32>
      %parallel_loop3A_114 = arith.subi %parallel_loop3A_113, %get3A_9 : vector<16xi32>
      %parallel_loop3A_115 = arith.constant 1024 : i32
      %parallel_loop3A_116 = vector.broadcast %parallel_loop3A_115 : i32 to vector<16xi32>
      %parallel_loop3A_117 = arith.cmpi ult, %parallel_loop3A_114, %parallel_loop3A_116 : vector<16xi32>
      %parallel_loop3A_118 = arith.addi %parallel_loop3A_114, %mul3A_12 : vector<16xi32>
      tpu.vector_store_idx %arg5[%parallel_loop3A_118], %broadcast_in_dim3A_13 masked %parallel_loop3A_117 {add = true} : memref<32768xi32, #tpu.memory_space<vmem>>[vector<16xi32>], vector<16xi32>, vector<16xi1>
      %parallel_loop3A_119 = arith.constant 96 : i32
      %parallel_loop3A_120 = arith.addi %parallel_loop3A_40, %parallel_loop3A_119 : i32
      %parallel_loop3A_121 = arith.index_cast %parallel_loop3A_120 : i32 to index
      %parallel_loop3A_122 = tpu.vector_load %arg7[%parallel_loop3A_121] {strides = array<i32>} : memref<16384xf32, #tpu.memory_space<vmem>>, vector<16xf32>,
      %parallel_loop3A_123 = vector.bitcast %parallel_loop3A_122 : vector<16xf32> to vector<16xi32>
      %parallel_loop3A_124 = arith.constant 0 : i32
      %parallel_loop3A_125 = vector.broadcast %parallel_loop3A_124 : i32 to vector<16xi32>
      %parallel_loop3A_126 = arith.shrsi %parallel_loop3A_123, %parallel_loop3A_125 : vector<16xi32>
      %parallel_loop3A_127 = arith.subi %parallel_loop3A_126, %get3A_9 : vector<16xi32>
      %parallel_loop3A_128 = arith.constant 1024 : i32
      %parallel_loop3A_129 = vector.broadcast %parallel_loop3A_128 : i32 to vector<16xi32>
      %parallel_loop3A_130 = arith.cmpi ult, %parallel_loop3A_127, %parallel_loop3A_129 : vector<16xi32>
      %parallel_loop3A_131 = arith.addi %parallel_loop3A_127, %mul3A_12 : vector<16xi32>
      tpu.vector_store_idx %arg5[%parallel_loop3A_131], %broadcast_in_dim3A_13 masked %parallel_loop3A_130 {add = true} : memref<32768xi32, #tpu.memory_space<vmem>>[vector<16xi32>], vector<16xi32>, vector<16xi1>
      %parallel_loop3A_132 = arith.constant 112 : i32
      %parallel_loop3A_133 = arith.addi %parallel_loop3A_40, %parallel_loop3A_132 : i32
      %parallel_loop3A_134 = arith.index_cast %parallel_loop3A_133 : i32 to index
      %parallel_loop3A_135 = tpu.vector_load %arg7[%parallel_loop3A_134] {strides = array<i32>} : memref<16384xf32, #tpu.memory_space<vmem>>, vector<16xf32>,
      %parallel_loop3A_136 = vector.bitcast %parallel_loop3A_135 : vector<16xf32> to vector<16xi32>
      %parallel_loop3A_137 = arith.constant 0 : i32
      %parallel_loop3A_138 = vector.broadcast %parallel_loop3A_137 : i32 to vector<16xi32>
      %parallel_loop3A_139 = arith.shrsi %parallel_loop3A_136, %parallel_loop3A_138 : vector<16xi32>
      %parallel_loop3A_140 = arith.subi %parallel_loop3A_139, %get3A_9 : vector<16xi32>
      %parallel_loop3A_141 = arith.constant 1024 : i32
      %parallel_loop3A_142 = vector.broadcast %parallel_loop3A_141 : i32 to vector<16xi32>
      %parallel_loop3A_143 = arith.cmpi ult, %parallel_loop3A_140, %parallel_loop3A_142 : vector<16xi32>
      %parallel_loop3A_144 = arith.addi %parallel_loop3A_140, %mul3A_12 : vector<16xi32>
      tpu.vector_store_idx %arg5[%parallel_loop3A_144], %broadcast_in_dim3A_13 masked %parallel_loop3A_143 {add = true} : memref<32768xi32, #tpu.memory_space<vmem>>[vector<16xi32>], vector<16xi32>, vector<16xi1>
    } {sc.loop_unroll_factor = 1 : i64, sc.parallel_access}
    "tpu.region"() ({
      %run_scoped3A = tpu.sem_alloc : memref<!tpu.dma_semaphore, #tpu.memory_space<semaphore_mem>>
      %dma_start3A_40 = arith.constant 0 : i32
      %dma_start3A_41 = tpu.memref_slice %arg4[%add3A, %dma_start3A_40] : memref<32x32768xi32, #tpu.memory_space<hbm>> -> memref<1x32768xi32, #tpu.memory_space<hbm>>
      %dma_start3A_42 = tpu.memref_squeeze %dma_start3A_41 : memref<1x32768xi32, #tpu.memory_space<hbm>> -> memref<32768xi32, #tpu.memory_space<hbm>>
      %dma_start3A_43 = arith.constant 0 : i32
      %dma_start3A_44 = tpu.memref_slice %arg4[%add3A, %dma_start3A_43] : memref<32x32768xi32, #tpu.memory_space<hbm>> -> memref<1x32768xi32, #tpu.memory_space<hbm>>
      %dma_start3A_45 = tpu.memref_squeeze %dma_start3A_44 : memref<1x32768xi32, #tpu.memory_space<hbm>> -> memref<32768xi32, #tpu.memory_space<hbm>>
      tpu.enqueue_dma source(%arg5 : memref<32768xi32, #tpu.memory_space<vmem>>) target(%dma_start3A_45 : memref<32768xi32, #tpu.memory_space<hbm>>) target_semaphore(%run_scoped3A : memref<!tpu.dma_semaphore, #tpu.memory_space<semaphore_mem>>)
      %dma_wait3A_46 = arith.constant 0 : i32
      %dma_wait3A_47 = tpu.memref_slice %arg4[%add3A, %dma_wait3A_46] : memref<32x32768xi32, #tpu.memory_space<hbm>> -> memref<1x32768xi32, #tpu.memory_space<hbm>>
      %dma_wait3A_48 = tpu.memref_squeeze %dma_wait3A_47 : memref<1x32768xi32, #tpu.memory_space<hbm>> -> memref<32768xi32, #tpu.memory_space<hbm>>
      %dma_wait3A_49 = arith.constant 0 : i32
      %dma_wait3A_50 = tpu.memref_slice %arg4[%add3A, %dma_wait3A_49] : memref<32x32768xi32, #tpu.memory_space<hbm>> -> memref<1x32768xi32, #tpu.memory_space<hbm>>
      %dma_wait3A_51 = tpu.memref_squeeze %dma_wait3A_50 : memref<1x32768xi32, #tpu.memory_space<hbm>> -> memref<32768xi32, #tpu.memory_space<hbm>>
      tpu.wait_dma2 semaphore(%run_scoped3A : memref<!tpu.dma_semaphore, #tpu.memory_space<semaphore_mem>>) src(%arg5 : memref<32768xi32, #tpu.memory_space<vmem>>) dst(%dma_wait3A_51 : memref<32768xi32, #tpu.memory_space<hbm>>)
      tpu.yield
    }) : () -> ()
    return
  }
}

module attributes {stable_mosaic.version = 14 : i64} {
  func.func @_enc_body(%arg0: i32, %arg1: memref<4096x768xf32, #tpu.memory_space<vmem>>, %arg2: memref<768x512xf32, #tpu.memory_space<vmem>>, %arg3: memref<4096x512xf32, #tpu.memory_space<vmem>>, %arg4: memref<1x1xf32, #tpu.memory_space<smem>>, %arg5: memref<1x1xf32, #tpu.memory_space<smem>>) attributes {dimension_semantics = [#tpu.dimension_semantics<arbitrary>], iteration_bounds = array<i64: 32>, scalar_prefetch = 0 : i64, scratch_operands = 0 : i64, tpu.core_type = #tpu.core_type<tc>, window_params = [{pipeline_mode = #tpu.pipeline_mode<synchronous>, transform_indices = @transform_0, window_bounds = array<i64: 4096, 768>}, {transform_indices = @transform_1, window_bounds = array<i64: 768, 512>}, {transform_indices = @transform_2, window_bounds = array<i64: 4096, 512>}, {transform_indices = @transform_3, window_bounds = array<i64: 1, 1>}, {transform_indices = @transform_4, window_bounds = array<i64: 1, 1>}]} {
    %get3A = arith.constant 0 : index
    %get3A_0 = arith.constant 0 : index
    %get3A_1 = vector.load %arg1[%get3A, %get3A_0] : memref<4096x768xf32, #tpu.memory_space<vmem>>, vector<4096x768xf32>
    %get3A_2 = arith.constant 0 : index
    %get3A_3 = arith.constant 0 : index
    %get3A_4 = vector.load %arg2[%get3A_2, %get3A_3] : memref<768x512xf32, #tpu.memory_space<vmem>>, vector<768x512xf32>
    %dot_general3A = arith.constant dense<0.000000e+00> : vector<4096x512xf32>
    %dot_general3A_5 = tpu.matmul %get3A_1, %get3A_4, %dot_general3A {dimension_numbers = #tpu.dot_dimension_numbers<[1], [0], [0], [1], [0, 0, 1, 1], [], []>, transpose_lhs_hint = false} : vector<4096x768xf32>, vector<768x512xf32>, vector<4096x512xf32> -> vector<4096x512xf32>
    %max3A = arith.constant 0.000000e+00 : f32
    %max3A_6 = vector.broadcast %max3A : f32 to vector<4096x512xf32>
    %max3A_7 = arith.maximumf %dot_general3A_5, %max3A_6 : vector<4096x512xf32>
    %swap3A = arith.constant 0 : index
    %swap3A_8 = arith.constant 0 : index
    %swap3A_9 = vector.load %arg3[%swap3A, %swap3A_8] : memref<4096x512xf32, #tpu.memory_space<vmem>>, vector<4096x512xf32>
    tpu.vector_store %arg3[%swap3A, %swap3A_8], %max3A_7 {strides = array<i32>} : memref<4096x512xf32, #tpu.memory_space<vmem>>, vector<4096x512xf32>,
    %eq3A = arith.constant 0 : i32
    %eq3A_10 = arith.cmpi eq, %arg0, %eq3A : i32
    %convert_element_type3A = arith.extui %eq3A_10 : i1 to i32
    %cond3A = arith.constant 0 : i32
    %cond3A_11 = arith.cmpi ne, %convert_element_type3A, %cond3A : i32
    scf.if %cond3A_11 {
      %swap3A_38 = arith.constant 0.000000e+00 : f32
      %swap3A_39 = arith.constant 0 : index
      %swap3A_40 = arith.constant 0 : index
      %swap3A_41 = memref.load %arg4[%swap3A_39, %swap3A_40] : memref<1x1xf32, #tpu.memory_space<smem>>
      memref.store %swap3A_38, %arg4[%swap3A_39, %swap3A_40] : memref<1x1xf32, #tpu.memory_space<smem>>
      %swap3A_42 = arith.constant 0.000000e+00 : f32
      %swap3A_43 = arith.constant 0 : index
      %swap3A_44 = arith.constant 0 : index
      %swap3A_45 = memref.load %arg5[%swap3A_43, %swap3A_44] : memref<1x1xf32, #tpu.memory_space<smem>>
      memref.store %swap3A_42, %arg5[%swap3A_43, %swap3A_44] : memref<1x1xf32, #tpu.memory_space<smem>>
    } else {
    }
    %get3A_12 = arith.constant 0 : index
    %get3A_13 = arith.constant 0 : index
    %get3A_14 = memref.load %arg4[%get3A_12, %get3A_13] : memref<1x1xf32, #tpu.memory_space<smem>>
    %reduce_sum3A = vector.shape_cast %max3A_7 : vector<4096x512xf32> to vector<1x4096x512xf32>
    %reduce_sum3A_15 = arith.constant dense<0.000000e+00> : vector<1xf32>
    %reduce_sum3A_16 = vector.multi_reduction <add>, %reduce_sum3A, %reduce_sum3A_15 [1, 2] : vector<1x4096x512xf32> to vector<1xf32>
    %reduce_sum3A_17 = vector.shape_cast %reduce_sum3A_16 : vector<1xf32> to vector<1x1x1xf32>
    %reduce_sum3A_18 = vector.extract %reduce_sum3A_17[0, 0, 0] : f32 from vector<1x1x1xf32>
    %add3A = arith.addf %get3A_14, %reduce_sum3A_18 : f32
    %swap3A_19 = arith.constant 0 : index
    %swap3A_20 = arith.constant 0 : index
    %swap3A_21 = memref.load %arg4[%swap3A_19, %swap3A_20] : memref<1x1xf32, #tpu.memory_space<smem>>
    memref.store %add3A, %arg4[%swap3A_19, %swap3A_20] : memref<1x1xf32, #tpu.memory_space<smem>>
    %get3A_22 = arith.constant 0 : index
    %get3A_23 = arith.constant 0 : index
    %get3A_24 = memref.load %arg5[%get3A_22, %get3A_23] : memref<1x1xf32, #tpu.memory_space<smem>>
    %gt3A = arith.constant 0.000000e+00 : f32
    %gt3A_25 = vector.broadcast %gt3A : f32 to vector<4096x512xf32>
    %gt3A_26 = arith.cmpf ogt, %max3A_7, %gt3A_25 : vector<4096x512xf32>
    %convert_element_type3A_27 = arith.extui %gt3A_26 : vector<4096x512xi1> to vector<4096x512xi32>
    %convert_element_type3A_28 = arith.sitofp %convert_element_type3A_27 : vector<4096x512xi32> to vector<4096x512xf32>
    %reduce_sum3A_29 = vector.shape_cast %convert_element_type3A_28 : vector<4096x512xf32> to vector<1x4096x512xf32>
    %reduce_sum3A_30 = arith.constant dense<0.000000e+00> : vector<1xf32>
    %reduce_sum3A_31 = vector.multi_reduction <add>, %reduce_sum3A_29, %reduce_sum3A_30 [1, 2] : vector<1x4096x512xf32> to vector<1xf32>
    %reduce_sum3A_32 = vector.shape_cast %reduce_sum3A_31 : vector<1xf32> to vector<1x1x1xf32>
    %reduce_sum3A_33 = vector.extract %reduce_sum3A_32[0, 0, 0] : f32 from vector<1x1x1xf32>
    %add3A_34 = arith.addf %get3A_24, %reduce_sum3A_33 : f32
    %swap3A_35 = arith.constant 0 : index
    %swap3A_36 = arith.constant 0 : index
    %swap3A_37 = memref.load %arg5[%swap3A_35, %swap3A_36] : memref<1x1xf32, #tpu.memory_space<smem>>
    memref.store %add3A_34, %arg5[%swap3A_35, %swap3A_36] : memref<1x1xf32, #tpu.memory_space<smem>>
    return
  }
  func.func @transform_0(%arg0: i32) -> (i32, i32) {
    %c0_i32 = arith.constant 0 : i32
    %c0_i32_0 = arith.constant 0 : i32
    %c0_i32_1 = arith.constant 0 : i32
    return %c0_i32, %c0_i32_0 : i32, i32
  }
  func.func @transform_1(%arg0: i32) -> (i32, i32) {
    %c0_i32 = arith.constant 0 : i32
    %c0_i32_0 = arith.constant 0 : i32
    return %c0_i32, %arg0 : i32, i32
  }
  func.func @transform_2(%arg0: i32) -> (i32, i32) {
    %c0_i32 = arith.constant 0 : i32
    %c0_i32_0 = arith.constant 0 : i32
    return %c0_i32, %arg0 : i32, i32
  }
  func.func @transform_3(%arg0: i32) -> (i32, i32) {
    %c0_i32 = arith.constant 0 : i32
    %c0_i32_0 = arith.constant 0 : i32
    %c0_i32_1 = arith.constant 0 : i32
    return %c0_i32, %c0_i32_0 : i32, i32
  }
  func.func @transform_4(%arg0: i32) -> (i32, i32) {
    %c0_i32 = arith.constant 0 : i32
    %c0_i32_0 = arith.constant 0 : i32
    %c0_i32_1 = arith.constant 0 : i32
    return %c0_i32, %c0_i32_0 : i32, i32
  }
}

module attributes {stable_mosaic.version = 14 : i64} {
  func.func @_sel_body(%arg0: memref<32x32768xi32, #tpu.memory_space<vmem>>, %arg1: memref<1x1xi32, #tpu.memory_space<smem>>, %arg2: memref<1x1xi32, #tpu.memory_space<smem>>, %arg3: memref<1x1xi32, #tpu.memory_space<smem>>, %arg4: memref<1x1xi32, #tpu.memory_space<smem>>, %arg5: memref<1x16xi32, #tpu.memory_space<vmem>>) attributes {dimension_semantics = [], scalar_prefetch = 0 : i64, scratch_operands = 0 : i64, tpu.core_type = #tpu.core_type<tc>} {
    %get3A = arith.constant 0 : index
    %get3A_0 = arith.constant 0 : index
    %get3A_1 = vector.load %arg0[%get3A, %get3A_0] : memref<32x32768xi32, #tpu.memory_space<vmem>>, vector<32x32768xi32>
    %reduce_sum3A = arith.constant dense<0> : vector<32768xi32>
    %reduce_sum3A_2 = vector.multi_reduction <add>, %get3A_1, %reduce_sum3A [0] : vector<32x32768xi32> to vector<32768xi32>
    %broadcast_in_dim3A = vector.shape_cast %reduce_sum3A_2 : vector<32768xi32> to vector<1x32768xi32>
    %broadcast_in_dim3A_3 = arith.constant 0 : i32
    %broadcast_in_dim3A_4 = vector.broadcast %broadcast_in_dim3A_3 : i32 to vector<1x2048xi32>
    %slice3A = vector.extract_strided_slice %broadcast_in_dim3A {offsets = [0, 0], sizes = [1, 2048], strides = [1, 1]} : vector<1x32768xi32> to vector<1x2048xi32>
    %add3A = arith.addi %broadcast_in_dim3A_4, %slice3A : vector<1x2048xi32>
    %slice3A_5 = vector.extract_strided_slice %broadcast_in_dim3A {offsets = [0, 2048], sizes = [1, 2048], strides = [1, 1]} : vector<1x32768xi32> to vector<1x2048xi32>
    %add3A_6 = arith.addi %add3A, %slice3A_5 : vector<1x2048xi32>
    %slice3A_7 = vector.extract_strided_slice %broadcast_in_dim3A {offsets = [0, 4096], sizes = [1, 2048], strides = [1, 1]} : vector<1x32768xi32> to vector<1x2048xi32>
    %add3A_8 = arith.addi %add3A_6, %slice3A_7 : vector<1x2048xi32>
    %slice3A_9 = vector.extract_strided_slice %broadcast_in_dim3A {offsets = [0, 6144], sizes = [1, 2048], strides = [1, 1]} : vector<1x32768xi32> to vector<1x2048xi32>
    %add3A_10 = arith.addi %add3A_8, %slice3A_9 : vector<1x2048xi32>
    %slice3A_11 = vector.extract_strided_slice %broadcast_in_dim3A {offsets = [0, 8192], sizes = [1, 2048], strides = [1, 1]} : vector<1x32768xi32> to vector<1x2048xi32>
    %add3A_12 = arith.addi %add3A_10, %slice3A_11 : vector<1x2048xi32>
    %slice3A_13 = vector.extract_strided_slice %broadcast_in_dim3A {offsets = [0, 10240], sizes = [1, 2048], strides = [1, 1]} : vector<1x32768xi32> to vector<1x2048xi32>
    %add3A_14 = arith.addi %add3A_12, %slice3A_13 : vector<1x2048xi32>
    %slice3A_15 = vector.extract_strided_slice %broadcast_in_dim3A {offsets = [0, 12288], sizes = [1, 2048], strides = [1, 1]} : vector<1x32768xi32> to vector<1x2048xi32>
    %add3A_16 = arith.addi %add3A_14, %slice3A_15 : vector<1x2048xi32>
    %slice3A_17 = vector.extract_strided_slice %broadcast_in_dim3A {offsets = [0, 14336], sizes = [1, 2048], strides = [1, 1]} : vector<1x32768xi32> to vector<1x2048xi32>
    %add3A_18 = arith.addi %add3A_16, %slice3A_17 : vector<1x2048xi32>
    %slice3A_19 = vector.extract_strided_slice %broadcast_in_dim3A {offsets = [0, 16384], sizes = [1, 2048], strides = [1, 1]} : vector<1x32768xi32> to vector<1x2048xi32>
    %add3A_20 = arith.addi %add3A_18, %slice3A_19 : vector<1x2048xi32>
    %slice3A_21 = vector.extract_strided_slice %broadcast_in_dim3A {offsets = [0, 18432], sizes = [1, 2048], strides = [1, 1]} : vector<1x32768xi32> to vector<1x2048xi32>
    %add3A_22 = arith.addi %add3A_20, %slice3A_21 : vector<1x2048xi32>
    %slice3A_23 = vector.extract_strided_slice %broadcast_in_dim3A {offsets = [0, 20480], sizes = [1, 2048], strides = [1, 1]} : vector<1x32768xi32> to vector<1x2048xi32>
    %add3A_24 = arith.addi %add3A_22, %slice3A_23 : vector<1x2048xi32>
    %slice3A_25 = vector.extract_strided_slice %broadcast_in_dim3A {offsets = [0, 22528], sizes = [1, 2048], strides = [1, 1]} : vector<1x32768xi32> to vector<1x2048xi32>
    %add3A_26 = arith.addi %add3A_24, %slice3A_25 : vector<1x2048xi32>
    %slice3A_27 = vector.extract_strided_slice %broadcast_in_dim3A {offsets = [0, 24576], sizes = [1, 2048], strides = [1, 1]} : vector<1x32768xi32> to vector<1x2048xi32>
    %add3A_28 = arith.addi %add3A_26, %slice3A_27 : vector<1x2048xi32>
    %slice3A_29 = vector.extract_strided_slice %broadcast_in_dim3A {offsets = [0, 26624], sizes = [1, 2048], strides = [1, 1]} : vector<1x32768xi32> to vector<1x2048xi32>
    %add3A_30 = arith.addi %add3A_28, %slice3A_29 : vector<1x2048xi32>
    %slice3A_31 = vector.extract_strided_slice %broadcast_in_dim3A {offsets = [0, 28672], sizes = [1, 2048], strides = [1, 1]} : vector<1x32768xi32> to vector<1x2048xi32>
    %add3A_32 = arith.addi %add3A_30, %slice3A_31 : vector<1x2048xi32>
    %slice3A_33 = vector.extract_strided_slice %broadcast_in_dim3A {offsets = [0, 30720], sizes = [1, 2048], strides = [1, 1]} : vector<1x32768xi32> to vector<1x2048xi32>
    %add3A_34 = arith.addi %add3A_32, %slice3A_33 : vector<1x2048xi32>
    %iota3A = tpu.iota {dimensions = array<i32: 1>} : vector<1x2048xi32>
    %ge3A = arith.constant 1 : i32
    %ge3A_35 = vector.broadcast %ge3A : i32 to vector<1x2048xi32>
    %ge3A_36 = arith.cmpi sge, %iota3A, %ge3A_35 : vector<1x2048xi32>
    %roll3A = arith.constant 1 : i32
    %roll3A_37 = tpu.dynamic_rotate %add3A_34 by %roll3A dim 1 : vector<1x2048xi32>, i32 -> vector<1x2048xi32>
    %jit3A = arith.constant 0 : i32
    %broadcast_in_dim3A_38 = vector.broadcast %jit3A : i32 to vector<1x2048xi32>
    %select_n3A = arith.select %ge3A_36, %roll3A_37, %broadcast_in_dim3A_38 : vector<1x2048xi1>, vector<1x2048xi32>
    %add3A_39 = arith.addi %add3A_34, %select_n3A : vector<1x2048xi32>
    %ge3A_40 = arith.constant 2 : i32
    %ge3A_41 = vector.broadcast %ge3A_40 : i32 to vector<1x2048xi32>
    %ge3A_42 = arith.cmpi sge, %iota3A, %ge3A_41 : vector<1x2048xi32>
    %roll3A_43 = arith.constant 2 : i32
    %roll3A_44 = tpu.dynamic_rotate %add3A_39 by %roll3A_43 dim 1 : vector<1x2048xi32>, i32 -> vector<1x2048xi32>
    %jit3A_45 = arith.constant 0 : i32
    %broadcast_in_dim3A_46 = vector.broadcast %jit3A_45 : i32 to vector<1x2048xi32>
    %select_n3A_47 = arith.select %ge3A_42, %roll3A_44, %broadcast_in_dim3A_46 : vector<1x2048xi1>, vector<1x2048xi32>
    %add3A_48 = arith.addi %add3A_39, %select_n3A_47 : vector<1x2048xi32>
    %ge3A_49 = arith.constant 4 : i32
    %ge3A_50 = vector.broadcast %ge3A_49 : i32 to vector<1x2048xi32>
    %ge3A_51 = arith.cmpi sge, %iota3A, %ge3A_50 : vector<1x2048xi32>
    %roll3A_52 = arith.constant 4 : i32
    %roll3A_53 = tpu.dynamic_rotate %add3A_48 by %roll3A_52 dim 1 : vector<1x2048xi32>, i32 -> vector<1x2048xi32>
    %jit3A_54 = arith.constant 0 : i32
    %broadcast_in_dim3A_55 = vector.broadcast %jit3A_54 : i32 to vector<1x2048xi32>
    %select_n3A_56 = arith.select %ge3A_51, %roll3A_53, %broadcast_in_dim3A_55 : vector<1x2048xi1>, vector<1x2048xi32>
    %add3A_57 = arith.addi %add3A_48, %select_n3A_56 : vector<1x2048xi32>
    %ge3A_58 = arith.constant 8 : i32
    %ge3A_59 = vector.broadcast %ge3A_58 : i32 to vector<1x2048xi32>
    %ge3A_60 = arith.cmpi sge, %iota3A, %ge3A_59 : vector<1x2048xi32>
    %roll3A_61 = arith.constant 8 : i32
    %roll3A_62 = tpu.dynamic_rotate %add3A_57 by %roll3A_61 dim 1 : vector<1x2048xi32>, i32 -> vector<1x2048xi32>
    %jit3A_63 = arith.constant 0 : i32
    %broadcast_in_dim3A_64 = vector.broadcast %jit3A_63 : i32 to vector<1x2048xi32>
    %select_n3A_65 = arith.select %ge3A_60, %roll3A_62, %broadcast_in_dim3A_64 : vector<1x2048xi1>, vector<1x2048xi32>
    %add3A_66 = arith.addi %add3A_57, %select_n3A_65 : vector<1x2048xi32>
    %ge3A_67 = arith.constant 16 : i32
    %ge3A_68 = vector.broadcast %ge3A_67 : i32 to vector<1x2048xi32>
    %ge3A_69 = arith.cmpi sge, %iota3A, %ge3A_68 : vector<1x2048xi32>
    %roll3A_70 = arith.constant 16 : i32
    %roll3A_71 = tpu.dynamic_rotate %add3A_66 by %roll3A_70 dim 1 : vector<1x2048xi32>, i32 -> vector<1x2048xi32>
    %jit3A_72 = arith.constant 0 : i32
    %broadcast_in_dim3A_73 = vector.broadcast %jit3A_72 : i32 to vector<1x2048xi32>
    %select_n3A_74 = arith.select %ge3A_69, %roll3A_71, %broadcast_in_dim3A_73 : vector<1x2048xi1>, vector<1x2048xi32>
    %add3A_75 = arith.addi %add3A_66, %select_n3A_74 : vector<1x2048xi32>
    %ge3A_76 = arith.constant 32 : i32
    %ge3A_77 = vector.broadcast %ge3A_76 : i32 to vector<1x2048xi32>
    %ge3A_78 = arith.cmpi sge, %iota3A, %ge3A_77 : vector<1x2048xi32>
    %roll3A_79 = arith.constant 32 : i32
    %roll3A_80 = tpu.dynamic_rotate %add3A_75 by %roll3A_79 dim 1 : vector<1x2048xi32>, i32 -> vector<1x2048xi32>
    %jit3A_81 = arith.constant 0 : i32
    %broadcast_in_dim3A_82 = vector.broadcast %jit3A_81 : i32 to vector<1x2048xi32>
    %select_n3A_83 = arith.select %ge3A_78, %roll3A_80, %broadcast_in_dim3A_82 : vector<1x2048xi1>, vector<1x2048xi32>
    %add3A_84 = arith.addi %add3A_75, %select_n3A_83 : vector<1x2048xi32>
    %ge3A_85 = arith.constant 64 : i32
    %ge3A_86 = vector.broadcast %ge3A_85 : i32 to vector<1x2048xi32>
    %ge3A_87 = arith.cmpi sge, %iota3A, %ge3A_86 : vector<1x2048xi32>
    %roll3A_88 = arith.constant 64 : i32
    %roll3A_89 = tpu.dynamic_rotate %add3A_84 by %roll3A_88 dim 1 : vector<1x2048xi32>, i32 -> vector<1x2048xi32>
    %jit3A_90 = arith.constant 0 : i32
    %broadcast_in_dim3A_91 = vector.broadcast %jit3A_90 : i32 to vector<1x2048xi32>
    %select_n3A_92 = arith.select %ge3A_87, %roll3A_89, %broadcast_in_dim3A_91 : vector<1x2048xi1>, vector<1x2048xi32>
    %add3A_93 = arith.addi %add3A_84, %select_n3A_92 : vector<1x2048xi32>
    %ge3A_94 = arith.constant 128 : i32
    %ge3A_95 = vector.broadcast %ge3A_94 : i32 to vector<1x2048xi32>
    %ge3A_96 = arith.cmpi sge, %iota3A, %ge3A_95 : vector<1x2048xi32>
    %roll3A_97 = arith.constant 128 : i32
    %roll3A_98 = tpu.dynamic_rotate %add3A_93 by %roll3A_97 dim 1 : vector<1x2048xi32>, i32 -> vector<1x2048xi32>
    %jit3A_99 = arith.constant 0 : i32
    %broadcast_in_dim3A_100 = vector.broadcast %jit3A_99 : i32 to vector<1x2048xi32>
    %select_n3A_101 = arith.select %ge3A_96, %roll3A_98, %broadcast_in_dim3A_100 : vector<1x2048xi1>, vector<1x2048xi32>
    %add3A_102 = arith.addi %add3A_93, %select_n3A_101 : vector<1x2048xi32>
    %ge3A_103 = arith.constant 256 : i32
    %ge3A_104 = vector.broadcast %ge3A_103 : i32 to vector<1x2048xi32>
    %ge3A_105 = arith.cmpi sge, %iota3A, %ge3A_104 : vector<1x2048xi32>
    %roll3A_106 = arith.constant 256 : i32
    %roll3A_107 = tpu.dynamic_rotate %add3A_102 by %roll3A_106 dim 1 : vector<1x2048xi32>, i32 -> vector<1x2048xi32>
    %jit3A_108 = arith.constant 0 : i32
    %broadcast_in_dim3A_109 = vector.broadcast %jit3A_108 : i32 to vector<1x2048xi32>
    %select_n3A_110 = arith.select %ge3A_105, %roll3A_107, %broadcast_in_dim3A_109 : vector<1x2048xi1>, vector<1x2048xi32>
    %add3A_111 = arith.addi %add3A_102, %select_n3A_110 : vector<1x2048xi32>
    %ge3A_112 = arith.constant 512 : i32
    %ge3A_113 = vector.broadcast %ge3A_112 : i32 to vector<1x2048xi32>
    %ge3A_114 = arith.cmpi sge, %iota3A, %ge3A_113 : vector<1x2048xi32>
    %roll3A_115 = arith.constant 512 : i32
    %roll3A_116 = tpu.dynamic_rotate %add3A_111 by %roll3A_115 dim 1 : vector<1x2048xi32>, i32 -> vector<1x2048xi32>
    %jit3A_117 = arith.constant 0 : i32
    %broadcast_in_dim3A_118 = vector.broadcast %jit3A_117 : i32 to vector<1x2048xi32>
    %select_n3A_119 = arith.select %ge3A_114, %roll3A_116, %broadcast_in_dim3A_118 : vector<1x2048xi1>, vector<1x2048xi32>
    %add3A_120 = arith.addi %add3A_111, %select_n3A_119 : vector<1x2048xi32>
    %ge3A_121 = arith.constant 1024 : i32
    %ge3A_122 = vector.broadcast %ge3A_121 : i32 to vector<1x2048xi32>
    %ge3A_123 = arith.cmpi sge, %iota3A, %ge3A_122 : vector<1x2048xi32>
    %roll3A_124 = arith.constant 1024 : i32
    %roll3A_125 = tpu.dynamic_rotate %add3A_120 by %roll3A_124 dim 1 : vector<1x2048xi32>, i32 -> vector<1x2048xi32>
    %jit3A_126 = arith.constant 0 : i32
    %broadcast_in_dim3A_127 = vector.broadcast %jit3A_126 : i32 to vector<1x2048xi32>
    %select_n3A_128 = arith.select %ge3A_123, %roll3A_125, %broadcast_in_dim3A_127 : vector<1x2048xi1>, vector<1x2048xi32>
    %add3A_129 = arith.addi %add3A_120, %select_n3A_128 : vector<1x2048xi32>
    %reduce_sum3A_130 = vector.shape_cast %add3A_34 : vector<1x2048xi32> to vector<1x1x2048xi32>
    %reduce_sum3A_131 = arith.constant dense<0> : vector<1xi32>
    %reduce_sum3A_132 = vector.multi_reduction <add>, %reduce_sum3A_130, %reduce_sum3A_131 [1, 2] : vector<1x1x2048xi32> to vector<1xi32>
    %reduce_sum3A_133 = vector.shape_cast %reduce_sum3A_132 : vector<1xi32> to vector<1x1x1xi32>
    %reduce_sum3A_134 = vector.extract %reduce_sum3A_133[0, 0, 0] : i32 from vector<1x1x1xi32>
    %sub3A = vector.broadcast %reduce_sum3A_134 : i32 to vector<1x2048xi32>
    %sub3A_135 = arith.subi %sub3A, %add3A_129 : vector<1x2048xi32>
    %add3A_136 = arith.addi %sub3A_135, %add3A_34 : vector<1x2048xi32>
    %get3A_137 = arith.constant 0 : index
    %get3A_138 = arith.constant 0 : index
    %get3A_139 = memref.load %arg2[%get3A_137, %get3A_138] : memref<1x1xi32, #tpu.memory_space<smem>>
    %ge3A_140 = vector.broadcast %get3A_139 : i32 to vector<1x2048xi32>
    %ge3A_141 = arith.cmpi sge, %add3A_136, %ge3A_140 : vector<1x2048xi32>
    %jit3A_142 = arith.constant -1 : i32
    %broadcast_in_dim3A_143 = vector.broadcast %jit3A_142 : i32 to vector<1x2048xi32>
    %select_n3A_144 = arith.select %ge3A_141, %iota3A, %broadcast_in_dim3A_143 : vector<1x2048xi1>, vector<1x2048xi32>
    %reduce_max3A = vector.shape_cast %select_n3A_144 : vector<1x2048xi32> to vector<1x1x2048xi32>
    %reduce_max3A_145 = arith.constant dense<-2147483648> : vector<1xi32>
    %reduce_max3A_146 = vector.multi_reduction <maxsi>, %reduce_max3A, %reduce_max3A_145 [1, 2] : vector<1x1x2048xi32> to vector<1xi32>
    %reduce_max3A_147 = vector.shape_cast %reduce_max3A_146 : vector<1xi32> to vector<1x1x1xi32>
    %reduce_max3A_148 = vector.extract %reduce_max3A_147[0, 0, 0] : i32 from vector<1x1x1xi32>
    %eq3A = vector.broadcast %reduce_max3A_148 : i32 to vector<1x2048xi32>
    %eq3A_149 = arith.cmpi eq, %iota3A, %eq3A : vector<1x2048xi32>
    %jit3A_150 = arith.constant 0 : i32
    %broadcast_in_dim3A_151 = vector.broadcast %jit3A_150 : i32 to vector<1x2048xi32>
    %select_n3A_152 = arith.select %eq3A_149, %add3A_34, %broadcast_in_dim3A_151 : vector<1x2048xi1>, vector<1x2048xi32>
    %reduce_sum3A_153 = vector.shape_cast %select_n3A_152 : vector<1x2048xi32> to vector<1x1x2048xi32>
    %reduce_sum3A_154 = arith.constant dense<0> : vector<1xi32>
    %reduce_sum3A_155 = vector.multi_reduction <add>, %reduce_sum3A_153, %reduce_sum3A_154 [1, 2] : vector<1x1x2048xi32> to vector<1xi32>
    %reduce_sum3A_156 = vector.shape_cast %reduce_sum3A_155 : vector<1xi32> to vector<1x1x1xi32>
    %reduce_sum3A_157 = vector.extract %reduce_sum3A_156[0, 0, 0] : i32 from vector<1x1x1xi32>
    %eq3A_158 = vector.broadcast %reduce_max3A_148 : i32 to vector<1x2048xi32>
    %eq3A_159 = arith.cmpi eq, %iota3A, %eq3A_158 : vector<1x2048xi32>
    %jit3A_160 = arith.constant 0 : i32
    %broadcast_in_dim3A_161 = vector.broadcast %jit3A_160 : i32 to vector<1x2048xi32>
    %select_n3A_162 = arith.select %eq3A_159, %add3A_136, %broadcast_in_dim3A_161 : vector<1x2048xi1>, vector<1x2048xi32>
    %reduce_sum3A_163 = vector.shape_cast %select_n3A_162 : vector<1x2048xi32> to vector<1x1x2048xi32>
    %reduce_sum3A_164 = arith.constant dense<0> : vector<1xi32>
    %reduce_sum3A_165 = vector.multi_reduction <add>, %reduce_sum3A_163, %reduce_sum3A_164 [1, 2] : vector<1x1x2048xi32> to vector<1xi32>
    %reduce_sum3A_166 = vector.shape_cast %reduce_sum3A_165 : vector<1xi32> to vector<1x1x1xi32>
    %reduce_sum3A_167 = vector.extract %reduce_sum3A_166[0, 0, 0] : i32 from vector<1x1x1xi32>
    %get3A_168 = arith.constant 0 : index
    %get3A_169 = arith.constant 0 : index
    %get3A_170 = memref.load %arg1[%get3A_168, %get3A_169] : memref<1x1xi32, #tpu.memory_space<smem>>
    %shift_left3A = arith.constant 10 : i32
    %shift_left3A_171 = arith.shli %reduce_max3A_148, %shift_left3A : i32
    %add3A_172 = arith.addi %get3A_170, %shift_left3A_171 : i32
    %sub3A_173 = arith.subi %reduce_sum3A_167, %reduce_sum3A_157 : i32
    %sub3A_174 = arith.subi %get3A_139, %sub3A_173 : i32
    %swap3A = arith.constant 0 : index
    %swap3A_175 = arith.constant 0 : index
    %swap3A_176 = memref.load %arg3[%swap3A, %swap3A_175] : memref<1x1xi32, #tpu.memory_space<smem>>
    memref.store %add3A_172, %arg3[%swap3A, %swap3A_175] : memref<1x1xi32, #tpu.memory_space<smem>>
    %swap3A_177 = arith.constant 0 : index
    %swap3A_178 = arith.constant 0 : index
    %swap3A_179 = memref.load %arg4[%swap3A_177, %swap3A_178] : memref<1x1xi32, #tpu.memory_space<smem>>
    memref.store %sub3A_174, %arg4[%swap3A_177, %swap3A_178] : memref<1x1xi32, #tpu.memory_space<smem>>
    %shift_right_arithmetic3A = arith.constant 0 : i32
    %shift_right_arithmetic3A_180 = arith.shrsi %add3A_172, %shift_right_arithmetic3A : i32
    %broadcast_in_dim3A_181 = vector.broadcast %shift_right_arithmetic3A_180 : i32 to vector<1x16xi32>
    %swap3A_182 = arith.constant 0 : index
    %swap3A_183 = arith.constant 0 : index
    %swap3A_184 = vector.load %arg5[%swap3A_182, %swap3A_183] : memref<1x16xi32, #tpu.memory_space<vmem>>, vector<1x16xi32>
    tpu.vector_store %arg5[%swap3A_182, %swap3A_183], %broadcast_in_dim3A_181 {strides = array<i32>} : memref<1x16xi32, #tpu.memory_space<vmem>>, vector<1x16xi32>,
    return
  }
}

module attributes {stable_mosaic.version = 14 : i64} {
  func.func @_prep_body(%arg0: i32, %arg1: memref<512x768xf32, #tpu.memory_space<vmem>>, %arg2: memref<1x768xf32, #tpu.memory_space<vmem>>, %arg3: memref<512x768xf32, #tpu.memory_space<vmem>>, %arg4: memref<512x768xf32, #tpu.memory_space<vmem>>, %arg5: memref<512x1xf32, #tpu.memory_space<vmem>>, %arg6: memref<512x1xf32, #tpu.memory_space<vmem>>) attributes {dimension_semantics = [#tpu.dimension_semantics<arbitrary>], iteration_bounds = array<i64: 8>, scalar_prefetch = 0 : i64, scratch_operands = 0 : i64, tpu.core_type = #tpu.core_type<tc>, window_params = [{transform_indices = @transform_0, window_bounds = array<i64: 512, 768>}, {pipeline_mode = #tpu.pipeline_mode<synchronous>, transform_indices = @transform_1, window_bounds = array<i64: 1, 768>}, {transform_indices = @transform_2, window_bounds = array<i64: 512, 768>}, {transform_indices = @transform_3, window_bounds = array<i64: 512, 768>}, {transform_indices = @transform_4, window_bounds = array<i64: 512, 1>}, {transform_indices = @transform_5, window_bounds = array<i64: 512, 1>}]} {
    %get3A = arith.constant 0 : index
    %get3A_0 = arith.constant 0 : index
    %get3A_1 = vector.load %arg1[%get3A, %get3A_0] : memref<512x768xf32, #tpu.memory_space<vmem>>, vector<512x768xf32>
    %reduce_sum3A = arith.constant dense<0.000000e+00> : vector<512xf32>
    %reduce_sum3A_2 = vector.multi_reduction <add>, %get3A_1, %reduce_sum3A [1] : vector<512x768xf32> to vector<512xf32>
    %broadcast_in_dim3A = vector.shape_cast %reduce_sum3A_2 : vector<512xf32> to vector<512x1xf32>
    %div3A = arith.constant 7.680000e+02 : f32
    %div3A_3 = vector.broadcast %div3A : f32 to vector<512x1xf32>
    %div3A_4 = arith.divf %broadcast_in_dim3A, %div3A_3 : vector<512x1xf32>
    %sub3A = vector.broadcast %div3A_4 : vector<512x1xf32> to vector<512x768xf32>
    %sub3A_5 = arith.subf %get3A_1, %sub3A : vector<512x768xf32>
    %mul3A = arith.mulf %sub3A_5, %sub3A_5 : vector<512x768xf32>
    %reduce_sum3A_6 = arith.constant dense<0.000000e+00> : vector<512xf32>
    %reduce_sum3A_7 = vector.multi_reduction <add>, %mul3A, %reduce_sum3A_6 [1] : vector<512x768xf32> to vector<512xf32>
    %broadcast_in_dim3A_8 = vector.shape_cast %reduce_sum3A_7 : vector<512xf32> to vector<512x1xf32>
    %div3A_9 = arith.constant 7.670000e+02 : f32
    %div3A_10 = vector.broadcast %div3A_9 : f32 to vector<512x1xf32>
    %div3A_11 = arith.divf %broadcast_in_dim3A_8, %div3A_10 : vector<512x1xf32>
    %sqrt3A = math.sqrt %div3A_11 : vector<512x1xf32>
    %add3A = arith.constant 9.99999974E-6 : f32
    %add3A_12 = vector.broadcast %add3A : f32 to vector<512x1xf32>
    %add3A_13 = arith.addf %sqrt3A, %add3A_12 : vector<512x1xf32>
    %div3A_14 = vector.broadcast %add3A_13 : vector<512x1xf32> to vector<512x768xf32>
    %div3A_15 = arith.divf %sub3A_5, %div3A_14 : vector<512x768xf32>
    %swap3A = arith.constant 0 : index
    %swap3A_16 = arith.constant 0 : index
    %swap3A_17 = vector.load %arg3[%swap3A, %swap3A_16] : memref<512x768xf32, #tpu.memory_space<vmem>>, vector<512x768xf32>
    tpu.vector_store %arg3[%swap3A, %swap3A_16], %div3A_15 {strides = array<i32>} : memref<512x768xf32, #tpu.memory_space<vmem>>, vector<512x768xf32>,
    %get3A_18 = arith.constant 0 : index
    %get3A_19 = arith.constant 0 : index
    %get3A_20 = vector.load %arg2[%get3A_18, %get3A_19] : memref<1x768xf32, #tpu.memory_space<vmem>>, vector<1x768xf32>
    %sub3A_21 = vector.broadcast %get3A_20 : vector<1x768xf32> to vector<512x768xf32>
    %sub3A_22 = arith.subf %div3A_15, %sub3A_21 : vector<512x768xf32>
    %swap3A_23 = arith.constant 0 : index
    %swap3A_24 = arith.constant 0 : index
    %swap3A_25 = vector.load %arg4[%swap3A_23, %swap3A_24] : memref<512x768xf32, #tpu.memory_space<vmem>>, vector<512x768xf32>
    tpu.vector_store %arg4[%swap3A_23, %swap3A_24], %sub3A_22 {strides = array<i32>} : memref<512x768xf32, #tpu.memory_space<vmem>>, vector<512x768xf32>,
    %swap3A_26 = arith.constant 0 : index
    %swap3A_27 = arith.constant 0 : index
    %swap3A_28 = vector.load %arg5[%swap3A_26, %swap3A_27] : memref<512x1xf32, #tpu.memory_space<vmem>>, vector<512x1xf32>
    tpu.vector_store %arg5[%swap3A_26, %swap3A_27], %div3A_4 {strides = array<i32>} : memref<512x1xf32, #tpu.memory_space<vmem>>, vector<512x1xf32>,
    %swap3A_29 = arith.constant 0 : index
    %swap3A_30 = arith.constant 0 : index
    %swap3A_31 = vector.load %arg6[%swap3A_29, %swap3A_30] : memref<512x1xf32, #tpu.memory_space<vmem>>, vector<512x1xf32>
    tpu.vector_store %arg6[%swap3A_29, %swap3A_30], %sqrt3A {strides = array<i32>} : memref<512x1xf32, #tpu.memory_space<vmem>>, vector<512x1xf32>,
    return
  }
  func.func @transform_0(%arg0: i32) -> (i32, i32) {
    %c0_i32 = arith.constant 0 : i32
    %c0_i32_0 = arith.constant 0 : i32
    return %arg0, %c0_i32 : i32, i32
  }
  func.func @transform_1(%arg0: i32) -> (i32, i32) {
    %c0_i32 = arith.constant 0 : i32
    %c0_i32_0 = arith.constant 0 : i32
    %c0_i32_1 = arith.constant 0 : i32
    return %c0_i32, %c0_i32_0 : i32, i32
  }
  func.func @transform_2(%arg0: i32) -> (i32, i32) {
    %c0_i32 = arith.constant 0 : i32
    %c0_i32_0 = arith.constant 0 : i32
    return %arg0, %c0_i32 : i32, i32
  }
  func.func @transform_3(%arg0: i32) -> (i32, i32) {
    %c0_i32 = arith.constant 0 : i32
    %c0_i32_0 = arith.constant 0 : i32
    return %arg0, %c0_i32 : i32, i32
  }
  func.func @transform_4(%arg0: i32) -> (i32, i32) {
    %c0_i32 = arith.constant 0 : i32
    %c0_i32_0 = arith.constant 0 : i32
    return %arg0, %c0_i32 : i32, i32
  }
  func.func @transform_5(%arg0: i32) -> (i32, i32) {
    %c0_i32 = arith.constant 0 : i32
    %c0_i32_0 = arith.constant 0 : i32
    return %arg0, %c0_i32 : i32, i32
  }
}

module attributes {stable_mosaic.version = 14 : i64} {
  func.func @_sel_body(%arg0: memref<32x32768xi32, #tpu.memory_space<vmem>>, %arg1: memref<1x1xi32, #tpu.memory_space<smem>>, %arg2: memref<1x1xi32, #tpu.memory_space<smem>>, %arg3: memref<1x1xi32, #tpu.memory_space<smem>>, %arg4: memref<1x1xi32, #tpu.memory_space<smem>>, %arg5: memref<1x16xi32, #tpu.memory_space<vmem>>) attributes {dimension_semantics = [], scalar_prefetch = 0 : i64, scratch_operands = 0 : i64, tpu.core_type = #tpu.core_type<tc>} {
    %get3A = arith.constant 0 : index
    %get3A_0 = arith.constant 0 : index
    %get3A_1 = vector.load %arg0[%get3A, %get3A_0] : memref<32x32768xi32, #tpu.memory_space<vmem>>, vector<32x32768xi32>
    %reduce_sum3A = arith.constant dense<0> : vector<32768xi32>
    %reduce_sum3A_2 = vector.multi_reduction <add>, %get3A_1, %reduce_sum3A [0] : vector<32x32768xi32> to vector<32768xi32>
    %broadcast_in_dim3A = vector.shape_cast %reduce_sum3A_2 : vector<32768xi32> to vector<1x32768xi32>
    %broadcast_in_dim3A_3 = arith.constant 0 : i32
    %broadcast_in_dim3A_4 = vector.broadcast %broadcast_in_dim3A_3 : i32 to vector<1x2048xi32>
    %slice3A = vector.extract_strided_slice %broadcast_in_dim3A {offsets = [0, 0], sizes = [1, 2048], strides = [1, 1]} : vector<1x32768xi32> to vector<1x2048xi32>
    %add3A = arith.addi %broadcast_in_dim3A_4, %slice3A : vector<1x2048xi32>
    %slice3A_5 = vector.extract_strided_slice %broadcast_in_dim3A {offsets = [0, 2048], sizes = [1, 2048], strides = [1, 1]} : vector<1x32768xi32> to vector<1x2048xi32>
    %add3A_6 = arith.addi %add3A, %slice3A_5 : vector<1x2048xi32>
    %slice3A_7 = vector.extract_strided_slice %broadcast_in_dim3A {offsets = [0, 4096], sizes = [1, 2048], strides = [1, 1]} : vector<1x32768xi32> to vector<1x2048xi32>
    %add3A_8 = arith.addi %add3A_6, %slice3A_7 : vector<1x2048xi32>
    %slice3A_9 = vector.extract_strided_slice %broadcast_in_dim3A {offsets = [0, 6144], sizes = [1, 2048], strides = [1, 1]} : vector<1x32768xi32> to vector<1x2048xi32>
    %add3A_10 = arith.addi %add3A_8, %slice3A_9 : vector<1x2048xi32>
    %slice3A_11 = vector.extract_strided_slice %broadcast_in_dim3A {offsets = [0, 8192], sizes = [1, 2048], strides = [1, 1]} : vector<1x32768xi32> to vector<1x2048xi32>
    %add3A_12 = arith.addi %add3A_10, %slice3A_11 : vector<1x2048xi32>
    %slice3A_13 = vector.extract_strided_slice %broadcast_in_dim3A {offsets = [0, 10240], sizes = [1, 2048], strides = [1, 1]} : vector<1x32768xi32> to vector<1x2048xi32>
    %add3A_14 = arith.addi %add3A_12, %slice3A_13 : vector<1x2048xi32>
    %slice3A_15 = vector.extract_strided_slice %broadcast_in_dim3A {offsets = [0, 12288], sizes = [1, 2048], strides = [1, 1]} : vector<1x32768xi32> to vector<1x2048xi32>
    %add3A_16 = arith.addi %add3A_14, %slice3A_15 : vector<1x2048xi32>
    %slice3A_17 = vector.extract_strided_slice %broadcast_in_dim3A {offsets = [0, 14336], sizes = [1, 2048], strides = [1, 1]} : vector<1x32768xi32> to vector<1x2048xi32>
    %add3A_18 = arith.addi %add3A_16, %slice3A_17 : vector<1x2048xi32>
    %slice3A_19 = vector.extract_strided_slice %broadcast_in_dim3A {offsets = [0, 16384], sizes = [1, 2048], strides = [1, 1]} : vector<1x32768xi32> to vector<1x2048xi32>
    %add3A_20 = arith.addi %add3A_18, %slice3A_19 : vector<1x2048xi32>
    %slice3A_21 = vector.extract_strided_slice %broadcast_in_dim3A {offsets = [0, 18432], sizes = [1, 2048], strides = [1, 1]} : vector<1x32768xi32> to vector<1x2048xi32>
    %add3A_22 = arith.addi %add3A_20, %slice3A_21 : vector<1x2048xi32>
    %slice3A_23 = vector.extract_strided_slice %broadcast_in_dim3A {offsets = [0, 20480], sizes = [1, 2048], strides = [1, 1]} : vector<1x32768xi32> to vector<1x2048xi32>
    %add3A_24 = arith.addi %add3A_22, %slice3A_23 : vector<1x2048xi32>
    %slice3A_25 = vector.extract_strided_slice %broadcast_in_dim3A {offsets = [0, 22528], sizes = [1, 2048], strides = [1, 1]} : vector<1x32768xi32> to vector<1x2048xi32>
    %add3A_26 = arith.addi %add3A_24, %slice3A_25 : vector<1x2048xi32>
    %slice3A_27 = vector.extract_strided_slice %broadcast_in_dim3A {offsets = [0, 24576], sizes = [1, 2048], strides = [1, 1]} : vector<1x32768xi32> to vector<1x2048xi32>
    %add3A_28 = arith.addi %add3A_26, %slice3A_27 : vector<1x2048xi32>
    %slice3A_29 = vector.extract_strided_slice %broadcast_in_dim3A {offsets = [0, 26624], sizes = [1, 2048], strides = [1, 1]} : vector<1x32768xi32> to vector<1x2048xi32>
    %add3A_30 = arith.addi %add3A_28, %slice3A_29 : vector<1x2048xi32>
    %slice3A_31 = vector.extract_strided_slice %broadcast_in_dim3A {offsets = [0, 28672], sizes = [1, 2048], strides = [1, 1]} : vector<1x32768xi32> to vector<1x2048xi32>
    %add3A_32 = arith.addi %add3A_30, %slice3A_31 : vector<1x2048xi32>
    %slice3A_33 = vector.extract_strided_slice %broadcast_in_dim3A {offsets = [0, 30720], sizes = [1, 2048], strides = [1, 1]} : vector<1x32768xi32> to vector<1x2048xi32>
    %add3A_34 = arith.addi %add3A_32, %slice3A_33 : vector<1x2048xi32>
    %iota3A = tpu.iota {dimensions = array<i32: 1>} : vector<1x2048xi32>
    %ge3A = arith.constant 1 : i32
    %ge3A_35 = vector.broadcast %ge3A : i32 to vector<1x2048xi32>
    %ge3A_36 = arith.cmpi sge, %iota3A, %ge3A_35 : vector<1x2048xi32>
    %roll3A = arith.constant 1 : i32
    %roll3A_37 = tpu.dynamic_rotate %add3A_34 by %roll3A dim 1 : vector<1x2048xi32>, i32 -> vector<1x2048xi32>
    %jit3A = arith.constant 0 : i32
    %broadcast_in_dim3A_38 = vector.broadcast %jit3A : i32 to vector<1x2048xi32>
    %select_n3A = arith.select %ge3A_36, %roll3A_37, %broadcast_in_dim3A_38 : vector<1x2048xi1>, vector<1x2048xi32>
    %add3A_39 = arith.addi %add3A_34, %select_n3A : vector<1x2048xi32>
    %ge3A_40 = arith.constant 2 : i32
    %ge3A_41 = vector.broadcast %ge3A_40 : i32 to vector<1x2048xi32>
    %ge3A_42 = arith.cmpi sge, %iota3A, %ge3A_41 : vector<1x2048xi32>
    %roll3A_43 = arith.constant 2 : i32
    %roll3A_44 = tpu.dynamic_rotate %add3A_39 by %roll3A_43 dim 1 : vector<1x2048xi32>, i32 -> vector<1x2048xi32>
    %jit3A_45 = arith.constant 0 : i32
    %broadcast_in_dim3A_46 = vector.broadcast %jit3A_45 : i32 to vector<1x2048xi32>
    %select_n3A_47 = arith.select %ge3A_42, %roll3A_44, %broadcast_in_dim3A_46 : vector<1x2048xi1>, vector<1x2048xi32>
    %add3A_48 = arith.addi %add3A_39, %select_n3A_47 : vector<1x2048xi32>
    %ge3A_49 = arith.constant 4 : i32
    %ge3A_50 = vector.broadcast %ge3A_49 : i32 to vector<1x2048xi32>
    %ge3A_51 = arith.cmpi sge, %iota3A, %ge3A_50 : vector<1x2048xi32>
    %roll3A_52 = arith.constant 4 : i32
    %roll3A_53 = tpu.dynamic_rotate %add3A_48 by %roll3A_52 dim 1 : vector<1x2048xi32>, i32 -> vector<1x2048xi32>
    %jit3A_54 = arith.constant 0 : i32
    %broadcast_in_dim3A_55 = vector.broadcast %jit3A_54 : i32 to vector<1x2048xi32>
    %select_n3A_56 = arith.select %ge3A_51, %roll3A_53, %broadcast_in_dim3A_55 : vector<1x2048xi1>, vector<1x2048xi32>
    %add3A_57 = arith.addi %add3A_48, %select_n3A_56 : vector<1x2048xi32>
    %ge3A_58 = arith.constant 8 : i32
    %ge3A_59 = vector.broadcast %ge3A_58 : i32 to vector<1x2048xi32>
    %ge3A_60 = arith.cmpi sge, %iota3A, %ge3A_59 : vector<1x2048xi32>
    %roll3A_61 = arith.constant 8 : i32
    %roll3A_62 = tpu.dynamic_rotate %add3A_57 by %roll3A_61 dim 1 : vector<1x2048xi32>, i32 -> vector<1x2048xi32>
    %jit3A_63 = arith.constant 0 : i32
    %broadcast_in_dim3A_64 = vector.broadcast %jit3A_63 : i32 to vector<1x2048xi32>
    %select_n3A_65 = arith.select %ge3A_60, %roll3A_62, %broadcast_in_dim3A_64 : vector<1x2048xi1>, vector<1x2048xi32>
    %add3A_66 = arith.addi %add3A_57, %select_n3A_65 : vector<1x2048xi32>
    %ge3A_67 = arith.constant 16 : i32
    %ge3A_68 = vector.broadcast %ge3A_67 : i32 to vector<1x2048xi32>
    %ge3A_69 = arith.cmpi sge, %iota3A, %ge3A_68 : vector<1x2048xi32>
    %roll3A_70 = arith.constant 16 : i32
    %roll3A_71 = tpu.dynamic_rotate %add3A_66 by %roll3A_70 dim 1 : vector<1x2048xi32>, i32 -> vector<1x2048xi32>
    %jit3A_72 = arith.constant 0 : i32
    %broadcast_in_dim3A_73 = vector.broadcast %jit3A_72 : i32 to vector<1x2048xi32>
    %select_n3A_74 = arith.select %ge3A_69, %roll3A_71, %broadcast_in_dim3A_73 : vector<1x2048xi1>, vector<1x2048xi32>
    %add3A_75 = arith.addi %add3A_66, %select_n3A_74 : vector<1x2048xi32>
    %ge3A_76 = arith.constant 32 : i32
    %ge3A_77 = vector.broadcast %ge3A_76 : i32 to vector<1x2048xi32>
    %ge3A_78 = arith.cmpi sge, %iota3A, %ge3A_77 : vector<1x2048xi32>
    %roll3A_79 = arith.constant 32 : i32
    %roll3A_80 = tpu.dynamic_rotate %add3A_75 by %roll3A_79 dim 1 : vector<1x2048xi32>, i32 -> vector<1x2048xi32>
    %jit3A_81 = arith.constant 0 : i32
    %broadcast_in_dim3A_82 = vector.broadcast %jit3A_81 : i32 to vector<1x2048xi32>
    %select_n3A_83 = arith.select %ge3A_78, %roll3A_80, %broadcast_in_dim3A_82 : vector<1x2048xi1>, vector<1x2048xi32>
    %add3A_84 = arith.addi %add3A_75, %select_n3A_83 : vector<1x2048xi32>
    %ge3A_85 = arith.constant 64 : i32
    %ge3A_86 = vector.broadcast %ge3A_85 : i32 to vector<1x2048xi32>
    %ge3A_87 = arith.cmpi sge, %iota3A, %ge3A_86 : vector<1x2048xi32>
    %roll3A_88 = arith.constant 64 : i32
    %roll3A_89 = tpu.dynamic_rotate %add3A_84 by %roll3A_88 dim 1 : vector<1x2048xi32>, i32 -> vector<1x2048xi32>
    %jit3A_90 = arith.constant 0 : i32
    %broadcast_in_dim3A_91 = vector.broadcast %jit3A_90 : i32 to vector<1x2048xi32>
    %select_n3A_92 = arith.select %ge3A_87, %roll3A_89, %broadcast_in_dim3A_91 : vector<1x2048xi1>, vector<1x2048xi32>
    %add3A_93 = arith.addi %add3A_84, %select_n3A_92 : vector<1x2048xi32>
    %ge3A_94 = arith.constant 128 : i32
    %ge3A_95 = vector.broadcast %ge3A_94 : i32 to vector<1x2048xi32>
    %ge3A_96 = arith.cmpi sge, %iota3A, %ge3A_95 : vector<1x2048xi32>
    %roll3A_97 = arith.constant 128 : i32
    %roll3A_98 = tpu.dynamic_rotate %add3A_93 by %roll3A_97 dim 1 : vector<1x2048xi32>, i32 -> vector<1x2048xi32>
    %jit3A_99 = arith.constant 0 : i32
    %broadcast_in_dim3A_100 = vector.broadcast %jit3A_99 : i32 to vector<1x2048xi32>
    %select_n3A_101 = arith.select %ge3A_96, %roll3A_98, %broadcast_in_dim3A_100 : vector<1x2048xi1>, vector<1x2048xi32>
    %add3A_102 = arith.addi %add3A_93, %select_n3A_101 : vector<1x2048xi32>
    %ge3A_103 = arith.constant 256 : i32
    %ge3A_104 = vector.broadcast %ge3A_103 : i32 to vector<1x2048xi32>
    %ge3A_105 = arith.cmpi sge, %iota3A, %ge3A_104 : vector<1x2048xi32>
    %roll3A_106 = arith.constant 256 : i32
    %roll3A_107 = tpu.dynamic_rotate %add3A_102 by %roll3A_106 dim 1 : vector<1x2048xi32>, i32 -> vector<1x2048xi32>
    %jit3A_108 = arith.constant 0 : i32
    %broadcast_in_dim3A_109 = vector.broadcast %jit3A_108 : i32 to vector<1x2048xi32>
    %select_n3A_110 = arith.select %ge3A_105, %roll3A_107, %broadcast_in_dim3A_109 : vector<1x2048xi1>, vector<1x2048xi32>
    %add3A_111 = arith.addi %add3A_102, %select_n3A_110 : vector<1x2048xi32>
    %ge3A_112 = arith.constant 512 : i32
    %ge3A_113 = vector.broadcast %ge3A_112 : i32 to vector<1x2048xi32>
    %ge3A_114 = arith.cmpi sge, %iota3A, %ge3A_113 : vector<1x2048xi32>
    %roll3A_115 = arith.constant 512 : i32
    %roll3A_116 = tpu.dynamic_rotate %add3A_111 by %roll3A_115 dim 1 : vector<1x2048xi32>, i32 -> vector<1x2048xi32>
    %jit3A_117 = arith.constant 0 : i32
    %broadcast_in_dim3A_118 = vector.broadcast %jit3A_117 : i32 to vector<1x2048xi32>
    %select_n3A_119 = arith.select %ge3A_114, %roll3A_116, %broadcast_in_dim3A_118 : vector<1x2048xi1>, vector<1x2048xi32>
    %add3A_120 = arith.addi %add3A_111, %select_n3A_119 : vector<1x2048xi32>
    %ge3A_121 = arith.constant 1024 : i32
    %ge3A_122 = vector.broadcast %ge3A_121 : i32 to vector<1x2048xi32>
    %ge3A_123 = arith.cmpi sge, %iota3A, %ge3A_122 : vector<1x2048xi32>
    %roll3A_124 = arith.constant 1024 : i32
    %roll3A_125 = tpu.dynamic_rotate %add3A_120 by %roll3A_124 dim 1 : vector<1x2048xi32>, i32 -> vector<1x2048xi32>
    %jit3A_126 = arith.constant 0 : i32
    %broadcast_in_dim3A_127 = vector.broadcast %jit3A_126 : i32 to vector<1x2048xi32>
    %select_n3A_128 = arith.select %ge3A_123, %roll3A_125, %broadcast_in_dim3A_127 : vector<1x2048xi1>, vector<1x2048xi32>
    %add3A_129 = arith.addi %add3A_120, %select_n3A_128 : vector<1x2048xi32>
    %reduce_sum3A_130 = vector.shape_cast %add3A_34 : vector<1x2048xi32> to vector<1x1x2048xi32>
    %reduce_sum3A_131 = arith.constant dense<0> : vector<1xi32>
    %reduce_sum3A_132 = vector.multi_reduction <add>, %reduce_sum3A_130, %reduce_sum3A_131 [1, 2] : vector<1x1x2048xi32> to vector<1xi32>
    %reduce_sum3A_133 = vector.shape_cast %reduce_sum3A_132 : vector<1xi32> to vector<1x1x1xi32>
    %reduce_sum3A_134 = vector.extract %reduce_sum3A_133[0, 0, 0] : i32 from vector<1x1x1xi32>
    %sub3A = vector.broadcast %reduce_sum3A_134 : i32 to vector<1x2048xi32>
    %sub3A_135 = arith.subi %sub3A, %add3A_129 : vector<1x2048xi32>
    %add3A_136 = arith.addi %sub3A_135, %add3A_34 : vector<1x2048xi32>
    %get3A_137 = arith.constant 0 : index
    %get3A_138 = arith.constant 0 : index
    %get3A_139 = memref.load %arg2[%get3A_137, %get3A_138] : memref<1x1xi32, #tpu.memory_space<smem>>
    %ge3A_140 = vector.broadcast %get3A_139 : i32 to vector<1x2048xi32>
    %ge3A_141 = arith.cmpi sge, %add3A_136, %ge3A_140 : vector<1x2048xi32>
    %jit3A_142 = arith.constant -1 : i32
    %broadcast_in_dim3A_143 = vector.broadcast %jit3A_142 : i32 to vector<1x2048xi32>
    %select_n3A_144 = arith.select %ge3A_141, %iota3A, %broadcast_in_dim3A_143 : vector<1x2048xi1>, vector<1x2048xi32>
    %reduce_max3A = vector.shape_cast %select_n3A_144 : vector<1x2048xi32> to vector<1x1x2048xi32>
    %reduce_max3A_145 = arith.constant dense<-2147483648> : vector<1xi32>
    %reduce_max3A_146 = vector.multi_reduction <maxsi>, %reduce_max3A, %reduce_max3A_145 [1, 2] : vector<1x1x2048xi32> to vector<1xi32>
    %reduce_max3A_147 = vector.shape_cast %reduce_max3A_146 : vector<1xi32> to vector<1x1x1xi32>
    %reduce_max3A_148 = vector.extract %reduce_max3A_147[0, 0, 0] : i32 from vector<1x1x1xi32>
    %eq3A = vector.broadcast %reduce_max3A_148 : i32 to vector<1x2048xi32>
    %eq3A_149 = arith.cmpi eq, %iota3A, %eq3A : vector<1x2048xi32>
    %jit3A_150 = arith.constant 0 : i32
    %broadcast_in_dim3A_151 = vector.broadcast %jit3A_150 : i32 to vector<1x2048xi32>
    %select_n3A_152 = arith.select %eq3A_149, %add3A_34, %broadcast_in_dim3A_151 : vector<1x2048xi1>, vector<1x2048xi32>
    %reduce_sum3A_153 = vector.shape_cast %select_n3A_152 : vector<1x2048xi32> to vector<1x1x2048xi32>
    %reduce_sum3A_154 = arith.constant dense<0> : vector<1xi32>
    %reduce_sum3A_155 = vector.multi_reduction <add>, %reduce_sum3A_153, %reduce_sum3A_154 [1, 2] : vector<1x1x2048xi32> to vector<1xi32>
    %reduce_sum3A_156 = vector.shape_cast %reduce_sum3A_155 : vector<1xi32> to vector<1x1x1xi32>
    %reduce_sum3A_157 = vector.extract %reduce_sum3A_156[0, 0, 0] : i32 from vector<1x1x1xi32>
    %eq3A_158 = vector.broadcast %reduce_max3A_148 : i32 to vector<1x2048xi32>
    %eq3A_159 = arith.cmpi eq, %iota3A, %eq3A_158 : vector<1x2048xi32>
    %jit3A_160 = arith.constant 0 : i32
    %broadcast_in_dim3A_161 = vector.broadcast %jit3A_160 : i32 to vector<1x2048xi32>
    %select_n3A_162 = arith.select %eq3A_159, %add3A_136, %broadcast_in_dim3A_161 : vector<1x2048xi1>, vector<1x2048xi32>
    %reduce_sum3A_163 = vector.shape_cast %select_n3A_162 : vector<1x2048xi32> to vector<1x1x2048xi32>
    %reduce_sum3A_164 = arith.constant dense<0> : vector<1xi32>
    %reduce_sum3A_165 = vector.multi_reduction <add>, %reduce_sum3A_163, %reduce_sum3A_164 [1, 2] : vector<1x1x2048xi32> to vector<1xi32>
    %reduce_sum3A_166 = vector.shape_cast %reduce_sum3A_165 : vector<1xi32> to vector<1x1x1xi32>
    %reduce_sum3A_167 = vector.extract %reduce_sum3A_166[0, 0, 0] : i32 from vector<1x1x1xi32>
    %get3A_168 = arith.constant 0 : index
    %get3A_169 = arith.constant 0 : index
    %get3A_170 = memref.load %arg1[%get3A_168, %get3A_169] : memref<1x1xi32, #tpu.memory_space<smem>>
    %shift_left3A = arith.constant 20 : i32
    %shift_left3A_171 = arith.shli %reduce_max3A_148, %shift_left3A : i32
    %add3A_172 = arith.addi %get3A_170, %shift_left3A_171 : i32
    %sub3A_173 = arith.subi %reduce_sum3A_167, %reduce_sum3A_157 : i32
    %sub3A_174 = arith.subi %get3A_139, %sub3A_173 : i32
    %swap3A = arith.constant 0 : index
    %swap3A_175 = arith.constant 0 : index
    %swap3A_176 = memref.load %arg3[%swap3A, %swap3A_175] : memref<1x1xi32, #tpu.memory_space<smem>>
    memref.store %add3A_172, %arg3[%swap3A, %swap3A_175] : memref<1x1xi32, #tpu.memory_space<smem>>
    %swap3A_177 = arith.constant 0 : index
    %swap3A_178 = arith.constant 0 : index
    %swap3A_179 = memref.load %arg4[%swap3A_177, %swap3A_178] : memref<1x1xi32, #tpu.memory_space<smem>>
    memref.store %sub3A_174, %arg4[%swap3A_177, %swap3A_178] : memref<1x1xi32, #tpu.memory_space<smem>>
    %shift_right_arithmetic3A = arith.constant 10 : i32
    %shift_right_arithmetic3A_180 = arith.shrsi %add3A_172, %shift_right_arithmetic3A : i32
    %broadcast_in_dim3A_181 = vector.broadcast %shift_right_arithmetic3A_180 : i32 to vector<1x16xi32>
    %swap3A_182 = arith.constant 0 : index
    %swap3A_183 = arith.constant 0 : index
    %swap3A_184 = vector.load %arg5[%swap3A_182, %swap3A_183] : memref<1x16xi32, #tpu.memory_space<vmem>>, vector<1x16xi32>
    tpu.vector_store %arg5[%swap3A_182, %swap3A_183], %broadcast_in_dim3A_181 {strides = array<i32>} : memref<1x16xi32, #tpu.memory_space<vmem>>, vector<1x16xi32>,
    return
  }
}

module attributes {stable_mosaic.version = 14 : i64} {
  func.func @_sel_body(%arg0: memref<32x32768xi32, #tpu.memory_space<vmem>>, %arg1: memref<1x1xi32, #tpu.memory_space<smem>>, %arg2: memref<1x1xi32, #tpu.memory_space<smem>>, %arg3: memref<1x1xf32, #tpu.memory_space<smem>>) attributes {dimension_semantics = [], scalar_prefetch = 0 : i64, scratch_operands = 0 : i64, tpu.core_type = #tpu.core_type<tc>} {
    %get3A = arith.constant 0 : index
    %get3A_0 = arith.constant 0 : index
    %get3A_1 = vector.load %arg0[%get3A, %get3A_0] : memref<32x32768xi32, #tpu.memory_space<vmem>>, vector<32x32768xi32>
    %reduce_sum3A = arith.constant dense<0> : vector<32768xi32>
    %reduce_sum3A_2 = vector.multi_reduction <add>, %get3A_1, %reduce_sum3A [0] : vector<32x32768xi32> to vector<32768xi32>
    %broadcast_in_dim3A = vector.shape_cast %reduce_sum3A_2 : vector<32768xi32> to vector<1x32768xi32>
    %broadcast_in_dim3A_3 = arith.constant 0 : i32
    %broadcast_in_dim3A_4 = vector.broadcast %broadcast_in_dim3A_3 : i32 to vector<1x2048xi32>
    %slice3A = vector.extract_strided_slice %broadcast_in_dim3A {offsets = [0, 0], sizes = [1, 2048], strides = [1, 1]} : vector<1x32768xi32> to vector<1x2048xi32>
    %add3A = arith.addi %broadcast_in_dim3A_4, %slice3A : vector<1x2048xi32>
    %slice3A_5 = vector.extract_strided_slice %broadcast_in_dim3A {offsets = [0, 2048], sizes = [1, 2048], strides = [1, 1]} : vector<1x32768xi32> to vector<1x2048xi32>
    %add3A_6 = arith.addi %add3A, %slice3A_5 : vector<1x2048xi32>
    %slice3A_7 = vector.extract_strided_slice %broadcast_in_dim3A {offsets = [0, 4096], sizes = [1, 2048], strides = [1, 1]} : vector<1x32768xi32> to vector<1x2048xi32>
    %add3A_8 = arith.addi %add3A_6, %slice3A_7 : vector<1x2048xi32>
    %slice3A_9 = vector.extract_strided_slice %broadcast_in_dim3A {offsets = [0, 6144], sizes = [1, 2048], strides = [1, 1]} : vector<1x32768xi32> to vector<1x2048xi32>
    %add3A_10 = arith.addi %add3A_8, %slice3A_9 : vector<1x2048xi32>
    %slice3A_11 = vector.extract_strided_slice %broadcast_in_dim3A {offsets = [0, 8192], sizes = [1, 2048], strides = [1, 1]} : vector<1x32768xi32> to vector<1x2048xi32>
    %add3A_12 = arith.addi %add3A_10, %slice3A_11 : vector<1x2048xi32>
    %slice3A_13 = vector.extract_strided_slice %broadcast_in_dim3A {offsets = [0, 10240], sizes = [1, 2048], strides = [1, 1]} : vector<1x32768xi32> to vector<1x2048xi32>
    %add3A_14 = arith.addi %add3A_12, %slice3A_13 : vector<1x2048xi32>
    %slice3A_15 = vector.extract_strided_slice %broadcast_in_dim3A {offsets = [0, 12288], sizes = [1, 2048], strides = [1, 1]} : vector<1x32768xi32> to vector<1x2048xi32>
    %add3A_16 = arith.addi %add3A_14, %slice3A_15 : vector<1x2048xi32>
    %slice3A_17 = vector.extract_strided_slice %broadcast_in_dim3A {offsets = [0, 14336], sizes = [1, 2048], strides = [1, 1]} : vector<1x32768xi32> to vector<1x2048xi32>
    %add3A_18 = arith.addi %add3A_16, %slice3A_17 : vector<1x2048xi32>
    %slice3A_19 = vector.extract_strided_slice %broadcast_in_dim3A {offsets = [0, 16384], sizes = [1, 2048], strides = [1, 1]} : vector<1x32768xi32> to vector<1x2048xi32>
    %add3A_20 = arith.addi %add3A_18, %slice3A_19 : vector<1x2048xi32>
    %slice3A_21 = vector.extract_strided_slice %broadcast_in_dim3A {offsets = [0, 18432], sizes = [1, 2048], strides = [1, 1]} : vector<1x32768xi32> to vector<1x2048xi32>
    %add3A_22 = arith.addi %add3A_20, %slice3A_21 : vector<1x2048xi32>
    %slice3A_23 = vector.extract_strided_slice %broadcast_in_dim3A {offsets = [0, 20480], sizes = [1, 2048], strides = [1, 1]} : vector<1x32768xi32> to vector<1x2048xi32>
    %add3A_24 = arith.addi %add3A_22, %slice3A_23 : vector<1x2048xi32>
    %slice3A_25 = vector.extract_strided_slice %broadcast_in_dim3A {offsets = [0, 22528], sizes = [1, 2048], strides = [1, 1]} : vector<1x32768xi32> to vector<1x2048xi32>
    %add3A_26 = arith.addi %add3A_24, %slice3A_25 : vector<1x2048xi32>
    %slice3A_27 = vector.extract_strided_slice %broadcast_in_dim3A {offsets = [0, 24576], sizes = [1, 2048], strides = [1, 1]} : vector<1x32768xi32> to vector<1x2048xi32>
    %add3A_28 = arith.addi %add3A_26, %slice3A_27 : vector<1x2048xi32>
    %slice3A_29 = vector.extract_strided_slice %broadcast_in_dim3A {offsets = [0, 26624], sizes = [1, 2048], strides = [1, 1]} : vector<1x32768xi32> to vector<1x2048xi32>
    %add3A_30 = arith.addi %add3A_28, %slice3A_29 : vector<1x2048xi32>
    %slice3A_31 = vector.extract_strided_slice %broadcast_in_dim3A {offsets = [0, 28672], sizes = [1, 2048], strides = [1, 1]} : vector<1x32768xi32> to vector<1x2048xi32>
    %add3A_32 = arith.addi %add3A_30, %slice3A_31 : vector<1x2048xi32>
    %slice3A_33 = vector.extract_strided_slice %broadcast_in_dim3A {offsets = [0, 30720], sizes = [1, 2048], strides = [1, 1]} : vector<1x32768xi32> to vector<1x2048xi32>
    %add3A_34 = arith.addi %add3A_32, %slice3A_33 : vector<1x2048xi32>
    %iota3A = tpu.iota {dimensions = array<i32: 1>} : vector<1x2048xi32>
    %ge3A = arith.constant 1 : i32
    %ge3A_35 = vector.broadcast %ge3A : i32 to vector<1x2048xi32>
    %ge3A_36 = arith.cmpi sge, %iota3A, %ge3A_35 : vector<1x2048xi32>
    %roll3A = arith.constant 1 : i32
    %roll3A_37 = tpu.dynamic_rotate %add3A_34 by %roll3A dim 1 : vector<1x2048xi32>, i32 -> vector<1x2048xi32>
    %jit3A = arith.constant 0 : i32
    %broadcast_in_dim3A_38 = vector.broadcast %jit3A : i32 to vector<1x2048xi32>
    %select_n3A = arith.select %ge3A_36, %roll3A_37, %broadcast_in_dim3A_38 : vector<1x2048xi1>, vector<1x2048xi32>
    %add3A_39 = arith.addi %add3A_34, %select_n3A : vector<1x2048xi32>
    %ge3A_40 = arith.constant 2 : i32
    %ge3A_41 = vector.broadcast %ge3A_40 : i32 to vector<1x2048xi32>
    %ge3A_42 = arith.cmpi sge, %iota3A, %ge3A_41 : vector<1x2048xi32>
    %roll3A_43 = arith.constant 2 : i32
    %roll3A_44 = tpu.dynamic_rotate %add3A_39 by %roll3A_43 dim 1 : vector<1x2048xi32>, i32 -> vector<1x2048xi32>
    %jit3A_45 = arith.constant 0 : i32
    %broadcast_in_dim3A_46 = vector.broadcast %jit3A_45 : i32 to vector<1x2048xi32>
    %select_n3A_47 = arith.select %ge3A_42, %roll3A_44, %broadcast_in_dim3A_46 : vector<1x2048xi1>, vector<1x2048xi32>
    %add3A_48 = arith.addi %add3A_39, %select_n3A_47 : vector<1x2048xi32>
    %ge3A_49 = arith.constant 4 : i32
    %ge3A_50 = vector.broadcast %ge3A_49 : i32 to vector<1x2048xi32>
    %ge3A_51 = arith.cmpi sge, %iota3A, %ge3A_50 : vector<1x2048xi32>
    %roll3A_52 = arith.constant 4 : i32
    %roll3A_53 = tpu.dynamic_rotate %add3A_48 by %roll3A_52 dim 1 : vector<1x2048xi32>, i32 -> vector<1x2048xi32>
    %jit3A_54 = arith.constant 0 : i32
    %broadcast_in_dim3A_55 = vector.broadcast %jit3A_54 : i32 to vector<1x2048xi32>
    %select_n3A_56 = arith.select %ge3A_51, %roll3A_53, %broadcast_in_dim3A_55 : vector<1x2048xi1>, vector<1x2048xi32>
    %add3A_57 = arith.addi %add3A_48, %select_n3A_56 : vector<1x2048xi32>
    %ge3A_58 = arith.constant 8 : i32
    %ge3A_59 = vector.broadcast %ge3A_58 : i32 to vector<1x2048xi32>
    %ge3A_60 = arith.cmpi sge, %iota3A, %ge3A_59 : vector<1x2048xi32>
    %roll3A_61 = arith.constant 8 : i32
    %roll3A_62 = tpu.dynamic_rotate %add3A_57 by %roll3A_61 dim 1 : vector<1x2048xi32>, i32 -> vector<1x2048xi32>
    %jit3A_63 = arith.constant 0 : i32
    %broadcast_in_dim3A_64 = vector.broadcast %jit3A_63 : i32 to vector<1x2048xi32>
    %select_n3A_65 = arith.select %ge3A_60, %roll3A_62, %broadcast_in_dim3A_64 : vector<1x2048xi1>, vector<1x2048xi32>
    %add3A_66 = arith.addi %add3A_57, %select_n3A_65 : vector<1x2048xi32>
    %ge3A_67 = arith.constant 16 : i32
    %ge3A_68 = vector.broadcast %ge3A_67 : i32 to vector<1x2048xi32>
    %ge3A_69 = arith.cmpi sge, %iota3A, %ge3A_68 : vector<1x2048xi32>
    %roll3A_70 = arith.constant 16 : i32
    %roll3A_71 = tpu.dynamic_rotate %add3A_66 by %roll3A_70 dim 1 : vector<1x2048xi32>, i32 -> vector<1x2048xi32>
    %jit3A_72 = arith.constant 0 : i32
    %broadcast_in_dim3A_73 = vector.broadcast %jit3A_72 : i32 to vector<1x2048xi32>
    %select_n3A_74 = arith.select %ge3A_69, %roll3A_71, %broadcast_in_dim3A_73 : vector<1x2048xi1>, vector<1x2048xi32>
    %add3A_75 = arith.addi %add3A_66, %select_n3A_74 : vector<1x2048xi32>
    %ge3A_76 = arith.constant 32 : i32
    %ge3A_77 = vector.broadcast %ge3A_76 : i32 to vector<1x2048xi32>
    %ge3A_78 = arith.cmpi sge, %iota3A, %ge3A_77 : vector<1x2048xi32>
    %roll3A_79 = arith.constant 32 : i32
    %roll3A_80 = tpu.dynamic_rotate %add3A_75 by %roll3A_79 dim 1 : vector<1x2048xi32>, i32 -> vector<1x2048xi32>
    %jit3A_81 = arith.constant 0 : i32
    %broadcast_in_dim3A_82 = vector.broadcast %jit3A_81 : i32 to vector<1x2048xi32>
    %select_n3A_83 = arith.select %ge3A_78, %roll3A_80, %broadcast_in_dim3A_82 : vector<1x2048xi1>, vector<1x2048xi32>
    %add3A_84 = arith.addi %add3A_75, %select_n3A_83 : vector<1x2048xi32>
    %ge3A_85 = arith.constant 64 : i32
    %ge3A_86 = vector.broadcast %ge3A_85 : i32 to vector<1x2048xi32>
    %ge3A_87 = arith.cmpi sge, %iota3A, %ge3A_86 : vector<1x2048xi32>
    %roll3A_88 = arith.constant 64 : i32
    %roll3A_89 = tpu.dynamic_rotate %add3A_84 by %roll3A_88 dim 1 : vector<1x2048xi32>, i32 -> vector<1x2048xi32>
    %jit3A_90 = arith.constant 0 : i32
    %broadcast_in_dim3A_91 = vector.broadcast %jit3A_90 : i32 to vector<1x2048xi32>
    %select_n3A_92 = arith.select %ge3A_87, %roll3A_89, %broadcast_in_dim3A_91 : vector<1x2048xi1>, vector<1x2048xi32>
    %add3A_93 = arith.addi %add3A_84, %select_n3A_92 : vector<1x2048xi32>
    %ge3A_94 = arith.constant 128 : i32
    %ge3A_95 = vector.broadcast %ge3A_94 : i32 to vector<1x2048xi32>
    %ge3A_96 = arith.cmpi sge, %iota3A, %ge3A_95 : vector<1x2048xi32>
    %roll3A_97 = arith.constant 128 : i32
    %roll3A_98 = tpu.dynamic_rotate %add3A_93 by %roll3A_97 dim 1 : vector<1x2048xi32>, i32 -> vector<1x2048xi32>
    %jit3A_99 = arith.constant 0 : i32
    %broadcast_in_dim3A_100 = vector.broadcast %jit3A_99 : i32 to vector<1x2048xi32>
    %select_n3A_101 = arith.select %ge3A_96, %roll3A_98, %broadcast_in_dim3A_100 : vector<1x2048xi1>, vector<1x2048xi32>
    %add3A_102 = arith.addi %add3A_93, %select_n3A_101 : vector<1x2048xi32>
    %ge3A_103 = arith.constant 256 : i32
    %ge3A_104 = vector.broadcast %ge3A_103 : i32 to vector<1x2048xi32>
    %ge3A_105 = arith.cmpi sge, %iota3A, %ge3A_104 : vector<1x2048xi32>
    %roll3A_106 = arith.constant 256 : i32
    %roll3A_107 = tpu.dynamic_rotate %add3A_102 by %roll3A_106 dim 1 : vector<1x2048xi32>, i32 -> vector<1x2048xi32>
    %jit3A_108 = arith.constant 0 : i32
    %broadcast_in_dim3A_109 = vector.broadcast %jit3A_108 : i32 to vector<1x2048xi32>
    %select_n3A_110 = arith.select %ge3A_105, %roll3A_107, %broadcast_in_dim3A_109 : vector<1x2048xi1>, vector<1x2048xi32>
    %add3A_111 = arith.addi %add3A_102, %select_n3A_110 : vector<1x2048xi32>
    %ge3A_112 = arith.constant 512 : i32
    %ge3A_113 = vector.broadcast %ge3A_112 : i32 to vector<1x2048xi32>
    %ge3A_114 = arith.cmpi sge, %iota3A, %ge3A_113 : vector<1x2048xi32>
    %roll3A_115 = arith.constant 512 : i32
    %roll3A_116 = tpu.dynamic_rotate %add3A_111 by %roll3A_115 dim 1 : vector<1x2048xi32>, i32 -> vector<1x2048xi32>
    %jit3A_117 = arith.constant 0 : i32
    %broadcast_in_dim3A_118 = vector.broadcast %jit3A_117 : i32 to vector<1x2048xi32>
    %select_n3A_119 = arith.select %ge3A_114, %roll3A_116, %broadcast_in_dim3A_118 : vector<1x2048xi1>, vector<1x2048xi32>
    %add3A_120 = arith.addi %add3A_111, %select_n3A_119 : vector<1x2048xi32>
    %ge3A_121 = arith.constant 1024 : i32
    %ge3A_122 = vector.broadcast %ge3A_121 : i32 to vector<1x2048xi32>
    %ge3A_123 = arith.cmpi sge, %iota3A, %ge3A_122 : vector<1x2048xi32>
    %roll3A_124 = arith.constant 1024 : i32
    %roll3A_125 = tpu.dynamic_rotate %add3A_120 by %roll3A_124 dim 1 : vector<1x2048xi32>, i32 -> vector<1x2048xi32>
    %jit3A_126 = arith.constant 0 : i32
    %broadcast_in_dim3A_127 = vector.broadcast %jit3A_126 : i32 to vector<1x2048xi32>
    %select_n3A_128 = arith.select %ge3A_123, %roll3A_125, %broadcast_in_dim3A_127 : vector<1x2048xi1>, vector<1x2048xi32>
    %add3A_129 = arith.addi %add3A_120, %select_n3A_128 : vector<1x2048xi32>
    %reduce_sum3A_130 = vector.shape_cast %add3A_34 : vector<1x2048xi32> to vector<1x1x2048xi32>
    %reduce_sum3A_131 = arith.constant dense<0> : vector<1xi32>
    %reduce_sum3A_132 = vector.multi_reduction <add>, %reduce_sum3A_130, %reduce_sum3A_131 [1, 2] : vector<1x1x2048xi32> to vector<1xi32>
    %reduce_sum3A_133 = vector.shape_cast %reduce_sum3A_132 : vector<1xi32> to vector<1x1x1xi32>
    %reduce_sum3A_134 = vector.extract %reduce_sum3A_133[0, 0, 0] : i32 from vector<1x1x1xi32>
    %sub3A = vector.broadcast %reduce_sum3A_134 : i32 to vector<1x2048xi32>
    %sub3A_135 = arith.subi %sub3A, %add3A_129 : vector<1x2048xi32>
    %add3A_136 = arith.addi %sub3A_135, %add3A_34 : vector<1x2048xi32>
    %get3A_137 = arith.constant 0 : index
    %get3A_138 = arith.constant 0 : index
    %get3A_139 = memref.load %arg2[%get3A_137, %get3A_138] : memref<1x1xi32, #tpu.memory_space<smem>>
    %ge3A_140 = vector.broadcast %get3A_139 : i32 to vector<1x2048xi32>
    %ge3A_141 = arith.cmpi sge, %add3A_136, %ge3A_140 : vector<1x2048xi32>
    %jit3A_142 = arith.constant -1 : i32
    %broadcast_in_dim3A_143 = vector.broadcast %jit3A_142 : i32 to vector<1x2048xi32>
    %select_n3A_144 = arith.select %ge3A_141, %iota3A, %broadcast_in_dim3A_143 : vector<1x2048xi1>, vector<1x2048xi32>
    %reduce_max3A = vector.shape_cast %select_n3A_144 : vector<1x2048xi32> to vector<1x1x2048xi32>
    %reduce_max3A_145 = arith.constant dense<-2147483648> : vector<1xi32>
    %reduce_max3A_146 = vector.multi_reduction <maxsi>, %reduce_max3A, %reduce_max3A_145 [1, 2] : vector<1x1x2048xi32> to vector<1xi32>
    %reduce_max3A_147 = vector.shape_cast %reduce_max3A_146 : vector<1xi32> to vector<1x1x1xi32>
    %reduce_max3A_148 = vector.extract %reduce_max3A_147[0, 0, 0] : i32 from vector<1x1x1xi32>
    %get3A_149 = arith.constant 0 : index
    %get3A_150 = arith.constant 0 : index
    %get3A_151 = memref.load %arg1[%get3A_149, %get3A_150] : memref<1x1xi32, #tpu.memory_space<smem>>
    %shift_left3A = arith.constant 0 : i32
    %shift_left3A_152 = arith.shli %reduce_max3A_148, %shift_left3A : i32
    %add3A_153 = arith.addi %get3A_151, %shift_left3A_152 : i32
    %bitcast_convert_type3A = arith.bitcast %add3A_153 : i32 to f32
    %swap3A = arith.constant 0 : index
    %swap3A_154 = arith.constant 0 : index
    %swap3A_155 = memref.load %arg3[%swap3A, %swap3A_154] : memref<1x1xf32, #tpu.memory_space<smem>>
    memref.store %bitcast_convert_type3A, %arg3[%swap3A, %swap3A_154] : memref<1x1xf32, #tpu.memory_space<smem>>
    return
  }
}

module attributes {stable_mosaic.version = 14 : i64} {
  func.func @_dec_body(%arg0: i32, %arg1: memref<4096x256xf32, #tpu.memory_space<vmem>>, %arg2: memref<256x768xf32, #tpu.memory_space<vmem>>, %arg3: memref<1x768xf32, #tpu.memory_space<vmem>>, %arg4: memref<1x1xf32, #tpu.memory_space<smem>>, %arg5: memref<4096x256xf32, #tpu.memory_space<vmem>>, %arg6: memref<4096x768xf32, #tpu.memory_space<vmem>>) attributes {dimension_semantics = [#tpu.dimension_semantics<arbitrary>], iteration_bounds = array<i64: 64>, scalar_prefetch = 0 : i64, scratch_operands = 0 : i64, tpu.core_type = #tpu.core_type<tc>, window_params = [{transform_indices = @transform_0, window_bounds = array<i64: 4096, 256>}, {transform_indices = @transform_1, window_bounds = array<i64: 256, 768>}, {pipeline_mode = #tpu.pipeline_mode<synchronous>, transform_indices = @transform_2, window_bounds = array<i64: 1, 768>}, {transform_indices = @transform_3, window_bounds = array<i64: 1, 1>}, {transform_indices = @transform_4, window_bounds = array<i64: 4096, 256>}, {pipeline_mode = #tpu.pipeline_mode<synchronous>, transform_indices = @transform_5, window_bounds = array<i64: 4096, 768>}]} {
    %get3A = arith.constant 0 : index
    %get3A_0 = arith.constant 0 : index
    %get3A_1 = memref.load %arg4[%get3A, %get3A_0] : memref<1x1xf32, #tpu.memory_space<smem>>
    %get3A_2 = arith.constant 0 : index
    %get3A_3 = arith.constant 0 : index
    %get3A_4 = vector.load %arg1[%get3A_2, %get3A_3] : memref<4096x256xf32, #tpu.memory_space<vmem>>, vector<4096x256xf32>
    %ge3A = vector.broadcast %get3A_1 : f32 to vector<4096x256xf32>
    %ge3A_5 = arith.cmpf oge, %get3A_4, %ge3A : vector<4096x256xf32>
    %jit3A = arith.constant 0.000000e+00 : f32
    %broadcast_in_dim3A = vector.broadcast %jit3A : f32 to vector<4096x256xf32>
    %select_n3A = arith.select %ge3A_5, %get3A_4, %broadcast_in_dim3A : vector<4096x256xi1>, vector<4096x256xf32>
    %swap3A = arith.constant 0 : index
    %swap3A_6 = arith.constant 0 : index
    %swap3A_7 = vector.load %arg5[%swap3A, %swap3A_6] : memref<4096x256xf32, #tpu.memory_space<vmem>>, vector<4096x256xf32>
    tpu.vector_store %arg5[%swap3A, %swap3A_6], %select_n3A {strides = array<i32>} : memref<4096x256xf32, #tpu.memory_space<vmem>>, vector<4096x256xf32>,
    %eq3A = arith.constant 0 : i32
    %eq3A_8 = arith.cmpi eq, %arg0, %eq3A : i32
    %convert_element_type3A = arith.extui %eq3A_8 : i1 to i32
    %cond3A = arith.constant 0 : i32
    %cond3A_9 = arith.cmpi ne, %convert_element_type3A, %cond3A : i32
    scf.if %cond3A_9 {
      %get3A_20 = arith.constant 0 : index
      %get3A_21 = arith.constant 0 : index
      %get3A_22 = vector.load %arg3[%get3A_20, %get3A_21] : memref<1x768xf32, #tpu.memory_space<vmem>>, vector<1x768xf32>
      %broadcast_in_dim3A_23 = vector.shape_cast %get3A_22 : vector<1x768xf32> to vector<1x768xf32>
      %broadcast_in_dim3A_24 = vector.broadcast %broadcast_in_dim3A_23 : vector<1x768xf32> to vector<4096x768xf32>
      %swap3A_25 = arith.constant 0 : index
      %swap3A_26 = arith.constant 0 : index
      %swap3A_27 = vector.load %arg6[%swap3A_25, %swap3A_26] : memref<4096x768xf32, #tpu.memory_space<vmem>>, vector<4096x768xf32>
      tpu.vector_store %arg6[%swap3A_25, %swap3A_26], %broadcast_in_dim3A_24 {strides = array<i32>} : memref<4096x768xf32, #tpu.memory_space<vmem>>, vector<4096x768xf32>,
    } else {
    }
    %get3A_10 = arith.constant 0 : index
    %get3A_11 = arith.constant 0 : index
    %get3A_12 = vector.load %arg6[%get3A_10, %get3A_11] : memref<4096x768xf32, #tpu.memory_space<vmem>>, vector<4096x768xf32>
    %get3A_13 = arith.constant 0 : index
    %get3A_14 = arith.constant 0 : index
    %get3A_15 = vector.load %arg2[%get3A_13, %get3A_14] : memref<256x768xf32, #tpu.memory_space<vmem>>, vector<256x768xf32>
    %dot_general3A = arith.constant dense<0.000000e+00> : vector<4096x768xf32>
    %dot_general3A_16 = tpu.matmul %select_n3A, %get3A_15, %dot_general3A {dimension_numbers = #tpu.dot_dimension_numbers<[1], [0], [0], [1], [0, 0, 1, 1], [], []>, transpose_lhs_hint = false} : vector<4096x256xf32>, vector<256x768xf32>, vector<4096x768xf32> -> vector<4096x768xf32>
    %add3A = arith.addf %get3A_12, %dot_general3A_16 : vector<4096x768xf32>
    %swap3A_17 = arith.constant 0 : index
    %swap3A_18 = arith.constant 0 : index
    %swap3A_19 = vector.load %arg6[%swap3A_17, %swap3A_18] : memref<4096x768xf32, #tpu.memory_space<vmem>>, vector<4096x768xf32>
    tpu.vector_store %arg6[%swap3A_17, %swap3A_18], %add3A {strides = array<i32>} : memref<4096x768xf32, #tpu.memory_space<vmem>>, vector<4096x768xf32>,
    return
  }
  func.func @transform_0(%arg0: i32) -> (i32, i32) {
    %c0_i32 = arith.constant 0 : i32
    %c0_i32_0 = arith.constant 0 : i32
    return %c0_i32, %arg0 : i32, i32
  }
  func.func @transform_1(%arg0: i32) -> (i32, i32) {
    %c0_i32 = arith.constant 0 : i32
    %c0_i32_0 = arith.constant 0 : i32
    return %arg0, %c0_i32 : i32, i32
  }
  func.func @transform_2(%arg0: i32) -> (i32, i32) {
    %c0_i32 = arith.constant 0 : i32
    %c0_i32_0 = arith.constant 0 : i32
    %c0_i32_1 = arith.constant 0 : i32
    return %c0_i32, %c0_i32_0 : i32, i32
  }
  func.func @transform_3(%arg0: i32) -> (i32, i32) {
    %c0_i32 = arith.constant 0 : i32
    %c0_i32_0 = arith.constant 0 : i32
    %c0_i32_1 = arith.constant 0 : i32
    return %c0_i32, %c0_i32_0 : i32, i32
  }
  func.func @transform_4(%arg0: i32) -> (i32, i32) {
    %c0_i32 = arith.constant 0 : i32
    %c0_i32_0 = arith.constant 0 : i32
    return %c0_i32, %arg0 : i32, i32
  }
  func.func @transform_5(%arg0: i32) -> (i32, i32) {
    %c0_i32 = arith.constant 0 : i32
    %c0_i32_0 = arith.constant 0 : i32
    %c0_i32_1 = arith.constant 0 : i32
    return %c0_i32, %c0_i32_0 : i32, i32
  }
}

module attributes {stable_mosaic.version = 14 : i64} {
  func.func @_fin_body(%arg0: i32, %arg1: memref<512x768xf32, #tpu.memory_space<vmem>>, %arg2: memref<512x768xf32, #tpu.memory_space<vmem>>, %arg3: memref<512x1xf32, #tpu.memory_space<vmem>>, %arg4: memref<512x1xf32, #tpu.memory_space<vmem>>, %arg5: memref<1x1xf32, #tpu.memory_space<smem>>, %arg6: memref<1x1xf32, #tpu.memory_space<smem>>, %arg7: memref<512x768xf32, #tpu.memory_space<vmem>>, %arg8: memref<1x1xf32, #tpu.memory_space<smem>>, %arg9: memref<1x1xf32, #tpu.memory_space<smem>>, %arg10: memref<1x1xf32, #tpu.memory_space<smem>>, %arg11: memref<1x1xf32, #tpu.memory_space<smem>>, %arg12: memref<1x1xf32, #tpu.memory_space<smem>>, %arg13: memref<1x1xf32, #tpu.memory_space<smem>>, %arg14: memref<1x1xf32, #tpu.memory_space<smem>>, %arg15: memref<1x1xf32, #tpu.memory_space<smem>>, %arg16: memref<1x1xf32, #tpu.memory_space<smem>>) attributes {dimension_semantics = [#tpu.dimension_semantics<arbitrary>], iteration_bounds = array<i64: 8>, scalar_prefetch = 0 : i64, scratch_operands = 3 : i64, tpu.core_type = #tpu.core_type<tc>, window_params = [{transform_indices = @transform_0, window_bounds = array<i64: 512, 768>}, {transform_indices = @transform_1, window_bounds = array<i64: 512, 768>}, {transform_indices = @transform_2, window_bounds = array<i64: 512, 1>}, {transform_indices = @transform_3, window_bounds = array<i64: 512, 1>}, {transform_indices = @transform_4, window_bounds = array<i64: 1, 1>}, {transform_indices = @transform_5, window_bounds = array<i64: 1, 1>}, {transform_indices = @transform_6, window_bounds = array<i64: 512, 768>}, {transform_indices = @transform_7, window_bounds = array<i64: 1, 1>}, {transform_indices = @transform_8, window_bounds = array<i64: 1, 1>}, {transform_indices = @transform_9, window_bounds = array<i64: 1, 1>}, {transform_indices = @transform_10, window_bounds = array<i64: 1, 1>}, {transform_indices = @transform_11, window_bounds = array<i64: 1, 1>}, {transform_indices = @transform_12, window_bounds = array<i64: 1, 1>}]} {
    %get3A = arith.constant 0 : index
    %get3A_0 = arith.constant 0 : index
    %get3A_1 = vector.load %arg1[%get3A, %get3A_0] : memref<512x768xf32, #tpu.memory_space<vmem>>, vector<512x768xf32>
    %get3A_2 = arith.constant 0 : index
    %get3A_3 = arith.constant 0 : index
    %get3A_4 = vector.load %arg2[%get3A_2, %get3A_3] : memref<512x768xf32, #tpu.memory_space<vmem>>, vector<512x768xf32>
    %get3A_5 = arith.constant 0 : index
    %get3A_6 = arith.constant 0 : index
    %get3A_7 = vector.load %arg4[%get3A_5, %get3A_6] : memref<512x1xf32, #tpu.memory_space<vmem>>, vector<512x1xf32>
    %mul3A = vector.broadcast %get3A_7 : vector<512x1xf32> to vector<512x768xf32>
    %mul3A_8 = arith.mulf %get3A_1, %mul3A : vector<512x768xf32>
    %get3A_9 = arith.constant 0 : index
    %get3A_10 = arith.constant 0 : index
    %get3A_11 = vector.load %arg3[%get3A_9, %get3A_10] : memref<512x1xf32, #tpu.memory_space<vmem>>, vector<512x1xf32>
    %add3A = vector.broadcast %get3A_11 : vector<512x1xf32> to vector<512x768xf32>
    %add3A_12 = arith.addf %mul3A_8, %add3A : vector<512x768xf32>
    %swap3A = arith.constant 0 : index
    %swap3A_13 = arith.constant 0 : index
    %swap3A_14 = vector.load %arg7[%swap3A, %swap3A_13] : memref<512x768xf32, #tpu.memory_space<vmem>>, vector<512x768xf32>
    tpu.vector_store %arg7[%swap3A, %swap3A_13], %add3A_12 {strides = array<i32>} : memref<512x768xf32, #tpu.memory_space<vmem>>, vector<512x768xf32>,
    %sub3A = arith.subf %get3A_1, %get3A_4 : vector<512x768xf32>
    %eq3A = arith.constant 0 : i32
    %eq3A_15 = arith.cmpi eq, %arg0, %eq3A : i32
    %convert_element_type3A = arith.extui %eq3A_15 : i1 to i32
    %cond3A = arith.constant 0 : i32
    %cond3A_16 = arith.cmpi ne, %convert_element_type3A, %cond3A : i32
    scf.if %cond3A_16 {
      %swap3A_59 = arith.constant 0.000000e+00 : f32
      %swap3A_60 = arith.constant 0 : index
      %swap3A_61 = arith.constant 0 : index
      %swap3A_62 = memref.load %arg14[%swap3A_60, %swap3A_61] : memref<1x1xf32, #tpu.memory_space<smem>>
      memref.store %swap3A_59, %arg14[%swap3A_60, %swap3A_61] : memref<1x1xf32, #tpu.memory_space<smem>>
      %swap3A_63 = arith.constant 0.000000e+00 : f32
      %swap3A_64 = arith.constant 0 : index
      %swap3A_65 = arith.constant 0 : index
      %swap3A_66 = memref.load %arg15[%swap3A_64, %swap3A_65] : memref<1x1xf32, #tpu.memory_space<smem>>
      memref.store %swap3A_63, %arg15[%swap3A_64, %swap3A_65] : memref<1x1xf32, #tpu.memory_space<smem>>
      %swap3A_67 = arith.constant 0.000000e+00 : f32
      %swap3A_68 = arith.constant 0 : index
      %swap3A_69 = arith.constant 0 : index
      %swap3A_70 = memref.load %arg16[%swap3A_68, %swap3A_69] : memref<1x1xf32, #tpu.memory_space<smem>>
      memref.store %swap3A_67, %arg16[%swap3A_68, %swap3A_69] : memref<1x1xf32, #tpu.memory_space<smem>>
    } else {
    }
    %get3A_17 = arith.constant 0 : index
    %get3A_18 = arith.constant 0 : index
    %get3A_19 = memref.load %arg14[%get3A_17, %get3A_18] : memref<1x1xf32, #tpu.memory_space<smem>>
    %mul3A_20 = arith.mulf %sub3A, %sub3A : vector<512x768xf32>
    %reduce_sum3A = vector.shape_cast %mul3A_20 : vector<512x768xf32> to vector<1x512x768xf32>
    %reduce_sum3A_21 = arith.constant dense<0.000000e+00> : vector<1xf32>
    %reduce_sum3A_22 = vector.multi_reduction <add>, %reduce_sum3A, %reduce_sum3A_21 [1, 2] : vector<1x512x768xf32> to vector<1xf32>
    %reduce_sum3A_23 = vector.shape_cast %reduce_sum3A_22 : vector<1xf32> to vector<1x1x1xf32>
    %reduce_sum3A_24 = vector.extract %reduce_sum3A_23[0, 0, 0] : f32 from vector<1x1x1xf32>
    %add3A_25 = arith.addf %get3A_19, %reduce_sum3A_24 : f32
    %swap3A_26 = arith.constant 0 : index
    %swap3A_27 = arith.constant 0 : index
    %swap3A_28 = memref.load %arg14[%swap3A_26, %swap3A_27] : memref<1x1xf32, #tpu.memory_space<smem>>
    memref.store %add3A_25, %arg14[%swap3A_26, %swap3A_27] : memref<1x1xf32, #tpu.memory_space<smem>>
    %get3A_29 = arith.constant 0 : index
    %get3A_30 = arith.constant 0 : index
    %get3A_31 = memref.load %arg15[%get3A_29, %get3A_30] : memref<1x1xf32, #tpu.memory_space<smem>>
    %reduce_sum3A_32 = vector.shape_cast %get3A_4 : vector<512x768xf32> to vector<1x512x768xf32>
    %reduce_sum3A_33 = arith.constant dense<0.000000e+00> : vector<1xf32>
    %reduce_sum3A_34 = vector.multi_reduction <add>, %reduce_sum3A_32, %reduce_sum3A_33 [1, 2] : vector<1x512x768xf32> to vector<1xf32>
    %reduce_sum3A_35 = vector.shape_cast %reduce_sum3A_34 : vector<1xf32> to vector<1x1x1xf32>
    %reduce_sum3A_36 = vector.extract %reduce_sum3A_35[0, 0, 0] : f32 from vector<1x1x1xf32>
    %add3A_37 = arith.addf %get3A_31, %reduce_sum3A_36 : f32
    %swap3A_38 = arith.constant 0 : index
    %swap3A_39 = arith.constant 0 : index
    %swap3A_40 = memref.load %arg15[%swap3A_38, %swap3A_39] : memref<1x1xf32, #tpu.memory_space<smem>>
    memref.store %add3A_37, %arg15[%swap3A_38, %swap3A_39] : memref<1x1xf32, #tpu.memory_space<smem>>
    %get3A_41 = arith.constant 0 : index
    %get3A_42 = arith.constant 0 : index
    %get3A_43 = memref.load %arg16[%get3A_41, %get3A_42] : memref<1x1xf32, #tpu.memory_space<smem>>
    %mul3A_44 = arith.mulf %get3A_4, %get3A_4 : vector<512x768xf32>
    %reduce_sum3A_45 = vector.shape_cast %mul3A_44 : vector<512x768xf32> to vector<1x512x768xf32>
    %reduce_sum3A_46 = arith.constant dense<0.000000e+00> : vector<1xf32>
    %reduce_sum3A_47 = vector.multi_reduction <add>, %reduce_sum3A_45, %reduce_sum3A_46 [1, 2] : vector<1x512x768xf32> to vector<1xf32>
    %reduce_sum3A_48 = vector.shape_cast %reduce_sum3A_47 : vector<1xf32> to vector<1x1x1xf32>
    %reduce_sum3A_49 = vector.extract %reduce_sum3A_48[0, 0, 0] : f32 from vector<1x1x1xf32>
    %add3A_50 = arith.addf %get3A_43, %reduce_sum3A_49 : f32
    %swap3A_51 = arith.constant 0 : index
    %swap3A_52 = arith.constant 0 : index
    %swap3A_53 = memref.load %arg16[%swap3A_51, %swap3A_52] : memref<1x1xf32, #tpu.memory_space<smem>>
    memref.store %add3A_50, %arg16[%swap3A_51, %swap3A_52] : memref<1x1xf32, #tpu.memory_space<smem>>
    %eq3A_54 = arith.constant 7 : i32
    %eq3A_55 = arith.cmpi eq, %arg0, %eq3A_54 : i32
    %convert_element_type3A_56 = arith.extui %eq3A_55 : i1 to i32
    %cond3A_57 = arith.constant 0 : i32
    %cond3A_58 = arith.cmpi ne, %convert_element_type3A_56, %cond3A_57 : i32
    scf.if %cond3A_58 {
      %get3A_59 = arith.constant 0 : index
      %get3A_60 = arith.constant 0 : index
      %get3A_61 = memref.load %arg14[%get3A_59, %get3A_60] : memref<1x1xf32, #tpu.memory_space<smem>>
      %div3A = arith.constant 0x4A400000 : f32
      %div3A_62 = arith.divf %get3A_61, %div3A : f32
      %get3A_63 = arith.constant 0 : index
      %get3A_64 = arith.constant 0 : index
      %get3A_65 = memref.load %arg15[%get3A_63, %get3A_64] : memref<1x1xf32, #tpu.memory_space<smem>>
      %div3A_66 = arith.constant 0x4A400000 : f32
      %div3A_67 = arith.divf %get3A_65, %div3A_66 : f32
      %get3A_68 = arith.constant 0 : index
      %get3A_69 = arith.constant 0 : index
      %get3A_70 = memref.load %arg16[%get3A_68, %get3A_69] : memref<1x1xf32, #tpu.memory_space<smem>>
      %get3A_71 = arith.constant 0 : index
      %get3A_72 = arith.constant 0 : index
      %get3A_73 = memref.load %arg15[%get3A_71, %get3A_72] : memref<1x1xf32, #tpu.memory_space<smem>>
      %mul3A_74 = arith.mulf %get3A_73, %div3A_67 : f32
      %sub3A_75 = arith.subf %get3A_70, %mul3A_74 : f32
      %div3A_76 = arith.constant 0x4A3FFFFC : f32
      %div3A_77 = arith.divf %sub3A_75, %div3A_76 : f32
      %get3A_78 = arith.constant 0 : index
      %get3A_79 = arith.constant 0 : index
      %get3A_80 = memref.load %arg5[%get3A_78, %get3A_79] : memref<1x1xf32, #tpu.memory_space<smem>>
      %div3A_81 = arith.constant 4.096000e+03 : f32
      %div3A_82 = arith.divf %get3A_80, %div3A_81 : f32
      %get3A_83 = arith.constant 0 : index
      %get3A_84 = arith.constant 0 : index
      %get3A_85 = memref.load %arg6[%get3A_83, %get3A_84] : memref<1x1xf32, #tpu.memory_space<smem>>
      %div3A_86 = arith.constant 4.096000e+03 : f32
      %div3A_87 = arith.divf %get3A_85, %div3A_86 : f32
      %mul3A_88 = arith.constant 3.000000e-04 : f32
      %mul3A_89 = arith.mulf %mul3A_88, %div3A_82 : f32
      %swap3A_90 = arith.constant 0 : index
      %swap3A_91 = arith.constant 0 : index
      %swap3A_92 = memref.load %arg9[%swap3A_90, %swap3A_91] : memref<1x1xf32, #tpu.memory_space<smem>>
      memref.store %div3A_62, %arg9[%swap3A_90, %swap3A_91] : memref<1x1xf32, #tpu.memory_space<smem>>
      %swap3A_93 = arith.constant 0 : index
      %swap3A_94 = arith.constant 0 : index
      %swap3A_95 = memref.load %arg10[%swap3A_93, %swap3A_94] : memref<1x1xf32, #tpu.memory_space<smem>>
      memref.store %mul3A_89, %arg10[%swap3A_93, %swap3A_94] : memref<1x1xf32, #tpu.memory_space<smem>>
      %swap3A_96 = arith.constant 0 : index
      %swap3A_97 = arith.constant 0 : index
      %swap3A_98 = memref.load %arg11[%swap3A_96, %swap3A_97] : memref<1x1xf32, #tpu.memory_space<smem>>
      memref.store %div3A_87, %arg11[%swap3A_96, %swap3A_97] : memref<1x1xf32, #tpu.memory_space<smem>>
      %swap3A_99 = arith.constant 0 : index
      %swap3A_100 = arith.constant 0 : index
      %swap3A_101 = memref.load %arg12[%swap3A_99, %swap3A_100] : memref<1x1xf32, #tpu.memory_space<smem>>
      memref.store %div3A_82, %arg12[%swap3A_99, %swap3A_100] : memref<1x1xf32, #tpu.memory_space<smem>>
      %add3A_102 = arith.constant 1.000000e-10 : f32
      %add3A_103 = arith.addf %div3A_77, %add3A_102 : f32
      %div3A_104 = arith.divf %div3A_62, %add3A_103 : f32
      %swap3A_105 = arith.constant 0 : index
      %swap3A_106 = arith.constant 0 : index
      %swap3A_107 = memref.load %arg13[%swap3A_105, %swap3A_106] : memref<1x1xf32, #tpu.memory_space<smem>>
      memref.store %div3A_104, %arg13[%swap3A_105, %swap3A_106] : memref<1x1xf32, #tpu.memory_space<smem>>
      %add3A_108 = arith.addf %div3A_62, %mul3A_89 : f32
      %swap3A_109 = arith.constant 0 : index
      %swap3A_110 = arith.constant 0 : index
      %swap3A_111 = memref.load %arg8[%swap3A_109, %swap3A_110] : memref<1x1xf32, #tpu.memory_space<smem>>
      memref.store %add3A_108, %arg8[%swap3A_109, %swap3A_110] : memref<1x1xf32, #tpu.memory_space<smem>>
    } else {
    }
    return
  }
  func.func @transform_0(%arg0: i32) -> (i32, i32) {
    %c0_i32 = arith.constant 0 : i32
    %c0_i32_0 = arith.constant 0 : i32
    return %arg0, %c0_i32 : i32, i32
  }
  func.func @transform_1(%arg0: i32) -> (i32, i32) {
    %c0_i32 = arith.constant 0 : i32
    %c0_i32_0 = arith.constant 0 : i32
    return %arg0, %c0_i32 : i32, i32
  }
  func.func @transform_2(%arg0: i32) -> (i32, i32) {
    %c0_i32 = arith.constant 0 : i32
    %c0_i32_0 = arith.constant 0 : i32
    return %arg0, %c0_i32 : i32, i32
  }
  func.func @transform_3(%arg0: i32) -> (i32, i32) {
    %c0_i32 = arith.constant 0 : i32
    %c0_i32_0 = arith.constant 0 : i32
    return %arg0, %c0_i32 : i32, i32
  }
  func.func @transform_4(%arg0: i32) -> (i32, i32) {
    %c0_i32 = arith.constant 0 : i32
    %c0_i32_0 = arith.constant 0 : i32
    %c0_i32_1 = arith.constant 0 : i32
    return %c0_i32, %c0_i32_0 : i32, i32
  }
  func.func @transform_5(%arg0: i32) -> (i32, i32) {
    %c0_i32 = arith.constant 0 : i32
    %c0_i32_0 = arith.constant 0 : i32
    %c0_i32_1 = arith.constant 0 : i32
    return %c0_i32, %c0_i32_0 : i32, i32
  }
  func.func @transform_6(%arg0: i32) -> (i32, i32) {
    %c0_i32 = arith.constant 0 : i32
    %c0_i32_0 = arith.constant 0 : i32
    return %arg0, %c0_i32 : i32, i32
  }
  func.func @transform_7(%arg0: i32) -> (i32, i32) {
    %c0_i32 = arith.constant 0 : i32
    %c0_i32_0 = arith.constant 0 : i32
    %c0_i32_1 = arith.constant 0 : i32
    return %c0_i32, %c0_i32_0 : i32, i32
  }
  func.func @transform_8(%arg0: i32) -> (i32, i32) {
    %c0_i32 = arith.constant 0 : i32
    %c0_i32_0 = arith.constant 0 : i32
    %c0_i32_1 = arith.constant 0 : i32
    return %c0_i32, %c0_i32_0 : i32, i32
  }
  func.func @transform_9(%arg0: i32) -> (i32, i32) {
    %c0_i32 = arith.constant 0 : i32
    %c0_i32_0 = arith.constant 0 : i32
    %c0_i32_1 = arith.constant 0 : i32
    return %c0_i32, %c0_i32_0 : i32, i32
  }
  func.func @transform_10(%arg0: i32) -> (i32, i32) {
    %c0_i32 = arith.constant 0 : i32
    %c0_i32_0 = arith.constant 0 : i32
    %c0_i32_1 = arith.constant 0 : i32
    return %c0_i32, %c0_i32_0 : i32, i32
  }
  func.func @transform_11(%arg0: i32) -> (i32, i32) {
    %c0_i32 = arith.constant 0 : i32
    %c0_i32_0 = arith.constant 0 : i32
    %c0_i32_1 = arith.constant 0 : i32
    return %c0_i32, %c0_i32_0 : i32, i32
  }
  func.func @transform_12(%arg0: i32) -> (i32, i32) {
    %c0_i32 = arith.constant 0 : i32
    %c0_i32_0 = arith.constant 0 : i32
    %c0_i32_1 = arith.constant 0 : i32
    return %c0_i32, %c0_i32_0 : i32, i32
  }
}

</mosaic_0001>

<sc_bundles>
// kernel: kernel.12.cloned.1.call-start
scs
__scs_entry_jumppad:
0x0: {  	(pc) =	sbr.rel $0x88, $3  }
0x1: {  	(tag) =	ssettag $0x0;
	lr =	simm.s32 $0x1  }
0x2: {  	[smem:$0x3F9D] =	sst lr;
	_ =	strace $0xD0000000  }
0x3: {  	_ = 	snop  }
0x4: {  	_ = 	snop  }
0x5: {  	_ = 	snop  }
0x6: {  	_ = 	snop  }
0x7: {  	_ = 	snop  }
__scs_overlays_trampoline_lowered:
0x8: {  	[smem:$0x3FAC] =	sst s0  }
0x9: {  	[smem:$0x3FAD] =	sst s1  }
0xa: {  	[smem:$0x3FAE] =	sst s2  }
0xb: {  	[smem:$0x3FAF] =	sst s3  }
0xc: {  	[smem:$0x3FB0] =	sst s4  }
0xd: {  	[smem:$0x3FB1] =	sst s5  }
0xe: {  	[smem:$0x3FB2] =	sst s6  }
0xf: {  	[smem:$0x3FB3] =	sst s7  }
0x10: {  	[smem:$0x3FB4] =	sst s8  }
0x11: {  	[smem:$0x3FB5] =	sst s9;
	s0 =	simm.s32 @!p0 $0x0  }
0x12: {  	s1 =	sld [smem:$0x3F9B];
	s0 =	simm.s32 @p0 $0x1  }
0x13: {  	[smem:$0x3FB6] =	sst s0;
	s0 =	simm.s32 @!p1 $0x0  }
0x14: {  	s2 =	sld [smem:$0x3F9A];
	s0 =	simm.s32 @p1 $0x1  }
0x15: {  	[smem:$0x3FB7] =	sst s0;
	s0 =	simm.s32 @!p2 $0x0  }
0x16: {  	s3 =	sld [smem:$0x3FDB];
	s0 =	simm.s32 @p2 $0x1  }
0x17: {  	s4 =	simm.s32 $0x1BF5;
	[smem:$0x3FB9] =	sst s0  }
0x18: {  	s0 =	sld [smem:$0x3F9C];
	_ =	swait.ge [sflag:s4], $0x0  }
0x19: {  	s7 =	sld [smem:$0x3F9D]  }
0x1a: {  	s8 =	sadd.s32 $0xFFFFE003, lr  }
0x1b: {  	s9 =	sadd.s32 $0xFFFFFEF7, lr;
	s5 =	simm.s32 $0xFFFFFFFF;
	p2 =	slt.u32 s8, $0xFFFFF086  }
0x1c: {  	p1 =	slt.u32 s9, $0xF7A;
	s5 =	simm.s32 @!p2 $0x0  }
0x1d: {  	s5 =	simm.s32 @p1 $0x1;
	p0 =	seq.s32 s7, s2  }
0x1e: {  	s7 =	smul.u32 @!p0 $0xF7A, s2;
	p2 =	seq.s32 @!p0 s5, $0x0  }
0x1f: {  	s9 =	smul.u32 $0xF7A, s1;
	s8 =	simm.s32 @!p0 $0x1BF5;
	p2 =	por !p2, p0  }
0x20: {  	[sflag:s8] =	ssyncset.s32 @!p0 $0xFFFFF086;
	s6 =	sadd.s32 @!p0 s3, s7;
	s7 =	simm.s32 @!p0 $0x108  }
0x21: {  	s3 =	sadd.s32 s3, s9;
	s6 =	sadd.s32 @!p0 $0x88, s6;
	s7 =	simm.s32 @p2 $0x1082  }
0x22: {  	[simem:s7], [sflag:s8] =	dma.local @!p0 [hbm:s6], $0xF7A  }
0x23: {  	s9 =	sor.u32 $0xD0000000, s2;
	s6 =	simm.s32 $0x108;
	_ =	swait.ge @!p0 [sflag:s8], $0x0  }
0x24: {  	s3 =	sadd.s32 $0x88, s3;
	s6 =	simm.s32 @!p1 $0x1082;
	[sflag:s4] =	ssyncset.s32 $0xFFFFF086  }
0x25: {  	[simem:s6], [sflag:s4] =	dma.local [hbm:s3], $0xF7A  }
0x26: {  	[smem:$0x3F9D] =	sst s1;
	(tag) =	ssettag s2;
	_ =	strace s9  }
0x27: {  	s1 =	sld [smem:$0x3FAD]  }
0x28: {  	s2 =	sld [smem:$0x3FAE]  }
0x29: {  	s4 =	sld [smem:$0x3FB0]  }
0x2a: {  	p0 =	seq.s32 s5, $0x0;
	s5 =	sld [smem:$0x3FB1]  }
0x2b: {  	s6 =	sld [smem:$0x3FB2]  }
0x2c: {  	s7 =	sld [smem:$0x3FB3]  }
0x2d: {  	s3 =	simm.s32 $0x108;
	s8 =	sld [smem:$0x3FB4]  }
0x2e: {  	s3 =	simm.s32 @!p0 $0x1082;
	s9 =	sld [smem:$0x3FB5]  }
0x2f: {  	lr =	sadd.s32 s0, s3;
	s0 =	sld [smem:$0x3FAC]  }
0x30: {  	s3 =	sld [smem:$0x3FAF]  }
0x31: {  	[smem:$0x3FB8] =	sst s10  }
0x32: {  	s10 =	sld [smem:$0x3FB6];
	_ =	sdelay $0x3  }
0x33: {  	p0 =	seq.s32 s10, $0x1;
	s10 =	sld [smem:$0x3FB8];
	_ =	sdelay $0x3  }
0x34: {  	[smem:$0x3FB8] =	sst s10  }
0x35: {  	s10 =	sld [smem:$0x3FB7];
	_ =	sdelay $0x3  }
0x36: {  	p1 =	seq.s32 s10, $0x1;
	s10 =	sld [smem:$0x3FB8];
	_ =	sdelay $0x3  }
0x37: {  	[smem:$0x3FB8] =	sst s10  }
0x38: {  	s10 =	sld [smem:$0x3FB9]  }
0x39: {  	_ = 	snop;
	(pc) =	sbr.ind lr, $3  }
0x3a: {  	_ = 	snop  }
0x3b: {  	_ = 	snop  }
0x3c: {  	p2 =	seq.s32 s10, $0x1;
	s10 =	sld [smem:$0x3FB8]  }
0x3d: {  	_ =	shalt  }
0x3e: {  	_ =	shalt  }
0x3f: {  	_ =	shalt  }
0x40: {  	_ =	shalt  }
0x41: {  	_ =	shalt  }
0x42: {  	_ =	shalt  }
0x43: {  	_ =	shalt  }
0x44: {  	_ =	shalt  }
0x45: {  	_ =	shalt  }
0x46: {  	_ =	shalt  }
0x47: {  	_ =	shalt  }
0x48: {  	_ =	shalt  }
0x49: {  	_ =	shalt  }
0x4a: {  	_ =	shalt  }
0x4b: {  	_ =	shalt  }
0x4c: {  	_ =	shalt  }
0x4d: {  	_ =	shalt  }
0x4e: {  	_ =	shalt  }
0x4f: {  	_ =	shalt  }
0x50: {  	_ =	shalt  }
0x51: {  	_ =	shalt  }
0x52: {  	_ =	shalt  }
0x53: {  	_ =	shalt  }
0x54: {  	_ =	shalt  }
0x55: {  	_ =	shalt  }
0x56: {  	_ =	shalt  }
0x57: {  	_ =	shalt  }
0x58: {  	_ =	shalt  }
0x59: {  	_ =	shalt  }
0x5a: {  	_ =	shalt  }
0x5b: {  	_ =	shalt  }
0x5c: {  	_ =	shalt  }
0x5d: {  	_ =	shalt  }
0x5e: {  	_ =	shalt  }
0x5f: {  	_ =	shalt  }
0x60: {  	_ =	shalt  }
0x61: {  	_ =	shalt  }
0x62: {  	_ =	shalt  }
0x63: {  	_ =	shalt  }
0x64: {  	_ =	shalt  }
0x65: {  	_ =	shalt  }
0x66: {  	_ =	shalt  }
0x67: {  	_ =	shalt  }
0x68: {  	_ =	shalt  }
0x69: {  	_ =	shalt  }
0x6a: {  	_ =	shalt  }
0x6b: {  	_ =	shalt  }
0x6c: {  	_ =	shalt  }
0x6d: {  	_ =	shalt  }
0x6e: {  	_ =	shalt  }
0x6f: {  	_ =	shalt  }
0x70: {  	_ =	shalt  }
0x71: {  	_ =	shalt  }
0x72: {  	_ =	shalt  }
0x73: {  	_ =	shalt  }
0x74: {  	_ =	shalt  }
0x75: {  	_ =	shalt  }
0x76: {  	_ =	shalt  }
0x77: {  	_ =	shalt  }
0x78: {  	_ =	shalt  }
0x79: {  	_ =	shalt  }
0x7a: {  	_ =	shalt  }
0x7b: {  	_ =	shalt  }
0x7c: {  	_ =	shalt  }
0x7d: {  	_ =	shalt  }
0x7e: {  	_ =	shalt  }
0x7f: {  	_ =	shalt  }
0x80: {  	_ =	shalt  }
0x81: {  	_ =	shalt  }
0x82: {  	_ =	shalt  }
0x83: {  	_ =	shalt  }
0x84: {  	_ =	shalt  }
0x85: {  	_ =	shalt  }
0x86: {  	_ =	shalt  }
0x87: {  	_ =	shalt  }
.Lfunc_end0:
.L_simem_size_0:
called_computation.1_lowered:
.L_overlay_start_0:
0x88: {  	s2 =	sld [smem:$0x3FD9]  }
0x89: {  	s3 =	sld [smem:$0x3FFE];
	_ =	sdelay $0x1  }
0x8a: {  	s1 =	srdreg.scid  }
0x8b: {  	s0 =	sand.u32 $0x1, s1  }
0x8c: {  	s15 =	sshll.u32 s0, $0xA;
	s2 =	sadd.s32 s3, s2  }
0x8d: {  	s2 =	sadd.s32 s2, s15  }
0x8e: {  	[smem:$0x3FC4] =	sst s2  }
0x8f: {  	_ = 	snop  }
0x90: {  	s2 =	sld [smem:$0x3FD0];
	_ =	sdelay $0x2  }
0x91: {  	s16 =	simm.s32 $0xA;
	s4 =	simm.s32 $0x10  }
0x92: {  	[smem:s4], [sflag:s16] =	dma.local [hbm:s2], $0x1  }
0x93: {  	_ =	swait.eq [sflag:s16], $0x1  }
0x94: {  	s17 =	sld [smem:$0x10];
	[sflag:s16] =	ssyncset.done $0x0  }
0x95: {  	s18 =	sld [smem:$0x11];
	[sflag:s16] =	ssyncadd.s32 $0xFFFFFFFF  }
0x96: {  	s19 =	sld [smem:$0x17];
	(tm) =	ssettm $0x1  }
0x97: {  	s5 =	sld [smem:$0x3FFB];
	_ =	sdelay $0x3  }
0x98: {  	_ =	strace s5  }
0x99: {  	s5 =	sld [smem:$0x3FFC];
	_ =	sdelay $0x3  }
0x9a: {  	_ =	strace s5  }
0x9b: {  	s5 =	sld [smem:$0x3FFD];
	_ =	sdelay $0x3  }
0x9c: {  	_ =	strace s5  }
0x9d: {  	_ =	strace $0x8FFFFFFF  }
0x9e: {  	s20 =	sld [smem:$0x3FDB];
	_ =	sdelay $0x1  }
0x9f: {  	s6 =	simm.s32 $_scs_section_size  }
0xa0: {  	s7 =	simm.s32 $_size__tile_overlayer_lowered;
	s8 =	simm.s32 $_tile_overlayer_lowered  }
0xa1: {  	s23 =	simm.s32 $0x1BFF;
	s22 =	sshll.u32 s8, $0x1;
	s5 =	sadd.s32 s6, s20  }
0xa2: {  	s9 =	simm.s32 $0x0;
	s21 =	sshll.u32 s7, $0x1;
	s7 =	sadd.s32 s22, s5  }
0xa3: {  	[timem:s9], [sflag:s23] =	dma.local [hbm:s7], s21  }
0xa4: {  	_ =	swait.ge [sflag:s23], s21  }
0xa5: {  	s6 =	ssub.s32 $0x0, s21;
	[sflag:s23] =	ssyncset.done $0x0  }
0xa6: {  	[sflag:s23] =	ssyncadd.s32 s6;
	_ =	sdelay $0x1  }
0xa7: {  	s24 =	simm.s32 $0x1B8B  }
0xa8: {  	_ =	swait.ge [sflag:s24], $0x1  }
0xa9: {  	[sflag:s24] =	ssyncset.done $0x0  }
0xaa: {  	s25 =	simm.s32 $0x1B8E;
	[sflag:s24] =	ssyncadd.s32 $0xFFFFFFFF  }
0xab: {  	s26 =	simm.s32 $execute0_lowered;
	[smem:$0x3FD2] =	sst s25  }
0xac: {  	s6 =	sshll.u32 s26, $0x1;
	_ =	strace $0x80000049;
	[dreg:$0x1] =	wrdreg $0xFFFFFFFF  }
0xad: {  	s28 =	simm.s32 $_size_execute0_lowered;
	s5 =	sadd.s32 s5, s6;
	[dreg:$0x0] =	wrdreg $0x0  }
0xae: {  	s6 =	sshll.u32 s28, $0x1;
	[dreg:$0x2] =	wrdreg s5  }
0xaf: {  	[dreg:$0x3] =	wrdreg s6  }
0xb0: {  	[dreg:$0x4] =	wrdreg $0xC0  }
0xb1: {  	_ =	task [dreg:s9], $0x5FFFF  }
0xb2: {  	[dreg:$0x1] =	wrdreg $0xFFFFFFFF  }
0xb3: {  	[dreg:$0x0] =	wrdreg $0x60  }
0xb4: {  	[dreg:$0x2] =	wrdreg s18  }
0xb5: {  	[dreg:$0x3] =	wrdreg s19  }
0xb6: {  	[dreg:$0x4] =	wrdreg s17  }
0xb7: {  	[dreg:$0x5] =	wrdreg $0x9  }
0xb8: {  	_ =	task.clear_ibuf [dreg:s9], $0x6FFFF;
	_ =	strace $0x90000049  }
0xb9: {  	s29 =	simm.s32 $0x9;
	_ =	strace $0x8000004B  }
0xba: {  	_ =	swait.ge [sflag:s29], $0x1  }
0xbb: {  	[sflag:s29] =	ssyncadd.s32 $0xFFFFFFFF  }
0xbc: {  	_ =	strace $0x9000004B  }
0xbd: {  	_ =	sfence  }
0xbe: {  	s30 =	sld [smem:$0x0];
	_ =	sdelay $0x2  }
0xbf: {  	s31 =	sshll.u32 s1, $0xD;
	s1 =	sshrl.u32 s1, $0x2  }
0xc0: {  	s3 =	sand.u32 $0x4000, s31;
	s1 =	sadd.s32 s1, s30  }
0xc1: {  	s0 =	sor.u32 s3, s0;
	s1 =	sshll.u32 s1, $0x11  }
0xc2: {  	s0 =	sor.u32 s1, s0  }
0xc3: {  	s0 =	sadd.s32 $0x8F2B, s0  }
0xc4: {  	[sflag:s0] =	ssyncadd.remote.s32 $0x1  }
0xc5: {  	_ =	sfence.sel $0xFFFF  }
0xc6: {  	[dreg:$0x0] =	wrdreg $0xFFFFFFFF;
	(pc) =	sbr.abs _section_cstart, $3  }
0xc7: {  	[dreg:$0x1] =	wrdreg $0xFFFFFFFF  }
0xc8: {  	_ =	task.clear_ibuf [dreg:s9], $0x2FFFF;
	_ =	strace $0x9FFFFFFF  }
0xc9: {  	(tm) =	ssettm $0x7FFFFFFF  }
tec
execute0_lowered:
.L_overlay_start_1:
0x0: {  	(tag) =	ssettag $0x1  }
0x1: {  	s1 =	rddreg [dreg:$0x0]  }
0x2: {  	s3 =	rddreg [dreg:$0x1]  }
0x3: {  	s8 =	rddreg [dreg:$0x2];
	s4 =	srdreg.scid  }
0x4: {  	s0 =	rddreg [dreg:$0x3];
	s2 =	stileid.u32;
	s13 =	simm.s32 $0x8000  }
0x5: {  	s14 =	simm.s32 $0xC000;
	s15 =	simm.s32 $0x1;
	s16 =	simm.s32 $0x2  }
0x6: {  	s17 =	simm.s32 $0x80;
	s18 =	simm.s32 $0x400;
	s19 =	simm.s32 $0x0  }
0x7: {  	s5 =	sand.u32 $0x1, s4;
	s4 =	simm.s32 $0x0;
	s7 =	sshll.u32 s2, $0x1  }
0x8: {  	s11 =	sshll.u32 s2, $0xD;
	s6 =	ssub.s32 $0x2, s5;
	[smem:$0x7FF] =	sst s4  }
0x9: {  	s7 =	sor.u32 s5, s7;
	s11 =	sand.u32 $0x18000, s11;
	s9 =	sshrl.u32 s6, $0x1  }
0xa: {  	_ =	strace $0x8000004A;
	s5 =	sshll.u32 s7, $0x12;
	s31 =	sshll.u32 s7, $0x15  }
0xb: {  	s12 =	sshll.u32 s7, $0x4;
	s11 =	sadd.s32 s8, s11;
	s10 =	ssub.s32 s6, s9  }
0xc: {  	s5 =	sadd.s32 s1, s5;
	s7 =	sor.u32 $0x8000, s31;
	s12 =	sand.u32 $0x70, s12  }
0xd: {  	v1 =	vlaneseq.u32;
	s8 =	sor.u32 $0xC000, s31;
	s6 =	sadd.s32 $0x800, s5;
	s9 =	sadd.s32 s12, s11  }
0xe: {  	v0 =	vimm.s32 $0x0;
	v2 =	vimm.s32 $0x1;
	v1 =	vmul.u32 $0x800, v1;
	s10 =	smax.u32 s10, $0x1;
	s11 =	simm.s32 $0x10000;
	s12 =	simm.s32 $0x3  }
.LBB2_1:
0xf: {  	s20 =	simm.s32 $0x20  }
0x10: {  	[tilespmem:s20+$0xFFFFFFE0] =	vst v0  }
0x11: {  	[tilespmem:s20+$0x10] =	vst v0  }
0x12: {  	s21 =	simm.s32 $0x0;
	[tilespmem:s20+$0x0] =	vst v0  }
.LBB2_2:
0x13: {  	s21 =	sadd.s32 $0x4, s21  }
0x14: {  	[tilespmem:s20+$0xFFFFFFF0] =	vst v0;
	s20 =	sadd.s32 $0x40, s20;
	p0 =	slt.u32 s21, $0x7FC  }
.Ltmp0:
0x15: {  	[tilespmem:s20+$0xFFFFFFE0] =	vst v0;
	(pc) =	sbr.rel @p0 .LBB2_2-.Ltmp0, $3  }
0x16: {  	_ =	sdelay $0x1  }
0x17: {  	[tilespmem:s20+$0x10] =	vst v0  }
0x18: {  	[tilespmem:s20+$0x0] =	vst v0  }
0x19: {  	[tilespmem:s20+$0xFFFFFFF0] =	vst v0;
	s20 =	simm.s32 $0x0  }
0x1a: {  	[tilespmem:s11], [sflag:$0x3] =	stream.linear.gather [hbm4b:s3+s20], $0x80, $0x38;
	[tilespmem:$0x10080] =	vst v63  }
0x1b: {  	_ =	swait.ge [sflag:s12], $0x80  }
0x1c: {  	[sflag:s12] =	ssyncset.done $0x0  }
0x1d: {  	[sflag:s12] =	ssyncadd.s32 $0xFFFFFF80  }
0x1e: {  	[tilespmem:s13], [sflag:$0x1] =	stream.linear.gather [hbm4b:s5+s20], $0x4000, $0x38;
	[tilespmem:$0x10080] =	vst v63  }
0x1f: {  	_ = 	snop  }
0x20: {  	[tilespmem:s14], [sflag:$0x2] =	stream.linear.gather [hbm4b:s6+s20], $0x4000, $0x38;
	[tilespmem:$0x10080] =	vst v63  }
.LBB2_4:
0x21: {  	_ =	swait.ge [sflag:s15], $0x4000  }
0x22: {  	[sflag:s15] =	ssyncset.done $0x0  }
0x23: {  	s26 =	simm.s32 $0x8040;
	[sflag:s15] =	ssyncadd.s32 $0xFFFFC000  }
0x24: {  	v3 =	vld [tilespmem:s26+$0xFFFFFFC0];
	_ =	sdelay $0x4  }
0x25: {  	vm0 =	vne.s32 v3, $0x0;
	v3 =	vshra.s32 v3, $0x14  }
0x26: {  	v3 =	vadd.s32 v1, v3;
	_ =	sdelay $0x4  }
0x27: {  	[tilespmem:v3+s4+$0x0] =	vst.idx.add.s32.msk vm0, v2  }
0x28: {  	v3 =	vld [tilespmem:s26+$0xFFFFFFD0];
	_ =	sdelay $0x2  }
0x29: {  	s21 =	simm.s32 $0x80C0  }
0x2a: {  	v4 =	vld [tilespmem:s21+$0xFFFFFFC0]  }
0x2b: {  	vm0 =	vne.s32 v3, $0x0;
	v3 =	vshra.s32 v3, $0x14  }
0x2c: {  	v3 =	vadd.s32 v1, v3;
	_ =	sdelay $0x2  }
0x2d: {  	vm1 =	vne.s32 v4, $0x0;
	v4 =	vshra.s32 v4, $0x14  }
0x2e: {  	v4 =	vadd.s32 v1, v4  }
0x2f: {  	[tilespmem:v3+s4+$0x0] =	vst.idx.add.s32.msk vm0, v2  }
0x30: {  	v3 =	vld [tilespmem:s26+$0xFFFFFFE0];
	_ =	sdelay $0x2  }
0x31: {  	[tilespmem:v4+s4+$0x0] =	vst.idx.add.s32.msk vm1, v2  }
0x32: {  	v4 =	vld [tilespmem:s21+$0xFFFFFFD0]  }
0x33: {  	vm0 =	vne.s32 v3, $0x0;
	v3 =	vshra.s32 v3, $0x14  }
0x34: {  	s22 =	simm.s32 $0x8140;
	v3 =	vadd.s32 v1, v3  }
0x35: {  	v5 =	vld [tilespmem:s22+$0xFFFFFFC0];
	_ =	sdelay $0x1  }
0x36: {  	vm1 =	vne.s32 v4, $0x0;
	v4 =	vshra.s32 v4, $0x14  }
0x37: {  	v4 =	vadd.s32 v1, v4  }
0x38: {  	[tilespmem:v3+s4+$0x0] =	vst.idx.add.s32.msk vm0, v2  }
0x39: {  	vm0 =	vne.s32 v5, $0x0;
	v5 =	vshra.s32 v5, $0x14;
	v3 =	vld [tilespmem:s26+$0xFFFFFFF0]  }
0x3a: {  	v5 =	vadd.s32 v1, v5;
	_ =	sdelay $0x1  }
0x3b: {  	[tilespmem:v4+s4+$0x0] =	vst.idx.add.s32.msk vm1, v2  }
0x3c: {  	v4 =	vld [tilespmem:s21+$0xFFFFFFE0]  }
0x3d: {  	vm1 =	vne.s32 v3, $0x0;
	v3 =	vshra.s32 v3, $0x14  }
0x3e: {  	[tilespmem:v5+s4+$0x0] =	vst.idx.add.s32.msk vm0, v2;
	v3 =	vadd.s32 v1, v3  }
0x3f: {  	v5 =	vld [tilespmem:s22+$0xFFFFFFD0];
	_ =	sdelay $0x1  }
0x40: {  	s23 =	simm.s32 $0x81C0;
	vm0 =	vne.s32 v4, $0x0;
	v4 =	vshra.s32 v4, $0x14  }
0x41: {  	v6 =	vld [tilespmem:s23+$0xFFFFFFC0];
	v4 =	vadd.s32 v1, v4  }
0x42: {  	[tilespmem:v3+s4+$0x0] =	vst.idx.add.s32.msk vm1, v2  }
0x43: {  	vm1 =	vne.s32 v5, $0x0;
	v5 =	vshra.s32 v5, $0x14;
	v3 =	vld [tilespmem:s26+$0x0]  }
0x44: {  	v5 =	vadd.s32 v1, v5;
	_ =	sdelay $0x1  }
0x45: {  	[tilespmem:v4+s4+$0x0] =	vst.idx.add.s32.msk vm0, v2;
	vm0 =	vne.s32 v6, $0x0;
	v4 =	vshra.s32 v6, $0x14  }
0x46: {  	v6 =	vld [tilespmem:s21+$0xFFFFFFF0];
	v4 =	vadd.s32 v1, v4  }
0x47: {  	vm2 =	vne.s32 v3, $0x0;
	v3 =	vshra.s32 v3, $0x14  }
0x48: {  	[tilespmem:v5+s4+$0x0] =	vst.idx.add.s32.msk vm1, v2;
	v3 =	vadd.s32 v1, v3  }
0x49: {  	v5 =	vld [tilespmem:s22+$0xFFFFFFE0];
	_ =	sdelay $0x1  }
0x4a: {  	vm1 =	vne.s32 v6, $0x0;
	v6 =	vshra.s32 v6, $0x14;
	[tilespmem:v4+s4+$0x0] =	vst.idx.add.s32.msk vm0, v2  }
0x4b: {  	v4 =	vadd.s32 v1, v6;
	v6 =	vld [tilespmem:s23+$0xFFFFFFD0]  }
0x4c: {  	[tilespmem:v3+s4+$0x0] =	vst.idx.add.s32.msk vm2, v2  }
0x4d: {  	s24 =	simm.s32 $0x8240;
	vm0 =	vne.s32 v5, $0x0;
	v5 =	vshra.s32 v5, $0x14;
	v3 =	vld [tilespmem:s26+$0x10]  }
0x4e: {  	v7 =	vld [tilespmem:s24+$0xFFFFFFC0];
	v5 =	vadd.s32 v1, v5;
	_ =	sdelay $0x1  }
0x4f: {  	[tilespmem:v4+s4+$0x0] =	vst.idx.add.s32.msk vm1, v2;
	vm1 =	vne.s32 v6, $0x0;
	v4 =	vshra.s32 v6, $0x14  }
0x50: {  	v4 =	vadd.s32 v1, v4;
	v6 =	vld [tilespmem:s21+$0x0]  }
0x51: {  	vm2 =	vne.s32 v3, $0x0;
	v3 =	vshra.s32 v3, $0x14  }
0x52: {  	[tilespmem:v5+s4+$0x0] =	vst.idx.add.s32.msk vm0, v2;
	vm0 =	vne.s32 v7, $0x0;
	v5 =	vshra.s32 v7, $0x14;
	v3 =	vadd.s32 v1, v3  }
0x53: {  	v5 =	vadd.s32 v1, v5  }
0x54: {  	v7 =	vld [tilespmem:s22+$0xFFFFFFF0]  }
0x55: {  	[tilespmem:v4+s4+$0x0] =	vst.idx.add.s32.msk vm1, v2;
	vm1 =	vne.s32 v6, $0x0;
	v4 =	vshra.s32 v6, $0x14  }
0x56: {  	v6 =	vld [tilespmem:s23+$0xFFFFFFE0];
	v4 =	vadd.s32 v1, v4  }
0x57: {  	[tilespmem:v3+s4+$0x0] =	vst.idx.add.s32.msk vm2, v2  }
0x58: {  	[tilespmem:v5+s4+$0x0] =	vst.idx.add.s32.msk vm0, v2  }
0x59: {  	vm2 =	vne.s32 v7, $0x0;
	v7 =	vshra.s32 v7, $0x14;
	v3 =	vld [tilespmem:s26+$0x20]  }
0x5a: {  	v5 =	vadd.s32 v1, v7;
	v7 =	vld [tilespmem:s24+$0xFFFFFFD0]  }
0x5b: {  	vm0 =	vne.s32 v6, $0x0;
	v6 =	vshra.s32 v6, $0x14;
	[tilespmem:v4+s4+$0x0] =	vst.idx.add.s32.msk vm1, v2  }
0x5c: {  	v4 =	vadd.s32 v1, v6;
	v6 =	vld [tilespmem:s21+$0x10]  }
0x5d: {  	s25 =	simm.s32 $0x82C0  }
0x5e: {  	v8 =	vld [tilespmem:s25+$0xFFFFFFC0];
	vm1 =	vne.s32 v3, $0x0;
	v3 =	vshra.s32 v3, $0x14  }
0x5f: {  	[tilespmem:v5+s4+$0x0] =	vst.idx.add.s32.msk vm2, v2;
	vm2 =	vne.s32 v7, $0x0;
	v5 =	vshra.s32 v7, $0x14;
	v3 =	vadd.s32 v1, v3  }
0x60: {  	v5 =	vadd.s32 v1, v5  }
0x61: {  	[tilespmem:v4+s4+$0x0] =	vst.idx.add.s32.msk vm0, v2;
	vm0 =	vne.s32 v6, $0x0;
	v4 =	vshra.s32 v6, $0x14  }
0x62: {  	v7 =	vld [tilespmem:s22+$0x0];
	v4 =	vadd.s32 v1, v4  }
0x63: {  	v6 =	vld [tilespmem:s23+$0xFFFFFFF0]  }
0x64: {  	vm3 =	vne.s32 v8, $0x0;
	v8 =	vshra.s32 v8, $0x14;
	[tilespmem:v3+s4+$0x0] =	vst.idx.add.s32.msk vm1, v2  }
0x65: {  	v3 =	vadd.s32 v1, v8;
	[tilespmem:v5+s4+$0x0] =	vst.idx.add.s32.msk vm2, v2  }
0x66: {  	v8 =	vld [tilespmem:s26+$0x30]  }
0x67: {  	vm2 =	vne.s32 v7, $0x0;
	v5 =	vshra.s32 v7, $0x14;
	[tilespmem:v4+s4+$0x0] =	vst.idx.add.s32.msk vm0, v2  }
0x68: {  	v9 =	vld [tilespmem:s24+$0xFFFFFFE0];
	v5 =	vadd.s32 v1, v5  }
0x69: {  	v4 =	vld [tilespmem:s21+$0x20]  }
0x6a: {  	vm1 =	vne.s32 v6, $0x0;
	[tilespmem:v3+s4+$0x0] =	vst.idx.add.s32.msk vm3, v2;
	v3 =	vshra.s32 v6, $0x14  }
0x6b: {  	v6 =	vadd.s32 v1, v3;
	vm0 =	vne.s32 v8, $0x0;
	v3 =	vshra.s32 v8, $0x14  }
0x6c: {  	v7 =	vld [tilespmem:s25+$0xFFFFFFD0];
	v3 =	vadd.s32 v1, v3  }
0x6d: {  	[tilespmem:v5+s4+$0x0] =	vst.idx.add.s32.msk vm2, v2;
	v5 =	vshra.s32 v9, $0x14;
	vm2 =	vne.s32 v9, $0x0  }
0x6e: {  	s28 =	simm.s32 $0x8340;
	s26 =	simm.s32 $0x280;
	v8 =	vadd.s32 v1, v5;
	v5 =	vld [tilespmem:s22+$0x10]  }
.LBB2_5:
0x6f: {  	v9 =	vld [tilespmem:s28+$0xFFFFFFC0];
	vm3 =	vne.s32 v4, $0x0;
	v4 =	vshra.s32 v4, $0x14  }
0x70: {  	[tilespmem:v6+s4+$0x0] =	vst.idx.add.s32.msk vm1, v2;
	v4 =	vadd.s32 v1, v4  }
0x71: {  	vm1 =	vne.s32 v7, $0x0;
	v6 =	vshra.s32 v7, $0x14;
	[tilespmem:v3+s4+$0x0] =	vst.idx.add.s32.msk vm0, v2  }
0x72: {  	s26 =	sadd.s32 $0x80, s26;
	v3 =	vadd.s32 v1, v6;
	v6 =	vld [tilespmem:s23+$0x0]  }
0x73: {  	p0 =	slt.u32 s26, $0x3F80;
	[tilespmem:v8+s4+$0x0] =	vst.idx.add.s32.msk vm2, v2;
	vm0 =	vne.s32 v5, $0x0;
	v5 =	vshra.s32 v5, $0x14  }
0x74: {  	v7 =	vld [tilespmem:s24+$0xFFFFFFF0];
	v5 =	vadd.s32 v1, v5  }
0x75: {  	vm2 =	vne.s32 v9, $0x0;
	v8 =	vshra.s32 v9, $0x14;
	[tilespmem:v4+s4+$0x0] =	vst.idx.add.s32.msk vm3, v2  }
0x76: {  	v8 =	vadd.s32 v1, v8;
	v9 =	vld [tilespmem:s21+$0x30];
	s21 =	smov.u32 s22;
	s22 =	smov.u32 s23;
	s23 =	smov.u32 s24  }
0x77: {  	s24 =	smov.u32 s25;
	s25 =	smov.u32 s28;
	[tilespmem:v3+s4+$0x0] =	vst.idx.add.s32.msk vm1, v2;
	vm3 =	vne.s32 v6, $0x0;
	v3 =	vshra.s32 v6, $0x14  }
0x78: {  	v10 =	vld [tilespmem:s24+$0xFFFFFFE0];
	v11 =	vadd.s32 v1, v3  }
0x79: {  	[tilespmem:v5+s4+$0x0] =	vst.idx.add.s32.msk vm0, v2  }
.Ltmp1:
0x7a: {  	vm1 =	vne.s32 v7, $0x0;
	v3 =	vshra.s32 v7, $0x14;
	v4 =	vld [tilespmem:s21+$0x20];
	(pc) =	sbr.rel @p0 .LBB2_5-.Ltmp1, $4  }
0x7b: {  	v6 =	vadd.s32 v1, v3;
	[tilespmem:v8+s4+$0x0] =	vst.idx.add.s32.msk vm2, v2;
	vm0 =	vne.s32 v9, $0x0;
	v3 =	vshra.s32 v9, $0x14  }
0x7c: {  	v7 =	vld [tilespmem:s28+$0xFFFFFFD0];
	v3 =	vadd.s32 v1, v3  }
0x7d: {  	vm2 =	vne.s32 v10, $0x0;
	v5 =	vshra.s32 v10, $0x14;
	[tilespmem:v11+s4+$0x0] =	vst.idx.add.s32.msk vm3, v2  }
0x7e: {  	s28 =	sadd.s32 $0x80, s28;
	v8 =	vadd.s32 v1, v5;
	v5 =	vld [tilespmem:s22+$0x10]  }
0x7f: {  	_ =	sdelay $0x1  }
0x80: {  	vm3 =	vne.s32 v7, $0x0;
	v7 =	vshra.s32 v7, $0x14  }
0x81: {  	v7 =	vadd.s32 v1, v7;
	_ =	sdelay $0x4  }
0x82: {  	[tilespmem:v7+s4+$0x0] =	vst.idx.add.s32.msk vm3, v2  }
0x83: {  	v7 =	vld [tilespmem:s25+$0xFFFFFFE0];
	_ =	sdelay $0x4  }
0x84: {  	vm3 =	vne.s32 v7, $0x0;
	v7 =	vshra.s32 v7, $0x14  }
0x85: {  	v7 =	vadd.s32 v1, v7;
	_ =	sdelay $0x1  }
0x86: {  	[tilespmem:v8+s4+$0x0] =	vst.idx.add.s32.msk vm2, v2  }
0x87: {  	v8 =	vld [tilespmem:s24+$0xFFFFFFF0];
	_ =	sdelay $0x1  }
0x88: {  	[tilespmem:v7+s4+$0x0] =	vst.idx.add.s32.msk vm3, v2  }
0x89: {  	v7 =	vld [tilespmem:s25+$0xFFFFFFF0];
	_ =	sdelay $0x1  }
0x8a: {  	vm2 =	vne.s32 v8, $0x0;
	v8 =	vshra.s32 v8, $0x14  }
0x8b: {  	v8 =	vadd.s32 v1, v8;
	_ =	sdelay $0x1  }
0x8c: {  	[tilespmem:v6+s4+$0x0] =	vst.idx.add.s32.msk vm1, v2;
	vm3 =	vne.s32 v7, $0x0;
	v7 =	vshra.s32 v7, $0x14  }
0x8d: {  	v6 =	vld [tilespmem:s23+$0x0];
	v7 =	vadd.s32 v1, v7;
	_ =	sdelay $0x1  }
0x8e: {  	[tilespmem:v8+s4+$0x0] =	vst.idx.add.s32.msk vm2, v2  }
0x8f: {  	v8 =	vld [tilespmem:s24+$0x0];
	_ =	sdelay $0x1  }
0x90: {  	vm1 =	vne.s32 v6, $0x0;
	v6 =	vshra.s32 v6, $0x14;
	[tilespmem:v7+s4+$0x0] =	vst.idx.add.s32.msk vm3, v2  }
0x91: {  	v6 =	vadd.s32 v1, v6;
	v7 =	vld [tilespmem:s25+$0x0];
	_ =	sdelay $0x1  }
0x92: {  	vm2 =	vne.s32 v8, $0x0;
	v8 =	vshra.s32 v8, $0x14  }
0x93: {  	v8 =	vadd.s32 v1, v8;
	_ =	sdelay $0x1  }
0x94: {  	[tilespmem:v6+s4+$0x0] =	vst.idx.add.s32.msk vm1, v2;
	vm3 =	vne.s32 v7, $0x0;
	v7 =	vshra.s32 v7, $0x14  }
0x95: {  	v6 =	vld [tilespmem:s23+$0x10];
	v7 =	vadd.s32 v1, v7;
	_ =	sdelay $0x1  }
0x96: {  	[tilespmem:v8+s4+$0x0] =	vst.idx.add.s32.msk vm2, v2  }
0x97: {  	v8 =	vld [tilespmem:s24+$0x10]  }
0x98: {  	vm1 =	vne.s32 v5, $0x0;
	v5 =	vshra.s32 v5, $0x14  }
0x99: {  	v5 =	vadd.s32 v1, v5;
	vm2 =	vne.s32 v6, $0x0;
	v6 =	vshra.s32 v6, $0x14;
	[tilespmem:v7+s4+$0x0] =	vst.idx.add.s32.msk vm3, v2  }
0x9a: {  	v6 =	vadd.s32 v1, v6;
	v7 =	vld [tilespmem:s25+$0x10];
	_ =	sdelay $0x1  }
0x9b: {  	vm3 =	vne.s32 v8, $0x0;
	v8 =	vshra.s32 v8, $0x14  }
0x9c: {  	v8 =	vadd.s32 v1, v8  }
0x9d: {  	[tilespmem:v5+s4+$0x0] =	vst.idx.add.s32.msk vm1, v2  }
0x9e: {  	[tilespmem:v6+s4+$0x0] =	vst.idx.add.s32.msk vm2, v2;
	vm1 =	vne.s32 v7, $0x0;
	v5 =	vshra.s32 v7, $0x14  }
0x9f: {  	v7 =	vld [tilespmem:s22+$0x20];
	v5 =	vadd.s32 v1, v5  }
0xa0: {  	v6 =	vld [tilespmem:s23+$0x20]  }
0xa1: {  	vm2 =	vne.s32 v4, $0x0;
	v4 =	vshra.s32 v4, $0x14;
	[tilespmem:v8+s4+$0x0] =	vst.idx.add.s32.msk vm3, v2  }
0xa2: {  	v4 =	vadd.s32 v1, v4;
	v8 =	vld [tilespmem:s24+$0x20];
	_ =	sdelay $0x1  }
0xa3: {  	vm3 =	vne.s32 v7, $0x0;
	v7 =	vshra.s32 v7, $0x14;
	[tilespmem:v5+s4+$0x0] =	vst.idx.add.s32.msk vm1, v2  }
0xa4: {  	v5 =	vadd.s32 v1, v7;
	v7 =	vld [tilespmem:s25+$0x20]  }
0xa5: {  	vm1 =	vne.s32 v6, $0x0;
	v6 =	vshra.s32 v6, $0x14  }
0xa6: {  	[tilespmem:v4+s4+$0x0] =	vst.idx.add.s32.msk vm2, v2;
	vm2 =	vne.s32 v8, $0x0;
	v4 =	vshra.s32 v8, $0x14;
	v6 =	vadd.s32 v1, v6  }
0xa7: {  	v4 =	vadd.s32 v1, v4  }
0xa8: {  	v8 =	vld [tilespmem:s21+$0x30]  }
0xa9: {  	[tilespmem:v5+s4+$0x0] =	vst.idx.add.s32.msk vm3, v2;
	vm3 =	vne.s32 v7, $0x0;
	v5 =	vshra.s32 v7, $0x14  }
0xaa: {  	v7 =	vld [tilespmem:s22+$0x30];
	v5 =	vadd.s32 v1, v5  }
0xab: {  	[tilespmem:v6+s4+$0x0] =	vst.idx.add.s32.msk vm1, v2  }
0xac: {  	[tilespmem:v4+s4+$0x0] =	vst.idx.add.s32.msk vm2, v2  }
0xad: {  	v6 =	vld [tilespmem:s23+$0x30]  }
0xae: {  	v4 =	vld [tilespmem:s24+$0x30]  }
0xaf: {  	[tilespmem:v5+s4+$0x0] =	vst.idx.add.s32.msk vm3, v2  }
0xb0: {  	v5 =	vld [tilespmem:s25+$0x30]  }
0xb1: {  	vm1 =	vne.s32 v8, $0x0;
	v8 =	vshra.s32 v8, $0x14  }
0xb2: {  	v8 =	vadd.s32 v1, v8;
	vm2 =	vne.s32 v7, $0x0;
	v7 =	vshra.s32 v7, $0x14  }
0xb3: {  	v7 =	vadd.s32 v1, v7;
	vm3 =	vne.s32 v6, $0x0;
	v6 =	vshra.s32 v6, $0x14  }
0xb4: {  	vm4 =	vne.s32 v4, $0x0;
	v4 =	vshra.s32 v4, $0x14;
	v6 =	vadd.s32 v1, v6  }
0xb5: {  	v4 =	vadd.s32 v1, v4;
	vm5 =	vne.s32 v5, $0x0;
	v5 =	vshra.s32 v5, $0x14  }
0xb6: {  	[tilespmem:v3+s4+$0x0] =	vst.idx.add.s32.msk vm0, v2;
	v3 =	vadd.s32 v1, v5  }
0xb7: {  	[tilespmem:v8+s4+$0x0] =	vst.idx.add.s32.msk vm1, v2  }
0xb8: {  	s21 =	sshll.u32 s20, $0xF;
	[tilespmem:v7+s4+$0x0] =	vst.idx.add.s32.msk vm2, v2  }
0xb9: {  	s31 =	sadd.s32 s21, s7;
	[tilespmem:v6+s4+$0x0] =	vst.idx.add.s32.msk vm3, v2  }
0xba: {  	s22 =	sshrl.u32 s31, $0x3;
	[tilespmem:v4+s4+$0x0] =	vst.idx.add.s32.msk vm4, v2  }
0xbb: {  	s22 =	sadd.s32 s1, s22;
	[tilespmem:v3+s4+$0x0] =	vst.idx.add.s32.msk vm5, v2  }
0xbc: {  	[tilespmem:s13], [sflag:$0x1] =	stream.linear.gather [hbm4b:s22+s4], $0x4000, $0x38;
	[tilespmem:$0x10080] =	vst v63  }
0xbd: {  	_ =	swait.ge [sflag:s16], $0x4000  }
0xbe: {  	[sflag:s16] =	ssyncset.done $0x0  }
0xbf: {  	s28 =	simm.s32 $0xC040;
	[sflag:s16] =	ssyncadd.s32 $0xFFFFC000  }
0xc0: {  	v3 =	vld [tilespmem:s28+$0xFFFFFFC0];
	_ =	sdelay $0x4  }
0xc1: {  	vm0 =	vne.s32 v3, $0x0;
	v3 =	vshra.s32 v3, $0x14  }
0xc2: {  	v3 =	vadd.s32 v1, v3;
	_ =	sdelay $0x4  }
0xc3: {  	[tilespmem:v3+s4+$0x0] =	vst.idx.add.s32.msk vm0, v2  }
0xc4: {  	v3 =	vld [tilespmem:s28+$0xFFFFFFD0];
	_ =	sdelay $0x2  }
0xc5: {  	s22 =	simm.s32 $0xC0C0  }
0xc6: {  	v4 =	vld [tilespmem:s22+$0xFFFFFFC0]  }
0xc7: {  	vm0 =	vne.s32 v3, $0x0;
	v3 =	vshra.s32 v3, $0x14  }
0xc8: {  	v3 =	vadd.s32 v1, v3;
	_ =	sdelay $0x2  }
0xc9: {  	vm1 =	vne.s32 v4, $0x0;
	v4 =	vshra.s32 v4, $0x14  }
0xca: {  	v4 =	vadd.s32 v1, v4  }
0xcb: {  	[tilespmem:v3+s4+$0x0] =	vst.idx.add.s32.msk vm0, v2  }
0xcc: {  	v3 =	vld [tilespmem:s28+$0xFFFFFFE0];
	_ =	sdelay $0x2  }
0xcd: {  	[tilespmem:v4+s4+$0x0] =	vst.idx.add.s32.msk vm1, v2  }
0xce: {  	v4 =	vld [tilespmem:s22+$0xFFFFFFD0]  }
0xcf: {  	vm0 =	vne.s32 v3, $0x0;
	v3 =	vshra.s32 v3, $0x14  }
0xd0: {  	s23 =	simm.s32 $0xC140;
	v3 =	vadd.s32 v1, v3  }
0xd1: {  	v5 =	vld [tilespmem:s23+$0xFFFFFFC0];
	_ =	sdelay $0x1  }
0xd2: {  	vm1 =	vne.s32 v4, $0x0;
	v4 =	vshra.s32 v4, $0x14  }
0xd3: {  	v4 =	vadd.s32 v1, v4  }
0xd4: {  	[tilespmem:v3+s4+$0x0] =	vst.idx.add.s32.msk vm0, v2  }
0xd5: {  	vm0 =	vne.s32 v5, $0x0;
	v5 =	vshra.s32 v5, $0x14;
	v3 =	vld [tilespmem:s28+$0xFFFFFFF0]  }
0xd6: {  	v5 =	vadd.s32 v1, v5;
	_ =	sdelay $0x1  }
0xd7: {  	[tilespmem:v4+s4+$0x0] =	vst.idx.add.s32.msk vm1, v2  }
0xd8: {  	v4 =	vld [tilespmem:s22+$0xFFFFFFE0]  }
0xd9: {  	vm1 =	vne.s32 v3, $0x0;
	v3 =	vshra.s32 v3, $0x14  }
0xda: {  	[tilespmem:v5+s4+$0x0] =	vst.idx.add.s32.msk vm0, v2;
	v3 =	vadd.s32 v1, v3  }
0xdb: {  	v5 =	vld [tilespmem:s23+$0xFFFFFFD0];
	_ =	sdelay $0x1  }
0xdc: {  	s24 =	simm.s32 $0xC1C0;
	vm0 =	vne.s32 v4, $0x0;
	v4 =	vshra.s32 v4, $0x14  }
0xdd: {  	v6 =	vld [tilespmem:s24+$0xFFFFFFC0];
	v4 =	vadd.s32 v1, v4  }
0xde: {  	[tilespmem:v3+s4+$0x0] =	vst.idx.add.s32.msk vm1, v2  }
0xdf: {  	vm1 =	vne.s32 v5, $0x0;
	v5 =	vshra.s32 v5, $0x14;
	v3 =	vld [tilespmem:s28+$0x0]  }
0xe0: {  	v5 =	vadd.s32 v1, v5;
	_ =	sdelay $0x1  }
0xe1: {  	[tilespmem:v4+s4+$0x0] =	vst.idx.add.s32.msk vm0, v2;
	vm0 =	vne.s32 v6, $0x0;
	v4 =	vshra.s32 v6, $0x14  }
0xe2: {  	v6 =	vld [tilespmem:s22+$0xFFFFFFF0];
	v4 =	vadd.s32 v1, v4  }
0xe3: {  	vm2 =	vne.s32 v3, $0x0;
	v3 =	vshra.s32 v3, $0x14  }
0xe4: {  	[tilespmem:v5+s4+$0x0] =	vst.idx.add.s32.msk vm1, v2;
	v3 =	vadd.s32 v1, v3  }
0xe5: {  	v5 =	vld [tilespmem:s23+$0xFFFFFFE0];
	_ =	sdelay $0x1  }
0xe6: {  	vm1 =	vne.s32 v6, $0x0;
	v6 =	vshra.s32 v6, $0x14;
	[tilespmem:v4+s4+$0x0] =	vst.idx.add.s32.msk vm0, v2  }
0xe7: {  	v4 =	vadd.s32 v1, v6;
	v6 =	vld [tilespmem:s24+$0xFFFFFFD0]  }
0xe8: {  	[tilespmem:v3+s4+$0x0] =	vst.idx.add.s32.msk vm2, v2  }
0xe9: {  	s25 =	simm.s32 $0xC240;
	vm0 =	vne.s32 v5, $0x0;
	v5 =	vshra.s32 v5, $0x14;
	v3 =	vld [tilespmem:s28+$0x10]  }
0xea: {  	v7 =	vld [tilespmem:s25+$0xFFFFFFC0];
	v5 =	vadd.s32 v1, v5;
	_ =	sdelay $0x1  }
0xeb: {  	[tilespmem:v4+s4+$0x0] =	vst.idx.add.s32.msk vm1, v2;
	vm1 =	vne.s32 v6, $0x0;
	v4 =	vshra.s32 v6, $0x14  }
0xec: {  	v4 =	vadd.s32 v1, v4;
	v6 =	vld [tilespmem:s22+$0x0]  }
0xed: {  	vm2 =	vne.s32 v3, $0x0;
	v3 =	vshra.s32 v3, $0x14  }
0xee: {  	[tilespmem:v5+s4+$0x0] =	vst.idx.add.s32.msk vm0, v2;
	vm0 =	vne.s32 v7, $0x0;
	v5 =	vshra.s32 v7, $0x14;
	v3 =	vadd.s32 v1, v3  }
0xef: {  	v5 =	vadd.s32 v1, v5  }
0xf0: {  	v7 =	vld [tilespmem:s23+$0xFFFFFFF0]  }
0xf1: {  	[tilespmem:v4+s4+$0x0] =	vst.idx.add.s32.msk vm1, v2;
	vm1 =	vne.s32 v6, $0x0;
	v4 =	vshra.s32 v6, $0x14  }
0xf2: {  	v6 =	vld [tilespmem:s24+$0xFFFFFFE0];
	v4 =	vadd.s32 v1, v4  }
0xf3: {  	[tilespmem:v3+s4+$0x0] =	vst.idx.add.s32.msk vm2, v2  }
0xf4: {  	[tilespmem:v5+s4+$0x0] =	vst.idx.add.s32.msk vm0, v2  }
0xf5: {  	vm2 =	vne.s32 v7, $0x0;
	v7 =	vshra.s32 v7, $0x14;
	v3 =	vld [tilespmem:s28+$0x20]  }
0xf6: {  	v5 =	vadd.s32 v1, v7;
	v7 =	vld [tilespmem:s25+$0xFFFFFFD0]  }
0xf7: {  	vm0 =	vne.s32 v6, $0x0;
	v6 =	vshra.s32 v6, $0x14;
	[tilespmem:v4+s4+$0x0] =	vst.idx.add.s32.msk vm1, v2  }
0xf8: {  	v4 =	vadd.s32 v1, v6;
	v6 =	vld [tilespmem:s22+$0x10]  }
0xf9: {  	s26 =	simm.s32 $0xC2C0  }
0xfa: {  	v8 =	vld [tilespmem:s26+$0xFFFFFFC0];
	vm1 =	vne.s32 v3, $0x0;
	v3 =	vshra.s32 v3, $0x14  }
0xfb: {  	[tilespmem:v5+s4+$0x0] =	vst.idx.add.s32.msk vm2, v2;
	vm2 =	vne.s32 v7, $0x0;
	v5 =	vshra.s32 v7, $0x14;
	v3 =	vadd.s32 v1, v3  }
0xfc: {  	v5 =	vadd.s32 v1, v5  }
0xfd: {  	[tilespmem:v4+s4+$0x0] =	vst.idx.add.s32.msk vm0, v2;
	vm0 =	vne.s32 v6, $0x0;
	v4 =	vshra.s32 v6, $0x14  }
0xfe: {  	v7 =	vld [tilespmem:s23+$0x0];
	v4 =	vadd.s32 v1, v4  }
0xff: {  	v6 =	vld [tilespmem:s24+$0xFFFFFFF0]  }
0x100: {  	vm3 =	vne.s32 v8, $0x0;
	v8 =	vshra.s32 v8, $0x14;
	[tilespmem:v3+s4+$0x0] =	vst.idx.add.s32.msk vm1, v2  }
0x101: {  	v3 =	vadd.s32 v1, v8;
	[tilespmem:v5+s4+$0x0] =	vst.idx.add.s32.msk vm2, v2  }
0x102: {  	v8 =	vld [tilespmem:s28+$0x30]  }
0x103: {  	vm2 =	vne.s32 v7, $0x0;
	v5 =	vshra.s32 v7, $0x14;
	[tilespmem:v4+s4+$0x0] =	vst.idx.add.s32.msk vm0, v2  }
0x104: {  	v9 =	vld [tilespmem:s25+$0xFFFFFFE0];
	v5 =	vadd.s32 v1, v5  }
0x105: {  	v4 =	vld [tilespmem:s22+$0x20]  }
0x106: {  	vm1 =	vne.s32 v6, $0x0;
	[tilespmem:v3+s4+$0x0] =	vst.idx.add.s32.msk vm3, v2;
	v3 =	vshra.s32 v6, $0x14  }
0x107: {  	v6 =	vadd.s32 v1, v3;
	vm0 =	vne.s32 v8, $0x0;
	v3 =	vshra.s32 v8, $0x14  }
0x108: {  	v7 =	vld [tilespmem:s26+$0xFFFFFFD0];
	v3 =	vadd.s32 v1, v3  }
0x109: {  	[tilespmem:v5+s4+$0x0] =	vst.idx.add.s32.msk vm2, v2;
	v5 =	vshra.s32 v9, $0x14;
	vm2 =	vne.s32 v9, $0x0  }
0x10a: {  	s29 =	simm.s32 $0xC340;
	s28 =	simm.s32 $0x280;
	v8 =	vadd.s32 v1, v5;
	v5 =	vld [tilespmem:s23+$0x10]  }
.LBB2_7:
0x10b: {  	v9 =	vld [tilespmem:s29+$0xFFFFFFC0];
	vm3 =	vne.s32 v4, $0x0;
	v4 =	vshra.s32 v4, $0x14  }
0x10c: {  	[tilespmem:v6+s4+$0x0] =	vst.idx.add.s32.msk vm1, v2;
	v4 =	vadd.s32 v1, v4  }
0x10d: {  	vm1 =	vne.s32 v7, $0x0;
	v6 =	vshra.s32 v7, $0x14;
	[tilespmem:v3+s4+$0x0] =	vst.idx.add.s32.msk vm0, v2  }
0x10e: {  	s28 =	sadd.s32 $0x80, s28;
	v3 =	vadd.s32 v1, v6;
	v6 =	vld [tilespmem:s24+$0x0]  }
0x10f: {  	p0 =	slt.u32 s28, $0x3F80;
	[tilespmem:v8+s4+$0x0] =	vst.idx.add.s32.msk vm2, v2;
	vm0 =	vne.s32 v5, $0x0;
	v5 =	vshra.s32 v5, $0x14  }
0x110: {  	v7 =	vld [tilespmem:s25+$0xFFFFFFF0];
	v5 =	vadd.s32 v1, v5  }
0x111: {  	vm2 =	vne.s32 v9, $0x0;
	v8 =	vshra.s32 v9, $0x14;
	[tilespmem:v4+s4+$0x0] =	vst.idx.add.s32.msk vm3, v2  }
0x112: {  	v8 =	vadd.s32 v1, v8;
	v9 =	vld [tilespmem:s22+$0x30];
	s22 =	smov.u32 s23;
	s23 =	smov.u32 s24;
	s24 =	smov.u32 s25  }
0x113: {  	s25 =	smov.u32 s26;
	s26 =	smov.u32 s29;
	[tilespmem:v3+s4+$0x0] =	vst.idx.add.s32.msk vm1, v2;
	vm3 =	vne.s32 v6, $0x0;
	v3 =	vshra.s32 v6, $0x14  }
0x114: {  	v10 =	vld [tilespmem:s25+$0xFFFFFFE0];
	v11 =	vadd.s32 v1, v3  }
0x115: {  	[tilespmem:v5+s4+$0x0] =	vst.idx.add.s32.msk vm0, v2  }
.Ltmp2:
0x116: {  	vm1 =	vne.s32 v7, $0x0;
	v3 =	vshra.s32 v7, $0x14;
	v4 =	vld [tilespmem:s22+$0x20];
	(pc) =	sbr.rel @p0 .LBB2_7-.Ltmp2, $4  }
0x117: {  	v6 =	vadd.s32 v1, v3;
	[tilespmem:v8+s4+$0x0] =	vst.idx.add.s32.msk vm2, v2;
	vm0 =	vne.s32 v9, $0x0;
	v3 =	vshra.s32 v9, $0x14  }
0x118: {  	v7 =	vld [tilespmem:s29+$0xFFFFFFD0];
	v3 =	vadd.s32 v1, v3  }
0x119: {  	vm2 =	vne.s32 v10, $0x0;
	v5 =	vshra.s32 v10, $0x14;
	[tilespmem:v11+s4+$0x0] =	vst.idx.add.s32.msk vm3, v2  }
0x11a: {  	s29 =	sadd.s32 $0x80, s29;
	v8 =	vadd.s32 v1, v5;
	v5 =	vld [tilespmem:s23+$0x10]  }
0x11b: {  	_ =	sdelay $0x1  }
0x11c: {  	vm3 =	vne.s32 v7, $0x0;
	v53 =	vshra.s32 v7, $0x14  }
0x11d: {  	v7 =	vadd.s32 v1, v53;
	_ =	sdelay $0x4  }
0x11e: {  	[tilespmem:v7+s4+$0x0] =	vst.idx.add.s32.msk vm3, v2  }
0x11f: {  	v7 =	vld [tilespmem:s26+$0xFFFFFFE0];
	_ =	sdelay $0x4  }
0x120: {  	vm8 =	vne.s32 v7, $0x0;
	v7 =	vshra.s32 v7, $0x14  }
0x121: {  	v7 =	vadd.s32 v1, v7  }
0x122: {  	[tilespmem:v8+s4+$0x0] =	vst.idx.add.s32.msk vm2, v2  }
0x123: {  	v8 =	vld [tilespmem:s25+$0xFFFFFFF0];
	_ =	sdelay $0x2  }
0x124: {  	[tilespmem:v7+s4+$0x0] =	vst.idx.add.s32.msk vm8, v2  }
0x125: {  	v7 =	vld [tilespmem:s26+$0xFFFFFFF0]  }
0x126: {  	vm9 =	vne.s32 v8, $0x0;
	v8 =	vshra.s32 v8, $0x14  }
0x127: {  	v8 =	vadd.s32 v1, v8;
	_ =	sdelay $0x2  }
0x128: {  	[tilespmem:v6+s4+$0x0] =	vst.idx.add.s32.msk vm1, v2;
	vm10 =	vne.s32 v7, $0x0;
	v7 =	vshra.s32 v7, $0x14  }
0x129: {  	v6 =	vld [tilespmem:s24+$0x0];
	v7 =	vadd.s32 v1, v7  }
0x12a: {  	[tilespmem:v8+s4+$0x0] =	vst.idx.add.s32.msk vm9, v2  }
0x12b: {  	v8 =	vld [tilespmem:s25+$0x0];
	_ =	sdelay $0x2  }
0x12c: {  	vm11 =	vne.s32 v6, $0x0;
	v6 =	vshra.s32 v6, $0x14;
	[tilespmem:v7+s4+$0x0] =	vst.idx.add.s32.msk vm10, v2  }
0x12d: {  	v6 =	vadd.s32 v1, v6;
	v7 =	vld [tilespmem:s26+$0x0]  }
0x12e: {  	vm12 =	vne.s32 v8, $0x0;
	v8 =	vshra.s32 v8, $0x14  }
0x12f: {  	v8 =	vadd.s32 v1, v8;
	_ =	sdelay $0x2  }
0x130: {  	[tilespmem:v6+s4+$0x0] =	vst.idx.add.s32.msk vm11, v2;
	vm13 =	vne.s32 v7, $0x0;
	v7 =	vshra.s32 v7, $0x14  }
0x131: {  	v6 =	vld [tilespmem:s24+$0x10];
	v7 =	vadd.s32 v1, v7  }
0x132: {  	[tilespmem:v8+s4+$0x0] =	vst.idx.add.s32.msk vm12, v2  }
0x133: {  	v8 =	vld [tilespmem:s25+$0x10];
	_ =	sdelay $0x1  }
0x134: {  	vm14 =	vne.s32 v5, $0x0;
	v54 =	vshra.s32 v5, $0x14  }
0x135: {  	v5 =	vadd.s32 v1, v54;
	vm15 =	vne.s32 v6, $0x0;
	v6 =	vshra.s32 v6, $0x14;
	[tilespmem:v7+s4+$0x0] =	vst.idx.add.s32.msk vm13, v2  }
0x136: {  	v6 =	vadd.s32 v1, v6;
	v7 =	vld [tilespmem:s26+$0x10]  }
0x137: {  	vm6 =	vne.s32 v8, $0x0;
	v8 =	vshra.s32 v8, $0x14  }
0x138: {  	v8 =	vadd.s32 v1, v8;
	_ =	sdelay $0x1  }
0x139: {  	[tilespmem:v5+s4+$0x0] =	vst.idx.add.s32.msk vm14, v2  }
0x13a: {  	[tilespmem:v6+s4+$0x0] =	vst.idx.add.s32.msk vm15, v2;
	vm7 =	vne.s32 v7, $0x0;
	v55 =	vshra.s32 v7, $0x14  }
0x13b: {  	v6 =	vld [tilespmem:s24+$0x20];
	v5 =	vadd.s32 v1, v55  }
0x13c: {  	[tilespmem:v8+s4+$0x0] =	vst.idx.add.s32.msk vm6, v2  }
0x13d: {  	v57 =	vshra.s32 v4, $0x14;
	vm8 =	vne.s32 v4, $0x0;
	v8 =	vld [tilespmem:s25+$0x20]  }
0x13e: {  	v4 =	vadd.s32 v1, v57  }
0x13f: {  	v56 =	vld [tilespmem:s23+$0x20]  }
0x140: {  	vm10 =	vne.s32 v6, $0x0;
	v6 =	vshra.s32 v6, $0x14;
	[tilespmem:v5+s4+$0x0] =	vst.idx.add.s32.msk vm7, v2  }
0x141: {  	v6 =	vadd.s32 v1, v6;
	v59 =	vld [tilespmem:s26+$0x20]  }
0x142: {  	vm11 =	vne.s32 v8, $0x0;
	v60 =	vshra.s32 v8, $0x14  }
0x143: {  	[tilespmem:v4+s4+$0x0] =	vst.idx.add.s32.msk vm8, v2;
	v4 =	vadd.s32 v1, v60  }
0x144: {  	vm9 =	vne.s32 v56, $0x0;
	v7 =	vshra.s32 v56, $0x14  }
0x145: {  	v61 =	vld [tilespmem:s22+$0x30];
	v58 =	vadd.s32 v1, v7  }
0x146: {  	[tilespmem:v6+s4+$0x0] =	vst.idx.add.s32.msk vm10, v2;
	vm12 =	vne.s32 v59, $0x0;
	v62 =	vshra.s32 v59, $0x14  }
0x147: {  	v6 =	vld [tilespmem:s24+$0x30];
	v5 =	vadd.s32 v1, v62  }
0x148: {  	[tilespmem:v4+s4+$0x0] =	vst.idx.add.s32.msk vm11, v2  }
0x149: {  	v4 =	vld [tilespmem:s25+$0x30]  }
0x14a: {  	[tilespmem:v58+s4+$0x0] =	vst.idx.add.s32.msk vm9, v2  }
0x14b: {  	v63 =	vld [tilespmem:s23+$0x30]  }
0x14c: {  	[tilespmem:v5+s4+$0x0] =	vst.idx.add.s32.msk vm12, v2  }
0x14d: {  	v5 =	vld [tilespmem:s26+$0x30]  }
0x14e: {  	v8 =	vshra.s32 v61, $0x14;
	vm13 =	vne.s32 v61, $0x0  }
0x14f: {  	v8 =	vadd.s32 v1, v8;
	vm15 =	vne.s32 v6, $0x0;
	v6 =	vshra.s32 v6, $0x14  }
0x150: {  	v6 =	vadd.s32 v1, v6;
	vm4 =	vne.s32 v4, $0x0;
	v4 =	vshra.s32 v4, $0x14  }
0x151: {  	v4 =	vadd.s32 v1, v4;
	vm14 =	vne.s32 v63, $0x0;
	v7 =	vshra.s32 v63, $0x14  }
0x152: {  	v7 =	vadd.s32 v1, v7;
	vm5 =	vne.s32 v5, $0x0;
	v5 =	vshra.s32 v5, $0x14  }
0x153: {  	[tilespmem:v3+s4+$0x0] =	vst.idx.add.s32.msk vm0, v2;
	s20 =	sadd.s32 $0x1, s20;
	v3 =	vadd.s32 v1, v5  }
0x154: {  	p0 =	sne.s32 s20, $0x3F;
	[tilespmem:v8+s4+$0x0] =	vst.idx.add.s32.msk vm13, v2  }
.Ltmp3:
0x155: {  	[tilespmem:v6+s4+$0x0] =	vst.idx.add.s32.msk vm15, v2;
	(pc) =	sbr.rel @p0 .LBB2_4-.Ltmp3, $4  }
0x156: {  	s21 =	sadd.s32 s21, s8;
	[tilespmem:v4+s4+$0x0] =	vst.idx.add.s32.msk vm4, v2  }
0x157: {  	s21 =	sshrl.u32 s21, $0x3;
	[tilespmem:v7+s4+$0x0] =	vst.idx.add.s32.msk vm14, v2  }
0x158: {  	s21 =	sadd.s32 s1, s21;
	[tilespmem:v3+s4+$0x0] =	vst.idx.add.s32.msk vm5, v2  }
0x159: {  	[tilespmem:s14], [sflag:$0x2] =	stream.linear.gather [hbm4b:s21+s4], $0x4000, $0x38;
	[tilespmem:$0x10080] =	vst v63  }
0x15a: {  	_ =	swait.ge [sflag:s15], $0x4000  }
0x15b: {  	[sflag:s15] =	ssyncset.done $0x0  }
0x15c: {  	s25 =	simm.s32 $0x8040;
	[sflag:s15] =	ssyncadd.s32 $0xFFFFC000  }
0x15d: {  	v3 =	vld [tilespmem:s25+$0xFFFFFFC0];
	_ =	sdelay $0x4  }
0x15e: {  	vm0 =	vne.s32 v3, $0x0;
	v3 =	vshra.s32 v3, $0x14  }
0x15f: {  	v3 =	vadd.s32 v1, v3;
	_ =	sdelay $0x4  }
0x160: {  	[tilespmem:v3+s4+$0x0] =	vst.idx.add.s32.msk vm0, v2  }
0x161: {  	v3 =	vld [tilespmem:s25+$0xFFFFFFD0];
	_ =	sdelay $0x2  }
0x162: {  	s20 =	simm.s32 $0x80C0  }
0x163: {  	v4 =	vld [tilespmem:s20+$0xFFFFFFC0]  }
0x164: {  	vm0 =	vne.s32 v3, $0x0;
	v3 =	vshra.s32 v3, $0x14  }
0x165: {  	v3 =	vadd.s32 v1, v3;
	_ =	sdelay $0x2  }
0x166: {  	vm1 =	vne.s32 v4, $0x0;
	v4 =	vshra.s32 v4, $0x14  }
0x167: {  	v4 =	vadd.s32 v1, v4  }
0x168: {  	[tilespmem:v3+s4+$0x0] =	vst.idx.add.s32.msk vm0, v2  }
0x169: {  	v3 =	vld [tilespmem:s25+$0xFFFFFFE0];
	_ =	sdelay $0x2  }
0x16a: {  	[tilespmem:v4+s4+$0x0] =	vst.idx.add.s32.msk vm1, v2  }
0x16b: {  	v4 =	vld [tilespmem:s20+$0xFFFFFFD0]  }
0x16c: {  	vm0 =	vne.s32 v3, $0x0;
	v3 =	vshra.s32 v3, $0x14  }
0x16d: {  	s21 =	simm.s32 $0x8140;
	v3 =	vadd.s32 v1, v3  }
0x16e: {  	v5 =	vld [tilespmem:s21+$0xFFFFFFC0];
	_ =	sdelay $0x1  }
0x16f: {  	vm1 =	vne.s32 v4, $0x0;
	v4 =	vshra.s32 v4, $0x14  }
0x170: {  	v4 =	vadd.s32 v1, v4  }
0x171: {  	[tilespmem:v3+s4+$0x0] =	vst.idx.add.s32.msk vm0, v2  }
0x172: {  	vm0 =	vne.s32 v5, $0x0;
	v5 =	vshra.s32 v5, $0x14;
	v3 =	vld [tilespmem:s25+$0xFFFFFFF0]  }
0x173: {  	v5 =	vadd.s32 v1, v5;
	_ =	sdelay $0x1  }
0x174: {  	[tilespmem:v4+s4+$0x0] =	vst.idx.add.s32.msk vm1, v2  }
0x175: {  	v4 =	vld [tilespmem:s20+$0xFFFFFFE0]  }
0x176: {  	vm1 =	vne.s32 v3, $0x0;
	v3 =	vshra.s32 v3, $0x14  }
0x177: {  	[tilespmem:v5+s4+$0x0] =	vst.idx.add.s32.msk vm0, v2;
	v3 =	vadd.s32 v1, v3  }
0x178: {  	v5 =	vld [tilespmem:s21+$0xFFFFFFD0];
	_ =	sdelay $0x1  }
0x179: {  	s22 =	simm.s32 $0x81C0;
	vm0 =	vne.s32 v4, $0x0;
	v4 =	vshra.s32 v4, $0x14  }
0x17a: {  	v6 =	vld [tilespmem:s22+$0xFFFFFFC0];
	v4 =	vadd.s32 v1, v4  }
0x17b: {  	[tilespmem:v3+s4+$0x0] =	vst.idx.add.s32.msk vm1, v2  }
0x17c: {  	vm1 =	vne.s32 v5, $0x0;
	v5 =	vshra.s32 v5, $0x14;
	v3 =	vld [tilespmem:s25+$0x0]  }
0x17d: {  	v5 =	vadd.s32 v1, v5;
	_ =	sdelay $0x1  }
0x17e: {  	[tilespmem:v4+s4+$0x0] =	vst.idx.add.s32.msk vm0, v2;
	vm0 =	vne.s32 v6, $0x0;
	v4 =	vshra.s32 v6, $0x14  }
0x17f: {  	v6 =	vld [tilespmem:s20+$0xFFFFFFF0];
	v4 =	vadd.s32 v1, v4  }
0x180: {  	vm2 =	vne.s32 v3, $0x0;
	v3 =	vshra.s32 v3, $0x14  }
0x181: {  	[tilespmem:v5+s4+$0x0] =	vst.idx.add.s32.msk vm1, v2;
	v3 =	vadd.s32 v1, v3  }
0x182: {  	v5 =	vld [tilespmem:s21+$0xFFFFFFE0];
	_ =	sdelay $0x1  }
0x183: {  	vm1 =	vne.s32 v6, $0x0;
	v6 =	vshra.s32 v6, $0x14;
	[tilespmem:v4+s4+$0x0] =	vst.idx.add.s32.msk vm0, v2  }
0x184: {  	v4 =	vadd.s32 v1, v6;
	v6 =	vld [tilespmem:s22+$0xFFFFFFD0]  }
0x185: {  	[tilespmem:v3+s4+$0x0] =	vst.idx.add.s32.msk vm2, v2  }
0x186: {  	s23 =	simm.s32 $0x8240;
	vm0 =	vne.s32 v5, $0x0;
	v5 =	vshra.s32 v5, $0x14;
	v3 =	vld [tilespmem:s25+$0x10]  }
0x187: {  	v7 =	vld [tilespmem:s23+$0xFFFFFFC0];
	v5 =	vadd.s32 v1, v5;
	_ =	sdelay $0x1  }
0x188: {  	[tilespmem:v4+s4+$0x0] =	vst.idx.add.s32.msk vm1, v2;
	vm1 =	vne.s32 v6, $0x0;
	v4 =	vshra.s32 v6, $0x14  }
0x189: {  	v4 =	vadd.s32 v1, v4;
	v6 =	vld [tilespmem:s20+$0x0]  }
0x18a: {  	vm2 =	vne.s32 v3, $0x0;
	v3 =	vshra.s32 v3, $0x14  }
0x18b: {  	[tilespmem:v5+s4+$0x0] =	vst.idx.add.s32.msk vm0, v2;
	vm0 =	vne.s32 v7, $0x0;
	v5 =	vshra.s32 v7, $0x14;
	v3 =	vadd.s32 v1, v3  }
0x18c: {  	v5 =	vadd.s32 v1, v5  }
0x18d: {  	v7 =	vld [tilespmem:s21+$0xFFFFFFF0]  }
0x18e: {  	[tilespmem:v4+s4+$0x0] =	vst.idx.add.s32.msk vm1, v2;
	vm1 =	vne.s32 v6, $0x0;
	v4 =	vshra.s32 v6, $0x14  }
0x18f: {  	v6 =	vld [tilespmem:s22+$0xFFFFFFE0];
	v4 =	vadd.s32 v1, v4  }
0x190: {  	[tilespmem:v3+s4+$0x0] =	vst.idx.add.s32.msk vm2, v2  }
0x191: {  	[tilespmem:v5+s4+$0x0] =	vst.idx.add.s32.msk vm0, v2  }
0x192: {  	vm2 =	vne.s32 v7, $0x0;
	v7 =	vshra.s32 v7, $0x14;
	v3 =	vld [tilespmem:s25+$0x20]  }
0x193: {  	v5 =	vadd.s32 v1, v7;
	v7 =	vld [tilespmem:s23+$0xFFFFFFD0]  }
0x194: {  	vm0 =	vne.s32 v6, $0x0;
	v6 =	vshra.s32 v6, $0x14;
	[tilespmem:v4+s4+$0x0] =	vst.idx.add.s32.msk vm1, v2  }
0x195: {  	v4 =	vadd.s32 v1, v6;
	v6 =	vld [tilespmem:s20+$0x10]  }
0x196: {  	s24 =	simm.s32 $0x82C0  }
0x197: {  	v8 =	vld [tilespmem:s24+$0xFFFFFFC0];
	vm1 =	vne.s32 v3, $0x0;
	v3 =	vshra.s32 v3, $0x14  }
0x198: {  	[tilespmem:v5+s4+$0x0] =	vst.idx.add.s32.msk vm2, v2;
	vm2 =	vne.s32 v7, $0x0;
	v5 =	vshra.s32 v7, $0x14;
	v3 =	vadd.s32 v1, v3  }
0x199: {  	v5 =	vadd.s32 v1, v5  }
0x19a: {  	[tilespmem:v4+s4+$0x0] =	vst.idx.add.s32.msk vm0, v2;
	vm0 =	vne.s32 v6, $0x0;
	v4 =	vshra.s32 v6, $0x14  }
0x19b: {  	v7 =	vld [tilespmem:s21+$0x0];
	v4 =	vadd.s32 v1, v4  }
0x19c: {  	v6 =	vld [tilespmem:s22+$0xFFFFFFF0]  }
0x19d: {  	vm3 =	vne.s32 v8, $0x0;
	v8 =	vshra.s32 v8, $0x14;
	[tilespmem:v3+s4+$0x0] =	vst.idx.add.s32.msk vm1, v2  }
0x19e: {  	v3 =	vadd.s32 v1, v8;
	[tilespmem:v5+s4+$0x0] =	vst.idx.add.s32.msk vm2, v2  }
0x19f: {  	v8 =	vld [tilespmem:s25+$0x30]  }
0x1a0: {  	vm2 =	vne.s32 v7, $0x0;
	v5 =	vshra.s32 v7, $0x14;
	[tilespmem:v4+s4+$0x0] =	vst.idx.add.s32.msk vm0, v2  }
0x1a1: {  	v9 =	vld [tilespmem:s23+$0xFFFFFFE0];
	v5 =	vadd.s32 v1, v5  }
0x1a2: {  	v4 =	vld [tilespmem:s20+$0x20]  }
0x1a3: {  	vm1 =	vne.s32 v6, $0x0;
	[tilespmem:v3+s4+$0x0] =	vst.idx.add.s32.msk vm3, v2;
	v3 =	vshra.s32 v6, $0x14  }
0x1a4: {  	v6 =	vadd.s32 v1, v3;
	vm0 =	vne.s32 v8, $0x0;
	v3 =	vshra.s32 v8, $0x14  }
0x1a5: {  	v7 =	vld [tilespmem:s24+$0xFFFFFFD0];
	v3 =	vadd.s32 v1, v3  }
0x1a6: {  	[tilespmem:v5+s4+$0x0] =	vst.idx.add.s32.msk vm2, v2;
	v5 =	vshra.s32 v9, $0x14;
	vm2 =	vne.s32 v9, $0x0  }
0x1a7: {  	s26 =	simm.s32 $0x8340;
	s25 =	simm.s32 $0x280;
	v8 =	vadd.s32 v1, v5;
	v5 =	vld [tilespmem:s21+$0x10]  }
.LBB2_10:
0x1a8: {  	v9 =	vld [tilespmem:s26+$0xFFFFFFC0];
	vm3 =	vne.s32 v4, $0x0;
	v4 =	vshra.s32 v4, $0x14  }
0x1a9: {  	[tilespmem:v6+s4+$0x0] =	vst.idx.add.s32.msk vm1, v2;
	v4 =	vadd.s32 v1, v4  }
0x1aa: {  	vm1 =	vne.s32 v7, $0x0;
	v6 =	vshra.s32 v7, $0x14;
	[tilespmem:v3+s4+$0x0] =	vst.idx.add.s32.msk vm0, v2  }
0x1ab: {  	s25 =	sadd.s32 $0x80, s25;
	v3 =	vadd.s32 v1, v6;
	v6 =	vld [tilespmem:s22+$0x0]  }
0x1ac: {  	p0 =	slt.u32 s25, $0x3F80;
	[tilespmem:v8+s4+$0x0] =	vst.idx.add.s32.msk vm2, v2;
	vm0 =	vne.s32 v5, $0x0;
	v5 =	vshra.s32 v5, $0x14  }
0x1ad: {  	v7 =	vld [tilespmem:s23+$0xFFFFFFF0];
	v5 =	vadd.s32 v1, v5  }
0x1ae: {  	vm2 =	vne.s32 v9, $0x0;
	v8 =	vshra.s32 v9, $0x14;
	[tilespmem:v4+s4+$0x0] =	vst.idx.add.s32.msk vm3, v2  }
0x1af: {  	v8 =	vadd.s32 v1, v8;
	v9 =	vld [tilespmem:s20+$0x30];
	s20 =	smov.u32 s21;
	s21 =	smov.u32 s22;
	s22 =	smov.u32 s23  }
0x1b0: {  	s23 =	smov.u32 s24;
	s24 =	smov.u32 s26;
	[tilespmem:v3+s4+$0x0] =	vst.idx.add.s32.msk vm1, v2;
	vm3 =	vne.s32 v6, $0x0;
	v3 =	vshra.s32 v6, $0x14  }
0x1b1: {  	v10 =	vld [tilespmem:s23+$0xFFFFFFE0];
	v11 =	vadd.s32 v1, v3  }
0x1b2: {  	[tilespmem:v5+s4+$0x0] =	vst.idx.add.s32.msk vm0, v2  }
.Ltmp4:
0x1b3: {  	vm1 =	vne.s32 v7, $0x0;
	v3 =	vshra.s32 v7, $0x14;
	v4 =	vld [tilespmem:s20+$0x20];
	(pc) =	sbr.rel @p0 .LBB2_10-.Ltmp4, $4  }
0x1b4: {  	v6 =	vadd.s32 v1, v3;
	[tilespmem:v8+s4+$0x0] =	vst.idx.add.s32.msk vm2, v2;
	vm0 =	vne.s32 v9, $0x0;
	v3 =	vshra.s32 v9, $0x14  }
0x1b5: {  	v7 =	vld [tilespmem:s26+$0xFFFFFFD0];
	v3 =	vadd.s32 v1, v3  }
0x1b6: {  	vm2 =	vne.s32 v10, $0x0;
	v5 =	vshra.s32 v10, $0x14;
	[tilespmem:v11+s4+$0x0] =	vst.idx.add.s32.msk vm3, v2  }
0x1b7: {  	s26 =	sadd.s32 $0x80, s26;
	v8 =	vadd.s32 v1, v5;
	v5 =	vld [tilespmem:s21+$0x10]  }
0x1b8: {  	_ =	sdelay $0x1  }
0x1b9: {  	vm3 =	vne.s32 v7, $0x0;
	v7 =	vshra.s32 v7, $0x14  }
0x1ba: {  	v7 =	vadd.s32 v1, v7;
	_ =	sdelay $0x4  }
0x1bb: {  	[tilespmem:v7+s4+$0x0] =	vst.idx.add.s32.msk vm3, v2  }
0x1bc: {  	v7 =	vld [tilespmem:s24+$0xFFFFFFE0];
	_ =	sdelay $0x4  }
0x1bd: {  	vm3 =	vne.s32 v7, $0x0;
	v7 =	vshra.s32 v7, $0x14  }
0x1be: {  	v7 =	vadd.s32 v1, v7;
	_ =	sdelay $0x1  }
0x1bf: {  	[tilespmem:v8+s4+$0x0] =	vst.idx.add.s32.msk vm2, v2  }
0x1c0: {  	v8 =	vld [tilespmem:s23+$0xFFFFFFF0];
	_ =	sdelay $0x1  }
0x1c1: {  	[tilespmem:v7+s4+$0x0] =	vst.idx.add.s32.msk vm3, v2  }
0x1c2: {  	v7 =	vld [tilespmem:s24+$0xFFFFFFF0];
	_ =	sdelay $0x1  }
0x1c3: {  	vm2 =	vne.s32 v8, $0x0;
	v8 =	vshra.s32 v8, $0x14  }
0x1c4: {  	v8 =	vadd.s32 v1, v8;
	_ =	sdelay $0x1  }
0x1c5: {  	[tilespmem:v6+s4+$0x0] =	vst.idx.add.s32.msk vm1, v2;
	vm3 =	vne.s32 v7, $0x0;
	v7 =	vshra.s32 v7, $0x14  }
0x1c6: {  	v6 =	vld [tilespmem:s22+$0x0];
	v7 =	vadd.s32 v1, v7;
	_ =	sdelay $0x1  }
0x1c7: {  	[tilespmem:v8+s4+$0x0] =	vst.idx.add.s32.msk vm2, v2  }
0x1c8: {  	v8 =	vld [tilespmem:s23+$0x0];
	_ =	sdelay $0x1  }
0x1c9: {  	vm1 =	vne.s32 v6, $0x0;
	v6 =	vshra.s32 v6, $0x14;
	[tilespmem:v7+s4+$0x0] =	vst.idx.add.s32.msk vm3, v2  }
0x1ca: {  	v6 =	vadd.s32 v1, v6;
	v7 =	vld [tilespmem:s24+$0x0];
	_ =	sdelay $0x1  }
0x1cb: {  	vm2 =	vne.s32 v8, $0x0;
	v8 =	vshra.s32 v8, $0x14  }
0x1cc: {  	v8 =	vadd.s32 v1, v8;
	_ =	sdelay $0x1  }
0x1cd: {  	[tilespmem:v6+s4+$0x0] =	vst.idx.add.s32.msk vm1, v2;
	vm3 =	vne.s32 v7, $0x0;
	v7 =	vshra.s32 v7, $0x14  }
0x1ce: {  	v6 =	vld [tilespmem:s22+$0x10];
	v7 =	vadd.s32 v1, v7;
	_ =	sdelay $0x1  }
0x1cf: {  	[tilespmem:v8+s4+$0x0] =	vst.idx.add.s32.msk vm2, v2  }
0x1d0: {  	v8 =	vld [tilespmem:s23+$0x10]  }
0x1d1: {  	vm1 =	vne.s32 v5, $0x0;
	v5 =	vshra.s32 v5, $0x14  }
0x1d2: {  	v5 =	vadd.s32 v1, v5;
	vm2 =	vne.s32 v6, $0x0;
	v6 =	vshra.s32 v6, $0x14;
	[tilespmem:v7+s4+$0x0] =	vst.idx.add.s32.msk vm3, v2  }
0x1d3: {  	v6 =	vadd.s32 v1, v6;
	v7 =	vld [tilespmem:s24+$0x10];
	_ =	sdelay $0x1  }
0x1d4: {  	vm3 =	vne.s32 v8, $0x0;
	v8 =	vshra.s32 v8, $0x14  }
0x1d5: {  	v8 =	vadd.s32 v1, v8  }
0x1d6: {  	[tilespmem:v5+s4+$0x0] =	vst.idx.add.s32.msk vm1, v2  }
0x1d7: {  	[tilespmem:v6+s4+$0x0] =	vst.idx.add.s32.msk vm2, v2;
	vm1 =	vne.s32 v7, $0x0;
	v5 =	vshra.s32 v7, $0x14  }
0x1d8: {  	v7 =	vld [tilespmem:s21+$0x20];
	v5 =	vadd.s32 v1, v5  }
0x1d9: {  	v6 =	vld [tilespmem:s22+$0x20]  }
0x1da: {  	vm2 =	vne.s32 v4, $0x0;
	v4 =	vshra.s32 v4, $0x14;
	[tilespmem:v8+s4+$0x0] =	vst.idx.add.s32.msk vm3, v2  }
0x1db: {  	v4 =	vadd.s32 v1, v4;
	v8 =	vld [tilespmem:s23+$0x20];
	_ =	sdelay $0x1  }
0x1dc: {  	vm3 =	vne.s32 v7, $0x0;
	v7 =	vshra.s32 v7, $0x14;
	[tilespmem:v5+s4+$0x0] =	vst.idx.add.s32.msk vm1, v2  }
0x1dd: {  	v5 =	vadd.s32 v1, v7;
	v7 =	vld [tilespmem:s24+$0x20]  }
0x1de: {  	vm1 =	vne.s32 v6, $0x0;
	v6 =	vshra.s32 v6, $0x14  }
0x1df: {  	[tilespmem:v4+s4+$0x0] =	vst.idx.add.s32.msk vm2, v2;
	vm2 =	vne.s32 v8, $0x0;
	v4 =	vshra.s32 v8, $0x14;
	v6 =	vadd.s32 v1, v6  }
0x1e0: {  	v4 =	vadd.s32 v1, v4  }
0x1e1: {  	v8 =	vld [tilespmem:s20+$0x30]  }
0x1e2: {  	[tilespmem:v5+s4+$0x0] =	vst.idx.add.s32.msk vm3, v2;
	vm3 =	vne.s32 v7, $0x0;
	v5 =	vshra.s32 v7, $0x14  }
0x1e3: {  	v7 =	vld [tilespmem:s21+$0x30];
	v5 =	vadd.s32 v1, v5  }
0x1e4: {  	[tilespmem:v6+s4+$0x0] =	vst.idx.add.s32.msk vm1, v2  }
0x1e5: {  	[tilespmem:v4+s4+$0x0] =	vst.idx.add.s32.msk vm2, v2  }
0x1e6: {  	v6 =	vld [tilespmem:s22+$0x30]  }
0x1e7: {  	v4 =	vld [tilespmem:s23+$0x30]  }
0x1e8: {  	[tilespmem:v5+s4+$0x0] =	vst.idx.add.s32.msk vm3, v2  }
0x1e9: {  	v5 =	vld [tilespmem:s24+$0x30]  }
0x1ea: {  	vm1 =	vne.s32 v8, $0x0;
	v8 =	vshra.s32 v8, $0x14  }
0x1eb: {  	v8 =	vadd.s32 v1, v8;
	vm2 =	vne.s32 v7, $0x0;
	v7 =	vshra.s32 v7, $0x14  }
0x1ec: {  	v7 =	vadd.s32 v1, v7;
	vm3 =	vne.s32 v6, $0x0;
	v6 =	vshra.s32 v6, $0x14  }
0x1ed: {  	vm4 =	vne.s32 v4, $0x0;
	v4 =	vshra.s32 v4, $0x14;
	v6 =	vadd.s32 v1, v6  }
0x1ee: {  	v4 =	vadd.s32 v1, v4;
	vm5 =	vne.s32 v5, $0x0;
	v5 =	vshra.s32 v5, $0x14  }
0x1ef: {  	[tilespmem:v3+s4+$0x0] =	vst.idx.add.s32.msk vm0, v2;
	v3 =	vadd.s32 v1, v5  }
0x1f0: {  	[tilespmem:v8+s4+$0x0] =	vst.idx.add.s32.msk vm1, v2  }
0x1f1: {  	[tilespmem:v7+s4+$0x0] =	vst.idx.add.s32.msk vm2, v2  }
0x1f2: {  	[tilespmem:v6+s4+$0x0] =	vst.idx.add.s32.msk vm3, v2  }
0x1f3: {  	[tilespmem:v4+s4+$0x0] =	vst.idx.add.s32.msk vm4, v2  }
0x1f4: {  	[tilespmem:v3+s4+$0x0] =	vst.idx.add.s32.msk vm5, v2  }
0x1f5: {  	_ =	swait.ge [sflag:s16], $0x4000  }
0x1f6: {  	[sflag:s16] =	ssyncset.done $0x0  }
0x1f7: {  	s25 =	simm.s32 $0xC040;
	[sflag:s16] =	ssyncadd.s32 $0xFFFFC000  }
0x1f8: {  	v3 =	vld [tilespmem:s25+$0xFFFFFFC0];
	_ =	sdelay $0x4  }
0x1f9: {  	vm0 =	vne.s32 v3, $0x0;
	v3 =	vshra.s32 v3, $0x14  }
0x1fa: {  	v3 =	vadd.s32 v1, v3;
	_ =	sdelay $0x4  }
0x1fb: {  	[tilespmem:v3+s4+$0x0] =	vst.idx.add.s32.msk vm0, v2  }
0x1fc: {  	v3 =	vld [tilespmem:s25+$0xFFFFFFD0];
	_ =	sdelay $0x2  }
0x1fd: {  	s20 =	simm.s32 $0xC0C0  }
0x1fe: {  	v4 =	vld [tilespmem:s20+$0xFFFFFFC0]  }
0x1ff: {  	vm0 =	vne.s32 v3, $0x0;
	v3 =	vshra.s32 v3, $0x14  }
0x200: {  	v3 =	vadd.s32 v1, v3;
	_ =	sdelay $0x2  }
0x201: {  	vm1 =	vne.s32 v4, $0x0;
	v4 =	vshra.s32 v4, $0x14  }
0x202: {  	v4 =	vadd.s32 v1, v4  }
0x203: {  	[tilespmem:v3+s4+$0x0] =	vst.idx.add.s32.msk vm0, v2  }
0x204: {  	v3 =	vld [tilespmem:s25+$0xFFFFFFE0];
	_ =	sdelay $0x2  }
0x205: {  	[tilespmem:v4+s4+$0x0] =	vst.idx.add.s32.msk vm1, v2  }
0x206: {  	v4 =	vld [tilespmem:s20+$0xFFFFFFD0]  }
0x207: {  	vm0 =	vne.s32 v3, $0x0;
	v3 =	vshra.s32 v3, $0x14  }
0x208: {  	s21 =	simm.s32 $0xC140;
	v3 =	vadd.s32 v1, v3  }
0x209: {  	v5 =	vld [tilespmem:s21+$0xFFFFFFC0];
	_ =	sdelay $0x1  }
0x20a: {  	vm1 =	vne.s32 v4, $0x0;
	v4 =	vshra.s32 v4, $0x14  }
0x20b: {  	v4 =	vadd.s32 v1, v4  }
0x20c: {  	[tilespmem:v3+s4+$0x0] =	vst.idx.add.s32.msk vm0, v2  }
0x20d: {  	vm0 =	vne.s32 v5, $0x0;
	v5 =	vshra.s32 v5, $0x14;
	v3 =	vld [tilespmem:s25+$0xFFFFFFF0]  }
0x20e: {  	v5 =	vadd.s32 v1, v5;
	_ =	sdelay $0x1  }
0x20f: {  	[tilespmem:v4+s4+$0x0] =	vst.idx.add.s32.msk vm1, v2  }
0x210: {  	v4 =	vld [tilespmem:s20+$0xFFFFFFE0]  }
0x211: {  	vm1 =	vne.s32 v3, $0x0;
	v3 =	vshra.s32 v3, $0x14  }
0x212: {  	[tilespmem:v5+s4+$0x0] =	vst.idx.add.s32.msk vm0, v2;
	v3 =	vadd.s32 v1, v3  }
0x213: {  	v5 =	vld [tilespmem:s21+$0xFFFFFFD0];
	_ =	sdelay $0x1  }
0x214: {  	s22 =	simm.s32 $0xC1C0;
	vm0 =	vne.s32 v4, $0x0;
	v4 =	vshra.s32 v4, $0x14  }
0x215: {  	v6 =	vld [tilespmem:s22+$0xFFFFFFC0];
	v4 =	vadd.s32 v1, v4  }
0x216: {  	[tilespmem:v3+s4+$0x0] =	vst.idx.add.s32.msk vm1, v2  }
0x217: {  	vm1 =	vne.s32 v5, $0x0;
	v5 =	vshra.s32 v5, $0x14;
	v3 =	vld [tilespmem:s25+$0x0]  }
0x218: {  	v5 =	vadd.s32 v1, v5;
	_ =	sdelay $0x1  }
0x219: {  	[tilespmem:v4+s4+$0x0] =	vst.idx.add.s32.msk vm0, v2;
	vm0 =	vne.s32 v6, $0x0;
	v4 =	vshra.s32 v6, $0x14  }
0x21a: {  	v6 =	vld [tilespmem:s20+$0xFFFFFFF0];
	v4 =	vadd.s32 v1, v4  }
0x21b: {  	vm2 =	vne.s32 v3, $0x0;
	v3 =	vshra.s32 v3, $0x14  }
0x21c: {  	[tilespmem:v5+s4+$0x0] =	vst.idx.add.s32.msk vm1, v2;
	v3 =	vadd.s32 v1, v3  }
0x21d: {  	v5 =	vld [tilespmem:s21+$0xFFFFFFE0];
	_ =	sdelay $0x1  }
0x21e: {  	vm1 =	vne.s32 v6, $0x0;
	v6 =	vshra.s32 v6, $0x14;
	[tilespmem:v4+s4+$0x0] =	vst.idx.add.s32.msk vm0, v2  }
0x21f: {  	v4 =	vadd.s32 v1, v6;
	v6 =	vld [tilespmem:s22+$0xFFFFFFD0]  }
0x220: {  	[tilespmem:v3+s4+$0x0] =	vst.idx.add.s32.msk vm2, v2  }
0x221: {  	s23 =	simm.s32 $0xC240;
	vm0 =	vne.s32 v5, $0x0;
	v5 =	vshra.s32 v5, $0x14;
	v3 =	vld [tilespmem:s25+$0x10]  }
0x222: {  	v7 =	vld [tilespmem:s23+$0xFFFFFFC0];
	v5 =	vadd.s32 v1, v5;
	_ =	sdelay $0x1  }
0x223: {  	[tilespmem:v4+s4+$0x0] =	vst.idx.add.s32.msk vm1, v2;
	vm1 =	vne.s32 v6, $0x0;
	v4 =	vshra.s32 v6, $0x14  }
0x224: {  	v4 =	vadd.s32 v1, v4;
	v6 =	vld [tilespmem:s20+$0x0]  }
0x225: {  	vm2 =	vne.s32 v3, $0x0;
	v3 =	vshra.s32 v3, $0x14  }
0x226: {  	[tilespmem:v5+s4+$0x0] =	vst.idx.add.s32.msk vm0, v2;
	vm0 =	vne.s32 v7, $0x0;
	v5 =	vshra.s32 v7, $0x14;
	v3 =	vadd.s32 v1, v3  }
0x227: {  	v5 =	vadd.s32 v1, v5  }
0x228: {  	v7 =	vld [tilespmem:s21+$0xFFFFFFF0]  }
0x229: {  	[tilespmem:v4+s4+$0x0] =	vst.idx.add.s32.msk vm1, v2;
	vm1 =	vne.s32 v6, $0x0;
	v4 =	vshra.s32 v6, $0x14  }
0x22a: {  	v6 =	vld [tilespmem:s22+$0xFFFFFFE0];
	v4 =	vadd.s32 v1, v4  }
0x22b: {  	[tilespmem:v3+s4+$0x0] =	vst.idx.add.s32.msk vm2, v2  }
0x22c: {  	[tilespmem:v5+s4+$0x0] =	vst.idx.add.s32.msk vm0, v2  }
0x22d: {  	vm2 =	vne.s32 v7, $0x0;
	v7 =	vshra.s32 v7, $0x14;
	v3 =	vld [tilespmem:s25+$0x20]  }
0x22e: {  	v5 =	vadd.s32 v1, v7;
	v7 =	vld [tilespmem:s23+$0xFFFFFFD0]  }
0x22f: {  	vm0 =	vne.s32 v6, $0x0;
	v6 =	vshra.s32 v6, $0x14;
	[tilespmem:v4+s4+$0x0] =	vst.idx.add.s32.msk vm1, v2  }
0x230: {  	v4 =	vadd.s32 v1, v6;
	v6 =	vld [tilespmem:s20+$0x10]  }
0x231: {  	s24 =	simm.s32 $0xC2C0  }
0x232: {  	v8 =	vld [tilespmem:s24+$0xFFFFFFC0];
	vm1 =	vne.s32 v3, $0x0;
	v3 =	vshra.s32 v3, $0x14  }
0x233: {  	[tilespmem:v5+s4+$0x0] =	vst.idx.add.s32.msk vm2, v2;
	vm2 =	vne.s32 v7, $0x0;
	v5 =	vshra.s32 v7, $0x14;
	v3 =	vadd.s32 v1, v3  }
0x234: {  	v5 =	vadd.s32 v1, v5  }
0x235: {  	[tilespmem:v4+s4+$0x0] =	vst.idx.add.s32.msk vm0, v2;
	vm0 =	vne.s32 v6, $0x0;
	v4 =	vshra.s32 v6, $0x14  }
0x236: {  	v7 =	vld [tilespmem:s21+$0x0];
	v4 =	vadd.s32 v1, v4  }
0x237: {  	v6 =	vld [tilespmem:s22+$0xFFFFFFF0]  }
0x238: {  	vm3 =	vne.s32 v8, $0x0;
	v8 =	vshra.s32 v8, $0x14;
	[tilespmem:v3+s4+$0x0] =	vst.idx.add.s32.msk vm1, v2  }
0x239: {  	v3 =	vadd.s32 v1, v8;
	[tilespmem:v5+s4+$0x0] =	vst.idx.add.s32.msk vm2, v2  }
0x23a: {  	v8 =	vld [tilespmem:s25+$0x30]  }
0x23b: {  	vm2 =	vne.s32 v7, $0x0;
	v5 =	vshra.s32 v7, $0x14;
	[tilespmem:v4+s4+$0x0] =	vst.idx.add.s32.msk vm0, v2  }
0x23c: {  	v9 =	vld [tilespmem:s23+$0xFFFFFFE0];
	v5 =	vadd.s32 v1, v5  }
0x23d: {  	v4 =	vld [tilespmem:s20+$0x20]  }
0x23e: {  	vm1 =	vne.s32 v6, $0x0;
	[tilespmem:v3+s4+$0x0] =	vst.idx.add.s32.msk vm3, v2;
	v3 =	vshra.s32 v6, $0x14  }
0x23f: {  	v6 =	vadd.s32 v1, v3;
	vm0 =	vne.s32 v8, $0x0;
	v3 =	vshra.s32 v8, $0x14  }
0x240: {  	v7 =	vld [tilespmem:s24+$0xFFFFFFD0];
	v3 =	vadd.s32 v1, v3  }
0x241: {  	[tilespmem:v5+s4+$0x0] =	vst.idx.add.s32.msk vm2, v2;
	v5 =	vshra.s32 v9, $0x14;
	vm2 =	vne.s32 v9, $0x0  }
0x242: {  	s26 =	simm.s32 $0xC340;
	s25 =	simm.s32 $0x280;
	v8 =	vadd.s32 v1, v5;
	v5 =	vld [tilespmem:s21+$0x10]  }
.LBB2_12:
0x243: {  	v9 =	vld [tilespmem:s26+$0xFFFFFFC0];
	vm3 =	vne.s32 v4, $0x0;
	v4 =	vshra.s32 v4, $0x14  }
0x244: {  	[tilespmem:v6+s4+$0x0] =	vst.idx.add.s32.msk vm1, v2;
	v4 =	vadd.s32 v1, v4  }
0x245: {  	vm1 =	vne.s32 v7, $0x0;
	v6 =	vshra.s32 v7, $0x14;
	[tilespmem:v3+s4+$0x0] =	vst.idx.add.s32.msk vm0, v2  }
0x246: {  	s25 =	sadd.s32 $0x80, s25;
	v3 =	vadd.s32 v1, v6;
	v6 =	vld [tilespmem:s22+$0x0]  }
0x247: {  	p0 =	slt.u32 s25, $0x3F80;
	[tilespmem:v8+s4+$0x0] =	vst.idx.add.s32.msk vm2, v2;
	vm0 =	vne.s32 v5, $0x0;
	v5 =	vshra.s32 v5, $0x14  }
0x248: {  	v7 =	vld [tilespmem:s23+$0xFFFFFFF0];
	v5 =	vadd.s32 v1, v5  }
0x249: {  	vm2 =	vne.s32 v9, $0x0;
	v8 =	vshra.s32 v9, $0x14;
	[tilespmem:v4+s4+$0x0] =	vst.idx.add.s32.msk vm3, v2  }
0x24a: {  	v8 =	vadd.s32 v1, v8;
	v9 =	vld [tilespmem:s20+$0x30];
	s20 =	smov.u32 s21;
	s21 =	smov.u32 s22;
	s22 =	smov.u32 s23  }
0x24b: {  	s23 =	smov.u32 s24;
	s24 =	smov.u32 s26;
	[tilespmem:v3+s4+$0x0] =	vst.idx.add.s32.msk vm1, v2;
	vm3 =	vne.s32 v6, $0x0;
	v3 =	vshra.s32 v6, $0x14  }
0x24c: {  	v10 =	vld [tilespmem:s23+$0xFFFFFFE0];
	v11 =	vadd.s32 v1, v3  }
0x24d: {  	[tilespmem:v5+s4+$0x0] =	vst.idx.add.s32.msk vm0, v2  }
.Ltmp5:
0x24e: {  	vm1 =	vne.s32 v7, $0x0;
	v3 =	vshra.s32 v7, $0x14;
	v4 =	vld [tilespmem:s20+$0x20];
	(pc) =	sbr.rel @p0 .LBB2_12-.Ltmp5, $4  }
0x24f: {  	v6 =	vadd.s32 v1, v3;
	[tilespmem:v8+s4+$0x0] =	vst.idx.add.s32.msk vm2, v2;
	vm0 =	vne.s32 v9, $0x0;
	v3 =	vshra.s32 v9, $0x14  }
0x250: {  	v7 =	vld [tilespmem:s26+$0xFFFFFFD0];
	v3 =	vadd.s32 v1, v3  }
0x251: {  	vm2 =	vne.s32 v10, $0x0;
	v5 =	vshra.s32 v10, $0x14;
	[tilespmem:v11+s4+$0x0] =	vst.idx.add.s32.msk vm3, v2  }
0x252: {  	s26 =	sadd.s32 $0x80, s26;
	v8 =	vadd.s32 v1, v5;
	v5 =	vld [tilespmem:s21+$0x10]  }
0x253: {  	_ =	sdelay $0x1  }
0x254: {  	vm3 =	vne.s32 v7, $0x0;
	v53 =	vshra.s32 v7, $0x14  }
0x255: {  	v7 =	vadd.s32 v1, v53;
	_ =	sdelay $0x4  }
0x256: {  	[tilespmem:v7+s4+$0x0] =	vst.idx.add.s32.msk vm3, v2  }
0x257: {  	v7 =	vld [tilespmem:s24+$0xFFFFFFE0];
	_ =	sdelay $0x4  }
0x258: {  	vm8 =	vne.s32 v7, $0x0;
	v7 =	vshra.s32 v7, $0x14  }
0x259: {  	v7 =	vadd.s32 v1, v7  }
0x25a: {  	[tilespmem:v8+s4+$0x0] =	vst.idx.add.s32.msk vm2, v2  }
0x25b: {  	v8 =	vld [tilespmem:s23+$0xFFFFFFF0];
	_ =	sdelay $0x2  }
0x25c: {  	[tilespmem:v7+s4+$0x0] =	vst.idx.add.s32.msk vm8, v2  }
0x25d: {  	v7 =	vld [tilespmem:s24+$0xFFFFFFF0]  }
0x25e: {  	vm9 =	vne.s32 v8, $0x0;
	v8 =	vshra.s32 v8, $0x14  }
0x25f: {  	v8 =	vadd.s32 v1, v8;
	_ =	sdelay $0x2  }
0x260: {  	[tilespmem:v6+s4+$0x0] =	vst.idx.add.s32.msk vm1, v2;
	vm10 =	vne.s32 v7, $0x0;
	v7 =	vshra.s32 v7, $0x14  }
0x261: {  	v6 =	vld [tilespmem:s22+$0x0];
	v7 =	vadd.s32 v1, v7  }
0x262: {  	[tilespmem:v8+s4+$0x0] =	vst.idx.add.s32.msk vm9, v2  }
0x263: {  	v8 =	vld [tilespmem:s23+$0x0];
	_ =	sdelay $0x2  }
0x264: {  	vm11 =	vne.s32 v6, $0x0;
	v6 =	vshra.s32 v6, $0x14;
	[tilespmem:v7+s4+$0x0] =	vst.idx.add.s32.msk vm10, v2  }
0x265: {  	v6 =	vadd.s32 v1, v6;
	v7 =	vld [tilespmem:s24+$0x0]  }
0x266: {  	vm12 =	vne.s32 v8, $0x0;
	v8 =	vshra.s32 v8, $0x14  }
0x267: {  	v8 =	vadd.s32 v1, v8;
	_ =	sdelay $0x2  }
0x268: {  	[tilespmem:v6+s4+$0x0] =	vst.idx.add.s32.msk vm11, v2;
	vm13 =	vne.s32 v7, $0x0;
	v7 =	vshra.s32 v7, $0x14  }
0x269: {  	v6 =	vld [tilespmem:s22+$0x10];
	v7 =	vadd.s32 v1, v7  }
0x26a: {  	[tilespmem:v8+s4+$0x0] =	vst.idx.add.s32.msk vm12, v2  }
0x26b: {  	v8 =	vld [tilespmem:s23+$0x10];
	_ =	sdelay $0x1  }
0x26c: {  	vm14 =	vne.s32 v5, $0x0;
	v54 =	vshra.s32 v5, $0x14  }
0x26d: {  	v5 =	vadd.s32 v1, v54;
	vm15 =	vne.s32 v6, $0x0;
	v6 =	vshra.s32 v6, $0x14;
	[tilespmem:v7+s4+$0x0] =	vst.idx.add.s32.msk vm13, v2  }
0x26e: {  	v6 =	vadd.s32 v1, v6;
	v7 =	vld [tilespmem:s24+$0x10]  }
0x26f: {  	vm6 =	vne.s32 v8, $0x0;
	v8 =	vshra.s32 v8, $0x14  }
0x270: {  	v8 =	vadd.s32 v1, v8;
	_ =	sdelay $0x1  }
0x271: {  	[tilespmem:v5+s4+$0x0] =	vst.idx.add.s32.msk vm14, v2  }
0x272: {  	[tilespmem:v6+s4+$0x0] =	vst.idx.add.s32.msk vm15, v2;
	vm7 =	vne.s32 v7, $0x0;
	v55 =	vshra.s32 v7, $0x14  }
0x273: {  	v6 =	vld [tilespmem:s22+$0x20];
	v5 =	vadd.s32 v1, v55  }
0x274: {  	[tilespmem:v8+s4+$0x0] =	vst.idx.add.s32.msk vm6, v2  }
0x275: {  	v57 =	vshra.s32 v4, $0x14;
	vm8 =	vne.s32 v4, $0x0;
	v8 =	vld [tilespmem:s23+$0x20]  }
0x276: {  	v4 =	vadd.s32 v1, v57  }
0x277: {  	v56 =	vld [tilespmem:s21+$0x20]  }
0x278: {  	vm10 =	vne.s32 v6, $0x0;
	v6 =	vshra.s32 v6, $0x14;
	[tilespmem:v5+s4+$0x0] =	vst.idx.add.s32.msk vm7, v2  }
0x279: {  	v6 =	vadd.s32 v1, v6;
	v59 =	vld [tilespmem:s24+$0x20]  }
0x27a: {  	vm11 =	vne.s32 v8, $0x0;
	v60 =	vshra.s32 v8, $0x14  }
0x27b: {  	[tilespmem:v4+s4+$0x0] =	vst.idx.add.s32.msk vm8, v2;
	v4 =	vadd.s32 v1, v60  }
0x27c: {  	vm9 =	vne.s32 v56, $0x0;
	v7 =	vshra.s32 v56, $0x14  }
0x27d: {  	v61 =	vld [tilespmem:s20+$0x30];
	v58 =	vadd.s32 v1, v7  }
0x27e: {  	[tilespmem:v6+s4+$0x0] =	vst.idx.add.s32.msk vm10, v2;
	vm12 =	vne.s32 v59, $0x0;
	v62 =	vshra.s32 v59, $0x14  }
0x27f: {  	v6 =	vld [tilespmem:s22+$0x30];
	v5 =	vadd.s32 v1, v62  }
0x280: {  	[tilespmem:v4+s4+$0x0] =	vst.idx.add.s32.msk vm11, v2  }
0x281: {  	v4 =	vld [tilespmem:s23+$0x30]  }
0x282: {  	[tilespmem:v58+s4+$0x0] =	vst.idx.add.s32.msk vm9, v2  }
0x283: {  	v63 =	vld [tilespmem:s21+$0x30]  }
0x284: {  	[tilespmem:v5+s4+$0x0] =	vst.idx.add.s32.msk vm12, v2  }
0x285: {  	v5 =	vld [tilespmem:s24+$0x30]  }
0x286: {  	v8 =	vshra.s32 v61, $0x14;
	vm13 =	vne.s32 v61, $0x0  }
0x287: {  	v8 =	vadd.s32 v1, v8;
	vm15 =	vne.s32 v6, $0x0;
	v6 =	vshra.s32 v6, $0x14  }
0x288: {  	v6 =	vadd.s32 v1, v6;
	vm4 =	vne.s32 v4, $0x0;
	v4 =	vshra.s32 v4, $0x14  }
0x289: {  	v4 =	vadd.s32 v1, v4;
	vm14 =	vne.s32 v63, $0x0;
	v7 =	vshra.s32 v63, $0x14  }
0x28a: {  	v7 =	vadd.s32 v1, v7;
	vm5 =	vne.s32 v5, $0x0;
	v5 =	vshra.s32 v5, $0x14  }
0x28b: {  	[tilespmem:v3+s4+$0x0] =	vst.idx.add.s32.msk vm0, v2;
	v3 =	vadd.s32 v1, v5  }
0x28c: {  	[tilespmem:v8+s4+$0x0] =	vst.idx.add.s32.msk vm13, v2  }
0x28d: {  	[tilespmem:v6+s4+$0x0] =	vst.idx.add.s32.msk vm15, v2  }
0x28e: {  	s19 =	sadd.s32 $0x1, s19;
	[tilespmem:v4+s4+$0x0] =	vst.idx.add.s32.msk vm4, v2  }
0x28f: {  	p0 =	sne.s32 s19, s10;
	[tilespmem:v7+s4+$0x0] =	vst.idx.add.s32.msk vm14, v2  }
.Ltmp6:
0x290: {  	[tilespmem:v3+s4+$0x0] =	vst.idx.add.s32.msk vm5, v2;
	(pc) =	sbr.rel @p0 .LBB2_1-.Ltmp6, $4  }
0x291: {  	[hbm4b:s9+s17] =	stream.strided.scatter [tilespmem:s4], [sflag:$0x3], $0x8000, s18, s17, $0x38;
	[tilespmem:$0x10080] =	vst v63  }
0x292: {  	_ =	swait.ge [sflag:s12], $0x8000  }
0x293: {  	[sflag:s12] =	ssyncset.done $0x0  }
0x294: {  	[sflag:s12] =	ssyncadd.s32 $0xFFFF8000  }
0x295: {  	_ =	sfence.sel $0x180000  }
0x296: {  	[bflag:$0x0] =	sbarrier.arrive $0xFFFF  }
0x297: {  	p0 =	sne.s32 s2, $0x0;
	_ =	strace $0x9000004A  }
0x298: {  	s0 =	sadd.s32 @!p0 $0x100000, s0;
	[bflag:$0x2] =	sbarrier.arrive $0xFFFF  }
0x299: {  	[sflag:s0] =	ssyncadd.tile.s32 @!p0 $0x1;
	_ =	shalt  }
.Lfunc_end2:
_tile_overlayer_lowered:
.L_overlay_start_2:
0x29a: {  	(tag) =	ssettag $0x2  }
0x29b: {  	s0 =	rddreg [dreg:$0x0];
	s2 =	stileid.u32  }
0x29c: {  	s1 =	rddreg [dreg:$0x1];
	p0 =	sne.s32 s2, $0x0  }
0x29d: {  	s3 =	rddreg [dreg:$0x2];
	[bflag:$0x3] =	sbarrier.arrive $0xFFFF;
	s2 =	simm.s32 @!p0 $0x1C03  }
0x29e: {  	[timem:s3], [sflag:s2] =	dma.local @!p0 [hbm:s0], s1  }
0x29f: {  	s0 =	simm.s32 @!p0 $0x3  }
0x2a0: {  	_ =	swait.ge @!p0 [sflag:s0], s1  }
0x2a1: {  	s1 =	ssub.s32 @!p0 $0x0, s1;
	[sflag:s0] =	ssyncset.done @!p0 $0x0  }
0x2a2: {  	[sflag:s0] =	ssyncadd.s32 @!p0 s1  }
0x2a3: {  	[bflag:$0x3] =	sbarrier.arrive $0xFFFF  }
0x2a4: {  	_ =	shalt  }

// kernel: kernel.15.cloned.1.call-start
scs
__scs_entry_jumppad:
0x0: {  	(pc) =	sbr.rel $0x88, $3  }
0x1: {  	(tag) =	ssettag $0x0;
	lr =	simm.s32 $0x1  }
0x2: {  	[smem:$0x3F9D] =	sst lr;
	_ =	strace $0xD0000000  }
0x3: {  	_ = 	snop  }
0x4: {  	_ = 	snop  }
0x5: {  	_ = 	snop  }
0x6: {  	_ = 	snop  }
0x7: {  	_ = 	snop  }
__scs_overlays_trampoline_lowered:
0x8: {  	[smem:$0x3FAC] =	sst s0  }
0x9: {  	[smem:$0x3FAD] =	sst s1  }
0xa: {  	[smem:$0x3FAE] =	sst s2  }
0xb: {  	[smem:$0x3FAF] =	sst s3  }
0xc: {  	[smem:$0x3FB0] =	sst s4  }
0xd: {  	[smem:$0x3FB1] =	sst s5  }
0xe: {  	[smem:$0x3FB2] =	sst s6  }
0xf: {  	[smem:$0x3FB3] =	sst s7  }
0x10: {  	[smem:$0x3FB4] =	sst s8  }
0x11: {  	[smem:$0x3FB5] =	sst s9;
	s0 =	simm.s32 @!p0 $0x0  }
0x12: {  	s1 =	sld [smem:$0x3F9B];
	s0 =	simm.s32 @p0 $0x1  }
0x13: {  	[smem:$0x3FB6] =	sst s0;
	s0 =	simm.s32 @!p1 $0x0  }
0x14: {  	s2 =	sld [smem:$0x3F9A];
	s0 =	simm.s32 @p1 $0x1  }
0x15: {  	[smem:$0x3FB7] =	sst s0;
	s0 =	simm.s32 @!p2 $0x0  }
0x16: {  	s3 =	sld [smem:$0x3FDB];
	s0 =	simm.s32 @p2 $0x1  }
0x17: {  	s4 =	simm.s32 $0x1BF5;
	[smem:$0x3FB9] =	sst s0  }
0x18: {  	s0 =	sld [smem:$0x3F9C];
	_ =	swait.ge [sflag:s4], $0x0  }
0x19: {  	s7 =	sld [smem:$0x3F9D]  }
0x1a: {  	s8 =	sadd.s32 $0xFFFFE003, lr  }
0x1b: {  	s9 =	sadd.s32 $0xFFFFFEF7, lr;
	s5 =	simm.s32 $0xFFFFFFFF;
	p2 =	slt.u32 s8, $0xFFFFF086  }
0x1c: {  	p1 =	slt.u32 s9, $0xF7A;
	s5 =	simm.s32 @!p2 $0x0  }
0x1d: {  	s5 =	simm.s32 @p1 $0x1;
	p0 =	seq.s32 s7, s2  }
0x1e: {  	s7 =	smul.u32 @!p0 $0xF7A, s2;
	p2 =	seq.s32 @!p0 s5, $0x0  }
0x1f: {  	s9 =	smul.u32 $0xF7A, s1;
	s8 =	simm.s32 @!p0 $0x1BF5;
	p2 =	por !p2, p0  }
0x20: {  	[sflag:s8] =	ssyncset.s32 @!p0 $0xFFFFF086;
	s6 =	sadd.s32 @!p0 s3, s7;
	s7 =	simm.s32 @!p0 $0x108  }
0x21: {  	s3 =	sadd.s32 s3, s9;
	s6 =	sadd.s32 @!p0 $0x88, s6;
	s7 =	simm.s32 @p2 $0x1082  }
0x22: {  	[simem:s7], [sflag:s8] =	dma.local @!p0 [hbm:s6], $0xF7A  }
0x23: {  	s9 =	sor.u32 $0xD0000000, s2;
	s6 =	simm.s32 $0x108;
	_ =	swait.ge @!p0 [sflag:s8], $0x0  }
0x24: {  	s3 =	sadd.s32 $0x88, s3;
	s6 =	simm.s32 @!p1 $0x1082;
	[sflag:s4] =	ssyncset.s32 $0xFFFFF086  }
0x25: {  	[simem:s6], [sflag:s4] =	dma.local [hbm:s3], $0xF7A  }
0x26: {  	[smem:$0x3F9D] =	sst s1;
	(tag) =	ssettag s2;
	_ =	strace s9  }
0x27: {  	s1 =	sld [smem:$0x3FAD]  }
0x28: {  	s2 =	sld [smem:$0x3FAE]  }
0x29: {  	s4 =	sld [smem:$0x3FB0]  }
0x2a: {  	p0 =	seq.s32 s5, $0x0;
	s5 =	sld [smem:$0x3FB1]  }
0x2b: {  	s6 =	sld [smem:$0x3FB2]  }
0x2c: {  	s7 =	sld [smem:$0x3FB3]  }
0x2d: {  	s3 =	simm.s32 $0x108;
	s8 =	sld [smem:$0x3FB4]  }
0x2e: {  	s3 =	simm.s32 @!p0 $0x1082;
	s9 =	sld [smem:$0x3FB5]  }
0x2f: {  	lr =	sadd.s32 s0, s3;
	s0 =	sld [smem:$0x3FAC]  }
0x30: {  	s3 =	sld [smem:$0x3FAF]  }
0x31: {  	[smem:$0x3FB8] =	sst s10  }
0x32: {  	s10 =	sld [smem:$0x3FB6];
	_ =	sdelay $0x3  }
0x33: {  	p0 =	seq.s32 s10, $0x1;
	s10 =	sld [smem:$0x3FB8];
	_ =	sdelay $0x3  }
0x34: {  	[smem:$0x3FB8] =	sst s10  }
0x35: {  	s10 =	sld [smem:$0x3FB7];
	_ =	sdelay $0x3  }
0x36: {  	p1 =	seq.s32 s10, $0x1;
	s10 =	sld [smem:$0x3FB8];
	_ =	sdelay $0x3  }
0x37: {  	[smem:$0x3FB8] =	sst s10  }
0x38: {  	s10 =	sld [smem:$0x3FB9]  }
0x39: {  	_ = 	snop;
	(pc) =	sbr.ind lr, $3  }
0x3a: {  	_ = 	snop  }
0x3b: {  	_ = 	snop  }
0x3c: {  	p2 =	seq.s32 s10, $0x1;
	s10 =	sld [smem:$0x3FB8]  }
0x3d: {  	_ =	shalt  }
0x3e: {  	_ =	shalt  }
0x3f: {  	_ =	shalt  }
0x40: {  	_ =	shalt  }
0x41: {  	_ =	shalt  }
0x42: {  	_ =	shalt  }
0x43: {  	_ =	shalt  }
0x44: {  	_ =	shalt  }
0x45: {  	_ =	shalt  }
0x46: {  	_ =	shalt  }
0x47: {  	_ =	shalt  }
0x48: {  	_ =	shalt  }
0x49: {  	_ =	shalt  }
0x4a: {  	_ =	shalt  }
0x4b: {  	_ =	shalt  }
0x4c: {  	_ =	shalt  }
0x4d: {  	_ =	shalt  }
0x4e: {  	_ =	shalt  }
0x4f: {  	_ =	shalt  }
0x50: {  	_ =	shalt  }
0x51: {  	_ =	shalt  }
0x52: {  	_ =	shalt  }
0x53: {  	_ =	shalt  }
0x54: {  	_ =	shalt  }
0x55: {  	_ =	shalt  }
0x56: {  	_ =	shalt  }
0x57: {  	_ =	shalt  }
0x58: {  	_ =	shalt  }
0x59: {  	_ =	shalt  }
0x5a: {  	_ =	shalt  }
0x5b: {  	_ =	shalt  }
0x5c: {  	_ =	shalt  }
0x5d: {  	_ =	shalt  }
0x5e: {  	_ =	shalt  }
0x5f: {  	_ =	shalt  }
0x60: {  	_ =	shalt  }
0x61: {  	_ =	shalt  }
0x62: {  	_ =	shalt  }
0x63: {  	_ =	shalt  }
0x64: {  	_ =	shalt  }
0x65: {  	_ =	shalt  }
0x66: {  	_ =	shalt  }
0x67: {  	_ =	shalt  }
0x68: {  	_ =	shalt  }
0x69: {  	_ =	shalt  }
0x6a: {  	_ =	shalt  }
0x6b: {  	_ =	shalt  }
0x6c: {  	_ =	shalt  }
0x6d: {  	_ =	shalt  }
0x6e: {  	_ =	shalt  }
0x6f: {  	_ =	shalt  }
0x70: {  	_ =	shalt  }
0x71: {  	_ =	shalt  }
0x72: {  	_ =	shalt  }
0x73: {  	_ =	shalt  }
0x74: {  	_ =	shalt  }
0x75: {  	_ =	shalt  }
0x76: {  	_ =	shalt  }
0x77: {  	_ =	shalt  }
0x78: {  	_ =	shalt  }
0x79: {  	_ =	shalt  }
0x7a: {  	_ =	shalt  }
0x7b: {  	_ =	shalt  }
0x7c: {  	_ =	shalt  }
0x7d: {  	_ =	shalt  }
0x7e: {  	_ =	shalt  }
0x7f: {  	_ =	shalt  }
0x80: {  	_ =	shalt  }
0x81: {  	_ =	shalt  }
0x82: {  	_ =	shalt  }
0x83: {  	_ =	shalt  }
0x84: {  	_ =	shalt  }
0x85: {  	_ =	shalt  }
0x86: {  	_ =	shalt  }
0x87: {  	_ =	shalt  }
.Lfunc_end0:
.L_simem_size_0:
called_computation.2_lowered:
.L_overlay_start_0:
0x88: {  	s2 =	sld [smem:$0x3FD9]  }
0x89: {  	s3 =	sld [smem:$0x3FFE];
	_ =	sdelay $0x1  }
0x8a: {  	s1 =	srdreg.scid  }
0x8b: {  	s0 =	sand.u32 $0x1, s1  }
0x8c: {  	s15 =	sshll.u32 s0, $0xA;
	s2 =	sadd.s32 s3, s2  }
0x8d: {  	s2 =	sadd.s32 s2, s15  }
0x8e: {  	[smem:$0x3FC4] =	sst s2  }
0x8f: {  	_ = 	snop  }
0x90: {  	s2 =	sld [smem:$0x3FD0];
	_ =	sdelay $0x2  }
0x91: {  	s16 =	simm.s32 $0xA;
	s4 =	simm.s32 $0x10  }
0x92: {  	[smem:s4], [sflag:s16] =	dma.local [hbm:s2], $0x1  }
0x93: {  	_ =	swait.eq [sflag:s16], $0x1  }
0x94: {  	s17 =	sld [smem:$0x10];
	[sflag:s16] =	ssyncset.done $0x0  }
0x95: {  	s18 =	sld [smem:$0x11];
	[sflag:s16] =	ssyncadd.s32 $0xFFFFFFFF  }
0x96: {  	s19 =	sld [smem:$0x15];
	(tm) =	ssettm $0x1  }
0x97: {  	s5 =	sld [smem:$0x3FFB];
	_ =	sdelay $0x3  }
0x98: {  	_ =	strace s5  }
0x99: {  	s5 =	sld [smem:$0x3FFC];
	_ =	sdelay $0x3  }
0x9a: {  	_ =	strace s5  }
0x9b: {  	s5 =	sld [smem:$0x3FFD];
	_ =	sdelay $0x3  }
0x9c: {  	_ =	strace s5  }
0x9d: {  	_ =	strace $0x8FFFFFFF  }
0x9e: {  	s20 =	sld [smem:$0x3FDB];
	_ =	sdelay $0x1  }
0x9f: {  	s6 =	simm.s32 $_scs_section_size  }
0xa0: {  	s7 =	simm.s32 $_size__tile_overlayer_lowered;
	s8 =	simm.s32 $_tile_overlayer_lowered  }
0xa1: {  	s23 =	simm.s32 $0x1BFF;
	s22 =	sshll.u32 s8, $0x1;
	s5 =	sadd.s32 s6, s20  }
0xa2: {  	s9 =	simm.s32 $0x0;
	s21 =	sshll.u32 s7, $0x1;
	s7 =	sadd.s32 s22, s5  }
0xa3: {  	[timem:s9], [sflag:s23] =	dma.local [hbm:s7], s21  }
0xa4: {  	_ =	swait.ge [sflag:s23], s21  }
0xa5: {  	s6 =	ssub.s32 $0x0, s21;
	[sflag:s23] =	ssyncset.done $0x0  }
0xa6: {  	[sflag:s23] =	ssyncadd.s32 s6;
	_ =	sdelay $0x1  }
0xa7: {  	s24 =	simm.s32 $0x1B8B  }
0xa8: {  	_ =	swait.ge [sflag:s24], $0x1  }
0xa9: {  	[sflag:s24] =	ssyncset.done $0x0  }
0xaa: {  	s25 =	simm.s32 $0x1B8E;
	[sflag:s24] =	ssyncadd.s32 $0xFFFFFFFF  }
0xab: {  	s26 =	simm.s32 $execute0_lowered;
	[smem:$0x3FD2] =	sst s25  }
0xac: {  	s6 =	sshll.u32 s26, $0x1;
	_ =	strace $0x8000004C;
	[dreg:$0x1] =	wrdreg $0xFFFFFFFF  }
0xad: {  	s28 =	simm.s32 $_size_execute0_lowered;
	s5 =	sadd.s32 s5, s6;
	[dreg:$0x0] =	wrdreg $0x0  }
0xae: {  	s6 =	sshll.u32 s28, $0x1;
	[dreg:$0x2] =	wrdreg s5  }
0xaf: {  	[dreg:$0x3] =	wrdreg s6  }
0xb0: {  	[dreg:$0x4] =	wrdreg $0xC0  }
0xb1: {  	_ =	task [dreg:s9], $0x5FFFF  }
0xb2: {  	[dreg:$0x1] =	wrdreg $0xFFFFFFFF  }
0xb3: {  	[dreg:$0x0] =	wrdreg $0x60  }
0xb4: {  	[dreg:$0x2] =	wrdreg s18  }
0xb5: {  	[dreg:$0x3] =	wrdreg s19  }
0xb6: {  	[dreg:$0x4] =	wrdreg s17  }
0xb7: {  	[dreg:$0x5] =	wrdreg $0x9  }
0xb8: {  	_ =	task.clear_ibuf [dreg:s9], $0x6FFFF;
	_ =	strace $0x9000004C  }
0xb9: {  	s29 =	simm.s32 $0x9;
	_ =	strace $0x8000004E  }
0xba: {  	_ =	swait.ge [sflag:s29], $0x1  }
0xbb: {  	[sflag:s29] =	ssyncadd.s32 $0xFFFFFFFF  }
0xbc: {  	_ =	strace $0x9000004E  }
0xbd: {  	_ =	sfence  }
0xbe: {  	s30 =	sld [smem:$0x0];
	_ =	sdelay $0x2  }
0xbf: {  	s31 =	sshll.u32 s1, $0xD;
	s1 =	sshrl.u32 s1, $0x2  }
0xc0: {  	s3 =	sand.u32 $0x4000, s31;
	s1 =	sadd.s32 s1, s30  }
0xc1: {  	s0 =	sor.u32 s3, s0;
	s1 =	sshll.u32 s1, $0x11  }
0xc2: {  	s0 =	sor.u32 s1, s0  }
0xc3: {  	s0 =	sadd.s32 $0x8F2B, s0  }
0xc4: {  	[sflag:s0] =	ssyncadd.remote.s32 $0x1  }
0xc5: {  	_ =	sfence.sel $0xFFFF  }
0xc6: {  	[dreg:$0x0] =	wrdreg $0xFFFFFFFF;
	(pc) =	sbr.abs _section_cstart, $3  }
0xc7: {  	[dreg:$0x1] =	wrdreg $0xFFFFFFFF  }
0xc8: {  	_ =	task.clear_ibuf [dreg:s9], $0x2FFFF;
	_ =	strace $0x9FFFFFFF  }
0xc9: {  	(tm) =	ssettm $0x7FFFFFFF  }
tec
execute0_lowered:
.L_overlay_start_1:
0x0: {  	(tag) =	ssettag $0x1  }
0x1: {  	s1 =	rddreg [dreg:$0x0]  }
0x2: {  	s3 =	rddreg [dreg:$0x1]  }
0x3: {  	s8 =	rddreg [dreg:$0x2];
	s4 =	srdreg.scid  }
0x4: {  	s0 =	rddreg [dreg:$0x3];
	s2 =	stileid.u32;
	s13 =	simm.s32 $0x8000  }
0x5: {  	s14 =	simm.s32 $0xC000;
	s15 =	simm.s32 $0x1;
	s16 =	simm.s32 $0x2  }
0x6: {  	s17 =	simm.s32 $0x80;
	s18 =	simm.s32 $0x400;
	s19 =	simm.s32 $0x0  }
0x7: {  	s5 =	sand.u32 $0x1, s4;
	s4 =	simm.s32 $0x0;
	s7 =	sshll.u32 s2, $0x1  }
0x8: {  	s11 =	sshll.u32 s2, $0xD;
	s6 =	ssub.s32 $0x2, s5;
	[smem:$0x7FF] =	sst s4  }
0x9: {  	s7 =	sor.u32 s5, s7;
	s11 =	sand.u32 $0x18000, s11;
	s9 =	sshrl.u32 s6, $0x1  }
0xa: {  	_ =	strace $0x8000004D;
	s5 =	sshll.u32 s7, $0x12;
	s31 =	sshll.u32 s7, $0x15  }
0xb: {  	s12 =	sshll.u32 s7, $0x4;
	s11 =	sadd.s32 s8, s11;
	s10 =	ssub.s32 s6, s9  }
0xc: {  	v1 =	vlaneseq.u32;
	s5 =	sadd.s32 s1, s5;
	s7 =	sor.u32 $0x8000, s31;
	s12 =	sand.u32 $0x70, s12  }
0xd: {  	v1 =	vmul.u32 $0x800, v1;
	s8 =	sor.u32 $0xC000, s31;
	s6 =	sadd.s32 $0x800, s5;
	s9 =	sadd.s32 s12, s11  }
0xe: {  	v0 =	vimm.s32 $0x0;
	v2 =	vimm.s32 $0x1;
	s10 =	smax.u32 s10, $0x1;
	s11 =	simm.s32 $0x10000;
	s12 =	simm.s32 $0x3  }
.LBB2_1:
0xf: {  	s20 =	simm.s32 $0x20  }
0x10: {  	[tilespmem:s20+$0xFFFFFFE0] =	vst v0  }
0x11: {  	[tilespmem:s20+$0x10] =	vst v0  }
0x12: {  	s21 =	simm.s32 $0x0;
	[tilespmem:s20+$0x0] =	vst v0  }
.LBB2_2:
0x13: {  	s21 =	sadd.s32 $0x4, s21  }
0x14: {  	[tilespmem:s20+$0xFFFFFFF0] =	vst v0;
	s20 =	sadd.s32 $0x40, s20;
	p0 =	slt.u32 s21, $0x7FC  }
.Ltmp0:
0x15: {  	[tilespmem:s20+$0xFFFFFFE0] =	vst v0;
	(pc) =	sbr.rel @p0 .LBB2_2-.Ltmp0, $3  }
0x16: {  	_ =	sdelay $0x1  }
0x17: {  	[tilespmem:s20+$0x10] =	vst v0  }
0x18: {  	[tilespmem:s20+$0x0] =	vst v0  }
0x19: {  	[tilespmem:s20+$0xFFFFFFF0] =	vst v0;
	s20 =	simm.s32 $0x0  }
0x1a: {  	[tilespmem:s11], [sflag:$0x3] =	stream.linear.gather [hbm4b:s3+s20], $0x80, $0x38;
	[tilespmem:$0x10080] =	vst v63  }
0x1b: {  	_ =	swait.ge [sflag:s12], $0x80  }
0x1c: {  	[sflag:s12] =	ssyncset.done $0x0  }
0x1d: {  	[sflag:s12] =	ssyncadd.s32 $0xFFFFFF80  }
0x1e: {  	v3 =	vld [tilespmem:$0x10000];
	_ =	sdelay $0x1  }
0x1f: {  	[tilespmem:s13], [sflag:$0x1] =	stream.linear.gather [hbm4b:s5+s20], $0x4000, $0x38;
	[tilespmem:$0x10080] =	vst v63  }
0x20: {  	_ = 	snop  }
0x21: {  	[tilespmem:s14], [sflag:$0x2] =	stream.linear.gather [hbm4b:s6+s20], $0x4000, $0x38;
	[tilespmem:$0x10080] =	vst v63  }
.LBB2_4:
0x22: {  	_ =	swait.ge [sflag:s15], $0x4000  }
0x23: {  	[sflag:s15] =	ssyncset.done $0x0  }
0x24: {  	s21 =	simm.s32 $0x8040;
	[sflag:s15] =	ssyncadd.s32 $0xFFFFC000  }
0x25: {  	v4 =	vld [tilespmem:s21+$0xFFFFFFC0];
	_ =	sdelay $0x4  }
0x26: {  	v4 =	vshra.s32 v4, $0xA  }
0x27: {  	v4 =	vsub.s32 v4, v3  }
0x28: {  	vm0 =	vlt.u32 v4, $0x400  }
0x29: {  	v4 =	vadd.s32 v1, v4;
	_ =	sdelay $0x4  }
0x2a: {  	[tilespmem:v4+s4+$0x0] =	vst.idx.add.s32.msk vm0, v2  }
0x2b: {  	v4 =	vld [tilespmem:s21+$0xFFFFFFD0]  }
0x2c: {  	s22 =	simm.s32 $0x80C0  }
0x2d: {  	v5 =	vld [tilespmem:s22+$0xFFFFFFC0];
	_ =	sdelay $0x2  }
0x2e: {  	v4 =	vshra.s32 v4, $0xA  }
0x2f: {  	v4 =	vsub.s32 v4, v3  }
0x30: {  	v5 =	vshra.s32 v5, $0xA;
	vm0 =	vlt.u32 v4, $0x400  }
0x31: {  	v5 =	vsub.s32 v5, v3;
	v4 =	vadd.s32 v1, v4  }
0x32: {  	vm1 =	vlt.u32 v5, $0x400  }
0x33: {  	v5 =	vadd.s32 v1, v5;
	_ =	sdelay $0x2  }
0x34: {  	[tilespmem:v4+s4+$0x0] =	vst.idx.add.s32.msk vm0, v2  }
0x35: {  	v4 =	vld [tilespmem:s21+$0xFFFFFFE0]  }
0x36: {  	[tilespmem:v5+s4+$0x0] =	vst.idx.add.s32.msk vm1, v2  }
0x37: {  	v5 =	vld [tilespmem:s22+$0xFFFFFFD0]  }
0x38: {  	s23 =	simm.s32 $0x8140  }
0x39: {  	v6 =	vld [tilespmem:s23+$0xFFFFFFC0]  }
0x3a: {  	v4 =	vshra.s32 v4, $0xA  }
0x3b: {  	v4 =	vsub.s32 v4, v3  }
0x3c: {  	v5 =	vshra.s32 v5, $0xA;
	vm0 =	vlt.u32 v4, $0x400  }
0x3d: {  	v5 =	vsub.s32 v5, v3;
	v4 =	vadd.s32 v1, v4  }
0x3e: {  	v6 =	vshra.s32 v6, $0xA;
	vm1 =	vlt.u32 v5, $0x400  }
0x3f: {  	v6 =	vsub.s32 v6, v3;
	v5 =	vadd.s32 v1, v5  }
0x40: {  	vm2 =	vlt.u32 v6, $0x400  }
0x41: {  	v6 =	vadd.s32 v1, v6  }
0x42: {  	[tilespmem:v4+s4+$0x0] =	vst.idx.add.s32.msk vm0, v2  }
0x43: {  	v4 =	vld [tilespmem:s21+$0xFFFFFFF0]  }
0x44: {  	[tilespmem:v5+s4+$0x0] =	vst.idx.add.s32.msk vm1, v2  }
0x45: {  	v5 =	vld [tilespmem:s22+$0xFFFFFFE0]  }
0x46: {  	[tilespmem:v6+s4+$0x0] =	vst.idx.add.s32.msk vm2, v2  }
0x47: {  	v6 =	vld [tilespmem:s23+$0xFFFFFFD0]  }
0x48: {  	s24 =	simm.s32 $0x81C0;
	v4 =	vshra.s32 v4, $0xA  }
0x49: {  	v7 =	vld [tilespmem:s24+$0xFFFFFFC0];
	v4 =	vsub.s32 v4, v3  }
0x4a: {  	v5 =	vshra.s32 v5, $0xA;
	vm0 =	vlt.u32 v4, $0x400  }
0x4b: {  	v5 =	vsub.s32 v5, v3;
	v4 =	vadd.s32 v1, v4  }
0x4c: {  	v6 =	vshra.s32 v6, $0xA;
	vm1 =	vlt.u32 v5, $0x400  }
0x4d: {  	v6 =	vsub.s32 v6, v3;
	v5 =	vadd.s32 v1, v5  }
0x4e: {  	v7 =	vshra.s32 v7, $0xA;
	vm2 =	vlt.u32 v6, $0x400  }
0x4f: {  	v7 =	vsub.s32 v7, v3;
	v6 =	vadd.s32 v1, v6  }
0x50: {  	vm3 =	vlt.u32 v7, $0x400;
	[tilespmem:v4+s4+$0x0] =	vst.idx.add.s32.msk vm0, v2  }
0x51: {  	v4 =	vadd.s32 v1, v7;
	v7 =	vld [tilespmem:s21+$0x0]  }
0x52: {  	[tilespmem:v5+s4+$0x0] =	vst.idx.add.s32.msk vm1, v2  }
0x53: {  	v5 =	vld [tilespmem:s22+$0xFFFFFFF0]  }
0x54: {  	[tilespmem:v6+s4+$0x0] =	vst.idx.add.s32.msk vm2, v2  }
0x55: {  	v6 =	vld [tilespmem:s23+$0xFFFFFFE0]  }
0x56: {  	[tilespmem:v4+s4+$0x0] =	vst.idx.add.s32.msk vm3, v2;
	v4 =	vshra.s32 v7, $0xA  }
0x57: {  	v7 =	vld [tilespmem:s24+$0xFFFFFFD0];
	v4 =	vsub.s32 v4, v3  }
0x58: {  	s25 =	simm.s32 $0x8240;
	v5 =	vshra.s32 v5, $0xA;
	vm0 =	vlt.u32 v4, $0x400  }
0x59: {  	v8 =	vld [tilespmem:s25+$0xFFFFFFC0];
	v5 =	vsub.s32 v5, v3;
	v4 =	vadd.s32 v1, v4  }
0x5a: {  	v6 =	vshra.s32 v6, $0xA;
	vm1 =	vlt.u32 v5, $0x400  }
0x5b: {  	v6 =	vsub.s32 v6, v3;
	v5 =	vadd.s32 v1, v5  }
0x5c: {  	vm2 =	vlt.u32 v6, $0x400;
	v7 =	vshra.s32 v7, $0xA  }
0x5d: {  	v6 =	vadd.s32 v1, v6;
	v7 =	vsub.s32 v7, v3  }
0x5e: {  	vm3 =	vlt.u32 v7, $0x400;
	[tilespmem:v4+s4+$0x0] =	vst.idx.add.s32.msk vm0, v2;
	v4 =	vshra.s32 v8, $0xA  }
0x5f: {  	v7 =	vadd.s32 v1, v7;
	v8 =	vld [tilespmem:s21+$0x10];
	v4 =	vsub.s32 v4, v3  }
0x60: {  	[tilespmem:v5+s4+$0x0] =	vst.idx.add.s32.msk vm1, v2;
	vm0 =	vlt.u32 v4, $0x400  }
0x61: {  	v5 =	vld [tilespmem:s22+$0x0];
	v4 =	vadd.s32 v1, v4  }
0x62: {  	[tilespmem:v6+s4+$0x0] =	vst.idx.add.s32.msk vm2, v2  }
0x63: {  	v6 =	vld [tilespmem:s23+$0xFFFFFFF0]  }
0x64: {  	[tilespmem:v7+s4+$0x0] =	vst.idx.add.s32.msk vm3, v2;
	v7 =	vshra.s32 v8, $0xA  }
0x65: {  	v8 =	vld [tilespmem:s24+$0xFFFFFFE0];
	v7 =	vsub.s32 v7, v3  }
0x66: {  	v5 =	vshra.s32 v5, $0xA;
	vm1 =	vlt.u32 v7, $0x400;
	[tilespmem:v4+s4+$0x0] =	vst.idx.add.s32.msk vm0, v2  }
0x67: {  	v4 =	vsub.s32 v5, v3;
	v5 =	vadd.s32 v1, v7;
	v7 =	vld [tilespmem:s25+$0xFFFFFFD0]  }
0x68: {  	s26 =	simm.s32 $0x82C0;
	v6 =	vshra.s32 v6, $0xA;
	vm0 =	vlt.u32 v4, $0x400  }
0x69: {  	v9 =	vld [tilespmem:s26+$0xFFFFFFC0];
	v6 =	vsub.s32 v6, v3;
	v4 =	vadd.s32 v1, v4  }
0x6a: {  	vm2 =	vlt.u32 v6, $0x400;
	v8 =	vshra.s32 v8, $0xA  }
0x6b: {  	v6 =	vadd.s32 v1, v6;
	v8 =	vsub.s32 v8, v3  }
0x6c: {  	vm3 =	vlt.u32 v8, $0x400;
	[tilespmem:v5+s4+$0x0] =	vst.idx.add.s32.msk vm1, v2;
	v5 =	vshra.s32 v7, $0xA  }
0x6d: {  	v7 =	vadd.s32 v1, v8;
	v8 =	vld [tilespmem:s21+$0x20];
	v5 =	vsub.s32 v5, v3  }
0x6e: {  	[tilespmem:v4+s4+$0x0] =	vst.idx.add.s32.msk vm0, v2;
	v4 =	vshra.s32 v9, $0xA;
	vm0 =	vlt.u32 v5, $0x400  }
0x6f: {  	v9 =	vld [tilespmem:s22+$0x10];
	v4 =	vsub.s32 v4, v3;
	v5 =	vadd.s32 v1, v5  }
0x70: {  	[tilespmem:v6+s4+$0x0] =	vst.idx.add.s32.msk vm2, v2;
	vm1 =	vlt.u32 v4, $0x400  }
0x71: {  	v6 =	vld [tilespmem:s23+$0x0];
	v10 =	vadd.s32 v1, v4  }
0x72: {  	[tilespmem:v7+s4+$0x0] =	vst.idx.add.s32.msk vm3, v2;
	v4 =	vshra.s32 v8, $0xA  }
0x73: {  	v11 =	vld [tilespmem:s24+$0xFFFFFFF0];
	v4 =	vsub.s32 v4, v3  }
0x74: {  	[tilespmem:v5+s4+$0x0] =	vst.idx.add.s32.msk vm0, v2;
	v5 =	vshra.s32 v9, $0xA;
	vm0 =	vlt.u32 v4, $0x400  }
0x75: {  	v4 =	vadd.s32 v1, v4;
	v7 =	vld [tilespmem:s25+$0xFFFFFFE0];
	v5 =	vsub.s32 v5, v3  }
0x76: {  	v6 =	vshra.s32 v6, $0xA;
	[tilespmem:v10+s4+$0x0] =	vst.idx.add.s32.msk vm1, v2;
	vm1 =	vlt.u32 v5, $0x400  }
0x77: {  	v6 =	vsub.s32 v6, v3;
	v8 =	vld [tilespmem:s26+$0xFFFFFFD0];
	v5 =	vadd.s32 v1, v5  }
0x78: {  	s28 =	simm.s32 $0x280;
	s29 =	simm.s32 $0x8340;
	vm2 =	vlt.u32 v6, $0x400;
	v9 =	vshra.s32 v11, $0xA  }
.LBB2_5:
0x79: {  	v10 =	vld [tilespmem:s29+$0xFFFFFFC0];
	s28 =	sadd.s32 $0x80, s28;
	v9 =	vsub.s32 v9, v3;
	v6 =	vadd.s32 v1, v6  }
0x7a: {  	p0 =	slt.u32 s28, $0x3F80;
	v7 =	vshra.s32 v7, $0xA;
	vm3 =	vlt.u32 v9, $0x400;
	[tilespmem:v4+s4+$0x0] =	vst.idx.add.s32.msk vm0, v2  }
0x7b: {  	v4 =	vsub.s32 v7, v3;
	v7 =	vadd.s32 v1, v9;
	v9 =	vld [tilespmem:s21+$0x30];
	s21 =	smov.u32 s22;
	s22 =	smov.u32 s23;
	s23 =	smov.u32 s24  }
0x7c: {  	s24 =	smov.u32 s25;
	s25 =	smov.u32 s26;
	s26 =	smov.u32 s29;
	v8 =	vshra.s32 v8, $0xA;
	vm0 =	vlt.u32 v4, $0x400;
	[tilespmem:v5+s4+$0x0] =	vst.idx.add.s32.msk vm1, v2  }
0x7d: {  	v4 =	vadd.s32 v1, v4;
	v5 =	vsub.s32 v8, v3;
	v8 =	vld [tilespmem:s21+$0x20]  }
0x7e: {  	v10 =	vshra.s32 v10, $0xA;
	vm1 =	vlt.u32 v5, $0x400;
	[tilespmem:v6+s4+$0x0] =	vst.idx.add.s32.msk vm2, v2  }
0x7f: {  	v5 =	vadd.s32 v1, v5;
	v6 =	vsub.s32 v10, v3;
	v10 =	vld [tilespmem:s22+$0x10]  }
0x80: {  	vm2 =	vlt.u32 v6, $0x400;
	[tilespmem:v7+s4+$0x0] =	vst.idx.add.s32.msk vm3, v2;
	v7 =	vshra.s32 v9, $0xA  }
0x81: {  	v6 =	vadd.s32 v1, v6;
	v9 =	vld [tilespmem:s23+$0x0];
	v7 =	vsub.s32 v7, v3  }
0x82: {  	[tilespmem:v4+s4+$0x0] =	vst.idx.add.s32.msk vm0, v2;
	v4 =	vshra.s32 v8, $0xA;
	vm3 =	vlt.u32 v7, $0x400  }
0x83: {  	v12 =	vadd.s32 v1, v7;
	v11 =	vld [tilespmem:s24+$0xFFFFFFF0];
	v4 =	vsub.s32 v4, v3  }
.Ltmp1:
0x84: {  	[tilespmem:v5+s4+$0x0] =	vst.idx.add.s32.msk vm1, v2;
	v5 =	vshra.s32 v10, $0xA;
	vm0 =	vlt.u32 v4, $0x400;
	(pc) =	sbr.rel @p0 .LBB2_5-.Ltmp1, $4  }
0x85: {  	v4 =	vadd.s32 v1, v4;
	v7 =	vld [tilespmem:s25+$0xFFFFFFE0];
	v5 =	vsub.s32 v5, v3  }
0x86: {  	[tilespmem:v6+s4+$0x0] =	vst.idx.add.s32.msk vm2, v2;
	v6 =	vshra.s32 v9, $0xA;
	vm1 =	vlt.u32 v5, $0x400  }
0x87: {  	v5 =	vadd.s32 v1, v5;
	v8 =	vld [tilespmem:s29+$0xFFFFFFD0];
	v6 =	vsub.s32 v6, v3  }
0x88: {  	s29 =	sadd.s32 $0x80, s29;
	v9 =	vshra.s32 v11, $0xA;
	vm2 =	vlt.u32 v6, $0x400;
	[tilespmem:v12+s4+$0x0] =	vst.idx.add.s32.msk vm3, v2  }
0x89: {  	_ =	sdelay $0x2  }
0x8a: {  	v8 =	vshra.s32 v8, $0xA  }
0x8b: {  	v8 =	vsub.s32 v8, v3  }
0x8c: {  	vm3 =	vlt.u32 v8, $0x400  }
0x8d: {  	v8 =	vadd.s32 v1, v8;
	_ =	sdelay $0x4  }
0x8e: {  	[tilespmem:v8+s4+$0x0] =	vst.idx.add.s32.msk vm3, v2  }
0x8f: {  	v8 =	vld [tilespmem:s26+$0xFFFFFFE0];
	_ =	sdelay $0x2  }
0x90: {  	v7 =	vshra.s32 v7, $0xA  }
0x91: {  	v7 =	vsub.s32 v7, v3  }
0x92: {  	vm3 =	vlt.u32 v7, $0x400;
	v8 =	vshra.s32 v8, $0xA  }
0x93: {  	v7 =	vadd.s32 v1, v7;
	v8 =	vsub.s32 v8, v3  }
0x94: {  	vm4 =	vlt.u32 v8, $0x400  }
0x95: {  	v8 =	vadd.s32 v1, v8;
	_ =	sdelay $0x2  }
0x96: {  	v9 =	vsub.s32 v9, v3;
	[tilespmem:v7+s4+$0x0] =	vst.idx.add.s32.msk vm3, v2  }
0x97: {  	vm3 =	vlt.u32 v9, $0x400;
	v7 =	vld [tilespmem:s25+$0xFFFFFFF0]  }
0x98: {  	v9 =	vadd.s32 v1, v9;
	[tilespmem:v8+s4+$0x0] =	vst.idx.add.s32.msk vm4, v2  }
0x99: {  	v8 =	vld [tilespmem:s26+$0xFFFFFFF0];
	_ =	sdelay $0x2  }
0x9a: {  	v7 =	vshra.s32 v7, $0xA  }
0x9b: {  	[tilespmem:v9+s4+$0x0] =	vst.idx.add.s32.msk vm3, v2;
	v7 =	vsub.s32 v7, v3  }
0x9c: {  	v9 =	vld [tilespmem:s24+$0x0];
	vm12 =	vlt.u32 v7, $0x400;
	v8 =	vshra.s32 v8, $0xA  }
0x9d: {  	v7 =	vadd.s32 v1, v7;
	v8 =	vsub.s32 v8, v3  }
0x9e: {  	vm5 =	vlt.u32 v8, $0x400  }
0x9f: {  	v8 =	vadd.s32 v1, v8;
	_ =	sdelay $0x1  }
0xa0: {  	v9 =	vshra.s32 v9, $0xA  }
0xa1: {  	v9 =	vsub.s32 v9, v3;
	[tilespmem:v7+s4+$0x0] =	vst.idx.add.s32.msk vm12, v2  }
0xa2: {  	vm3 =	vlt.u32 v9, $0x400;
	v7 =	vld [tilespmem:s25+$0x0]  }
0xa3: {  	v9 =	vadd.s32 v1, v9;
	[tilespmem:v8+s4+$0x0] =	vst.idx.add.s32.msk vm5, v2  }
0xa4: {  	v8 =	vld [tilespmem:s26+$0x0];
	_ =	sdelay $0x1  }
0xa5: {  	v6 =	vadd.s32 v1, v6  }
0xa6: {  	v7 =	vshra.s32 v7, $0xA  }
0xa7: {  	[tilespmem:v9+s4+$0x0] =	vst.idx.add.s32.msk vm3, v2;
	v7 =	vsub.s32 v7, v3  }
0xa8: {  	v9 =	vld [tilespmem:s24+$0x10];
	vm13 =	vlt.u32 v7, $0x400;
	v8 =	vshra.s32 v8, $0xA  }
0xa9: {  	v7 =	vadd.s32 v1, v7;
	v8 =	vsub.s32 v8, v3  }
0xaa: {  	[tilespmem:v6+s4+$0x0] =	vst.idx.add.s32.msk vm2, v2;
	vm2 =	vlt.u32 v8, $0x400  }
0xab: {  	v6 =	vld [tilespmem:s23+$0x10];
	v8 =	vadd.s32 v1, v8;
	_ =	sdelay $0x1  }
0xac: {  	v9 =	vshra.s32 v9, $0xA  }
0xad: {  	v9 =	vsub.s32 v9, v3;
	[tilespmem:v7+s4+$0x0] =	vst.idx.add.s32.msk vm13, v2  }
0xae: {  	vm3 =	vlt.u32 v9, $0x400;
	v7 =	vld [tilespmem:s25+$0x10]  }
0xaf: {  	v6 =	vshra.s32 v6, $0xA;
	v9 =	vadd.s32 v1, v9;
	[tilespmem:v8+s4+$0x0] =	vst.idx.add.s32.msk vm2, v2  }
0xb0: {  	v6 =	vsub.s32 v6, v3;
	v8 =	vld [tilespmem:s26+$0x10]  }
0xb1: {  	vm2 =	vlt.u32 v6, $0x400  }
0xb2: {  	v6 =	vadd.s32 v1, v6  }
0xb3: {  	[tilespmem:v5+s4+$0x0] =	vst.idx.add.s32.msk vm1, v2;
	v7 =	vshra.s32 v7, $0xA  }
0xb4: {  	[tilespmem:v9+s4+$0x0] =	vst.idx.add.s32.msk vm3, v2;
	v7 =	vsub.s32 v7, v3  }
0xb5: {  	v9 =	vld [tilespmem:s24+$0x20];
	vm1 =	vlt.u32 v7, $0x400;
	v5 =	vshra.s32 v8, $0xA  }
0xb6: {  	v7 =	vadd.s32 v1, v7;
	v8 =	vld [tilespmem:s22+$0x20];
	v5 =	vsub.s32 v5, v3  }
0xb7: {  	[tilespmem:v6+s4+$0x0] =	vst.idx.add.s32.msk vm2, v2;
	vm2 =	vlt.u32 v5, $0x400  }
0xb8: {  	v6 =	vld [tilespmem:s23+$0x20];
	v5 =	vadd.s32 v1, v5;
	_ =	sdelay $0x1  }
0xb9: {  	[tilespmem:v4+s4+$0x0] =	vst.idx.add.s32.msk vm0, v2;
	v9 =	vshra.s32 v9, $0xA  }
0xba: {  	v9 =	vsub.s32 v9, v3;
	[tilespmem:v7+s4+$0x0] =	vst.idx.add.s32.msk vm1, v2;
	v8 =	vshra.s32 v8, $0xA  }
0xbb: {  	vm0 =	vlt.u32 v9, $0x400;
	v7 =	vsub.s32 v8, v3;
	v8 =	vld [tilespmem:s25+$0x20]  }
0xbc: {  	v9 =	vadd.s32 v1, v9;
	v6 =	vshra.s32 v6, $0xA;
	vm1 =	vlt.u32 v7, $0x400;
	[tilespmem:v5+s4+$0x0] =	vst.idx.add.s32.msk vm2, v2  }
0xbd: {  	v6 =	vsub.s32 v6, v3;
	v5 =	vadd.s32 v1, v7;
	v7 =	vld [tilespmem:s26+$0x20]  }
0xbe: {  	vm2 =	vlt.u32 v6, $0x400  }
0xbf: {  	v6 =	vadd.s32 v1, v6  }
0xc0: {  	v4 =	vshra.s32 v8, $0xA  }
0xc1: {  	[tilespmem:v9+s4+$0x0] =	vst.idx.add.s32.msk vm0, v2;
	v4 =	vsub.s32 v4, v3  }
0xc2: {  	[tilespmem:v5+s4+$0x0] =	vst.idx.add.s32.msk vm1, v2;
	vm1 =	vlt.u32 v4, $0x400;
	v5 =	vshra.s32 v7, $0xA  }
0xc3: {  	v9 =	vld [tilespmem:s24+$0x30];
	v4 =	vadd.s32 v1, v4;
	v5 =	vsub.s32 v5, v3  }
0xc4: {  	[tilespmem:v6+s4+$0x0] =	vst.idx.add.s32.msk vm2, v2;
	vm2 =	vlt.u32 v5, $0x400  }
0xc5: {  	v8 =	vld [tilespmem:s21+$0x30];
	v5 =	vadd.s32 v1, v5  }
0xc6: {  	v7 =	vld [tilespmem:s22+$0x30]  }
0xc7: {  	v6 =	vld [tilespmem:s23+$0x30]  }
0xc8: {  	[tilespmem:v4+s4+$0x0] =	vst.idx.add.s32.msk vm1, v2  }
0xc9: {  	v4 =	vld [tilespmem:s25+$0x30]  }
0xca: {  	v9 =	vshra.s32 v9, $0xA;
	v8 =	vshra.s32 v8, $0xA;
	[tilespmem:v5+s4+$0x0] =	vst.idx.add.s32.msk vm2, v2  }
0xcb: {  	v9 =	vsub.s32 v9, v3;
	v5 =	vsub.s32 v8, v3;
	v8 =	vld [tilespmem:s26+$0x30]  }
0xcc: {  	vm3 =	vlt.u32 v9, $0x400;
	v7 =	vshra.s32 v7, $0xA  }
0xcd: {  	v9 =	vadd.s32 v1, v9;
	v7 =	vsub.s32 v7, v3;
	vm0 =	vlt.u32 v5, $0x400  }
0xce: {  	v6 =	vshra.s32 v6, $0xA;
	vm1 =	vlt.u32 v7, $0x400;
	v5 =	vadd.s32 v1, v5  }
0xcf: {  	v6 =	vsub.s32 v6, v3;
	v7 =	vadd.s32 v1, v7;
	v4 =	vshra.s32 v4, $0xA  }
0xd0: {  	vm2 =	vlt.u32 v6, $0x400;
	v4 =	vsub.s32 v4, v3;
	v8 =	vshra.s32 v8, $0xA  }
0xd1: {  	v6 =	vadd.s32 v1, v6;
	vm14 =	vlt.u32 v4, $0x400;
	v8 =	vsub.s32 v8, v3  }
0xd2: {  	v4 =	vadd.s32 v1, v4;
	vm15 =	vlt.u32 v8, $0x400  }
0xd3: {  	[tilespmem:v5+s4+$0x0] =	vst.idx.add.s32.msk vm0, v2;
	v5 =	vadd.s32 v1, v8  }
0xd4: {  	[tilespmem:v9+s4+$0x0] =	vst.idx.add.s32.msk vm3, v2  }
0xd5: {  	s21 =	sshll.u32 s20, $0xF;
	[tilespmem:v7+s4+$0x0] =	vst.idx.add.s32.msk vm1, v2  }
0xd6: {  	s31 =	sadd.s32 s21, s7;
	[tilespmem:v6+s4+$0x0] =	vst.idx.add.s32.msk vm2, v2  }
0xd7: {  	s22 =	sshrl.u32 s31, $0x3;
	[tilespmem:v4+s4+$0x0] =	vst.idx.add.s32.msk vm14, v2  }
0xd8: {  	s22 =	sadd.s32 s1, s22;
	[tilespmem:v5+s4+$0x0] =	vst.idx.add.s32.msk vm15, v2  }
0xd9: {  	[tilespmem:s13], [sflag:$0x1] =	stream.linear.gather [hbm4b:s22+s4], $0x4000, $0x38;
	[tilespmem:$0x10080] =	vst v63  }
0xda: {  	_ =	swait.ge [sflag:s16], $0x4000  }
0xdb: {  	[sflag:s16] =	ssyncset.done $0x0  }
0xdc: {  	s22 =	simm.s32 $0xC040;
	[sflag:s16] =	ssyncadd.s32 $0xFFFFC000  }
0xdd: {  	v4 =	vld [tilespmem:s22+$0xFFFFFFC0];
	_ =	sdelay $0x4  }
0xde: {  	v4 =	vshra.s32 v4, $0xA  }
0xdf: {  	v4 =	vsub.s32 v4, v3  }
0xe0: {  	vm0 =	vlt.u32 v4, $0x400  }
0xe1: {  	v4 =	vadd.s32 v1, v4;
	_ =	sdelay $0x4  }
0xe2: {  	[tilespmem:v4+s4+$0x0] =	vst.idx.add.s32.msk vm0, v2  }
0xe3: {  	v4 =	vld [tilespmem:s22+$0xFFFFFFD0]  }
0xe4: {  	s23 =	simm.s32 $0xC0C0  }
0xe5: {  	v5 =	vld [tilespmem:s23+$0xFFFFFFC0];
	_ =	sdelay $0x2  }
0xe6: {  	v4 =	vshra.s32 v4, $0xA  }
0xe7: {  	v4 =	vsub.s32 v4, v3  }
0xe8: {  	v5 =	vshra.s32 v5, $0xA;
	vm0 =	vlt.u32 v4, $0x400  }
0xe9: {  	v5 =	vsub.s32 v5, v3;
	v4 =	vadd.s32 v1, v4  }
0xea: {  	vm1 =	vlt.u32 v5, $0x400  }
0xeb: {  	v5 =	vadd.s32 v1, v5;
	_ =	sdelay $0x2  }
0xec: {  	[tilespmem:v4+s4+$0x0] =	vst.idx.add.s32.msk vm0, v2  }
0xed: {  	v4 =	vld [tilespmem:s22+$0xFFFFFFE0]  }
0xee: {  	[tilespmem:v5+s4+$0x0] =	vst.idx.add.s32.msk vm1, v2  }
0xef: {  	v5 =	vld [tilespmem:s23+$0xFFFFFFD0]  }
0xf0: {  	s24 =	simm.s32 $0xC140  }
0xf1: {  	v6 =	vld [tilespmem:s24+$0xFFFFFFC0]  }
0xf2: {  	v4 =	vshra.s32 v4, $0xA  }
0xf3: {  	v4 =	vsub.s32 v4, v3  }
0xf4: {  	v5 =	vshra.s32 v5, $0xA;
	vm0 =	vlt.u32 v4, $0x400  }
0xf5: {  	v5 =	vsub.s32 v5, v3;
	v4 =	vadd.s32 v1, v4  }
0xf6: {  	v6 =	vshra.s32 v6, $0xA;
	vm1 =	vlt.u32 v5, $0x400  }
0xf7: {  	v6 =	vsub.s32 v6, v3;
	v5 =	vadd.s32 v1, v5  }
0xf8: {  	vm2 =	vlt.u32 v6, $0x400  }
0xf9: {  	v6 =	vadd.s32 v1, v6  }
0xfa: {  	[tilespmem:v4+s4+$0x0] =	vst.idx.add.s32.msk vm0, v2  }
0xfb: {  	v4 =	vld [tilespmem:s22+$0xFFFFFFF0]  }
0xfc: {  	[tilespmem:v5+s4+$0x0] =	vst.idx.add.s32.msk vm1, v2  }
0xfd: {  	v5 =	vld [tilespmem:s23+$0xFFFFFFE0]  }
0xfe: {  	[tilespmem:v6+s4+$0x0] =	vst.idx.add.s32.msk vm2, v2  }
0xff: {  	v6 =	vld [tilespmem:s24+$0xFFFFFFD0]  }
0x100: {  	s25 =	simm.s32 $0xC1C0;
	v4 =	vshra.s32 v4, $0xA  }
0x101: {  	v7 =	vld [tilespmem:s25+$0xFFFFFFC0];
	v4 =	vsub.s32 v4, v3  }
0x102: {  	v5 =	vshra.s32 v5, $0xA;
	vm0 =	vlt.u32 v4, $0x400  }
0x103: {  	v5 =	vsub.s32 v5, v3;
	v4 =	vadd.s32 v1, v4  }
0x104: {  	v6 =	vshra.s32 v6, $0xA;
	vm1 =	vlt.u32 v5, $0x400  }
0x105: {  	v6 =	vsub.s32 v6, v3;
	v5 =	vadd.s32 v1, v5  }
0x106: {  	v7 =	vshra.s32 v7, $0xA;
	vm2 =	vlt.u32 v6, $0x400  }
0x107: {  	v7 =	vsub.s32 v7, v3;
	v6 =	vadd.s32 v1, v6  }
0x108: {  	vm3 =	vlt.u32 v7, $0x400;
	[tilespmem:v4+s4+$0x0] =	vst.idx.add.s32.msk vm0, v2  }
0x109: {  	v4 =	vadd.s32 v1, v7;
	v7 =	vld [tilespmem:s22+$0x0]  }
0x10a: {  	[tilespmem:v5+s4+$0x0] =	vst.idx.add.s32.msk vm1, v2  }
0x10b: {  	v5 =	vld [tilespmem:s23+$0xFFFFFFF0]  }
0x10c: {  	[tilespmem:v6+s4+$0x0] =	vst.idx.add.s32.msk vm2, v2  }
0x10d: {  	v6 =	vld [tilespmem:s24+$0xFFFFFFE0]  }
0x10e: {  	[tilespmem:v4+s4+$0x0] =	vst.idx.add.s32.msk vm3, v2;
	v4 =	vshra.s32 v7, $0xA  }
0x10f: {  	v7 =	vld [tilespmem:s25+$0xFFFFFFD0];
	v4 =	vsub.s32 v4, v3  }
0x110: {  	s26 =	simm.s32 $0xC240;
	v5 =	vshra.s32 v5, $0xA;
	vm0 =	vlt.u32 v4, $0x400  }
0x111: {  	v8 =	vld [tilespmem:s26+$0xFFFFFFC0];
	v5 =	vsub.s32 v5, v3;
	v4 =	vadd.s32 v1, v4  }
0x112: {  	v6 =	vshra.s32 v6, $0xA;
	vm1 =	vlt.u32 v5, $0x400  }
0x113: {  	v6 =	vsub.s32 v6, v3;
	v5 =	vadd.s32 v1, v5  }
0x114: {  	vm2 =	vlt.u32 v6, $0x400;
	v7 =	vshra.s32 v7, $0xA  }
0x115: {  	v6 =	vadd.s32 v1, v6;
	v7 =	vsub.s32 v7, v3  }
0x116: {  	vm3 =	vlt.u32 v7, $0x400;
	[tilespmem:v4+s4+$0x0] =	vst.idx.add.s32.msk vm0, v2;
	v4 =	vshra.s32 v8, $0xA  }
0x117: {  	v7 =	vadd.s32 v1, v7;
	v8 =	vld [tilespmem:s22+$0x10];
	v4 =	vsub.s32 v4, v3  }
0x118: {  	[tilespmem:v5+s4+$0x0] =	vst.idx.add.s32.msk vm1, v2;
	vm0 =	vlt.u32 v4, $0x400  }
0x119: {  	v5 =	vld [tilespmem:s23+$0x0];
	v4 =	vadd.s32 v1, v4  }
0x11a: {  	[tilespmem:v6+s4+$0x0] =	vst.idx.add.s32.msk vm2, v2  }
0x11b: {  	v6 =	vld [tilespmem:s24+$0xFFFFFFF0]  }
0x11c: {  	[tilespmem:v7+s4+$0x0] =	vst.idx.add.s32.msk vm3, v2;
	v7 =	vshra.s32 v8, $0xA  }
0x11d: {  	v8 =	vld [tilespmem:s25+$0xFFFFFFE0];
	v7 =	vsub.s32 v7, v3  }
0x11e: {  	v5 =	vshra.s32 v5, $0xA;
	vm1 =	vlt.u32 v7, $0x400;
	[tilespmem:v4+s4+$0x0] =	vst.idx.add.s32.msk vm0, v2  }
0x11f: {  	v4 =	vsub.s32 v5, v3;
	v5 =	vadd.s32 v1, v7;
	v7 =	vld [tilespmem:s26+$0xFFFFFFD0]  }
0x120: {  	s28 =	simm.s32 $0xC2C0;
	v6 =	vshra.s32 v6, $0xA;
	vm0 =	vlt.u32 v4, $0x400  }
0x121: {  	v9 =	vld [tilespmem:s28+$0xFFFFFFC0];
	v6 =	vsub.s32 v6, v3;
	v4 =	vadd.s32 v1, v4  }
0x122: {  	vm2 =	vlt.u32 v6, $0x400;
	v8 =	vshra.s32 v8, $0xA  }
0x123: {  	v6 =	vadd.s32 v1, v6;
	v8 =	vsub.s32 v8, v3  }
0x124: {  	vm3 =	vlt.u32 v8, $0x400;
	[tilespmem:v5+s4+$0x0] =	vst.idx.add.s32.msk vm1, v2;
	v5 =	vshra.s32 v7, $0xA  }
0x125: {  	v7 =	vadd.s32 v1, v8;
	v8 =	vld [tilespmem:s22+$0x20];
	v5 =	vsub.s32 v5, v3  }
0x126: {  	[tilespmem:v4+s4+$0x0] =	vst.idx.add.s32.msk vm0, v2;
	v4 =	vshra.s32 v9, $0xA;
	vm0 =	vlt.u32 v5, $0x400  }
0x127: {  	v9 =	vld [tilespmem:s23+$0x10];
	v4 =	vsub.s32 v4, v3;
	v5 =	vadd.s32 v1, v5  }
0x128: {  	[tilespmem:v6+s4+$0x0] =	vst.idx.add.s32.msk vm2, v2;
	vm1 =	vlt.u32 v4, $0x400  }
0x129: {  	v6 =	vld [tilespmem:s24+$0x0];
	v10 =	vadd.s32 v1, v4  }
0x12a: {  	[tilespmem:v7+s4+$0x0] =	vst.idx.add.s32.msk vm3, v2;
	v4 =	vshra.s32 v8, $0xA  }
0x12b: {  	v11 =	vld [tilespmem:s25+$0xFFFFFFF0];
	v4 =	vsub.s32 v4, v3  }
0x12c: {  	[tilespmem:v5+s4+$0x0] =	vst.idx.add.s32.msk vm0, v2;
	v5 =	vshra.s32 v9, $0xA;
	vm0 =	vlt.u32 v4, $0x400  }
0x12d: {  	v4 =	vadd.s32 v1, v4;
	v7 =	vld [tilespmem:s26+$0xFFFFFFE0];
	v5 =	vsub.s32 v5, v3  }
0x12e: {  	v6 =	vshra.s32 v6, $0xA;
	[tilespmem:v10+s4+$0x0] =	vst.idx.add.s32.msk vm1, v2;
	vm1 =	vlt.u32 v5, $0x400  }
0x12f: {  	v6 =	vsub.s32 v6, v3;
	v8 =	vld [tilespmem:s28+$0xFFFFFFD0];
	v5 =	vadd.s32 v1, v5  }
0x130: {  	s29 =	simm.s32 $0x280;
	s30 =	simm.s32 $0xC340;
	vm2 =	vlt.u32 v6, $0x400;
	v9 =	vshra.s32 v11, $0xA  }
.LBB2_7:
0x131: {  	v10 =	vld [tilespmem:s30+$0xFFFFFFC0];
	s29 =	sadd.s32 $0x80, s29;
	v9 =	vsub.s32 v9, v3;
	v6 =	vadd.s32 v1, v6  }
0x132: {  	p0 =	slt.u32 s29, $0x3F80;
	v7 =	vshra.s32 v7, $0xA;
	vm3 =	vlt.u32 v9, $0x400;
	[tilespmem:v4+s4+$0x0] =	vst.idx.add.s32.msk vm0, v2  }
0x133: {  	v4 =	vsub.s32 v7, v3;
	v7 =	vadd.s32 v1, v9;
	v9 =	vld [tilespmem:s22+$0x30];
	s22 =	smov.u32 s23;
	s23 =	smov.u32 s24;
	s24 =	smov.u32 s25  }
0x134: {  	s25 =	smov.u32 s26;
	s26 =	smov.u32 s28;
	s28 =	smov.u32 s30;
	v8 =	vshra.s32 v8, $0xA;
	vm0 =	vlt.u32 v4, $0x400;
	[tilespmem:v5+s4+$0x0] =	vst.idx.add.s32.msk vm1, v2  }
0x135: {  	v4 =	vadd.s32 v1, v4;
	v5 =	vsub.s32 v8, v3;
	v8 =	vld [tilespmem:s22+$0x20]  }
0x136: {  	v10 =	vshra.s32 v10, $0xA;
	vm1 =	vlt.u32 v5, $0x400;
	[tilespmem:v6+s4+$0x0] =	vst.idx.add.s32.msk vm2, v2  }
0x137: {  	v5 =	vadd.s32 v1, v5;
	v6 =	vsub.s32 v10, v3;
	v10 =	vld [tilespmem:s23+$0x10]  }
0x138: {  	vm2 =	vlt.u32 v6, $0x400;
	[tilespmem:v7+s4+$0x0] =	vst.idx.add.s32.msk vm3, v2;
	v7 =	vshra.s32 v9, $0xA  }
0x139: {  	v6 =	vadd.s32 v1, v6;
	v9 =	vld [tilespmem:s24+$0x0];
	v7 =	vsub.s32 v7, v3  }
0x13a: {  	[tilespmem:v4+s4+$0x0] =	vst.idx.add.s32.msk vm0, v2;
	v4 =	vshra.s32 v8, $0xA;
	vm3 =	vlt.u32 v7, $0x400  }
0x13b: {  	v12 =	vadd.s32 v1, v7;
	v11 =	vld [tilespmem:s25+$0xFFFFFFF0];
	v4 =	vsub.s32 v4, v3  }
.Ltmp2:
0x13c: {  	[tilespmem:v5+s4+$0x0] =	vst.idx.add.s32.msk vm1, v2;
	v5 =	vshra.s32 v10, $0xA;
	vm0 =	vlt.u32 v4, $0x400;
	(pc) =	sbr.rel @p0 .LBB2_7-.Ltmp2, $4  }
0x13d: {  	v4 =	vadd.s32 v1, v4;
	v7 =	vld [tilespmem:s26+$0xFFFFFFE0];
	v5 =	vsub.s32 v5, v3  }
0x13e: {  	[tilespmem:v6+s4+$0x0] =	vst.idx.add.s32.msk vm2, v2;
	v6 =	vshra.s32 v9, $0xA;
	vm1 =	vlt.u32 v5, $0x400  }
0x13f: {  	v5 =	vadd.s32 v1, v5;
	v8 =	vld [tilespmem:s30+$0xFFFFFFD0];
	v6 =	vsub.s32 v6, v3  }
0x140: {  	s30 =	sadd.s32 $0x80, s30;
	v9 =	vshra.s32 v11, $0xA;
	vm2 =	vlt.u32 v6, $0x400;
	[tilespmem:v12+s4+$0x0] =	vst.idx.add.s32.msk vm3, v2  }
0x141: {  	_ =	sdelay $0x2  }
0x142: {  	v8 =	vshra.s32 v8, $0xA  }
0x143: {  	v8 =	vsub.s32 v8, v3  }
0x144: {  	vm3 =	vlt.u32 v8, $0x400  }
0x145: {  	v8 =	vadd.s32 v1, v8;
	_ =	sdelay $0x4  }
0x146: {  	[tilespmem:v8+s4+$0x0] =	vst.idx.add.s32.msk vm3, v2  }
0x147: {  	v8 =	vld [tilespmem:s28+$0xFFFFFFE0];
	_ =	sdelay $0x1  }
0x148: {  	v7 =	vshra.s32 v7, $0xA  }
0x149: {  	v7 =	vsub.s32 v7, v3  }
0x14a: {  	vm15 =	vlt.u32 v7, $0x400  }
0x14b: {  	v7 =	vadd.s32 v1, v7;
	v8 =	vshra.s32 v8, $0xA  }
0x14c: {  	v8 =	vsub.s32 v8, v3  }
0x14d: {  	vm4 =	vlt.u32 v8, $0x400  }
0x14e: {  	v8 =	vadd.s32 v1, v8;
	_ =	sdelay $0x1  }
0x14f: {  	[tilespmem:v7+s4+$0x0] =	vst.idx.add.s32.msk vm15, v2  }
0x150: {  	v7 =	vld [tilespmem:s26+$0xFFFFFFF0];
	_ =	sdelay $0x1  }
0x151: {  	[tilespmem:v8+s4+$0x0] =	vst.idx.add.s32.msk vm4, v2  }
0x152: {  	v8 =	vld [tilespmem:s28+$0xFFFFFFF0]  }
0x153: {  	v9 =	vsub.s32 v9, v3  }
0x154: {  	vm8 =	vlt.u32 v9, $0x400;
	v7 =	vshra.s32 v7, $0xA  }
0x155: {  	v9 =	vadd.s32 v1, v9;
	v7 =	vsub.s32 v7, v3  }
0x156: {  	vm9 =	vlt.u32 v7, $0x400  }
0x157: {  	v7 =	vadd.s32 v1, v7;
	v8 =	vshra.s32 v8, $0xA  }
0x158: {  	v8 =	vsub.s32 v8, v3  }
0x159: {  	vm5 =	vlt.u32 v8, $0x400  }
0x15a: {  	[tilespmem:v9+s4+$0x0] =	vst.idx.add.s32.msk vm8, v2;
	v8 =	vadd.s32 v1, v8  }
0x15b: {  	v9 =	vld [tilespmem:s25+$0x0]  }
0x15c: {  	[tilespmem:v7+s4+$0x0] =	vst.idx.add.s32.msk vm9, v2  }
0x15d: {  	v7 =	vld [tilespmem:s26+$0x0];
	_ =	sdelay $0x1  }
0x15e: {  	[tilespmem:v8+s4+$0x0] =	vst.idx.add.s32.msk vm5, v2  }
0x15f: {  	v9 =	vshra.s32 v9, $0xA;
	v8 =	vld [tilespmem:s28+$0x0]  }
0x160: {  	v6 =	vadd.s32 v1, v6;
	v9 =	vsub.s32 v9, v3  }
0x161: {  	vm10 =	vlt.u32 v9, $0x400;
	v7 =	vshra.s32 v7, $0xA  }
0x162: {  	v9 =	vadd.s32 v1, v9;
	v7 =	vsub.s32 v7, v3  }
0x163: {  	vm11 =	vlt.u32 v7, $0x400  }
0x164: {  	v7 =	vadd.s32 v1, v7;
	v8 =	vshra.s32 v8, $0xA  }
0x165: {  	[tilespmem:v6+s4+$0x0] =	vst.idx.add.s32.msk vm2, v2;
	v8 =	vsub.s32 v8, v3  }
0x166: {  	v6 =	vld [tilespmem:s24+$0x10];
	vm12 =	vlt.u32 v8, $0x400  }
0x167: {  	[tilespmem:v9+s4+$0x0] =	vst.idx.add.s32.msk vm10, v2;
	v8 =	vadd.s32 v1, v8  }
0x168: {  	v9 =	vld [tilespmem:s25+$0x10]  }
0x169: {  	[tilespmem:v7+s4+$0x0] =	vst.idx.add.s32.msk vm11, v2  }
0x16a: {  	v7 =	vld [tilespmem:s26+$0x10]  }
0x16b: {  	v6 =	vshra.s32 v6, $0xA  }
0x16c: {  	v6 =	vsub.s32 v6, v3;
	[tilespmem:v8+s4+$0x0] =	vst.idx.add.s32.msk vm12, v2  }
0x16d: {  	vm13 =	vlt.u32 v6, $0x400;
	v9 =	vshra.s32 v9, $0xA;
	v8 =	vld [tilespmem:s28+$0x10]  }
0x16e: {  	v6 =	vadd.s32 v1, v6;
	v9 =	vsub.s32 v9, v3  }
0x16f: {  	vm14 =	vlt.u32 v9, $0x400;
	v7 =	vshra.s32 v7, $0xA  }
0x170: {  	v9 =	vadd.s32 v1, v9;
	v7 =	vsub.s32 v7, v3  }
0x171: {  	[tilespmem:v5+s4+$0x0] =	vst.idx.add.s32.msk vm1, v2;
	vm15 =	vlt.u32 v7, $0x400  }
0x172: {  	v57 =	vld [tilespmem:s23+$0x20];
	v7 =	vadd.s32 v1, v7;
	v5 =	vshra.s32 v8, $0xA  }
0x173: {  	[tilespmem:v6+s4+$0x0] =	vst.idx.add.s32.msk vm13, v2;
	v5 =	vsub.s32 v5, v3  }
0x174: {  	v6 =	vld [tilespmem:s24+$0x20];
	vm4 =	vlt.u32 v5, $0x400  }
0x175: {  	[tilespmem:v9+s4+$0x0] =	vst.idx.add.s32.msk vm14, v2;
	v5 =	vadd.s32 v1, v5  }
0x176: {  	v9 =	vld [tilespmem:s25+$0x20]  }
0x177: {  	[tilespmem:v7+s4+$0x0] =	vst.idx.add.s32.msk vm15, v2  }
0x178: {  	v59 =	vld [tilespmem:s26+$0x20];
	v8 =	vshra.s32 v57, $0xA  }
0x179: {  	v6 =	vshra.s32 v6, $0xA;
	v58 =	vsub.s32 v8, v3  }
0x17a: {  	v6 =	vsub.s32 v6, v3;
	vm5 =	vlt.u32 v58, $0x400;
	[tilespmem:v5+s4+$0x0] =	vst.idx.add.s32.msk vm4, v2  }
0x17b: {  	vm6 =	vlt.u32 v6, $0x400;
	v9 =	vshra.s32 v9, $0xA;
	v5 =	vadd.s32 v1, v58;
	v60 =	vld [tilespmem:s28+$0x20]  }
0x17c: {  	v6 =	vadd.s32 v1, v6;
	v9 =	vsub.s32 v9, v3  }
0x17d: {  	[tilespmem:v4+s4+$0x0] =	vst.idx.add.s32.msk vm0, v2;
	vm7 =	vlt.u32 v9, $0x400;
	v4 =	vshra.s32 v59, $0xA  }
0x17e: {  	v9 =	vadd.s32 v1, v9;
	v4 =	vsub.s32 v4, v3  }
0x17f: {  	v61 =	vld [tilespmem:s22+$0x30];
	vm8 =	vlt.u32 v4, $0x400  }
0x180: {  	v4 =	vadd.s32 v1, v4;
	[tilespmem:v5+s4+$0x0] =	vst.idx.add.s32.msk vm5, v2;
	v5 =	vshra.s32 v60, $0xA  }
0x181: {  	[tilespmem:v6+s4+$0x0] =	vst.idx.add.s32.msk vm6, v2;
	v5 =	vsub.s32 v5, v3  }
0x182: {  	v6 =	vld [tilespmem:s24+$0x30];
	vm9 =	vlt.u32 v5, $0x400  }
0x183: {  	[tilespmem:v9+s4+$0x0] =	vst.idx.add.s32.msk vm7, v2;
	v5 =	vadd.s32 v1, v5  }
0x184: {  	v9 =	vld [tilespmem:s25+$0x30]  }
0x185: {  	[tilespmem:v4+s4+$0x0] =	vst.idx.add.s32.msk vm8, v2  }
0x186: {  	v4 =	vld [tilespmem:s26+$0x30]  }
0x187: {  	v62 =	vld [tilespmem:s23+$0x30]  }
0x188: {  	v6 =	vshra.s32 v6, $0xA;
	[tilespmem:v5+s4+$0x0] =	vst.idx.add.s32.msk vm9, v2  }
0x189: {  	v6 =	vsub.s32 v6, v3;
	v8 =	vshra.s32 v61, $0xA;
	v63 =	vld [tilespmem:s28+$0x30]  }
0x18a: {  	vm12 =	vlt.u32 v6, $0x400;
	v9 =	vshra.s32 v9, $0xA;
	v5 =	vsub.s32 v8, v3  }
0x18b: {  	v6 =	vadd.s32 v1, v6;
	v9 =	vsub.s32 v9, v3;
	vm10 =	vlt.u32 v5, $0x400  }
0x18c: {  	vm13 =	vlt.u32 v9, $0x400;
	v4 =	vshra.s32 v4, $0xA;
	v5 =	vadd.s32 v1, v5  }
0x18d: {  	v9 =	vadd.s32 v1, v9;
	v4 =	vsub.s32 v4, v3;
	v7 =	vshra.s32 v62, $0xA  }
0x18e: {  	vm14 =	vlt.u32 v4, $0x400;
	v7 =	vsub.s32 v7, v3;
	v8 =	vshra.s32 v63, $0xA  }
0x18f: {  	v4 =	vadd.s32 v1, v4;
	vm11 =	vlt.u32 v7, $0x400;
	v8 =	vsub.s32 v8, v3  }
0x190: {  	v7 =	vadd.s32 v1, v7;
	vm15 =	vlt.u32 v8, $0x400  }
0x191: {  	s20 =	sadd.s32 $0x1, s20;
	[tilespmem:v5+s4+$0x0] =	vst.idx.add.s32.msk vm10, v2;
	v5 =	vadd.s32 v1, v8  }
0x192: {  	p0 =	sne.s32 s20, $0x3F;
	[tilespmem:v6+s4+$0x0] =	vst.idx.add.s32.msk vm12, v2  }
.Ltmp3:
0x193: {  	[tilespmem:v9+s4+$0x0] =	vst.idx.add.s32.msk vm13, v2;
	(pc) =	sbr.rel @p0 .LBB2_4-.Ltmp3, $4  }
0x194: {  	s21 =	sadd.s32 s21, s8;
	[tilespmem:v4+s4+$0x0] =	vst.idx.add.s32.msk vm14, v2  }
0x195: {  	s21 =	sshrl.u32 s21, $0x3;
	[tilespmem:v7+s4+$0x0] =	vst.idx.add.s32.msk vm11, v2  }
0x196: {  	s21 =	sadd.s32 s1, s21;
	[tilespmem:v5+s4+$0x0] =	vst.idx.add.s32.msk vm15, v2  }
0x197: {  	[tilespmem:s14], [sflag:$0x2] =	stream.linear.gather [hbm4b:s21+s4], $0x4000, $0x38;
	[tilespmem:$0x10080] =	vst v63  }
0x198: {  	_ =	swait.ge [sflag:s15], $0x4000  }
0x199: {  	[sflag:s15] =	ssyncset.done $0x0  }
0x19a: {  	s20 =	simm.s32 $0x8040;
	[sflag:s15] =	ssyncadd.s32 $0xFFFFC000  }
0x19b: {  	v4 =	vld [tilespmem:s20+$0xFFFFFFC0];
	_ =	sdelay $0x4  }
0x19c: {  	v4 =	vshra.s32 v4, $0xA  }
0x19d: {  	v4 =	vsub.s32 v4, v3  }
0x19e: {  	vm0 =	vlt.u32 v4, $0x400  }
0x19f: {  	v4 =	vadd.s32 v1, v4;
	_ =	sdelay $0x4  }
0x1a0: {  	[tilespmem:v4+s4+$0x0] =	vst.idx.add.s32.msk vm0, v2  }
0x1a1: {  	v4 =	vld [tilespmem:s20+$0xFFFFFFD0]  }
0x1a2: {  	s21 =	simm.s32 $0x80C0  }
0x1a3: {  	v5 =	vld [tilespmem:s21+$0xFFFFFFC0];
	_ =	sdelay $0x2  }
0x1a4: {  	v4 =	vshra.s32 v4, $0xA  }
0x1a5: {  	v4 =	vsub.s32 v4, v3  }
0x1a6: {  	v5 =	vshra.s32 v5, $0xA;
	vm0 =	vlt.u32 v4, $0x400  }
0x1a7: {  	v5 =	vsub.s32 v5, v3;
	v4 =	vadd.s32 v1, v4  }
0x1a8: {  	vm1 =	vlt.u32 v5, $0x400  }
0x1a9: {  	v5 =	vadd.s32 v1, v5;
	_ =	sdelay $0x2  }
0x1aa: {  	[tilespmem:v4+s4+$0x0] =	vst.idx.add.s32.msk vm0, v2  }
0x1ab: {  	v4 =	vld [tilespmem:s20+$0xFFFFFFE0]  }
0x1ac: {  	[tilespmem:v5+s4+$0x0] =	vst.idx.add.s32.msk vm1, v2  }
0x1ad: {  	v5 =	vld [tilespmem:s21+$0xFFFFFFD0]  }
0x1ae: {  	s22 =	simm.s32 $0x8140  }
0x1af: {  	v6 =	vld [tilespmem:s22+$0xFFFFFFC0]  }
0x1b0: {  	v4 =	vshra.s32 v4, $0xA  }
0x1b1: {  	v4 =	vsub.s32 v4, v3  }
0x1b2: {  	v5 =	vshra.s32 v5, $0xA;
	vm0 =	vlt.u32 v4, $0x400  }
0x1b3: {  	v5 =	vsub.s32 v5, v3;
	v4 =	vadd.s32 v1, v4  }
0x1b4: {  	v6 =	vshra.s32 v6, $0xA;
	vm1 =	vlt.u32 v5, $0x400  }
0x1b5: {  	v6 =	vsub.s32 v6, v3;
	v5 =	vadd.s32 v1, v5  }
0x1b6: {  	vm2 =	vlt.u32 v6, $0x400  }
0x1b7: {  	v6 =	vadd.s32 v1, v6  }
0x1b8: {  	[tilespmem:v4+s4+$0x0] =	vst.idx.add.s32.msk vm0, v2  }
0x1b9: {  	v4 =	vld [tilespmem:s20+$0xFFFFFFF0]  }
0x1ba: {  	[tilespmem:v5+s4+$0x0] =	vst.idx.add.s32.msk vm1, v2  }
0x1bb: {  	v5 =	vld [tilespmem:s21+$0xFFFFFFE0]  }
0x1bc: {  	[tilespmem:v6+s4+$0x0] =	vst.idx.add.s32.msk vm2, v2  }
0x1bd: {  	v6 =	vld [tilespmem:s22+$0xFFFFFFD0]  }
0x1be: {  	s23 =	simm.s32 $0x81C0;
	v4 =	vshra.s32 v4, $0xA  }
0x1bf: {  	v7 =	vld [tilespmem:s23+$0xFFFFFFC0];
	v4 =	vsub.s32 v4, v3  }
0x1c0: {  	v5 =	vshra.s32 v5, $0xA;
	vm0 =	vlt.u32 v4, $0x400  }
0x1c1: {  	v5 =	vsub.s32 v5, v3;
	v4 =	vadd.s32 v1, v4  }
0x1c2: {  	v6 =	vshra.s32 v6, $0xA;
	vm1 =	vlt.u32 v5, $0x400  }
0x1c3: {  	v6 =	vsub.s32 v6, v3;
	v5 =	vadd.s32 v1, v5  }
0x1c4: {  	v7 =	vshra.s32 v7, $0xA;
	vm2 =	vlt.u32 v6, $0x400  }
0x1c5: {  	v7 =	vsub.s32 v7, v3;
	v6 =	vadd.s32 v1, v6  }
0x1c6: {  	vm3 =	vlt.u32 v7, $0x400;
	[tilespmem:v4+s4+$0x0] =	vst.idx.add.s32.msk vm0, v2  }
0x1c7: {  	v4 =	vadd.s32 v1, v7;
	v7 =	vld [tilespmem:s20+$0x0]  }
0x1c8: {  	[tilespmem:v5+s4+$0x0] =	vst.idx.add.s32.msk vm1, v2  }
0x1c9: {  	v5 =	vld [tilespmem:s21+$0xFFFFFFF0]  }
0x1ca: {  	[tilespmem:v6+s4+$0x0] =	vst.idx.add.s32.msk vm2, v2  }
0x1cb: {  	v6 =	vld [tilespmem:s22+$0xFFFFFFE0]  }
0x1cc: {  	[tilespmem:v4+s4+$0x0] =	vst.idx.add.s32.msk vm3, v2;
	v4 =	vshra.s32 v7, $0xA  }
0x1cd: {  	v7 =	vld [tilespmem:s23+$0xFFFFFFD0];
	v4 =	vsub.s32 v4, v3  }
0x1ce: {  	s24 =	simm.s32 $0x8240;
	v5 =	vshra.s32 v5, $0xA;
	vm0 =	vlt.u32 v4, $0x400  }
0x1cf: {  	v8 =	vld [tilespmem:s24+$0xFFFFFFC0];
	v5 =	vsub.s32 v5, v3;
	v4 =	vadd.s32 v1, v4  }
0x1d0: {  	v6 =	vshra.s32 v6, $0xA;
	vm1 =	vlt.u32 v5, $0x400  }
0x1d1: {  	v6 =	vsub.s32 v6, v3;
	v5 =	vadd.s32 v1, v5  }
0x1d2: {  	vm2 =	vlt.u32 v6, $0x400;
	v7 =	vshra.s32 v7, $0xA  }
0x1d3: {  	v6 =	vadd.s32 v1, v6;
	v7 =	vsub.s32 v7, v3  }
0x1d4: {  	vm3 =	vlt.u32 v7, $0x400;
	[tilespmem:v4+s4+$0x0] =	vst.idx.add.s32.msk vm0, v2;
	v4 =	vshra.s32 v8, $0xA  }
0x1d5: {  	v7 =	vadd.s32 v1, v7;
	v8 =	vld [tilespmem:s20+$0x10];
	v4 =	vsub.s32 v4, v3  }
0x1d6: {  	[tilespmem:v5+s4+$0x0] =	vst.idx.add.s32.msk vm1, v2;
	vm0 =	vlt.u32 v4, $0x400  }
0x1d7: {  	v5 =	vld [tilespmem:s21+$0x0];
	v4 =	vadd.s32 v1, v4  }
0x1d8: {  	[tilespmem:v6+s4+$0x0] =	vst.idx.add.s32.msk vm2, v2  }
0x1d9: {  	v6 =	vld [tilespmem:s22+$0xFFFFFFF0]  }
0x1da: {  	[tilespmem:v7+s4+$0x0] =	vst.idx.add.s32.msk vm3, v2;
	v7 =	vshra.s32 v8, $0xA  }
0x1db: {  	v8 =	vld [tilespmem:s23+$0xFFFFFFE0];
	v7 =	vsub.s32 v7, v3  }
0x1dc: {  	v5 =	vshra.s32 v5, $0xA;
	vm1 =	vlt.u32 v7, $0x400;
	[tilespmem:v4+s4+$0x0] =	vst.idx.add.s32.msk vm0, v2  }
0x1dd: {  	v4 =	vsub.s32 v5, v3;
	v5 =	vadd.s32 v1, v7;
	v7 =	vld [tilespmem:s24+$0xFFFFFFD0]  }
0x1de: {  	s25 =	simm.s32 $0x82C0;
	v6 =	vshra.s32 v6, $0xA;
	vm0 =	vlt.u32 v4, $0x400  }
0x1df: {  	v9 =	vld [tilespmem:s25+$0xFFFFFFC0];
	v6 =	vsub.s32 v6, v3;
	v4 =	vadd.s32 v1, v4  }
0x1e0: {  	vm2 =	vlt.u32 v6, $0x400;
	v8 =	vshra.s32 v8, $0xA  }
0x1e1: {  	v6 =	vadd.s32 v1, v6;
	v8 =	vsub.s32 v8, v3  }
0x1e2: {  	vm3 =	vlt.u32 v8, $0x400;
	[tilespmem:v5+s4+$0x0] =	vst.idx.add.s32.msk vm1, v2;
	v5 =	vshra.s32 v7, $0xA  }
0x1e3: {  	v7 =	vadd.s32 v1, v8;
	v8 =	vld [tilespmem:s20+$0x20];
	v5 =	vsub.s32 v5, v3  }
0x1e4: {  	[tilespmem:v4+s4+$0x0] =	vst.idx.add.s32.msk vm0, v2;
	v4 =	vshra.s32 v9, $0xA;
	vm0 =	vlt.u32 v5, $0x400  }
0x1e5: {  	v9 =	vld [tilespmem:s21+$0x10];
	v4 =	vsub.s32 v4, v3;
	v5 =	vadd.s32 v1, v5  }
0x1e6: {  	[tilespmem:v6+s4+$0x0] =	vst.idx.add.s32.msk vm2, v2;
	vm1 =	vlt.u32 v4, $0x400  }
0x1e7: {  	v6 =	vld [tilespmem:s22+$0x0];
	v10 =	vadd.s32 v1, v4  }
0x1e8: {  	[tilespmem:v7+s4+$0x0] =	vst.idx.add.s32.msk vm3, v2;
	v4 =	vshra.s32 v8, $0xA  }
0x1e9: {  	v11 =	vld [tilespmem:s23+$0xFFFFFFF0];
	v4 =	vsub.s32 v4, v3  }
0x1ea: {  	[tilespmem:v5+s4+$0x0] =	vst.idx.add.s32.msk vm0, v2;
	v5 =	vshra.s32 v9, $0xA;
	vm0 =	vlt.u32 v4, $0x400  }
0x1eb: {  	v4 =	vadd.s32 v1, v4;
	v7 =	vld [tilespmem:s24+$0xFFFFFFE0];
	v5 =	vsub.s32 v5, v3  }
0x1ec: {  	v6 =	vshra.s32 v6, $0xA;
	[tilespmem:v10+s4+$0x0] =	vst.idx.add.s32.msk vm1, v2;
	vm1 =	vlt.u32 v5, $0x400  }
0x1ed: {  	v6 =	vsub.s32 v6, v3;
	v8 =	vld [tilespmem:s25+$0xFFFFFFD0];
	v5 =	vadd.s32 v1, v5  }
0x1ee: {  	s26 =	simm.s32 $0x280;
	s28 =	simm.s32 $0x8340;
	vm2 =	vlt.u32 v6, $0x400;
	v9 =	vshra.s32 v11, $0xA  }
.LBB2_10:
0x1ef: {  	v10 =	vld [tilespmem:s28+$0xFFFFFFC0];
	s26 =	sadd.s32 $0x80, s26;
	v9 =	vsub.s32 v9, v3;
	v6 =	vadd.s32 v1, v6  }
0x1f0: {  	p0 =	slt.u32 s26, $0x3F80;
	v7 =	vshra.s32 v7, $0xA;
	vm3 =	vlt.u32 v9, $0x400;
	[tilespmem:v4+s4+$0x0] =	vst.idx.add.s32.msk vm0, v2  }
0x1f1: {  	v4 =	vsub.s32 v7, v3;
	v7 =	vadd.s32 v1, v9;
	v9 =	vld [tilespmem:s20+$0x30];
	s20 =	smov.u32 s21;
	s21 =	smov.u32 s22;
	s22 =	smov.u32 s23  }
0x1f2: {  	s23 =	smov.u32 s24;
	s24 =	smov.u32 s25;
	s25 =	smov.u32 s28;
	v8 =	vshra.s32 v8, $0xA;
	vm0 =	vlt.u32 v4, $0x400;
	[tilespmem:v5+s4+$0x0] =	vst.idx.add.s32.msk vm1, v2  }
0x1f3: {  	v4 =	vadd.s32 v1, v4;
	v5 =	vsub.s32 v8, v3;
	v8 =	vld [tilespmem:s20+$0x20]  }
0x1f4: {  	v10 =	vshra.s32 v10, $0xA;
	vm1 =	vlt.u32 v5, $0x400;
	[tilespmem:v6+s4+$0x0] =	vst.idx.add.s32.msk vm2, v2  }
0x1f5: {  	v5 =	vadd.s32 v1, v5;
	v6 =	vsub.s32 v10, v3;
	v10 =	vld [tilespmem:s21+$0x10]  }
0x1f6: {  	vm2 =	vlt.u32 v6, $0x400;
	[tilespmem:v7+s4+$0x0] =	vst.idx.add.s32.msk vm3, v2;
	v7 =	vshra.s32 v9, $0xA  }
0x1f7: {  	v6 =	vadd.s32 v1, v6;
	v9 =	vld [tilespmem:s22+$0x0];
	v7 =	vsub.s32 v7, v3  }
0x1f8: {  	[tilespmem:v4+s4+$0x0] =	vst.idx.add.s32.msk vm0, v2;
	v4 =	vshra.s32 v8, $0xA;
	vm3 =	vlt.u32 v7, $0x400  }
0x1f9: {  	v12 =	vadd.s32 v1, v7;
	v11 =	vld [tilespmem:s23+$0xFFFFFFF0];
	v4 =	vsub.s32 v4, v3  }
.Ltmp4:
0x1fa: {  	[tilespmem:v5+s4+$0x0] =	vst.idx.add.s32.msk vm1, v2;
	v5 =	vshra.s32 v10, $0xA;
	vm0 =	vlt.u32 v4, $0x400;
	(pc) =	sbr.rel @p0 .LBB2_10-.Ltmp4, $4  }
0x1fb: {  	v4 =	vadd.s32 v1, v4;
	v7 =	vld [tilespmem:s24+$0xFFFFFFE0];
	v5 =	vsub.s32 v5, v3  }
0x1fc: {  	[tilespmem:v6+s4+$0x0] =	vst.idx.add.s32.msk vm2, v2;
	v6 =	vshra.s32 v9, $0xA;
	vm1 =	vlt.u32 v5, $0x400  }
0x1fd: {  	v5 =	vadd.s32 v1, v5;
	v8 =	vld [tilespmem:s28+$0xFFFFFFD0];
	v6 =	vsub.s32 v6, v3  }
0x1fe: {  	s28 =	sadd.s32 $0x80, s28;
	v9 =	vshra.s32 v11, $0xA;
	vm2 =	vlt.u32 v6, $0x400;
	[tilespmem:v12+s4+$0x0] =	vst.idx.add.s32.msk vm3, v2  }
0x1ff: {  	_ =	sdelay $0x2  }
0x200: {  	v8 =	vshra.s32 v8, $0xA  }
0x201: {  	v8 =	vsub.s32 v8, v3  }
0x202: {  	vm3 =	vlt.u32 v8, $0x400  }
0x203: {  	v8 =	vadd.s32 v1, v8;
	_ =	sdelay $0x4  }
0x204: {  	[tilespmem:v8+s4+$0x0] =	vst.idx.add.s32.msk vm3, v2  }
0x205: {  	v8 =	vld [tilespmem:s25+$0xFFFFFFE0];
	_ =	sdelay $0x2  }
0x206: {  	v7 =	vshra.s32 v7, $0xA  }
0x207: {  	v7 =	vsub.s32 v7, v3  }
0x208: {  	vm3 =	vlt.u32 v7, $0x400;
	v8 =	vshra.s32 v8, $0xA  }
0x209: {  	v7 =	vadd.s32 v1, v7;
	v8 =	vsub.s32 v8, v3  }
0x20a: {  	vm4 =	vlt.u32 v8, $0x400  }
0x20b: {  	v8 =	vadd.s32 v1, v8;
	_ =	sdelay $0x2  }
0x20c: {  	v9 =	vsub.s32 v9, v3;
	[tilespmem:v7+s4+$0x0] =	vst.idx.add.s32.msk vm3, v2  }
0x20d: {  	vm3 =	vlt.u32 v9, $0x400;
	v7 =	vld [tilespmem:s24+$0xFFFFFFF0]  }
0x20e: {  	v9 =	vadd.s32 v1, v9;
	[tilespmem:v8+s4+$0x0] =	vst.idx.add.s32.msk vm4, v2  }
0x20f: {  	v8 =	vld [tilespmem:s25+$0xFFFFFFF0];
	_ =	sdelay $0x2  }
0x210: {  	v7 =	vshra.s32 v7, $0xA  }
0x211: {  	[tilespmem:v9+s4+$0x0] =	vst.idx.add.s32.msk vm3, v2;
	v7 =	vsub.s32 v7, v3  }
0x212: {  	v9 =	vld [tilespmem:s23+$0x0];
	vm12 =	vlt.u32 v7, $0x400;
	v8 =	vshra.s32 v8, $0xA  }
0x213: {  	v7 =	vadd.s32 v1, v7;
	v8 =	vsub.s32 v8, v3  }
0x214: {  	vm5 =	vlt.u32 v8, $0x400  }
0x215: {  	v8 =	vadd.s32 v1, v8;
	_ =	sdelay $0x1  }
0x216: {  	v9 =	vshra.s32 v9, $0xA  }
0x217: {  	v9 =	vsub.s32 v9, v3;
	[tilespmem:v7+s4+$0x0] =	vst.idx.add.s32.msk vm12, v2  }
0x218: {  	vm3 =	vlt.u32 v9, $0x400;
	v7 =	vld [tilespmem:s24+$0x0]  }
0x219: {  	v9 =	vadd.s32 v1, v9;
	[tilespmem:v8+s4+$0x0] =	vst.idx.add.s32.msk vm5, v2  }
0x21a: {  	v8 =	vld [tilespmem:s25+$0x0];
	_ =	sdelay $0x1  }
0x21b: {  	v6 =	vadd.s32 v1, v6  }
0x21c: {  	v7 =	vshra.s32 v7, $0xA  }
0x21d: {  	[tilespmem:v9+s4+$0x0] =	vst.idx.add.s32.msk vm3, v2;
	v7 =	vsub.s32 v7, v3  }
0x21e: {  	v9 =	vld [tilespmem:s23+$0x10];
	vm13 =	vlt.u32 v7, $0x400;
	v8 =	vshra.s32 v8, $0xA  }
0x21f: {  	v7 =	vadd.s32 v1, v7;
	v8 =	vsub.s32 v8, v3  }
0x220: {  	[tilespmem:v6+s4+$0x0] =	vst.idx.add.s32.msk vm2, v2;
	vm2 =	vlt.u32 v8, $0x400  }
0x221: {  	v6 =	vld [tilespmem:s22+$0x10];
	v8 =	vadd.s32 v1, v8;
	_ =	sdelay $0x1  }
0x222: {  	v9 =	vshra.s32 v9, $0xA  }
0x223: {  	v9 =	vsub.s32 v9, v3;
	[tilespmem:v7+s4+$0x0] =	vst.idx.add.s32.msk vm13, v2  }
0x224: {  	vm3 =	vlt.u32 v9, $0x400;
	v7 =	vld [tilespmem:s24+$0x10]  }
0x225: {  	v6 =	vshra.s32 v6, $0xA;
	v9 =	vadd.s32 v1, v9;
	[tilespmem:v8+s4+$0x0] =	vst.idx.add.s32.msk vm2, v2  }
0x226: {  	v6 =	vsub.s32 v6, v3;
	v8 =	vld [tilespmem:s25+$0x10]  }
0x227: {  	vm2 =	vlt.u32 v6, $0x400  }
0x228: {  	v6 =	vadd.s32 v1, v6  }
0x229: {  	[tilespmem:v5+s4+$0x0] =	vst.idx.add.s32.msk vm1, v2;
	v7 =	vshra.s32 v7, $0xA  }
0x22a: {  	[tilespmem:v9+s4+$0x0] =	vst.idx.add.s32.msk vm3, v2;
	v7 =	vsub.s32 v7, v3  }
0x22b: {  	v9 =	vld [tilespmem:s23+$0x20];
	vm1 =	vlt.u32 v7, $0x400;
	v5 =	vshra.s32 v8, $0xA  }
0x22c: {  	v7 =	vadd.s32 v1, v7;
	v8 =	vld [tilespmem:s21+$0x20];
	v5 =	vsub.s32 v5, v3  }
0x22d: {  	[tilespmem:v6+s4+$0x0] =	vst.idx.add.s32.msk vm2, v2;
	vm2 =	vlt.u32 v5, $0x400  }
0x22e: {  	v6 =	vld [tilespmem:s22+$0x20];
	v5 =	vadd.s32 v1, v5;
	_ =	sdelay $0x1  }
0x22f: {  	[tilespmem:v4+s4+$0x0] =	vst.idx.add.s32.msk vm0, v2;
	v9 =	vshra.s32 v9, $0xA  }
0x230: {  	v9 =	vsub.s32 v9, v3;
	[tilespmem:v7+s4+$0x0] =	vst.idx.add.s32.msk vm1, v2;
	v8 =	vshra.s32 v8, $0xA  }
0x231: {  	vm0 =	vlt.u32 v9, $0x400;
	v7 =	vsub.s32 v8, v3;
	v8 =	vld [tilespmem:s24+$0x20]  }
0x232: {  	v9 =	vadd.s32 v1, v9;
	v6 =	vshra.s32 v6, $0xA;
	vm1 =	vlt.u32 v7, $0x400;
	[tilespmem:v5+s4+$0x0] =	vst.idx.add.s32.msk vm2, v2  }
0x233: {  	v6 =	vsub.s32 v6, v3;
	v5 =	vadd.s32 v1, v7;
	v7 =	vld [tilespmem:s25+$0x20]  }
0x234: {  	vm2 =	vlt.u32 v6, $0x400  }
0x235: {  	v6 =	vadd.s32 v1, v6  }
0x236: {  	v4 =	vshra.s32 v8, $0xA  }
0x237: {  	[tilespmem:v9+s4+$0x0] =	vst.idx.add.s32.msk vm0, v2;
	v4 =	vsub.s32 v4, v3  }
0x238: {  	[tilespmem:v5+s4+$0x0] =	vst.idx.add.s32.msk vm1, v2;
	vm1 =	vlt.u32 v4, $0x400;
	v5 =	vshra.s32 v7, $0xA  }
0x239: {  	v9 =	vld [tilespmem:s23+$0x30];
	v4 =	vadd.s32 v1, v4;
	v5 =	vsub.s32 v5, v3  }
0x23a: {  	[tilespmem:v6+s4+$0x0] =	vst.idx.add.s32.msk vm2, v2;
	vm2 =	vlt.u32 v5, $0x400  }
0x23b: {  	v8 =	vld [tilespmem:s20+$0x30];
	v5 =	vadd.s32 v1, v5  }
0x23c: {  	v7 =	vld [tilespmem:s21+$0x30]  }
0x23d: {  	v6 =	vld [tilespmem:s22+$0x30]  }
0x23e: {  	[tilespmem:v4+s4+$0x0] =	vst.idx.add.s32.msk vm1, v2  }
0x23f: {  	v4 =	vld [tilespmem:s24+$0x30]  }
0x240: {  	v9 =	vshra.s32 v9, $0xA;
	v8 =	vshra.s32 v8, $0xA;
	[tilespmem:v5+s4+$0x0] =	vst.idx.add.s32.msk vm2, v2  }
0x241: {  	v9 =	vsub.s32 v9, v3;
	v5 =	vsub.s32 v8, v3;
	v8 =	vld [tilespmem:s25+$0x30]  }
0x242: {  	vm3 =	vlt.u32 v9, $0x400;
	v7 =	vshra.s32 v7, $0xA  }
0x243: {  	v9 =	vadd.s32 v1, v9;
	v7 =	vsub.s32 v7, v3;
	vm0 =	vlt.u32 v5, $0x400  }
0x244: {  	v6 =	vshra.s32 v6, $0xA;
	vm1 =	vlt.u32 v7, $0x400;
	v5 =	vadd.s32 v1, v5  }
0x245: {  	v6 =	vsub.s32 v6, v3;
	v7 =	vadd.s32 v1, v7;
	v4 =	vshra.s32 v4, $0xA  }
0x246: {  	vm2 =	vlt.u32 v6, $0x400;
	v4 =	vsub.s32 v4, v3;
	v8 =	vshra.s32 v8, $0xA  }
0x247: {  	v6 =	vadd.s32 v1, v6;
	vm14 =	vlt.u32 v4, $0x400;
	v8 =	vsub.s32 v8, v3  }
0x248: {  	v4 =	vadd.s32 v1, v4;
	vm15 =	vlt.u32 v8, $0x400  }
0x249: {  	[tilespmem:v5+s4+$0x0] =	vst.idx.add.s32.msk vm0, v2;
	v5 =	vadd.s32 v1, v8  }
0x24a: {  	[tilespmem:v9+s4+$0x0] =	vst.idx.add.s32.msk vm3, v2  }
0x24b: {  	[tilespmem:v7+s4+$0x0] =	vst.idx.add.s32.msk vm1, v2  }
0x24c: {  	[tilespmem:v6+s4+$0x0] =	vst.idx.add.s32.msk vm2, v2  }
0x24d: {  	[tilespmem:v4+s4+$0x0] =	vst.idx.add.s32.msk vm14, v2  }
0x24e: {  	[tilespmem:v5+s4+$0x0] =	vst.idx.add.s32.msk vm15, v2  }
0x24f: {  	_ =	swait.ge [sflag:s16], $0x4000  }
0x250: {  	[sflag:s16] =	ssyncset.done $0x0  }
0x251: {  	s20 =	simm.s32 $0xC040;
	[sflag:s16] =	ssyncadd.s32 $0xFFFFC000  }
0x252: {  	v4 =	vld [tilespmem:s20+$0xFFFFFFC0];
	_ =	sdelay $0x4  }
0x253: {  	v4 =	vshra.s32 v4, $0xA  }
0x254: {  	v4 =	vsub.s32 v4, v3  }
0x255: {  	vm0 =	vlt.u32 v4, $0x400  }
0x256: {  	v4 =	vadd.s32 v1, v4;
	_ =	sdelay $0x4  }
0x257: {  	[tilespmem:v4+s4+$0x0] =	vst.idx.add.s32.msk vm0, v2  }
0x258: {  	v4 =	vld [tilespmem:s20+$0xFFFFFFD0]  }
0x259: {  	s21 =	simm.s32 $0xC0C0  }
0x25a: {  	v5 =	vld [tilespmem:s21+$0xFFFFFFC0];
	_ =	sdelay $0x2  }
0x25b: {  	v4 =	vshra.s32 v4, $0xA  }
0x25c: {  	v4 =	vsub.s32 v4, v3  }
0x25d: {  	v5 =	vshra.s32 v5, $0xA;
	vm0 =	vlt.u32 v4, $0x400  }
0x25e: {  	v5 =	vsub.s32 v5, v3;
	v4 =	vadd.s32 v1, v4  }
0x25f: {  	vm1 =	vlt.u32 v5, $0x400  }
0x260: {  	v5 =	vadd.s32 v1, v5;
	_ =	sdelay $0x2  }
0x261: {  	[tilespmem:v4+s4+$0x0] =	vst.idx.add.s32.msk vm0, v2  }
0x262: {  	v4 =	vld [tilespmem:s20+$0xFFFFFFE0]  }
0x263: {  	[tilespmem:v5+s4+$0x0] =	vst.idx.add.s32.msk vm1, v2  }
0x264: {  	v5 =	vld [tilespmem:s21+$0xFFFFFFD0]  }
0x265: {  	s22 =	simm.s32 $0xC140  }
0x266: {  	v6 =	vld [tilespmem:s22+$0xFFFFFFC0]  }
0x267: {  	v4 =	vshra.s32 v4, $0xA  }
0x268: {  	v4 =	vsub.s32 v4, v3  }
0x269: {  	v5 =	vshra.s32 v5, $0xA;
	vm0 =	vlt.u32 v4, $0x400  }
0x26a: {  	v5 =	vsub.s32 v5, v3;
	v4 =	vadd.s32 v1, v4  }
0x26b: {  	v6 =	vshra.s32 v6, $0xA;
	vm1 =	vlt.u32 v5, $0x400  }
0x26c: {  	v6 =	vsub.s32 v6, v3;
	v5 =	vadd.s32 v1, v5  }
0x26d: {  	vm2 =	vlt.u32 v6, $0x400  }
0x26e: {  	v6 =	vadd.s32 v1, v6  }
0x26f: {  	[tilespmem:v4+s4+$0x0] =	vst.idx.add.s32.msk vm0, v2  }
0x270: {  	v4 =	vld [tilespmem:s20+$0xFFFFFFF0]  }
0x271: {  	[tilespmem:v5+s4+$0x0] =	vst.idx.add.s32.msk vm1, v2  }
0x272: {  	v5 =	vld [tilespmem:s21+$0xFFFFFFE0]  }
0x273: {  	[tilespmem:v6+s4+$0x0] =	vst.idx.add.s32.msk vm2, v2  }
0x274: {  	v6 =	vld [tilespmem:s22+$0xFFFFFFD0]  }
0x275: {  	s23 =	simm.s32 $0xC1C0;
	v4 =	vshra.s32 v4, $0xA  }
0x276: {  	v7 =	vld [tilespmem:s23+$0xFFFFFFC0];
	v4 =	vsub.s32 v4, v3  }
0x277: {  	v5 =	vshra.s32 v5, $0xA;
	vm0 =	vlt.u32 v4, $0x400  }
0x278: {  	v5 =	vsub.s32 v5, v3;
	v4 =	vadd.s32 v1, v4  }
0x279: {  	v6 =	vshra.s32 v6, $0xA;
	vm1 =	vlt.u32 v5, $0x400  }
0x27a: {  	v6 =	vsub.s32 v6, v3;
	v5 =	vadd.s32 v1, v5  }
0x27b: {  	v7 =	vshra.s32 v7, $0xA;
	vm2 =	vlt.u32 v6, $0x400  }
0x27c: {  	v7 =	vsub.s32 v7, v3;
	v6 =	vadd.s32 v1, v6  }
0x27d: {  	vm3 =	vlt.u32 v7, $0x400;
	[tilespmem:v4+s4+$0x0] =	vst.idx.add.s32.msk vm0, v2  }
0x27e: {  	v4 =	vadd.s32 v1, v7;
	v7 =	vld [tilespmem:s20+$0x0]  }
0x27f: {  	[tilespmem:v5+s4+$0x0] =	vst.idx.add.s32.msk vm1, v2  }
0x280: {  	v5 =	vld [tilespmem:s21+$0xFFFFFFF0]  }
0x281: {  	[tilespmem:v6+s4+$0x0] =	vst.idx.add.s32.msk vm2, v2  }
0x282: {  	v6 =	vld [tilespmem:s22+$0xFFFFFFE0]  }
0x283: {  	[tilespmem:v4+s4+$0x0] =	vst.idx.add.s32.msk vm3, v2;
	v4 =	vshra.s32 v7, $0xA  }
0x284: {  	v7 =	vld [tilespmem:s23+$0xFFFFFFD0];
	v4 =	vsub.s32 v4, v3  }
0x285: {  	s24 =	simm.s32 $0xC240;
	v5 =	vshra.s32 v5, $0xA;
	vm0 =	vlt.u32 v4, $0x400  }
0x286: {  	v8 =	vld [tilespmem:s24+$0xFFFFFFC0];
	v5 =	vsub.s32 v5, v3;
	v4 =	vadd.s32 v1, v4  }
0x287: {  	v6 =	vshra.s32 v6, $0xA;
	vm1 =	vlt.u32 v5, $0x400  }
0x288: {  	v6 =	vsub.s32 v6, v3;
	v5 =	vadd.s32 v1, v5  }
0x289: {  	vm2 =	vlt.u32 v6, $0x400;
	v7 =	vshra.s32 v7, $0xA  }
0x28a: {  	v6 =	vadd.s32 v1, v6;
	v7 =	vsub.s32 v7, v3  }
0x28b: {  	vm3 =	vlt.u32 v7, $0x400;
	[tilespmem:v4+s4+$0x0] =	vst.idx.add.s32.msk vm0, v2;
	v4 =	vshra.s32 v8, $0xA  }
0x28c: {  	v7 =	vadd.s32 v1, v7;
	v8 =	vld [tilespmem:s20+$0x10];
	v4 =	vsub.s32 v4, v3  }
0x28d: {  	[tilespmem:v5+s4+$0x0] =	vst.idx.add.s32.msk vm1, v2;
	vm0 =	vlt.u32 v4, $0x400  }
0x28e: {  	v5 =	vld [tilespmem:s21+$0x0];
	v4 =	vadd.s32 v1, v4  }
0x28f: {  	[tilespmem:v6+s4+$0x0] =	vst.idx.add.s32.msk vm2, v2  }
0x290: {  	v6 =	vld [tilespmem:s22+$0xFFFFFFF0]  }
0x291: {  	[tilespmem:v7+s4+$0x0] =	vst.idx.add.s32.msk vm3, v2;
	v7 =	vshra.s32 v8, $0xA  }
0x292: {  	v8 =	vld [tilespmem:s23+$0xFFFFFFE0];
	v7 =	vsub.s32 v7, v3  }
0x293: {  	v5 =	vshra.s32 v5, $0xA;
	vm1 =	vlt.u32 v7, $0x400;
	[tilespmem:v4+s4+$0x0] =	vst.idx.add.s32.msk vm0, v2  }
0x294: {  	v4 =	vsub.s32 v5, v3;
	v5 =	vadd.s32 v1, v7;
	v7 =	vld [tilespmem:s24+$0xFFFFFFD0]  }
0x295: {  	s25 =	simm.s32 $0xC2C0;
	v6 =	vshra.s32 v6, $0xA;
	vm0 =	vlt.u32 v4, $0x400  }
0x296: {  	v9 =	vld [tilespmem:s25+$0xFFFFFFC0];
	v6 =	vsub.s32 v6, v3;
	v4 =	vadd.s32 v1, v4  }
0x297: {  	vm2 =	vlt.u32 v6, $0x400;
	v8 =	vshra.s32 v8, $0xA  }
0x298: {  	v6 =	vadd.s32 v1, v6;
	v8 =	vsub.s32 v8, v3  }
0x299: {  	vm3 =	vlt.u32 v8, $0x400;
	[tilespmem:v5+s4+$0x0] =	vst.idx.add.s32.msk vm1, v2;
	v5 =	vshra.s32 v7, $0xA  }
0x29a: {  	v7 =	vadd.s32 v1, v8;
	v8 =	vld [tilespmem:s20+$0x20];
	v5 =	vsub.s32 v5, v3  }
0x29b: {  	[tilespmem:v4+s4+$0x0] =	vst.idx.add.s32.msk vm0, v2;
	v4 =	vshra.s32 v9, $0xA;
	vm0 =	vlt.u32 v5, $0x400  }
0x29c: {  	v9 =	vld [tilespmem:s21+$0x10];
	v4 =	vsub.s32 v4, v3;
	v5 =	vadd.s32 v1, v5  }
0x29d: {  	[tilespmem:v6+s4+$0x0] =	vst.idx.add.s32.msk vm2, v2;
	vm1 =	vlt.u32 v4, $0x400  }
0x29e: {  	v6 =	vld [tilespmem:s22+$0x0];
	v10 =	vadd.s32 v1, v4  }
0x29f: {  	[tilespmem:v7+s4+$0x0] =	vst.idx.add.s32.msk vm3, v2;
	v4 =	vshra.s32 v8, $0xA  }
0x2a0: {  	v11 =	vld [tilespmem:s23+$0xFFFFFFF0];
	v4 =	vsub.s32 v4, v3  }
0x2a1: {  	[tilespmem:v5+s4+$0x0] =	vst.idx.add.s32.msk vm0, v2;
	v5 =	vshra.s32 v9, $0xA;
	vm0 =	vlt.u32 v4, $0x400  }
0x2a2: {  	v4 =	vadd.s32 v1, v4;
	v7 =	vld [tilespmem:s24+$0xFFFFFFE0];
	v5 =	vsub.s32 v5, v3  }
0x2a3: {  	v6 =	vshra.s32 v6, $0xA;
	[tilespmem:v10+s4+$0x0] =	vst.idx.add.s32.msk vm1, v2;
	vm1 =	vlt.u32 v5, $0x400  }
0x2a4: {  	v6 =	vsub.s32 v6, v3;
	v8 =	vld [tilespmem:s25+$0xFFFFFFD0];
	v5 =	vadd.s32 v1, v5  }
0x2a5: {  	s26 =	simm.s32 $0x280;
	s28 =	simm.s32 $0xC340;
	vm2 =	vlt.u32 v6, $0x400;
	v9 =	vshra.s32 v11, $0xA  }
.LBB2_12:
0x2a6: {  	v10 =	vld [tilespmem:s28+$0xFFFFFFC0];
	s26 =	sadd.s32 $0x80, s26;
	v9 =	vsub.s32 v9, v3;
	v6 =	vadd.s32 v1, v6  }
0x2a7: {  	p0 =	slt.u32 s26, $0x3F80;
	v7 =	vshra.s32 v7, $0xA;
	vm3 =	vlt.u32 v9, $0x400;
	[tilespmem:v4+s4+$0x0] =	vst.idx.add.s32.msk vm0, v2  }
0x2a8: {  	v4 =	vsub.s32 v7, v3;
	v7 =	vadd.s32 v1, v9;
	v9 =	vld [tilespmem:s20+$0x30];
	s20 =	smov.u32 s21;
	s21 =	smov.u32 s22;
	s22 =	smov.u32 s23  }
0x2a9: {  	s23 =	smov.u32 s24;
	s24 =	smov.u32 s25;
	s25 =	smov.u32 s28;
	v8 =	vshra.s32 v8, $0xA;
	vm0 =	vlt.u32 v4, $0x400;
	[tilespmem:v5+s4+$0x0] =	vst.idx.add.s32.msk vm1, v2  }
0x2aa: {  	v4 =	vadd.s32 v1, v4;
	v5 =	vsub.s32 v8, v3;
	v8 =	vld [tilespmem:s20+$0x20]  }
0x2ab: {  	v10 =	vshra.s32 v10, $0xA;
	vm1 =	vlt.u32 v5, $0x400;
	[tilespmem:v6+s4+$0x0] =	vst.idx.add.s32.msk vm2, v2  }
0x2ac: {  	v5 =	vadd.s32 v1, v5;
	v6 =	vsub.s32 v10, v3;
	v10 =	vld [tilespmem:s21+$0x10]  }
0x2ad: {  	vm2 =	vlt.u32 v6, $0x400;
	[tilespmem:v7+s4+$0x0] =	vst.idx.add.s32.msk vm3, v2;
	v7 =	vshra.s32 v9, $0xA  }
0x2ae: {  	v6 =	vadd.s32 v1, v6;
	v9 =	vld [tilespmem:s22+$0x0];
	v7 =	vsub.s32 v7, v3  }
0x2af: {  	[tilespmem:v4+s4+$0x0] =	vst.idx.add.s32.msk vm0, v2;
	v4 =	vshra.s32 v8, $0xA;
	vm3 =	vlt.u32 v7, $0x400  }
0x2b0: {  	v12 =	vadd.s32 v1, v7;
	v11 =	vld [tilespmem:s23+$0xFFFFFFF0];
	v4 =	vsub.s32 v4, v3  }
.Ltmp5:
0x2b1: {  	[tilespmem:v5+s4+$0x0] =	vst.idx.add.s32.msk vm1, v2;
	v5 =	vshra.s32 v10, $0xA;
	vm0 =	vlt.u32 v4, $0x400;
	(pc) =	sbr.rel @p0 .LBB2_12-.Ltmp5, $4  }
0x2b2: {  	v4 =	vadd.s32 v1, v4;
	v7 =	vld [tilespmem:s24+$0xFFFFFFE0];
	v5 =	vsub.s32 v5, v3  }
0x2b3: {  	[tilespmem:v6+s4+$0x0] =	vst.idx.add.s32.msk vm2, v2;
	v6 =	vshra.s32 v9, $0xA;
	vm1 =	vlt.u32 v5, $0x400  }
0x2b4: {  	v5 =	vadd.s32 v1, v5;
	v8 =	vld [tilespmem:s28+$0xFFFFFFD0];
	v6 =	vsub.s32 v6, v3  }
0x2b5: {  	s28 =	sadd.s32 $0x80, s28;
	v9 =	vshra.s32 v11, $0xA;
	vm2 =	vlt.u32 v6, $0x400;
	[tilespmem:v12+s4+$0x0] =	vst.idx.add.s32.msk vm3, v2  }
0x2b6: {  	_ =	sdelay $0x2  }
0x2b7: {  	v8 =	vshra.s32 v8, $0xA  }
0x2b8: {  	v8 =	vsub.s32 v8, v3  }
0x2b9: {  	vm3 =	vlt.u32 v8, $0x400  }
0x2ba: {  	v8 =	vadd.s32 v1, v8;
	_ =	sdelay $0x4  }
0x2bb: {  	[tilespmem:v8+s4+$0x0] =	vst.idx.add.s32.msk vm3, v2  }
0x2bc: {  	v8 =	vld [tilespmem:s25+$0xFFFFFFE0]  }
0x2bd: {  	v7 =	vshra.s32 v7, $0xA  }
0x2be: {  	v7 =	vsub.s32 v7, v3  }
0x2bf: {  	vm15 =	vlt.u32 v7, $0x400  }
0x2c0: {  	v7 =	vadd.s32 v1, v7  }
0x2c1: {  	v8 =	vshra.s32 v8, $0xA  }
0x2c2: {  	v8 =	vsub.s32 v8, v3  }
0x2c3: {  	vm4 =	vlt.u32 v8, $0x400  }
0x2c4: {  	v8 =	vadd.s32 v1, v8  }
0x2c5: {  	[tilespmem:v7+s4+$0x0] =	vst.idx.add.s32.msk vm15, v2  }
0x2c6: {  	v7 =	vld [tilespmem:s24+$0xFFFFFFF0];
	_ =	sdelay $0x2  }
0x2c7: {  	[tilespmem:v8+s4+$0x0] =	vst.idx.add.s32.msk vm4, v2  }
0x2c8: {  	v9 =	vsub.s32 v9, v3;
	v8 =	vld [tilespmem:s25+$0xFFFFFFF0]  }
0x2c9: {  	vm8 =	vlt.u32 v9, $0x400;
	v7 =	vshra.s32 v7, $0xA  }
0x2ca: {  	v9 =	vadd.s32 v1, v9;
	v7 =	vsub.s32 v7, v3  }
0x2cb: {  	vm9 =	vlt.u32 v7, $0x400  }
0x2cc: {  	v7 =	vadd.s32 v1, v7  }
0x2cd: {  	v8 =	vshra.s32 v8, $0xA  }
0x2ce: {  	v8 =	vsub.s32 v8, v3  }
0x2cf: {  	[tilespmem:v9+s4+$0x0] =	vst.idx.add.s32.msk vm8, v2;
	vm5 =	vlt.u32 v8, $0x400  }
0x2d0: {  	v9 =	vld [tilespmem:s23+$0x0];
	v8 =	vadd.s32 v1, v8  }
0x2d1: {  	[tilespmem:v7+s4+$0x0] =	vst.idx.add.s32.msk vm9, v2  }
0x2d2: {  	v7 =	vld [tilespmem:s24+$0x0];
	_ =	sdelay $0x2  }
0x2d3: {  	v9 =	vshra.s32 v9, $0xA;
	[tilespmem:v8+s4+$0x0] =	vst.idx.add.s32.msk vm5, v2  }
0x2d4: {  	v6 =	vadd.s32 v1, v6;
	v9 =	vsub.s32 v9, v3;
	v8 =	vld [tilespmem:s25+$0x0]  }
0x2d5: {  	vm10 =	vlt.u32 v9, $0x400;
	v7 =	vshra.s32 v7, $0xA  }
0x2d6: {  	v9 =	vadd.s32 v1, v9;
	v7 =	vsub.s32 v7, v3  }
0x2d7: {  	vm11 =	vlt.u32 v7, $0x400  }
0x2d8: {  	v7 =	vadd.s32 v1, v7  }
0x2d9: {  	[tilespmem:v6+s4+$0x0] =	vst.idx.add.s32.msk vm2, v2;
	v8 =	vshra.s32 v8, $0xA  }
0x2da: {  	v6 =	vld [tilespmem:s22+$0x10];
	v8 =	vsub.s32 v8, v3  }
0x2db: {  	[tilespmem:v9+s4+$0x0] =	vst.idx.add.s32.msk vm10, v2;
	vm12 =	vlt.u32 v8, $0x400  }
0x2dc: {  	v9 =	vld [tilespmem:s23+$0x10];
	v8 =	vadd.s32 v1, v8  }
0x2dd: {  	[tilespmem:v7+s4+$0x0] =	vst.idx.add.s32.msk vm11, v2  }
0x2de: {  	v7 =	vld [tilespmem:s24+$0x10]  }
0x2df: {  	v6 =	vshra.s32 v6, $0xA  }
0x2e0: {  	v6 =	vsub.s32 v6, v3  }
0x2e1: {  	vm13 =	vlt.u32 v6, $0x400;
	v9 =	vshra.s32 v9, $0xA;
	[tilespmem:v8+s4+$0x0] =	vst.idx.add.s32.msk vm12, v2  }
0x2e2: {  	v6 =	vadd.s32 v1, v6;
	v9 =	vsub.s32 v9, v3;
	v8 =	vld [tilespmem:s25+$0x10]  }
0x2e3: {  	vm14 =	vlt.u32 v9, $0x400;
	v7 =	vshra.s32 v7, $0xA  }
0x2e4: {  	v9 =	vadd.s32 v1, v9;
	v7 =	vsub.s32 v7, v3  }
0x2e5: {  	vm15 =	vlt.u32 v7, $0x400  }
0x2e6: {  	[tilespmem:v5+s4+$0x0] =	vst.idx.add.s32.msk vm1, v2;
	v7 =	vadd.s32 v1, v7  }
0x2e7: {  	[tilespmem:v6+s4+$0x0] =	vst.idx.add.s32.msk vm13, v2;
	v52 =	vshra.s32 v8, $0xA  }
0x2e8: {  	v6 =	vld [tilespmem:s22+$0x20];
	v5 =	vsub.s32 v52, v3  }
0x2e9: {  	[tilespmem:v9+s4+$0x0] =	vst.idx.add.s32.msk vm14, v2;
	vm4 =	vlt.u32 v5, $0x400  }
0x2ea: {  	v9 =	vld [tilespmem:s23+$0x20];
	v5 =	vadd.s32 v1, v5  }
0x2eb: {  	[tilespmem:v7+s4+$0x0] =	vst.idx.add.s32.msk vm15, v2  }
0x2ec: {  	v55 =	vld [tilespmem:s24+$0x20]  }
0x2ed: {  	v6 =	vshra.s32 v6, $0xA  }
0x2ee: {  	v53 =	vld [tilespmem:s21+$0x20];
	v6 =	vsub.s32 v6, v3  }
0x2ef: {  	vm6 =	vlt.u32 v6, $0x400;
	v9 =	vshra.s32 v9, $0xA;
	[tilespmem:v5+s4+$0x0] =	vst.idx.add.s32.msk vm4, v2  }
0x2f0: {  	v6 =	vadd.s32 v1, v6;
	v9 =	vsub.s32 v9, v3;
	v57 =	vld [tilespmem:s25+$0x20]  }
0x2f1: {  	vm7 =	vlt.u32 v9, $0x400;
	v58 =	vshra.s32 v55, $0xA  }
0x2f2: {  	[tilespmem:v4+s4+$0x0] =	vst.idx.add.s32.msk vm0, v2;
	v9 =	vadd.s32 v1, v9;
	v4 =	vsub.s32 v58, v3  }
0x2f3: {  	v8 =	vshra.s32 v53, $0xA;
	vm8 =	vlt.u32 v4, $0x400  }
0x2f4: {  	v59 =	vld [tilespmem:s20+$0x30];
	v4 =	vadd.s32 v1, v4;
	v54 =	vsub.s32 v8, v3  }
0x2f5: {  	[tilespmem:v6+s4+$0x0] =	vst.idx.add.s32.msk vm6, v2;
	vm5 =	vlt.u32 v54, $0x400;
	v60 =	vshra.s32 v57, $0xA  }
0x2f6: {  	v6 =	vld [tilespmem:s22+$0x30];
	v56 =	vadd.s32 v1, v54;
	v5 =	vsub.s32 v60, v3  }
0x2f7: {  	[tilespmem:v9+s4+$0x0] =	vst.idx.add.s32.msk vm7, v2;
	vm9 =	vlt.u32 v5, $0x400  }
0x2f8: {  	v9 =	vld [tilespmem:s23+$0x30];
	v5 =	vadd.s32 v1, v5  }
0x2f9: {  	[tilespmem:v4+s4+$0x0] =	vst.idx.add.s32.msk vm8, v2  }
0x2fa: {  	v4 =	vld [tilespmem:s24+$0x30]  }
0x2fb: {  	[tilespmem:v56+s4+$0x0] =	vst.idx.add.s32.msk vm5, v2  }
0x2fc: {  	v61 =	vld [tilespmem:s21+$0x30]  }
0x2fd: {  	v6 =	vshra.s32 v6, $0xA;
	[tilespmem:v5+s4+$0x0] =	vst.idx.add.s32.msk vm9, v2  }
0x2fe: {  	v6 =	vsub.s32 v6, v3;
	v9 =	vshra.s32 v9, $0xA;
	v63 =	vld [tilespmem:s25+$0x30]  }
0x2ff: {  	vm12 =	vlt.u32 v6, $0x400;
	v6 =	vadd.s32 v1, v6;
	v9 =	vsub.s32 v9, v3  }
0x300: {  	vm13 =	vlt.u32 v9, $0x400;
	v9 =	vadd.s32 v1, v9;
	v4 =	vshra.s32 v4, $0xA  }
0x301: {  	v8 =	vshra.s32 v59, $0xA;
	v4 =	vsub.s32 v4, v3;
	v7 =	vshra.s32 v61, $0xA  }
0x302: {  	v62 =	vsub.s32 v8, v3;
	vm14 =	vlt.u32 v4, $0x400;
	v7 =	vsub.s32 v7, v3  }
0x303: {  	v4 =	vadd.s32 v1, v4;
	vm11 =	vlt.u32 v7, $0x400;
	v8 =	vshra.s32 v63, $0xA  }
0x304: {  	vm10 =	vlt.u32 v62, $0x400;
	v7 =	vadd.s32 v1, v7;
	v3 =	vsub.s32 v8, v3  }
0x305: {  	v5 =	vadd.s32 v1, v62;
	vm15 =	vlt.u32 v3, $0x400  }
0x306: {  	[tilespmem:v6+s4+$0x0] =	vst.idx.add.s32.msk vm12, v2;
	v3 =	vadd.s32 v1, v3  }
0x307: {  	[tilespmem:v9+s4+$0x0] =	vst.idx.add.s32.msk vm13, v2  }
0x308: {  	[tilespmem:v4+s4+$0x0] =	vst.idx.add.s32.msk vm14, v2  }
0x309: {  	s19 =	sadd.s32 $0x1, s19;
	[tilespmem:v7+s4+$0x0] =	vst.idx.add.s32.msk vm11, v2  }
0x30a: {  	p0 =	sne.s32 s19, s10;
	[tilespmem:v5+s4+$0x0] =	vst.idx.add.s32.msk vm10, v2  }
.Ltmp6:
0x30b: {  	[tilespmem:v3+s4+$0x0] =	vst.idx.add.s32.msk vm15, v2;
	(pc) =	sbr.rel @p0 .LBB2_1-.Ltmp6, $4  }
0x30c: {  	[hbm4b:s9+s17] =	stream.strided.scatter [tilespmem:s4], [sflag:$0x3], $0x8000, s18, s17, $0x38;
	[tilespmem:$0x10080] =	vst v63  }
0x30d: {  	_ =	swait.ge [sflag:s12], $0x8000  }
0x30e: {  	[sflag:s12] =	ssyncset.done $0x0  }
0x30f: {  	[sflag:s12] =	ssyncadd.s32 $0xFFFF8000  }
0x310: {  	_ =	sfence.sel $0x180000  }
0x311: {  	[bflag:$0x0] =	sbarrier.arrive $0xFFFF  }
0x312: {  	p0 =	sne.s32 s2, $0x0;
	_ =	strace $0x9000004D  }
0x313: {  	s0 =	sadd.s32 @!p0 $0x100000, s0;
	[bflag:$0x2] =	sbarrier.arrive $0xFFFF  }
0x314: {  	[sflag:s0] =	ssyncadd.tile.s32 @!p0 $0x1;
	_ =	shalt  }
.Lfunc_end2:
_tile_overlayer_lowered:
.L_overlay_start_2:
0x315: {  	(tag) =	ssettag $0x2  }
0x316: {  	s0 =	rddreg [dreg:$0x0];
	s2 =	stileid.u32  }
0x317: {  	s1 =	rddreg [dreg:$0x1];
	p0 =	sne.s32 s2, $0x0  }
0x318: {  	s3 =	rddreg [dreg:$0x2];
	[bflag:$0x3] =	sbarrier.arrive $0xFFFF;
	s2 =	simm.s32 @!p0 $0x1C03  }
0x319: {  	[timem:s3], [sflag:s2] =	dma.local @!p0 [hbm:s0], s1  }
0x31a: {  	s0 =	simm.s32 @!p0 $0x3  }
0x31b: {  	_ =	swait.ge @!p0 [sflag:s0], s1  }
0x31c: {  	s1 =	ssub.s32 @!p0 $0x0, s1;
	[sflag:s0] =	ssyncset.done @!p0 $0x0  }
0x31d: {  	[sflag:s0] =	ssyncadd.s32 @!p0 s1  }
0x31e: {  	[bflag:$0x3] =	sbarrier.arrive $0xFFFF  }
0x31f: {  	_ =	shalt  }

// kernel: kernel.18.cloned.1.call-start
scs
__scs_entry_jumppad:
0x0: {  	(pc) =	sbr.rel $0x88, $3  }
0x1: {  	(tag) =	ssettag $0x0;
	lr =	simm.s32 $0x1  }
0x2: {  	[smem:$0x3F9D] =	sst lr;
	_ =	strace $0xD0000000  }
0x3: {  	_ = 	snop  }
0x4: {  	_ = 	snop  }
0x5: {  	_ = 	snop  }
0x6: {  	_ = 	snop  }
0x7: {  	_ = 	snop  }
__scs_overlays_trampoline_lowered:
0x8: {  	[smem:$0x3FAC] =	sst s0  }
0x9: {  	[smem:$0x3FAD] =	sst s1  }
0xa: {  	[smem:$0x3FAE] =	sst s2  }
0xb: {  	[smem:$0x3FAF] =	sst s3  }
0xc: {  	[smem:$0x3FB0] =	sst s4  }
0xd: {  	[smem:$0x3FB1] =	sst s5  }
0xe: {  	[smem:$0x3FB2] =	sst s6  }
0xf: {  	[smem:$0x3FB3] =	sst s7  }
0x10: {  	[smem:$0x3FB4] =	sst s8  }
0x11: {  	[smem:$0x3FB5] =	sst s9;
	s0 =	simm.s32 @!p0 $0x0  }
0x12: {  	s1 =	sld [smem:$0x3F9B];
	s0 =	simm.s32 @p0 $0x1  }
0x13: {  	[smem:$0x3FB6] =	sst s0;
	s0 =	simm.s32 @!p1 $0x0  }
0x14: {  	s2 =	sld [smem:$0x3F9A];
	s0 =	simm.s32 @p1 $0x1  }
0x15: {  	[smem:$0x3FB7] =	sst s0;
	s0 =	simm.s32 @!p2 $0x0  }
0x16: {  	s3 =	sld [smem:$0x3FDB];
	s0 =	simm.s32 @p2 $0x1  }
0x17: {  	s4 =	simm.s32 $0x1BF5;
	[smem:$0x3FB9] =	sst s0  }
0x18: {  	s0 =	sld [smem:$0x3F9C];
	_ =	swait.ge [sflag:s4], $0x0  }
0x19: {  	s7 =	sld [smem:$0x3F9D]  }
0x1a: {  	s8 =	sadd.s32 $0xFFFFE003, lr  }
0x1b: {  	s9 =	sadd.s32 $0xFFFFFEF7, lr;
	s5 =	simm.s32 $0xFFFFFFFF;
	p2 =	slt.u32 s8, $0xFFFFF086  }
0x1c: {  	p1 =	slt.u32 s9, $0xF7A;
	s5 =	simm.s32 @!p2 $0x0  }
0x1d: {  	s5 =	simm.s32 @p1 $0x1;
	p0 =	seq.s32 s7, s2  }
0x1e: {  	s7 =	smul.u32 @!p0 $0xF7A, s2;
	p2 =	seq.s32 @!p0 s5, $0x0  }
0x1f: {  	s9 =	smul.u32 $0xF7A, s1;
	s8 =	simm.s32 @!p0 $0x1BF5;
	p2 =	por !p2, p0  }
0x20: {  	[sflag:s8] =	ssyncset.s32 @!p0 $0xFFFFF086;
	s6 =	sadd.s32 @!p0 s3, s7;
	s7 =	simm.s32 @!p0 $0x108  }
0x21: {  	s3 =	sadd.s32 s3, s9;
	s6 =	sadd.s32 @!p0 $0x88, s6;
	s7 =	simm.s32 @p2 $0x1082  }
0x22: {  	[simem:s7], [sflag:s8] =	dma.local @!p0 [hbm:s6], $0xF7A  }
0x23: {  	s9 =	sor.u32 $0xD0000000, s2;
	s6 =	simm.s32 $0x108;
	_ =	swait.ge @!p0 [sflag:s8], $0x0  }
0x24: {  	s3 =	sadd.s32 $0x88, s3;
	s6 =	simm.s32 @!p1 $0x1082;
	[sflag:s4] =	ssyncset.s32 $0xFFFFF086  }
0x25: {  	[simem:s6], [sflag:s4] =	dma.local [hbm:s3], $0xF7A  }
0x26: {  	[smem:$0x3F9D] =	sst s1;
	(tag) =	ssettag s2;
	_ =	strace s9  }
0x27: {  	s1 =	sld [smem:$0x3FAD]  }
0x28: {  	s2 =	sld [smem:$0x3FAE]  }
0x29: {  	s4 =	sld [smem:$0x3FB0]  }
0x2a: {  	p0 =	seq.s32 s5, $0x0;
	s5 =	sld [smem:$0x3FB1]  }
0x2b: {  	s6 =	sld [smem:$0x3FB2]  }
0x2c: {  	s7 =	sld [smem:$0x3FB3]  }
0x2d: {  	s3 =	simm.s32 $0x108;
	s8 =	sld [smem:$0x3FB4]  }
0x2e: {  	s3 =	simm.s32 @!p0 $0x1082;
	s9 =	sld [smem:$0x3FB5]  }
0x2f: {  	lr =	sadd.s32 s0, s3;
	s0 =	sld [smem:$0x3FAC]  }
0x30: {  	s3 =	sld [smem:$0x3FAF]  }
0x31: {  	[smem:$0x3FB8] =	sst s10  }
0x32: {  	s10 =	sld [smem:$0x3FB6];
	_ =	sdelay $0x3  }
0x33: {  	p0 =	seq.s32 s10, $0x1;
	s10 =	sld [smem:$0x3FB8];
	_ =	sdelay $0x3  }
0x34: {  	[smem:$0x3FB8] =	sst s10  }
0x35: {  	s10 =	sld [smem:$0x3FB7];
	_ =	sdelay $0x3  }
0x36: {  	p1 =	seq.s32 s10, $0x1;
	s10 =	sld [smem:$0x3FB8];
	_ =	sdelay $0x3  }
0x37: {  	[smem:$0x3FB8] =	sst s10  }
0x38: {  	s10 =	sld [smem:$0x3FB9]  }
0x39: {  	_ = 	snop;
	(pc) =	sbr.ind lr, $3  }
0x3a: {  	_ = 	snop  }
0x3b: {  	_ = 	snop  }
0x3c: {  	p2 =	seq.s32 s10, $0x1;
	s10 =	sld [smem:$0x3FB8]  }
0x3d: {  	_ =	shalt  }
0x3e: {  	_ =	shalt  }
0x3f: {  	_ =	shalt  }
0x40: {  	_ =	shalt  }
0x41: {  	_ =	shalt  }
0x42: {  	_ =	shalt  }
0x43: {  	_ =	shalt  }
0x44: {  	_ =	shalt  }
0x45: {  	_ =	shalt  }
0x46: {  	_ =	shalt  }
0x47: {  	_ =	shalt  }
0x48: {  	_ =	shalt  }
0x49: {  	_ =	shalt  }
0x4a: {  	_ =	shalt  }
0x4b: {  	_ =	shalt  }
0x4c: {  	_ =	shalt  }
0x4d: {  	_ =	shalt  }
0x4e: {  	_ =	shalt  }
0x4f: {  	_ =	shalt  }
0x50: {  	_ =	shalt  }
0x51: {  	_ =	shalt  }
0x52: {  	_ =	shalt  }
0x53: {  	_ =	shalt  }
0x54: {  	_ =	shalt  }
0x55: {  	_ =	shalt  }
0x56: {  	_ =	shalt  }
0x57: {  	_ =	shalt  }
0x58: {  	_ =	shalt  }
0x59: {  	_ =	shalt  }
0x5a: {  	_ =	shalt  }
0x5b: {  	_ =	shalt  }
0x5c: {  	_ =	shalt  }
0x5d: {  	_ =	shalt  }
0x5e: {  	_ =	shalt  }
0x5f: {  	_ =	shalt  }
0x60: {  	_ =	shalt  }
0x61: {  	_ =	shalt  }
0x62: {  	_ =	shalt  }
0x63: {  	_ =	shalt  }
0x64: {  	_ =	shalt  }
0x65: {  	_ =	shalt  }
0x66: {  	_ =	shalt  }
0x67: {  	_ =	shalt  }
0x68: {  	_ =	shalt  }
0x69: {  	_ =	shalt  }
0x6a: {  	_ =	shalt  }
0x6b: {  	_ =	shalt  }
0x6c: {  	_ =	shalt  }
0x6d: {  	_ =	shalt  }
0x6e: {  	_ =	shalt  }
0x6f: {  	_ =	shalt  }
0x70: {  	_ =	shalt  }
0x71: {  	_ =	shalt  }
0x72: {  	_ =	shalt  }
0x73: {  	_ =	shalt  }
0x74: {  	_ =	shalt  }
0x75: {  	_ =	shalt  }
0x76: {  	_ =	shalt  }
0x77: {  	_ =	shalt  }
0x78: {  	_ =	shalt  }
0x79: {  	_ =	shalt  }
0x7a: {  	_ =	shalt  }
0x7b: {  	_ =	shalt  }
0x7c: {  	_ =	shalt  }
0x7d: {  	_ =	shalt  }
0x7e: {  	_ =	shalt  }
0x7f: {  	_ =	shalt  }
0x80: {  	_ =	shalt  }
0x81: {  	_ =	shalt  }
0x82: {  	_ =	shalt  }
0x83: {  	_ =	shalt  }
0x84: {  	_ =	shalt  }
0x85: {  	_ =	shalt  }
0x86: {  	_ =	shalt  }
0x87: {  	_ =	shalt  }
.Lfunc_end0:
.L_simem_size_0:
called_computation.3_lowered:
.L_overlay_start_0:
0x88: {  	s2 =	sld [smem:$0x3FD9]  }
0x89: {  	s3 =	sld [smem:$0x3FFE];
	_ =	sdelay $0x1  }
0x8a: {  	s1 =	srdreg.scid  }
0x8b: {  	s0 =	sand.u32 $0x1, s1  }
0x8c: {  	s15 =	sshll.u32 s0, $0xA;
	s2 =	sadd.s32 s3, s2  }
0x8d: {  	s2 =	sadd.s32 s2, s15  }
0x8e: {  	[smem:$0x3FC4] =	sst s2  }
0x8f: {  	_ = 	snop  }
0x90: {  	s2 =	sld [smem:$0x3FD0];
	_ =	sdelay $0x2  }
0x91: {  	s16 =	simm.s32 $0xA;
	s4 =	simm.s32 $0x10  }
0x92: {  	[smem:s4], [sflag:s16] =	dma.local [hbm:s2], $0x1  }
0x93: {  	_ =	swait.eq [sflag:s16], $0x1  }
0x94: {  	s17 =	sld [smem:$0x10];
	[sflag:s16] =	ssyncset.done $0x0  }
0x95: {  	s18 =	sld [smem:$0x11];
	[sflag:s16] =	ssyncadd.s32 $0xFFFFFFFF  }
0x96: {  	s19 =	sld [smem:$0x17];
	(tm) =	ssettm $0x1  }
0x97: {  	s5 =	sld [smem:$0x3FFB];
	_ =	sdelay $0x3  }
0x98: {  	_ =	strace s5  }
0x99: {  	s5 =	sld [smem:$0x3FFC];
	_ =	sdelay $0x3  }
0x9a: {  	_ =	strace s5  }
0x9b: {  	s5 =	sld [smem:$0x3FFD];
	_ =	sdelay $0x3  }
0x9c: {  	_ =	strace s5  }
0x9d: {  	_ =	strace $0x8FFFFFFF  }
0x9e: {  	s20 =	sld [smem:$0x3FDB];
	_ =	sdelay $0x1  }
0x9f: {  	s6 =	simm.s32 $_scs_section_size  }
0xa0: {  	s7 =	simm.s32 $_size__tile_overlayer_lowered;
	s8 =	simm.s32 $_tile_overlayer_lowered  }
0xa1: {  	s23 =	simm.s32 $0x1BFF;
	s22 =	sshll.u32 s8, $0x1;
	s5 =	sadd.s32 s6, s20  }
0xa2: {  	s9 =	simm.s32 $0x0;
	s21 =	sshll.u32 s7, $0x1;
	s7 =	sadd.s32 s22, s5  }
0xa3: {  	[timem:s9], [sflag:s23] =	dma.local [hbm:s7], s21  }
0xa4: {  	_ =	swait.ge [sflag:s23], s21  }
0xa5: {  	s6 =	ssub.s32 $0x0, s21;
	[sflag:s23] =	ssyncset.done $0x0  }
0xa6: {  	[sflag:s23] =	ssyncadd.s32 s6;
	_ =	sdelay $0x1  }
0xa7: {  	s24 =	simm.s32 $0x1B8B  }
0xa8: {  	_ =	swait.ge [sflag:s24], $0x1  }
0xa9: {  	[sflag:s24] =	ssyncset.done $0x0  }
0xaa: {  	s25 =	simm.s32 $0x1B8E;
	[sflag:s24] =	ssyncadd.s32 $0xFFFFFFFF  }
0xab: {  	s26 =	simm.s32 $execute0_lowered;
	[smem:$0x3FD2] =	sst s25  }
0xac: {  	s6 =	sshll.u32 s26, $0x1;
	_ =	strace $0x8000004F;
	[dreg:$0x1] =	wrdreg $0xFFFFFFFF  }
0xad: {  	s28 =	simm.s32 $_size_execute0_lowered;
	s5 =	sadd.s32 s5, s6;
	[dreg:$0x0] =	wrdreg $0x0  }
0xae: {  	s6 =	sshll.u32 s28, $0x1;
	[dreg:$0x2] =	wrdreg s5  }
0xaf: {  	[dreg:$0x3] =	wrdreg s6  }
0xb0: {  	[dreg:$0x4] =	wrdreg $0xC0  }
0xb1: {  	_ =	task [dreg:s9], $0x5FFFF  }
0xb2: {  	[dreg:$0x1] =	wrdreg $0xFFFFFFFF  }
0xb3: {  	[dreg:$0x0] =	wrdreg $0x60  }
0xb4: {  	[dreg:$0x2] =	wrdreg s18  }
0xb5: {  	[dreg:$0x3] =	wrdreg s19  }
0xb6: {  	[dreg:$0x4] =	wrdreg s17  }
0xb7: {  	[dreg:$0x5] =	wrdreg $0x9  }
0xb8: {  	_ =	task.clear_ibuf [dreg:s9], $0x6FFFF;
	_ =	strace $0x9000004F  }
0xb9: {  	s29 =	simm.s32 $0x9;
	_ =	strace $0x80000051  }
0xba: {  	_ =	swait.ge [sflag:s29], $0x1  }
0xbb: {  	[sflag:s29] =	ssyncadd.s32 $0xFFFFFFFF  }
0xbc: {  	_ =	strace $0x90000051  }
0xbd: {  	_ =	sfence  }
0xbe: {  	s30 =	sld [smem:$0x0];
	_ =	sdelay $0x2  }
0xbf: {  	s31 =	sshll.u32 s1, $0xD;
	s1 =	sshrl.u32 s1, $0x2  }
0xc0: {  	s3 =	sand.u32 $0x4000, s31;
	s1 =	sadd.s32 s1, s30  }
0xc1: {  	s0 =	sor.u32 s3, s0;
	s1 =	sshll.u32 s1, $0x11  }
0xc2: {  	s0 =	sor.u32 s1, s0  }
0xc3: {  	s0 =	sadd.s32 $0x8F2B, s0  }
0xc4: {  	[sflag:s0] =	ssyncadd.remote.s32 $0x1  }
0xc5: {  	_ =	sfence.sel $0xFFFF  }
0xc6: {  	[dreg:$0x0] =	wrdreg $0xFFFFFFFF;
	(pc) =	sbr.abs _section_cstart, $3  }
0xc7: {  	[dreg:$0x1] =	wrdreg $0xFFFFFFFF  }
0xc8: {  	_ =	task.clear_ibuf [dreg:s9], $0x2FFFF;
	_ =	strace $0x9FFFFFFF  }
0xc9: {  	(tm) =	ssettm $0x7FFFFFFF  }
tec
execute0_lowered:
.L_overlay_start_1:
0x0: {  	(tag) =	ssettag $0x1  }
0x1: {  	s1 =	rddreg [dreg:$0x0]  }
0x2: {  	s3 =	rddreg [dreg:$0x1]  }
0x3: {  	s8 =	rddreg [dreg:$0x2];
	s4 =	srdreg.scid  }
0x4: {  	s0 =	rddreg [dreg:$0x3];
	s2 =	stileid.u32;
	s13 =	simm.s32 $0x8000  }
0x5: {  	s14 =	simm.s32 $0xC000;
	s15 =	simm.s32 $0x1;
	s16 =	simm.s32 $0x2  }
0x6: {  	s17 =	simm.s32 $0x80;
	s18 =	simm.s32 $0x400;
	s19 =	simm.s32 $0x0  }
0x7: {  	s5 =	sand.u32 $0x1, s4;
	s4 =	simm.s32 $0x0;
	s7 =	sshll.u32 s2, $0x1  }
0x8: {  	s11 =	sshll.u32 s2, $0xD;
	s6 =	ssub.s32 $0x2, s5;
	[smem:$0x7FF] =	sst s4  }
0x9: {  	s7 =	sor.u32 s5, s7;
	s11 =	sand.u32 $0x18000, s11;
	s9 =	sshrl.u32 s6, $0x1  }
0xa: {  	_ =	strace $0x80000050;
	s5 =	sshll.u32 s7, $0x12;
	s31 =	sshll.u32 s7, $0x15  }
0xb: {  	s12 =	sshll.u32 s7, $0x4;
	s11 =	sadd.s32 s8, s11;
	s10 =	ssub.s32 s6, s9  }
0xc: {  	s5 =	sadd.s32 s1, s5;
	s7 =	sor.u32 $0x8000, s31;
	s12 =	sand.u32 $0x70, s12  }
0xd: {  	v1 =	vlaneseq.u32;
	s8 =	sor.u32 $0xC000, s31;
	s6 =	sadd.s32 $0x800, s5;
	s9 =	sadd.s32 s12, s11  }
0xe: {  	v0 =	vimm.s32 $0x0;
	v2 =	vimm.s32 $0x1;
	v1 =	vmul.u32 $0x800, v1;
	s10 =	smax.u32 s10, $0x1;
	s11 =	simm.s32 $0x10000;
	s12 =	simm.s32 $0x3  }
.LBB2_1:
0xf: {  	s20 =	simm.s32 $0x20  }
0x10: {  	[tilespmem:s20+$0xFFFFFFE0] =	vst v0  }
0x11: {  	[tilespmem:s20+$0x10] =	vst v0  }
0x12: {  	s21 =	simm.s32 $0x0;
	[tilespmem:s20+$0x0] =	vst v0  }
.LBB2_2:
0x13: {  	s21 =	sadd.s32 $0x4, s21  }
0x14: {  	[tilespmem:s20+$0xFFFFFFF0] =	vst v0;
	s20 =	sadd.s32 $0x40, s20;
	p0 =	slt.u32 s21, $0x7FC  }
.Ltmp0:
0x15: {  	[tilespmem:s20+$0xFFFFFFE0] =	vst v0;
	(pc) =	sbr.rel @p0 .LBB2_2-.Ltmp0, $3  }
0x16: {  	_ =	sdelay $0x1  }
0x17: {  	[tilespmem:s20+$0x10] =	vst v0  }
0x18: {  	[tilespmem:s20+$0x0] =	vst v0  }
0x19: {  	[tilespmem:s20+$0xFFFFFFF0] =	vst v0;
	s20 =	simm.s32 $0x0  }
0x1a: {  	[tilespmem:s11], [sflag:$0x3] =	stream.linear.gather [hbm4b:s3+s20], $0x80, $0x38;
	[tilespmem:$0x10080] =	vst v63  }
0x1b: {  	_ =	swait.ge [sflag:s12], $0x80  }
0x1c: {  	[sflag:s12] =	ssyncset.done $0x0  }
0x1d: {  	[sflag:s12] =	ssyncadd.s32 $0xFFFFFF80  }
0x1e: {  	v3 =	vld [tilespmem:$0x10000];
	[tilespmem:s13], [sflag:$0x1] =	stream.linear.gather [hbm4b:s5+s20], $0x4000, $0x38  }
0x1f: {  	_ = 	snop  }
0x20: {  	[tilespmem:s14], [sflag:$0x2] =	stream.linear.gather [hbm4b:s6+s20], $0x4000, $0x38;
	[tilespmem:$0x10080] =	vst v63  }
.LBB2_4:
0x21: {  	_ =	swait.ge [sflag:s15], $0x4000  }
0x22: {  	[sflag:s15] =	ssyncset.done $0x0  }
0x23: {  	s28 =	simm.s32 $0x8040;
	[sflag:s15] =	ssyncadd.s32 $0xFFFFC000  }
0x24: {  	v4 =	vld [tilespmem:s28+$0xFFFFFFC0];
	_ =	sdelay $0x4  }
0x25: {  	v4 =	vsub.s32 v4, v3  }
0x26: {  	vm0 =	vlt.u32 v4, $0x400  }
0x27: {  	v4 =	vadd.s32 v1, v4;
	_ =	sdelay $0x2  }
0x28: {  	s21 =	simm.s32 $0x80C0  }
0x29: {  	v5 =	vld [tilespmem:s21+$0xFFFFFFC0]  }
0x2a: {  	[tilespmem:v4+s4+$0x0] =	vst.idx.add.s32.msk vm0, v2  }
0x2b: {  	v4 =	vld [tilespmem:s28+$0xFFFFFFD0];
	_ =	sdelay $0x2  }
0x2c: {  	v5 =	vsub.s32 v5, v3  }
0x2d: {  	vm1 =	vlt.u32 v5, $0x400  }
0x2e: {  	v5 =	vadd.s32 v1, v5;
	v4 =	vsub.s32 v4, v3  }
0x2f: {  	vm0 =	vlt.u32 v4, $0x400  }
0x30: {  	v4 =	vadd.s32 v1, v4;
	_ =	sdelay $0x2  }
0x31: {  	[tilespmem:v5+s4+$0x0] =	vst.idx.add.s32.msk vm1, v2  }
0x32: {  	v5 =	vld [tilespmem:s21+$0xFFFFFFD0]  }
0x33: {  	[tilespmem:v4+s4+$0x0] =	vst.idx.add.s32.msk vm0, v2  }
0x34: {  	v4 =	vld [tilespmem:s28+$0xFFFFFFE0];
	_ =	sdelay $0x3  }
0x35: {  	s22 =	simm.s32 $0x8140;
	v5 =	vsub.s32 v5, v3  }
0x36: {  	v6 =	vld [tilespmem:s22+$0xFFFFFFC0];
	vm1 =	vlt.u32 v5, $0x400;
	v4 =	vsub.s32 v4, v3  }
0x37: {  	v5 =	vadd.s32 v1, v5;
	vm0 =	vlt.u32 v4, $0x400  }
0x38: {  	v4 =	vadd.s32 v1, v4;
	_ =	sdelay $0x2  }
0x39: {  	v6 =	vsub.s32 v6, v3  }
0x3a: {  	vm2 =	vlt.u32 v6, $0x400;
	[tilespmem:v5+s4+$0x0] =	vst.idx.add.s32.msk vm1, v2  }
0x3b: {  	v6 =	vadd.s32 v1, v6;
	[tilespmem:v4+s4+$0x0] =	vst.idx.add.s32.msk vm0, v2  }
0x3c: {  	v4 =	vld [tilespmem:s28+$0xFFFFFFF0]  }
0x3d: {  	v5 =	vld [tilespmem:s21+$0xFFFFFFE0];
	_ =	sdelay $0x2  }
0x3e: {  	[tilespmem:v6+s4+$0x0] =	vst.idx.add.s32.msk vm2, v2  }
0x3f: {  	v6 =	vld [tilespmem:s22+$0xFFFFFFD0];
	v4 =	vsub.s32 v4, v3  }
0x40: {  	v5 =	vsub.s32 v5, v3;
	vm0 =	vlt.u32 v4, $0x400  }
0x41: {  	s23 =	simm.s32 $0x81C0;
	vm1 =	vlt.u32 v5, $0x400;
	v4 =	vadd.s32 v1, v4  }
0x42: {  	v7 =	vld [tilespmem:s23+$0xFFFFFFC0];
	v5 =	vadd.s32 v1, v5;
	_ =	sdelay $0x1  }
0x43: {  	v6 =	vsub.s32 v6, v3  }
0x44: {  	vm2 =	vlt.u32 v6, $0x400  }
0x45: {  	[tilespmem:v4+s4+$0x0] =	vst.idx.add.s32.msk vm0, v2;
	v4 =	vadd.s32 v1, v6  }
0x46: {  	[tilespmem:v5+s4+$0x0] =	vst.idx.add.s32.msk vm1, v2;
	v6 =	vsub.s32 v7, v3  }
0x47: {  	v7 =	vld [tilespmem:s28+$0x0];
	vm0 =	vlt.u32 v6, $0x400  }
0x48: {  	v5 =	vadd.s32 v1, v6;
	v6 =	vld [tilespmem:s21+$0xFFFFFFF0];
	_ =	sdelay $0x1  }
0x49: {  	[tilespmem:v4+s4+$0x0] =	vst.idx.add.s32.msk vm2, v2  }
0x4a: {  	v4 =	vld [tilespmem:s22+$0xFFFFFFE0]  }
0x4b: {  	v7 =	vsub.s32 v7, v3  }
0x4c: {  	vm1 =	vlt.u32 v7, $0x400;
	[tilespmem:v5+s4+$0x0] =	vst.idx.add.s32.msk vm0, v2;
	v5 =	vsub.s32 v6, v3  }
0x4d: {  	v6 =	vadd.s32 v1, v7;
	v7 =	vld [tilespmem:s23+$0xFFFFFFD0];
	vm0 =	vlt.u32 v5, $0x400  }
0x4e: {  	v5 =	vadd.s32 v1, v5  }
0x4f: {  	s24 =	simm.s32 $0x8240;
	v4 =	vsub.s32 v4, v3  }
0x50: {  	v8 =	vld [tilespmem:s24+$0xFFFFFFC0];
	vm2 =	vlt.u32 v4, $0x400  }
0x51: {  	v4 =	vadd.s32 v1, v4  }
0x52: {  	[tilespmem:v6+s4+$0x0] =	vst.idx.add.s32.msk vm1, v2;
	v6 =	vsub.s32 v7, v3  }
0x53: {  	vm1 =	vlt.u32 v6, $0x400;
	[tilespmem:v5+s4+$0x0] =	vst.idx.add.s32.msk vm0, v2  }
0x54: {  	v5 =	vadd.s32 v1, v6;
	v6 =	vld [tilespmem:s21+$0x0]  }
0x55: {  	v7 =	vsub.s32 v8, v3;
	v8 =	vld [tilespmem:s28+$0x10]  }
0x56: {  	vm0 =	vlt.u32 v7, $0x400;
	[tilespmem:v4+s4+$0x0] =	vst.idx.add.s32.msk vm2, v2  }
0x57: {  	v4 =	vadd.s32 v1, v7;
	v7 =	vld [tilespmem:s22+$0xFFFFFFF0];
	_ =	sdelay $0x1  }
0x58: {  	[tilespmem:v5+s4+$0x0] =	vst.idx.add.s32.msk vm1, v2;
	v5 =	vsub.s32 v6, v3  }
0x59: {  	v8 =	vsub.s32 v8, v3;
	v6 =	vld [tilespmem:s23+$0xFFFFFFE0];
	vm1 =	vlt.u32 v5, $0x400  }
0x5a: {  	vm2 =	vlt.u32 v8, $0x400;
	v5 =	vadd.s32 v1, v5  }
0x5b: {  	[tilespmem:v4+s4+$0x0] =	vst.idx.add.s32.msk vm0, v2;
	v4 =	vsub.s32 v7, v3;
	v7 =	vadd.s32 v1, v8  }
0x5c: {  	v8 =	vld [tilespmem:s24+$0xFFFFFFD0];
	vm0 =	vlt.u32 v4, $0x400  }
0x5d: {  	s25 =	simm.s32 $0x82C0;
	v4 =	vadd.s32 v1, v4  }
0x5e: {  	v9 =	vld [tilespmem:s25+$0xFFFFFFC0];
	v6 =	vsub.s32 v6, v3  }
0x5f: {  	vm3 =	vlt.u32 v6, $0x400;
	[tilespmem:v5+s4+$0x0] =	vst.idx.add.s32.msk vm1, v2  }
0x60: {  	v5 =	vadd.s32 v1, v6;
	[tilespmem:v7+s4+$0x0] =	vst.idx.add.s32.msk vm2, v2  }
0x61: {  	v6 =	vsub.s32 v8, v3;
	v7 =	vld [tilespmem:s28+$0x20]  }
0x62: {  	vm1 =	vlt.u32 v6, $0x400;
	[tilespmem:v4+s4+$0x0] =	vst.idx.add.s32.msk vm0, v2  }
0x63: {  	v8 =	vsub.s32 v9, v3;
	v4 =	vadd.s32 v1, v6;
	v6 =	vld [tilespmem:s22+$0x0]  }
0x64: {  	v9 =	vld [tilespmem:s21+$0x10];
	vm0 =	vlt.u32 v8, $0x400  }
0x65: {  	[tilespmem:v5+s4+$0x0] =	vst.idx.add.s32.msk vm3, v2;
	v5 =	vadd.s32 v1, v8  }
0x66: {  	s26 =	simm.s32 $0x8340;
	v8 =	vld [tilespmem:s23+$0xFFFFFFF0];
	v7 =	vsub.s32 v7, v3  }
0x67: {  	v10 =	vld [tilespmem:s26+$0xFFFFFFC0];
	vm3 =	vlt.u32 v7, $0x400  }
0x68: {  	[tilespmem:v4+s4+$0x0] =	vst.idx.add.s32.msk vm1, v2;
	v4 =	vadd.s32 v1, v7;
	v6 =	vsub.s32 v6, v3  }
0x69: {  	v7 =	vsub.s32 v9, v3;
	v11 =	vld [tilespmem:s24+$0xFFFFFFE0];
	vm1 =	vlt.u32 v6, $0x400  }
0x6a: {  	v6 =	vadd.s32 v1, v6;
	[tilespmem:v5+s4+$0x0] =	vst.idx.add.s32.msk vm0, v2;
	vm0 =	vlt.u32 v7, $0x400  }
0x6b: {  	v5 =	vadd.s32 v1, v7;
	v8 =	vsub.s32 v8, v3  }
0x6c: {  	v9 =	vld [tilespmem:s25+$0xFFFFFFD0];
	vm2 =	vlt.u32 v8, $0x400  }
0x6d: {  	v10 =	vsub.s32 v10, v3;
	v7 =	vadd.s32 v1, v8;
	[tilespmem:v4+s4+$0x0] =	vst.idx.add.s32.msk vm3, v2  }
0x6e: {  	s29 =	simm.s32 $0x300;
	v8 =	vadd.s32 v1, v10;
	vm3 =	vlt.u32 v10, $0x400;
	v10 =	vsub.s32 v11, v3;
	v4 =	vld [tilespmem:s28+$0x30]  }
.LBB2_5:
0x6f: {  	s29 =	sadd.s32 $0x80, s29;
	vm4 =	vlt.u32 v10, $0x400;
	[tilespmem:v6+s4+$0x0] =	vst.idx.add.s32.msk vm1, v2;
	s28 =	smov.u32 s24;
	s24 =	smov.u32 s25  }
0x70: {  	v6 =	vadd.s32 v1, v10;
	s25 =	smov.u32 s26;
	p0 =	slt.u32 s29, $0x3F80;
	[tilespmem:v5+s4+$0x0] =	vst.idx.add.s32.msk vm0, v2  }
0x71: {  	v5 =	vsub.s32 v9, v3;
	v9 =	vld [tilespmem:s21+$0x20]  }
0x72: {  	vm0 =	vlt.u32 v5, $0x400;
	[tilespmem:v7+s4+$0x0] =	vst.idx.add.s32.msk vm2, v2  }
0x73: {  	v5 =	vadd.s32 v1, v5;
	v7 =	vld [tilespmem:s23+$0x0];
	v4 =	vsub.s32 v4, v3  }
0x74: {  	v10 =	vld [tilespmem:s22+$0x10];
	vm2 =	vlt.u32 v4, $0x400  }
0x75: {  	v4 =	vadd.s32 v1, v4;
	[tilespmem:v6+s4+$0x0] =	vst.idx.add.s32.msk vm4, v2  }
0x76: {  	s26 =	sadd.s32 $0x80, s26;
	v11 =	vld [tilespmem:s28+$0xFFFFFFF0];
	v6 =	vsub.s32 v9, v3  }
0x77: {  	v12 =	vld [tilespmem:s26+$0xFFFFFFC0];
	vm4 =	vlt.u32 v6, $0x400  }
0x78: {  	v13 =	vadd.s32 v1, v6;
	[tilespmem:v5+s4+$0x0] =	vst.idx.add.s32.msk vm0, v2;
	v5 =	vsub.s32 v7, v3  }
0x79: {  	v14 =	vld [tilespmem:s24+$0xFFFFFFE0];
	vm1 =	vlt.u32 v5, $0x400;
	v7 =	vsub.s32 v10, v3  }
.Ltmp1:
0x7a: {  	v6 =	vadd.s32 v1, v5;
	vm0 =	vlt.u32 v7, $0x400;
	[tilespmem:v4+s4+$0x0] =	vst.idx.add.s32.msk vm2, v2;
	(pc) =	sbr.rel @p0 .LBB2_5-.Ltmp1, $4  }
0x7b: {  	v5 =	vadd.s32 v1, v7;
	[tilespmem:v8+s4+$0x0] =	vst.idx.add.s32.msk vm3, v2;
	v4 =	vsub.s32 v11, v3  }
0x7c: {  	v9 =	vld [tilespmem:s25+$0xFFFFFFD0];
	vm2 =	vlt.u32 v4, $0x400  }
0x7d: {  	v8 =	vsub.s32 v12, v3;
	v7 =	vadd.s32 v1, v4;
	[tilespmem:v13+s4+$0x0] =	vst.idx.add.s32.msk vm4, v2  }
0x7e: {  	vm3 =	vlt.u32 v8, $0x400;
	v8 =	vadd.s32 v1, v8;
	v10 =	vsub.s32 v14, v3;
	v4 =	vld [tilespmem:s21+$0x30];
	s21 =	smov.u32 s22;
	s22 =	smov.u32 s23;
	s23 =	smov.u32 s28  }
0x7f: {  	_ =	sdelay $0x4  }
0x80: {  	[tilespmem:v8+s4+$0x0] =	vst.idx.add.s32.msk vm3, v2  }
0x81: {  	v8 =	vld [tilespmem:s26+$0xFFFFFFD0];
	_ =	sdelay $0x1  }
0x82: {  	v9 =	vsub.s32 v9, v3  }
0x83: {  	vm3 =	vlt.u32 v9, $0x400  }
0x84: {  	v9 =	vadd.s32 v1, v9  }
0x85: {  	v8 =	vsub.s32 v8, v3  }
0x86: {  	vm4 =	vlt.u32 v8, $0x400  }
0x87: {  	v8 =	vadd.s32 v1, v8;
	_ =	sdelay $0x1  }
0x88: {  	[tilespmem:v9+s4+$0x0] =	vst.idx.add.s32.msk vm3, v2  }
0x89: {  	vm3 =	vlt.u32 v10, $0x400;
	v9 =	vld [tilespmem:s25+$0xFFFFFFE0]  }
0x8a: {  	v10 =	vadd.s32 v1, v10  }
0x8b: {  	[tilespmem:v8+s4+$0x0] =	vst.idx.add.s32.msk vm4, v2  }
0x8c: {  	v8 =	vld [tilespmem:s26+$0xFFFFFFE0];
	_ =	sdelay $0x1  }
0x8d: {  	v9 =	vsub.s32 v9, v3  }
0x8e: {  	[tilespmem:v10+s4+$0x0] =	vst.idx.add.s32.msk vm3, v2;
	vm4 =	vlt.u32 v9, $0x400  }
0x8f: {  	v9 =	vadd.s32 v1, v9;
	v10 =	vld [tilespmem:s24+$0xFFFFFFF0]  }
0x90: {  	v8 =	vsub.s32 v8, v3  }
0x91: {  	vm5 =	vlt.u32 v8, $0x400  }
0x92: {  	v8 =	vadd.s32 v1, v8;
	_ =	sdelay $0x1  }
0x93: {  	v10 =	vsub.s32 v10, v3;
	[tilespmem:v9+s4+$0x0] =	vst.idx.add.s32.msk vm4, v2  }
0x94: {  	vm3 =	vlt.u32 v10, $0x400;
	v9 =	vld [tilespmem:s25+$0xFFFFFFF0]  }
0x95: {  	v10 =	vadd.s32 v1, v10  }
0x96: {  	[tilespmem:v8+s4+$0x0] =	vst.idx.add.s32.msk vm5, v2  }
0x97: {  	v8 =	vld [tilespmem:s26+$0xFFFFFFF0];
	_ =	sdelay $0x1  }
0x98: {  	v9 =	vsub.s32 v9, v3  }
0x99: {  	[tilespmem:v10+s4+$0x0] =	vst.idx.add.s32.msk vm3, v2;
	vm4 =	vlt.u32 v9, $0x400  }
0x9a: {  	v9 =	vadd.s32 v1, v9;
	v10 =	vld [tilespmem:s24+$0x0]  }
0x9b: {  	v8 =	vsub.s32 v8, v3  }
0x9c: {  	[tilespmem:v7+s4+$0x0] =	vst.idx.add.s32.msk vm2, v2;
	vm2 =	vlt.u32 v8, $0x400  }
0x9d: {  	v7 =	vld [tilespmem:s23+$0x0];
	v8 =	vadd.s32 v1, v8;
	_ =	sdelay $0x1  }
0x9e: {  	v10 =	vsub.s32 v10, v3;
	[tilespmem:v9+s4+$0x0] =	vst.idx.add.s32.msk vm4, v2  }
0x9f: {  	vm3 =	vlt.u32 v10, $0x400;
	v9 =	vld [tilespmem:s25+$0x0]  }
0xa0: {  	v10 =	vadd.s32 v1, v10  }
0xa1: {  	v7 =	vsub.s32 v7, v3;
	[tilespmem:v8+s4+$0x0] =	vst.idx.add.s32.msk vm2, v2  }
0xa2: {  	vm2 =	vlt.u32 v7, $0x400;
	v8 =	vld [tilespmem:s26+$0x0]  }
0xa3: {  	[tilespmem:v6+s4+$0x0] =	vst.idx.add.s32.msk vm1, v2;
	v7 =	vadd.s32 v1, v7  }
0xa4: {  	v6 =	vld [tilespmem:s22+$0x10];
	v9 =	vsub.s32 v9, v3  }
0xa5: {  	[tilespmem:v10+s4+$0x0] =	vst.idx.add.s32.msk vm3, v2;
	vm1 =	vlt.u32 v9, $0x400  }
0xa6: {  	v9 =	vadd.s32 v1, v9;
	v10 =	vld [tilespmem:s24+$0x10]  }
0xa7: {  	v8 =	vsub.s32 v8, v3  }
0xa8: {  	[tilespmem:v7+s4+$0x0] =	vst.idx.add.s32.msk vm2, v2;
	vm2 =	vlt.u32 v8, $0x400  }
0xa9: {  	v7 =	vld [tilespmem:s23+$0x10];
	v8 =	vadd.s32 v1, v8  }
0xaa: {  	[tilespmem:v5+s4+$0x0] =	vst.idx.add.s32.msk vm0, v2;
	v6 =	vsub.s32 v6, v3  }
0xab: {  	v10 =	vsub.s32 v10, v3;
	[tilespmem:v9+s4+$0x0] =	vst.idx.add.s32.msk vm1, v2;
	vm1 =	vlt.u32 v6, $0x400  }
0xac: {  	v5 =	vld [tilespmem:s21+$0x20];
	v6 =	vadd.s32 v1, v6;
	vm0 =	vlt.u32 v10, $0x400  }
0xad: {  	v10 =	vadd.s32 v1, v10;
	v9 =	vld [tilespmem:s25+$0x10]  }
0xae: {  	v7 =	vsub.s32 v7, v3;
	[tilespmem:v8+s4+$0x0] =	vst.idx.add.s32.msk vm2, v2  }
0xaf: {  	vm2 =	vlt.u32 v7, $0x400;
	v8 =	vld [tilespmem:s26+$0x10]  }
0xb0: {  	v7 =	vadd.s32 v1, v7  }
0xb1: {  	v5 =	vsub.s32 v5, v3;
	[tilespmem:v6+s4+$0x0] =	vst.idx.add.s32.msk vm1, v2  }
0xb2: {  	v9 =	vsub.s32 v9, v3;
	[tilespmem:v10+s4+$0x0] =	vst.idx.add.s32.msk vm0, v2;
	vm0 =	vlt.u32 v5, $0x400  }
0xb3: {  	v5 =	vadd.s32 v1, v5;
	vm1 =	vlt.u32 v9, $0x400;
	v6 =	vld [tilespmem:s22+$0x20]  }
0xb4: {  	v9 =	vadd.s32 v1, v9;
	v10 =	vld [tilespmem:s24+$0x20];
	v8 =	vsub.s32 v8, v3  }
0xb5: {  	[tilespmem:v7+s4+$0x0] =	vst.idx.add.s32.msk vm2, v2;
	vm2 =	vlt.u32 v8, $0x400  }
0xb6: {  	v7 =	vld [tilespmem:s23+$0x20];
	v8 =	vadd.s32 v1, v8;
	_ =	sdelay $0x1  }
0xb7: {  	[tilespmem:v5+s4+$0x0] =	vst.idx.add.s32.msk vm0, v2  }
0xb8: {  	v6 =	vsub.s32 v6, v3;
	[tilespmem:v9+s4+$0x0] =	vst.idx.add.s32.msk vm1, v2  }
0xb9: {  	v10 =	vsub.s32 v10, v3;
	vm1 =	vlt.u32 v6, $0x400;
	v9 =	vld [tilespmem:s25+$0x20]  }
0xba: {  	v6 =	vadd.s32 v1, v6;
	vm0 =	vlt.u32 v10, $0x400;
	v7 =	vsub.s32 v7, v3;
	[tilespmem:v8+s4+$0x0] =	vst.idx.add.s32.msk vm2, v2  }
0xbb: {  	v10 =	vadd.s32 v1, v10;
	vm2 =	vlt.u32 v7, $0x400;
	v8 =	vld [tilespmem:s26+$0x20]  }
0xbc: {  	v7 =	vadd.s32 v1, v7;
	_ =	sdelay $0x1  }
0xbd: {  	v5 =	vld [tilespmem:s21+$0x30];
	v9 =	vsub.s32 v9, v3  }
0xbe: {  	[tilespmem:v6+s4+$0x0] =	vst.idx.add.s32.msk vm1, v2;
	vm1 =	vlt.u32 v9, $0x400  }
0xbf: {  	[tilespmem:v10+s4+$0x0] =	vst.idx.add.s32.msk vm0, v2;
	v9 =	vadd.s32 v1, v9;
	v8 =	vsub.s32 v8, v3  }
0xc0: {  	[tilespmem:v7+s4+$0x0] =	vst.idx.add.s32.msk vm2, v2;
	vm2 =	vlt.u32 v8, $0x400  }
0xc1: {  	v6 =	vld [tilespmem:s22+$0x30];
	v8 =	vadd.s32 v1, v8  }
0xc2: {  	v10 =	vld [tilespmem:s24+$0x30]  }
0xc3: {  	v7 =	vld [tilespmem:s23+$0x30]  }
0xc4: {  	[tilespmem:v9+s4+$0x0] =	vst.idx.add.s32.msk vm1, v2  }
0xc5: {  	v9 =	vld [tilespmem:s25+$0x30]  }
0xc6: {  	v4 =	vsub.s32 v4, v3;
	[tilespmem:v8+s4+$0x0] =	vst.idx.add.s32.msk vm2, v2  }
0xc7: {  	v5 =	vsub.s32 v5, v3;
	vm0 =	vlt.u32 v4, $0x400;
	v8 =	vld [tilespmem:s26+$0x30]  }
0xc8: {  	v4 =	vadd.s32 v1, v4;
	v10 =	vsub.s32 v10, v3;
	vm1 =	vlt.u32 v5, $0x400  }
0xc9: {  	v6 =	vsub.s32 v6, v3;
	v5 =	vadd.s32 v1, v5;
	vm4 =	vlt.u32 v10, $0x400  }
0xca: {  	v10 =	vadd.s32 v1, v10;
	v7 =	vsub.s32 v7, v3;
	vm2 =	vlt.u32 v6, $0x400  }
0xcb: {  	v6 =	vadd.s32 v1, v6;
	vm3 =	vlt.u32 v7, $0x400;
	v9 =	vsub.s32 v9, v3  }
0xcc: {  	v7 =	vadd.s32 v1, v7;
	vm5 =	vlt.u32 v9, $0x400;
	v8 =	vsub.s32 v8, v3  }
0xcd: {  	[tilespmem:v4+s4+$0x0] =	vst.idx.add.s32.msk vm0, v2;
	v4 =	vadd.s32 v1, v9;
	vm0 =	vlt.u32 v8, $0x400  }
0xce: {  	[tilespmem:v5+s4+$0x0] =	vst.idx.add.s32.msk vm1, v2;
	v5 =	vadd.s32 v1, v8  }
0xcf: {  	[tilespmem:v10+s4+$0x0] =	vst.idx.add.s32.msk vm4, v2  }
0xd0: {  	s21 =	sshll.u32 s20, $0xF;
	[tilespmem:v6+s4+$0x0] =	vst.idx.add.s32.msk vm2, v2  }
0xd1: {  	s31 =	sadd.s32 s21, s7;
	[tilespmem:v7+s4+$0x0] =	vst.idx.add.s32.msk vm3, v2  }
0xd2: {  	s22 =	sshrl.u32 s31, $0x3;
	[tilespmem:v4+s4+$0x0] =	vst.idx.add.s32.msk vm5, v2  }
0xd3: {  	s22 =	sadd.s32 s1, s22;
	[tilespmem:v5+s4+$0x0] =	vst.idx.add.s32.msk vm0, v2  }
0xd4: {  	[tilespmem:s13], [sflag:$0x1] =	stream.linear.gather [hbm4b:s22+s4], $0x4000, $0x38;
	[tilespmem:$0x10080] =	vst v63  }
0xd5: {  	_ =	swait.ge [sflag:s16], $0x4000  }
0xd6: {  	[sflag:s16] =	ssyncset.done $0x0  }
0xd7: {  	s29 =	simm.s32 $0xC040;
	[sflag:s16] =	ssyncadd.s32 $0xFFFFC000  }
0xd8: {  	v4 =	vld [tilespmem:s29+$0xFFFFFFC0];
	_ =	sdelay $0x4  }
0xd9: {  	v4 =	vsub.s32 v4, v3  }
0xda: {  	vm0 =	vlt.u32 v4, $0x400  }
0xdb: {  	v4 =	vadd.s32 v1, v4;
	_ =	sdelay $0x2  }
0xdc: {  	s22 =	simm.s32 $0xC0C0  }
0xdd: {  	v5 =	vld [tilespmem:s22+$0xFFFFFFC0]  }
0xde: {  	[tilespmem:v4+s4+$0x0] =	vst.idx.add.s32.msk vm0, v2  }
0xdf: {  	v4 =	vld [tilespmem:s29+$0xFFFFFFD0];
	_ =	sdelay $0x2  }
0xe0: {  	v5 =	vsub.s32 v5, v3  }
0xe1: {  	vm1 =	vlt.u32 v5, $0x400  }
0xe2: {  	v5 =	vadd.s32 v1, v5;
	v4 =	vsub.s32 v4, v3  }
0xe3: {  	vm0 =	vlt.u32 v4, $0x400  }
0xe4: {  	v4 =	vadd.s32 v1, v4;
	_ =	sdelay $0x2  }
0xe5: {  	[tilespmem:v5+s4+$0x0] =	vst.idx.add.s32.msk vm1, v2  }
0xe6: {  	v5 =	vld [tilespmem:s22+$0xFFFFFFD0]  }
0xe7: {  	[tilespmem:v4+s4+$0x0] =	vst.idx.add.s32.msk vm0, v2  }
0xe8: {  	v4 =	vld [tilespmem:s29+$0xFFFFFFE0];
	_ =	sdelay $0x3  }
0xe9: {  	s23 =	simm.s32 $0xC140;
	v5 =	vsub.s32 v5, v3  }
0xea: {  	v6 =	vld [tilespmem:s23+$0xFFFFFFC0];
	vm1 =	vlt.u32 v5, $0x400;
	v4 =	vsub.s32 v4, v3  }
0xeb: {  	v5 =	vadd.s32 v1, v5;
	vm0 =	vlt.u32 v4, $0x400  }
0xec: {  	v4 =	vadd.s32 v1, v4;
	_ =	sdelay $0x2  }
0xed: {  	v6 =	vsub.s32 v6, v3  }
0xee: {  	vm2 =	vlt.u32 v6, $0x400;
	[tilespmem:v5+s4+$0x0] =	vst.idx.add.s32.msk vm1, v2  }
0xef: {  	v6 =	vadd.s32 v1, v6;
	[tilespmem:v4+s4+$0x0] =	vst.idx.add.s32.msk vm0, v2  }
0xf0: {  	v4 =	vld [tilespmem:s29+$0xFFFFFFF0]  }
0xf1: {  	v5 =	vld [tilespmem:s22+$0xFFFFFFE0];
	_ =	sdelay $0x2  }
0xf2: {  	[tilespmem:v6+s4+$0x0] =	vst.idx.add.s32.msk vm2, v2  }
0xf3: {  	v6 =	vld [tilespmem:s23+$0xFFFFFFD0];
	v4 =	vsub.s32 v4, v3  }
0xf4: {  	v5 =	vsub.s32 v5, v3;
	vm0 =	vlt.u32 v4, $0x400  }
0xf5: {  	s24 =	simm.s32 $0xC1C0;
	vm1 =	vlt.u32 v5, $0x400;
	v4 =	vadd.s32 v1, v4  }
0xf6: {  	v7 =	vld [tilespmem:s24+$0xFFFFFFC0];
	v5 =	vadd.s32 v1, v5;
	_ =	sdelay $0x1  }
0xf7: {  	v6 =	vsub.s32 v6, v3  }
0xf8: {  	vm2 =	vlt.u32 v6, $0x400  }
0xf9: {  	[tilespmem:v4+s4+$0x0] =	vst.idx.add.s32.msk vm0, v2;
	v4 =	vadd.s32 v1, v6  }
0xfa: {  	[tilespmem:v5+s4+$0x0] =	vst.idx.add.s32.msk vm1, v2;
	v6 =	vsub.s32 v7, v3  }
0xfb: {  	v7 =	vld [tilespmem:s29+$0x0];
	vm0 =	vlt.u32 v6, $0x400  }
0xfc: {  	v5 =	vadd.s32 v1, v6;
	v6 =	vld [tilespmem:s22+$0xFFFFFFF0];
	_ =	sdelay $0x1  }
0xfd: {  	[tilespmem:v4+s4+$0x0] =	vst.idx.add.s32.msk vm2, v2  }
0xfe: {  	v4 =	vld [tilespmem:s23+$0xFFFFFFE0]  }
0xff: {  	v7 =	vsub.s32 v7, v3  }
0x100: {  	vm1 =	vlt.u32 v7, $0x400;
	[tilespmem:v5+s4+$0x0] =	vst.idx.add.s32.msk vm0, v2;
	v5 =	vsub.s32 v6, v3  }
0x101: {  	v6 =	vadd.s32 v1, v7;
	v7 =	vld [tilespmem:s24+$0xFFFFFFD0];
	vm0 =	vlt.u32 v5, $0x400  }
0x102: {  	v5 =	vadd.s32 v1, v5  }
0x103: {  	s25 =	simm.s32 $0xC240;
	v4 =	vsub.s32 v4, v3  }
0x104: {  	v8 =	vld [tilespmem:s25+$0xFFFFFFC0];
	vm2 =	vlt.u32 v4, $0x400  }
0x105: {  	v4 =	vadd.s32 v1, v4  }
0x106: {  	[tilespmem:v6+s4+$0x0] =	vst.idx.add.s32.msk vm1, v2;
	v6 =	vsub.s32 v7, v3  }
0x107: {  	vm1 =	vlt.u32 v6, $0x400;
	[tilespmem:v5+s4+$0x0] =	vst.idx.add.s32.msk vm0, v2  }
0x108: {  	v5 =	vadd.s32 v1, v6;
	v6 =	vld [tilespmem:s22+$0x0]  }
0x109: {  	v7 =	vsub.s32 v8, v3;
	v8 =	vld [tilespmem:s29+$0x10]  }
0x10a: {  	vm0 =	vlt.u32 v7, $0x400;
	[tilespmem:v4+s4+$0x0] =	vst.idx.add.s32.msk vm2, v2  }
0x10b: {  	v4 =	vadd.s32 v1, v7;
	v7 =	vld [tilespmem:s23+$0xFFFFFFF0];
	_ =	sdelay $0x1  }
0x10c: {  	[tilespmem:v5+s4+$0x0] =	vst.idx.add.s32.msk vm1, v2;
	v5 =	vsub.s32 v6, v3  }
0x10d: {  	v8 =	vsub.s32 v8, v3;
	v6 =	vld [tilespmem:s24+$0xFFFFFFE0];
	vm1 =	vlt.u32 v5, $0x400  }
0x10e: {  	vm2 =	vlt.u32 v8, $0x400;
	v5 =	vadd.s32 v1, v5  }
0x10f: {  	[tilespmem:v4+s4+$0x0] =	vst.idx.add.s32.msk vm0, v2;
	v4 =	vsub.s32 v7, v3;
	v7 =	vadd.s32 v1, v8  }
0x110: {  	v8 =	vld [tilespmem:s25+$0xFFFFFFD0];
	vm0 =	vlt.u32 v4, $0x400  }
0x111: {  	s26 =	simm.s32 $0xC2C0;
	v4 =	vadd.s32 v1, v4  }
0x112: {  	v9 =	vld [tilespmem:s26+$0xFFFFFFC0];
	v6 =	vsub.s32 v6, v3  }
0x113: {  	vm3 =	vlt.u32 v6, $0x400;
	[tilespmem:v5+s4+$0x0] =	vst.idx.add.s32.msk vm1, v2  }
0x114: {  	v5 =	vadd.s32 v1, v6;
	[tilespmem:v7+s4+$0x0] =	vst.idx.add.s32.msk vm2, v2  }
0x115: {  	v6 =	vsub.s32 v8, v3;
	v7 =	vld [tilespmem:s29+$0x20]  }
0x116: {  	vm1 =	vlt.u32 v6, $0x400;
	[tilespmem:v4+s4+$0x0] =	vst.idx.add.s32.msk vm0, v2  }
0x117: {  	v8 =	vsub.s32 v9, v3;
	v4 =	vadd.s32 v1, v6;
	v6 =	vld [tilespmem:s23+$0x0]  }
0x118: {  	v9 =	vld [tilespmem:s22+$0x10];
	vm0 =	vlt.u32 v8, $0x400  }
0x119: {  	[tilespmem:v5+s4+$0x0] =	vst.idx.add.s32.msk vm3, v2;
	v5 =	vadd.s32 v1, v8  }
0x11a: {  	s28 =	simm.s32 $0xC340;
	v8 =	vld [tilespmem:s24+$0xFFFFFFF0];
	v7 =	vsub.s32 v7, v3  }
0x11b: {  	v10 =	vld [tilespmem:s28+$0xFFFFFFC0];
	vm3 =	vlt.u32 v7, $0x400  }
0x11c: {  	[tilespmem:v4+s4+$0x0] =	vst.idx.add.s32.msk vm1, v2;
	v4 =	vadd.s32 v1, v7;
	v6 =	vsub.s32 v6, v3  }
0x11d: {  	v7 =	vsub.s32 v9, v3;
	v11 =	vld [tilespmem:s25+$0xFFFFFFE0];
	vm1 =	vlt.u32 v6, $0x400  }
0x11e: {  	v6 =	vadd.s32 v1, v6;
	[tilespmem:v5+s4+$0x0] =	vst.idx.add.s32.msk vm0, v2;
	vm0 =	vlt.u32 v7, $0x400  }
0x11f: {  	v5 =	vadd.s32 v1, v7;
	v8 =	vsub.s32 v8, v3  }
0x120: {  	v9 =	vld [tilespmem:s26+$0xFFFFFFD0];
	vm2 =	vlt.u32 v8, $0x400  }
0x121: {  	v10 =	vsub.s32 v10, v3;
	v7 =	vadd.s32 v1, v8;
	[tilespmem:v4+s4+$0x0] =	vst.idx.add.s32.msk vm3, v2  }
0x122: {  	s30 =	simm.s32 $0x300;
	v8 =	vadd.s32 v1, v10;
	vm3 =	vlt.u32 v10, $0x400;
	v10 =	vsub.s32 v11, v3;
	v4 =	vld [tilespmem:s29+$0x30]  }
.LBB2_7:
0x123: {  	s30 =	sadd.s32 $0x80, s30;
	vm4 =	vlt.u32 v10, $0x400;
	[tilespmem:v6+s4+$0x0] =	vst.idx.add.s32.msk vm1, v2;
	s29 =	smov.u32 s25;
	s25 =	smov.u32 s26  }
0x124: {  	v6 =	vadd.s32 v1, v10;
	s26 =	smov.u32 s28;
	p0 =	slt.u32 s30, $0x3F80;
	[tilespmem:v5+s4+$0x0] =	vst.idx.add.s32.msk vm0, v2  }
0x125: {  	v5 =	vsub.s32 v9, v3;
	v9 =	vld [tilespmem:s22+$0x20]  }
0x126: {  	vm0 =	vlt.u32 v5, $0x400;
	[tilespmem:v7+s4+$0x0] =	vst.idx.add.s32.msk vm2, v2  }
0x127: {  	v5 =	vadd.s32 v1, v5;
	v7 =	vld [tilespmem:s24+$0x0];
	v4 =	vsub.s32 v4, v3  }
0x128: {  	v10 =	vld [tilespmem:s23+$0x10];
	vm2 =	vlt.u32 v4, $0x400  }
0x129: {  	v4 =	vadd.s32 v1, v4;
	[tilespmem:v6+s4+$0x0] =	vst.idx.add.s32.msk vm4, v2  }
0x12a: {  	s28 =	sadd.s32 $0x80, s28;
	v11 =	vld [tilespmem:s29+$0xFFFFFFF0];
	v6 =	vsub.s32 v9, v3  }
0x12b: {  	v12 =	vld [tilespmem:s28+$0xFFFFFFC0];
	vm4 =	vlt.u32 v6, $0x400  }
0x12c: {  	v13 =	vadd.s32 v1, v6;
	[tilespmem:v5+s4+$0x0] =	vst.idx.add.s32.msk vm0, v2;
	v5 =	vsub.s32 v7, v3  }
0x12d: {  	v14 =	vld [tilespmem:s25+$0xFFFFFFE0];
	vm1 =	vlt.u32 v5, $0x400;
	v7 =	vsub.s32 v10, v3  }
.Ltmp2:
0x12e: {  	v6 =	vadd.s32 v1, v5;
	vm0 =	vlt.u32 v7, $0x400;
	[tilespmem:v4+s4+$0x0] =	vst.idx.add.s32.msk vm2, v2;
	(pc) =	sbr.rel @p0 .LBB2_7-.Ltmp2, $4  }
0x12f: {  	v5 =	vadd.s32 v1, v7;
	[tilespmem:v8+s4+$0x0] =	vst.idx.add.s32.msk vm3, v2;
	v4 =	vsub.s32 v11, v3  }
0x130: {  	v9 =	vld [tilespmem:s26+$0xFFFFFFD0];
	vm2 =	vlt.u32 v4, $0x400  }
0x131: {  	v8 =	vsub.s32 v12, v3;
	v7 =	vadd.s32 v1, v4;
	[tilespmem:v13+s4+$0x0] =	vst.idx.add.s32.msk vm4, v2  }
0x132: {  	vm3 =	vlt.u32 v8, $0x400;
	v8 =	vadd.s32 v1, v8;
	v10 =	vsub.s32 v14, v3;
	v4 =	vld [tilespmem:s22+$0x30];
	s22 =	smov.u32 s23;
	s23 =	smov.u32 s24;
	s24 =	smov.u32 s29  }
0x133: {  	_ =	sdelay $0x4  }
0x134: {  	[tilespmem:v8+s4+$0x0] =	vst.idx.add.s32.msk vm3, v2  }
0x135: {  	v8 =	vld [tilespmem:s28+$0xFFFFFFD0];
	_ =	sdelay $0x2  }
0x136: {  	v9 =	vsub.s32 v9, v3  }
0x137: {  	vm11 =	vlt.u32 v9, $0x400  }
0x138: {  	v9 =	vadd.s32 v1, v9;
	v8 =	vsub.s32 v8, v3  }
0x139: {  	vm4 =	vlt.u32 v8, $0x400  }
0x13a: {  	v8 =	vadd.s32 v1, v8;
	_ =	sdelay $0x2  }
0x13b: {  	[tilespmem:v9+s4+$0x0] =	vst.idx.add.s32.msk vm11, v2  }
0x13c: {  	v9 =	vld [tilespmem:s26+$0xFFFFFFE0]  }
0x13d: {  	[tilespmem:v8+s4+$0x0] =	vst.idx.add.s32.msk vm4, v2  }
0x13e: {  	v8 =	vld [tilespmem:s28+$0xFFFFFFE0];
	_ =	sdelay $0x1  }
0x13f: {  	vm12 =	vlt.u32 v10, $0x400  }
0x140: {  	v63 =	vadd.s32 v1, v10;
	v9 =	vsub.s32 v9, v3  }
0x141: {  	vm13 =	vlt.u32 v9, $0x400  }
0x142: {  	v9 =	vadd.s32 v1, v9;
	v8 =	vsub.s32 v8, v3  }
0x143: {  	vm5 =	vlt.u32 v8, $0x400  }
0x144: {  	v8 =	vadd.s32 v1, v8  }
0x145: {  	[tilespmem:v63+s4+$0x0] =	vst.idx.add.s32.msk vm12, v2  }
0x146: {  	v10 =	vld [tilespmem:s25+$0xFFFFFFF0]  }
0x147: {  	[tilespmem:v9+s4+$0x0] =	vst.idx.add.s32.msk vm13, v2  }
0x148: {  	v9 =	vld [tilespmem:s26+$0xFFFFFFF0]  }
0x149: {  	[tilespmem:v8+s4+$0x0] =	vst.idx.add.s32.msk vm5, v2  }
0x14a: {  	v8 =	vld [tilespmem:s28+$0xFFFFFFF0]  }
0x14b: {  	v10 =	vsub.s32 v10, v3  }
0x14c: {  	vm14 =	vlt.u32 v10, $0x400  }
0x14d: {  	v10 =	vadd.s32 v1, v10;
	v9 =	vsub.s32 v9, v3  }
0x14e: {  	vm15 =	vlt.u32 v9, $0x400  }
0x14f: {  	v9 =	vadd.s32 v1, v9;
	v8 =	vsub.s32 v8, v3  }
0x150: {  	[tilespmem:v7+s4+$0x0] =	vst.idx.add.s32.msk vm2, v2;
	vm5 =	vlt.u32 v8, $0x400  }
0x151: {  	v7 =	vld [tilespmem:s24+$0x0];
	v8 =	vadd.s32 v1, v8  }
0x152: {  	[tilespmem:v10+s4+$0x0] =	vst.idx.add.s32.msk vm14, v2  }
0x153: {  	v10 =	vld [tilespmem:s25+$0x0]  }
0x154: {  	[tilespmem:v9+s4+$0x0] =	vst.idx.add.s32.msk vm15, v2  }
0x155: {  	v9 =	vld [tilespmem:s26+$0x0]  }
0x156: {  	v7 =	vsub.s32 v7, v3;
	[tilespmem:v8+s4+$0x0] =	vst.idx.add.s32.msk vm5, v2  }
0x157: {  	vm6 =	vlt.u32 v7, $0x400;
	v8 =	vld [tilespmem:s28+$0x0]  }
0x158: {  	v7 =	vadd.s32 v1, v7;
	v10 =	vsub.s32 v10, v3  }
0x159: {  	[tilespmem:v6+s4+$0x0] =	vst.idx.add.s32.msk vm1, v2;
	vm7 =	vlt.u32 v10, $0x400  }
0x15a: {  	v6 =	vld [tilespmem:s23+$0x10];
	v10 =	vadd.s32 v1, v10;
	v9 =	vsub.s32 v9, v3  }
0x15b: {  	vm8 =	vlt.u32 v9, $0x400  }
0x15c: {  	v9 =	vadd.s32 v1, v9;
	v8 =	vsub.s32 v8, v3  }
0x15d: {  	[tilespmem:v7+s4+$0x0] =	vst.idx.add.s32.msk vm6, v2;
	vm9 =	vlt.u32 v8, $0x400  }
0x15e: {  	v7 =	vld [tilespmem:s24+$0x10];
	v8 =	vadd.s32 v1, v8  }
0x15f: {  	v6 =	vsub.s32 v6, v3;
	[tilespmem:v10+s4+$0x0] =	vst.idx.add.s32.msk vm7, v2  }
0x160: {  	vm10 =	vlt.u32 v6, $0x400;
	v10 =	vld [tilespmem:s25+$0x10]  }
0x161: {  	v6 =	vadd.s32 v1, v6;
	[tilespmem:v9+s4+$0x0] =	vst.idx.add.s32.msk vm8, v2  }
0x162: {  	v9 =	vld [tilespmem:s26+$0x10]  }
0x163: {  	v7 =	vsub.s32 v7, v3;
	[tilespmem:v8+s4+$0x0] =	vst.idx.add.s32.msk vm9, v2  }
0x164: {  	vm11 =	vlt.u32 v7, $0x400;
	v8 =	vld [tilespmem:s28+$0x10]  }
0x165: {  	v7 =	vadd.s32 v1, v7;
	v10 =	vsub.s32 v10, v3  }
0x166: {  	[tilespmem:v6+s4+$0x0] =	vst.idx.add.s32.msk vm10, v2;
	vm12 =	vlt.u32 v10, $0x400  }
0x167: {  	v6 =	vld [tilespmem:s23+$0x20];
	v10 =	vadd.s32 v1, v10;
	v9 =	vsub.s32 v9, v3  }
0x168: {  	[tilespmem:v5+s4+$0x0] =	vst.idx.add.s32.msk vm0, v2;
	vm13 =	vlt.u32 v9, $0x400  }
0x169: {  	v5 =	vld [tilespmem:s22+$0x20];
	v9 =	vadd.s32 v1, v9;
	v8 =	vsub.s32 v8, v3  }
0x16a: {  	[tilespmem:v7+s4+$0x0] =	vst.idx.add.s32.msk vm11, v2;
	vm14 =	vlt.u32 v8, $0x400  }
0x16b: {  	v7 =	vld [tilespmem:s24+$0x20];
	v8 =	vadd.s32 v1, v8  }
0x16c: {  	v6 =	vsub.s32 v6, v3;
	[tilespmem:v10+s4+$0x0] =	vst.idx.add.s32.msk vm12, v2  }
0x16d: {  	vm4 =	vlt.u32 v6, $0x400;
	v10 =	vld [tilespmem:s25+$0x20]  }
0x16e: {  	v5 =	vsub.s32 v5, v3;
	v6 =	vadd.s32 v1, v6;
	[tilespmem:v9+s4+$0x0] =	vst.idx.add.s32.msk vm13, v2  }
0x16f: {  	vm15 =	vlt.u32 v5, $0x400;
	v9 =	vld [tilespmem:s26+$0x20]  }
0x170: {  	v7 =	vsub.s32 v7, v3;
	v5 =	vadd.s32 v1, v5;
	[tilespmem:v8+s4+$0x0] =	vst.idx.add.s32.msk vm14, v2  }
0x171: {  	vm5 =	vlt.u32 v7, $0x400;
	v8 =	vld [tilespmem:s28+$0x20]  }
0x172: {  	v7 =	vadd.s32 v1, v7;
	v10 =	vsub.s32 v10, v3  }
0x173: {  	[tilespmem:v6+s4+$0x0] =	vst.idx.add.s32.msk vm4, v2;
	vm6 =	vlt.u32 v10, $0x400  }
0x174: {  	v6 =	vld [tilespmem:s23+$0x30];
	v10 =	vadd.s32 v1, v10;
	v9 =	vsub.s32 v9, v3  }
0x175: {  	[tilespmem:v5+s4+$0x0] =	vst.idx.add.s32.msk vm15, v2;
	vm7 =	vlt.u32 v9, $0x400  }
0x176: {  	v5 =	vld [tilespmem:s22+$0x30];
	v9 =	vadd.s32 v1, v9;
	v8 =	vsub.s32 v8, v3  }
0x177: {  	[tilespmem:v7+s4+$0x0] =	vst.idx.add.s32.msk vm5, v2;
	vm8 =	vlt.u32 v8, $0x400  }
0x178: {  	v7 =	vld [tilespmem:s24+$0x30];
	v8 =	vadd.s32 v1, v8  }
0x179: {  	[tilespmem:v10+s4+$0x0] =	vst.idx.add.s32.msk vm6, v2  }
0x17a: {  	v10 =	vld [tilespmem:s25+$0x30]  }
0x17b: {  	[tilespmem:v9+s4+$0x0] =	vst.idx.add.s32.msk vm7, v2  }
0x17c: {  	v9 =	vld [tilespmem:s26+$0x30]  }
0x17d: {  	v4 =	vsub.s32 v4, v3;
	[tilespmem:v8+s4+$0x0] =	vst.idx.add.s32.msk vm8, v2  }
0x17e: {  	v5 =	vsub.s32 v5, v3;
	vm9 =	vlt.u32 v4, $0x400;
	v8 =	vld [tilespmem:s28+$0x30]  }
0x17f: {  	v6 =	vsub.s32 v6, v3;
	vm10 =	vlt.u32 v5, $0x400;
	v4 =	vadd.s32 v1, v4  }
0x180: {  	vm11 =	vlt.u32 v6, $0x400;
	v5 =	vadd.s32 v1, v5;
	v7 =	vsub.s32 v7, v3  }
0x181: {  	v6 =	vadd.s32 v1, v6;
	vm12 =	vlt.u32 v7, $0x400;
	v10 =	vsub.s32 v10, v3  }
0x182: {  	v7 =	vadd.s32 v1, v7;
	vm13 =	vlt.u32 v10, $0x400;
	v9 =	vsub.s32 v9, v3  }
0x183: {  	v10 =	vadd.s32 v1, v10;
	vm14 =	vlt.u32 v9, $0x400;
	v8 =	vsub.s32 v8, v3  }
0x184: {  	[tilespmem:v4+s4+$0x0] =	vst.idx.add.s32.msk vm9, v2;
	v4 =	vadd.s32 v1, v9;
	vm15 =	vlt.u32 v8, $0x400  }
0x185: {  	s20 =	sadd.s32 $0x1, s20;
	[tilespmem:v5+s4+$0x0] =	vst.idx.add.s32.msk vm10, v2;
	v5 =	vadd.s32 v1, v8  }
0x186: {  	p0 =	sne.s32 s20, $0x3F;
	[tilespmem:v6+s4+$0x0] =	vst.idx.add.s32.msk vm11, v2  }
.Ltmp3:
0x187: {  	[tilespmem:v7+s4+$0x0] =	vst.idx.add.s32.msk vm12, v2;
	(pc) =	sbr.rel @p0 .LBB2_4-.Ltmp3, $4  }
0x188: {  	s21 =	sadd.s32 s21, s8;
	[tilespmem:v10+s4+$0x0] =	vst.idx.add.s32.msk vm13, v2  }
0x189: {  	s21 =	sshrl.u32 s21, $0x3;
	[tilespmem:v4+s4+$0x0] =	vst.idx.add.s32.msk vm14, v2  }
0x18a: {  	s21 =	sadd.s32 s1, s21;
	[tilespmem:v5+s4+$0x0] =	vst.idx.add.s32.msk vm15, v2  }
0x18b: {  	[tilespmem:s14], [sflag:$0x2] =	stream.linear.gather [hbm4b:s21+s4], $0x4000, $0x38;
	[tilespmem:$0x10080] =	vst v63  }
0x18c: {  	_ =	swait.ge [sflag:s15], $0x4000  }
0x18d: {  	[sflag:s15] =	ssyncset.done $0x0  }
0x18e: {  	s26 =	simm.s32 $0x8040;
	[sflag:s15] =	ssyncadd.s32 $0xFFFFC000  }
0x18f: {  	v4 =	vld [tilespmem:s26+$0xFFFFFFC0];
	_ =	sdelay $0x4  }
0x190: {  	v4 =	vsub.s32 v4, v3  }
0x191: {  	vm0 =	vlt.u32 v4, $0x400  }
0x192: {  	v4 =	vadd.s32 v1, v4;
	_ =	sdelay $0x2  }
0x193: {  	s20 =	simm.s32 $0x80C0  }
0x194: {  	v5 =	vld [tilespmem:s20+$0xFFFFFFC0]  }
0x195: {  	[tilespmem:v4+s4+$0x0] =	vst.idx.add.s32.msk vm0, v2  }
0x196: {  	v4 =	vld [tilespmem:s26+$0xFFFFFFD0];
	_ =	sdelay $0x2  }
0x197: {  	v5 =	vsub.s32 v5, v3  }
0x198: {  	vm1 =	vlt.u32 v5, $0x400  }
0x199: {  	v5 =	vadd.s32 v1, v5;
	v4 =	vsub.s32 v4, v3  }
0x19a: {  	vm0 =	vlt.u32 v4, $0x400  }
0x19b: {  	v4 =	vadd.s32 v1, v4;
	_ =	sdelay $0x2  }
0x19c: {  	[tilespmem:v5+s4+$0x0] =	vst.idx.add.s32.msk vm1, v2  }
0x19d: {  	v5 =	vld [tilespmem:s20+$0xFFFFFFD0]  }
0x19e: {  	[tilespmem:v4+s4+$0x0] =	vst.idx.add.s32.msk vm0, v2  }
0x19f: {  	v4 =	vld [tilespmem:s26+$0xFFFFFFE0];
	_ =	sdelay $0x3  }
0x1a0: {  	s21 =	simm.s32 $0x8140;
	v5 =	vsub.s32 v5, v3  }
0x1a1: {  	v6 =	vld [tilespmem:s21+$0xFFFFFFC0];
	vm1 =	vlt.u32 v5, $0x400;
	v4 =	vsub.s32 v4, v3  }
0x1a2: {  	v5 =	vadd.s32 v1, v5;
	vm0 =	vlt.u32 v4, $0x400  }
0x1a3: {  	v4 =	vadd.s32 v1, v4;
	_ =	sdelay $0x2  }
0x1a4: {  	v6 =	vsub.s32 v6, v3  }
0x1a5: {  	vm2 =	vlt.u32 v6, $0x400;
	[tilespmem:v5+s4+$0x0] =	vst.idx.add.s32.msk vm1, v2  }
0x1a6: {  	v6 =	vadd.s32 v1, v6;
	[tilespmem:v4+s4+$0x0] =	vst.idx.add.s32.msk vm0, v2  }
0x1a7: {  	v4 =	vld [tilespmem:s26+$0xFFFFFFF0]  }
0x1a8: {  	v5 =	vld [tilespmem:s20+$0xFFFFFFE0];
	_ =	sdelay $0x2  }
0x1a9: {  	[tilespmem:v6+s4+$0x0] =	vst.idx.add.s32.msk vm2, v2  }
0x1aa: {  	v6 =	vld [tilespmem:s21+$0xFFFFFFD0];
	v4 =	vsub.s32 v4, v3  }
0x1ab: {  	v5 =	vsub.s32 v5, v3;
	vm0 =	vlt.u32 v4, $0x400  }
0x1ac: {  	s22 =	simm.s32 $0x81C0;
	vm1 =	vlt.u32 v5, $0x400;
	v4 =	vadd.s32 v1, v4  }
0x1ad: {  	v7 =	vld [tilespmem:s22+$0xFFFFFFC0];
	v5 =	vadd.s32 v1, v5;
	_ =	sdelay $0x1  }
0x1ae: {  	v6 =	vsub.s32 v6, v3  }
0x1af: {  	vm2 =	vlt.u32 v6, $0x400  }
0x1b0: {  	[tilespmem:v4+s4+$0x0] =	vst.idx.add.s32.msk vm0, v2;
	v4 =	vadd.s32 v1, v6  }
0x1b1: {  	[tilespmem:v5+s4+$0x0] =	vst.idx.add.s32.msk vm1, v2;
	v6 =	vsub.s32 v7, v3  }
0x1b2: {  	v7 =	vld [tilespmem:s26+$0x0];
	vm0 =	vlt.u32 v6, $0x400  }
0x1b3: {  	v5 =	vadd.s32 v1, v6;
	v6 =	vld [tilespmem:s20+$0xFFFFFFF0];
	_ =	sdelay $0x1  }
0x1b4: {  	[tilespmem:v4+s4+$0x0] =	vst.idx.add.s32.msk vm2, v2  }
0x1b5: {  	v4 =	vld [tilespmem:s21+$0xFFFFFFE0]  }
0x1b6: {  	v7 =	vsub.s32 v7, v3  }
0x1b7: {  	vm1 =	vlt.u32 v7, $0x400;
	[tilespmem:v5+s4+$0x0] =	vst.idx.add.s32.msk vm0, v2;
	v5 =	vsub.s32 v6, v3  }
0x1b8: {  	v6 =	vadd.s32 v1, v7;
	v7 =	vld [tilespmem:s22+$0xFFFFFFD0];
	vm0 =	vlt.u32 v5, $0x400  }
0x1b9: {  	v5 =	vadd.s32 v1, v5  }
0x1ba: {  	s23 =	simm.s32 $0x8240;
	v4 =	vsub.s32 v4, v3  }
0x1bb: {  	v8 =	vld [tilespmem:s23+$0xFFFFFFC0];
	vm2 =	vlt.u32 v4, $0x400  }
0x1bc: {  	v4 =	vadd.s32 v1, v4  }
0x1bd: {  	[tilespmem:v6+s4+$0x0] =	vst.idx.add.s32.msk vm1, v2;
	v6 =	vsub.s32 v7, v3  }
0x1be: {  	vm1 =	vlt.u32 v6, $0x400;
	[tilespmem:v5+s4+$0x0] =	vst.idx.add.s32.msk vm0, v2  }
0x1bf: {  	v5 =	vadd.s32 v1, v6;
	v6 =	vld [tilespmem:s20+$0x0]  }
0x1c0: {  	v7 =	vsub.s32 v8, v3;
	v8 =	vld [tilespmem:s26+$0x10]  }
0x1c1: {  	vm0 =	vlt.u32 v7, $0x400;
	[tilespmem:v4+s4+$0x0] =	vst.idx.add.s32.msk vm2, v2  }
0x1c2: {  	v4 =	vadd.s32 v1, v7;
	v7 =	vld [tilespmem:s21+$0xFFFFFFF0];
	_ =	sdelay $0x1  }
0x1c3: {  	[tilespmem:v5+s4+$0x0] =	vst.idx.add.s32.msk vm1, v2;
	v5 =	vsub.s32 v6, v3  }
0x1c4: {  	v8 =	vsub.s32 v8, v3;
	v6 =	vld [tilespmem:s22+$0xFFFFFFE0];
	vm1 =	vlt.u32 v5, $0x400  }
0x1c5: {  	vm2 =	vlt.u32 v8, $0x400;
	v5 =	vadd.s32 v1, v5  }
0x1c6: {  	[tilespmem:v4+s4+$0x0] =	vst.idx.add.s32.msk vm0, v2;
	v4 =	vsub.s32 v7, v3;
	v7 =	vadd.s32 v1, v8  }
0x1c7: {  	v8 =	vld [tilespmem:s23+$0xFFFFFFD0];
	vm0 =	vlt.u32 v4, $0x400  }
0x1c8: {  	s24 =	simm.s32 $0x82C0;
	v4 =	vadd.s32 v1, v4  }
0x1c9: {  	v9 =	vld [tilespmem:s24+$0xFFFFFFC0];
	v6 =	vsub.s32 v6, v3  }
0x1ca: {  	vm3 =	vlt.u32 v6, $0x400;
	[tilespmem:v5+s4+$0x0] =	vst.idx.add.s32.msk vm1, v2  }
0x1cb: {  	v5 =	vadd.s32 v1, v6;
	[tilespmem:v7+s4+$0x0] =	vst.idx.add.s32.msk vm2, v2  }
0x1cc: {  	v6 =	vsub.s32 v8, v3;
	v7 =	vld [tilespmem:s26+$0x20]  }
0x1cd: {  	vm1 =	vlt.u32 v6, $0x400;
	[tilespmem:v4+s4+$0x0] =	vst.idx.add.s32.msk vm0, v2  }
0x1ce: {  	v8 =	vsub.s32 v9, v3;
	v4 =	vadd.s32 v1, v6;
	v6 =	vld [tilespmem:s21+$0x0]  }
0x1cf: {  	v9 =	vld [tilespmem:s20+$0x10];
	vm0 =	vlt.u32 v8, $0x400  }
0x1d0: {  	[tilespmem:v5+s4+$0x0] =	vst.idx.add.s32.msk vm3, v2;
	v5 =	vadd.s32 v1, v8  }
0x1d1: {  	s25 =	simm.s32 $0x8340;
	v8 =	vld [tilespmem:s22+$0xFFFFFFF0];
	v7 =	vsub.s32 v7, v3  }
0x1d2: {  	v10 =	vld [tilespmem:s25+$0xFFFFFFC0];
	vm3 =	vlt.u32 v7, $0x400  }
0x1d3: {  	[tilespmem:v4+s4+$0x0] =	vst.idx.add.s32.msk vm1, v2;
	v4 =	vadd.s32 v1, v7;
	v6 =	vsub.s32 v6, v3  }
0x1d4: {  	v7 =	vsub.s32 v9, v3;
	v11 =	vld [tilespmem:s23+$0xFFFFFFE0];
	vm1 =	vlt.u32 v6, $0x400  }
0x1d5: {  	v6 =	vadd.s32 v1, v6;
	[tilespmem:v5+s4+$0x0] =	vst.idx.add.s32.msk vm0, v2;
	vm0 =	vlt.u32 v7, $0x400  }
0x1d6: {  	v5 =	vadd.s32 v1, v7;
	v8 =	vsub.s32 v8, v3  }
0x1d7: {  	v9 =	vld [tilespmem:s24+$0xFFFFFFD0];
	vm2 =	vlt.u32 v8, $0x400  }
0x1d8: {  	v10 =	vsub.s32 v10, v3;
	v7 =	vadd.s32 v1, v8;
	[tilespmem:v4+s4+$0x0] =	vst.idx.add.s32.msk vm3, v2  }
0x1d9: {  	s28 =	simm.s32 $0x300;
	v8 =	vadd.s32 v1, v10;
	vm3 =	vlt.u32 v10, $0x400;
	v10 =	vsub.s32 v11, v3;
	v4 =	vld [tilespmem:s26+$0x30]  }
.LBB2_10:
0x1da: {  	s28 =	sadd.s32 $0x80, s28;
	vm4 =	vlt.u32 v10, $0x400;
	[tilespmem:v6+s4+$0x0] =	vst.idx.add.s32.msk vm1, v2;
	s26 =	smov.u32 s23;
	s23 =	smov.u32 s24  }
0x1db: {  	v6 =	vadd.s32 v1, v10;
	s24 =	smov.u32 s25;
	p0 =	slt.u32 s28, $0x3F80;
	[tilespmem:v5+s4+$0x0] =	vst.idx.add.s32.msk vm0, v2  }
0x1dc: {  	v5 =	vsub.s32 v9, v3;
	v9 =	vld [tilespmem:s20+$0x20]  }
0x1dd: {  	vm0 =	vlt.u32 v5, $0x400;
	[tilespmem:v7+s4+$0x0] =	vst.idx.add.s32.msk vm2, v2  }
0x1de: {  	v5 =	vadd.s32 v1, v5;
	v7 =	vld [tilespmem:s22+$0x0];
	v4 =	vsub.s32 v4, v3  }
0x1df: {  	v10 =	vld [tilespmem:s21+$0x10];
	vm2 =	vlt.u32 v4, $0x400  }
0x1e0: {  	v4 =	vadd.s32 v1, v4;
	[tilespmem:v6+s4+$0x0] =	vst.idx.add.s32.msk vm4, v2  }
0x1e1: {  	s25 =	sadd.s32 $0x80, s25;
	v11 =	vld [tilespmem:s26+$0xFFFFFFF0];
	v6 =	vsub.s32 v9, v3  }
0x1e2: {  	v12 =	vld [tilespmem:s25+$0xFFFFFFC0];
	vm4 =	vlt.u32 v6, $0x400  }
0x1e3: {  	v13 =	vadd.s32 v1, v6;
	[tilespmem:v5+s4+$0x0] =	vst.idx.add.s32.msk vm0, v2;
	v5 =	vsub.s32 v7, v3  }
0x1e4: {  	v14 =	vld [tilespmem:s23+$0xFFFFFFE0];
	vm1 =	vlt.u32 v5, $0x400;
	v7 =	vsub.s32 v10, v3  }
.Ltmp4:
0x1e5: {  	v6 =	vadd.s32 v1, v5;
	vm0 =	vlt.u32 v7, $0x400;
	[tilespmem:v4+s4+$0x0] =	vst.idx.add.s32.msk vm2, v2;
	(pc) =	sbr.rel @p0 .LBB2_10-.Ltmp4, $4  }
0x1e6: {  	v5 =	vadd.s32 v1, v7;
	[tilespmem:v8+s4+$0x0] =	vst.idx.add.s32.msk vm3, v2;
	v4 =	vsub.s32 v11, v3  }
0x1e7: {  	v9 =	vld [tilespmem:s24+$0xFFFFFFD0];
	vm2 =	vlt.u32 v4, $0x400  }
0x1e8: {  	v8 =	vsub.s32 v12, v3;
	v7 =	vadd.s32 v1, v4;
	[tilespmem:v13+s4+$0x0] =	vst.idx.add.s32.msk vm4, v2  }
0x1e9: {  	vm3 =	vlt.u32 v8, $0x400;
	v8 =	vadd.s32 v1, v8;
	v10 =	vsub.s32 v14, v3;
	v4 =	vld [tilespmem:s20+$0x30];
	s20 =	smov.u32 s21;
	s21 =	smov.u32 s22;
	s22 =	smov.u32 s26  }
0x1ea: {  	_ =	sdelay $0x4  }
0x1eb: {  	[tilespmem:v8+s4+$0x0] =	vst.idx.add.s32.msk vm3, v2  }
0x1ec: {  	v8 =	vld [tilespmem:s25+$0xFFFFFFD0];
	_ =	sdelay $0x1  }
0x1ed: {  	v9 =	vsub.s32 v9, v3  }
0x1ee: {  	vm3 =	vlt.u32 v9, $0x400  }
0x1ef: {  	v9 =	vadd.s32 v1, v9  }
0x1f0: {  	v8 =	vsub.s32 v8, v3  }
0x1f1: {  	vm4 =	vlt.u32 v8, $0x400  }
0x1f2: {  	v8 =	vadd.s32 v1, v8;
	_ =	sdelay $0x1  }
0x1f3: {  	[tilespmem:v9+s4+$0x0] =	vst.idx.add.s32.msk vm3, v2  }
0x1f4: {  	vm3 =	vlt.u32 v10, $0x400;
	v9 =	vld [tilespmem:s24+$0xFFFFFFE0]  }
0x1f5: {  	v10 =	vadd.s32 v1, v10  }
0x1f6: {  	[tilespmem:v8+s4+$0x0] =	vst.idx.add.s32.msk vm4, v2  }
0x1f7: {  	v8 =	vld [tilespmem:s25+$0xFFFFFFE0];
	_ =	sdelay $0x1  }
0x1f8: {  	v9 =	vsub.s32 v9, v3  }
0x1f9: {  	[tilespmem:v10+s4+$0x0] =	vst.idx.add.s32.msk vm3, v2;
	vm4 =	vlt.u32 v9, $0x400  }
0x1fa: {  	v9 =	vadd.s32 v1, v9;
	v10 =	vld [tilespmem:s23+$0xFFFFFFF0]  }
0x1fb: {  	v8 =	vsub.s32 v8, v3  }
0x1fc: {  	vm5 =	vlt.u32 v8, $0x400  }
0x1fd: {  	v8 =	vadd.s32 v1, v8;
	_ =	sdelay $0x1  }
0x1fe: {  	v10 =	vsub.s32 v10, v3;
	[tilespmem:v9+s4+$0x0] =	vst.idx.add.s32.msk vm4, v2  }
0x1ff: {  	vm3 =	vlt.u32 v10, $0x400;
	v9 =	vld [tilespmem:s24+$0xFFFFFFF0]  }
0x200: {  	v10 =	vadd.s32 v1, v10  }
0x201: {  	[tilespmem:v8+s4+$0x0] =	vst.idx.add.s32.msk vm5, v2  }
0x202: {  	v8 =	vld [tilespmem:s25+$0xFFFFFFF0];
	_ =	sdelay $0x1  }
0x203: {  	v9 =	vsub.s32 v9, v3  }
0x204: {  	[tilespmem:v10+s4+$0x0] =	vst.idx.add.s32.msk vm3, v2;
	vm4 =	vlt.u32 v9, $0x400  }
0x205: {  	v9 =	vadd.s32 v1, v9;
	v10 =	vld [tilespmem:s23+$0x0]  }
0x206: {  	v8 =	vsub.s32 v8, v3  }
0x207: {  	[tilespmem:v7+s4+$0x0] =	vst.idx.add.s32.msk vm2, v2;
	vm2 =	vlt.u32 v8, $0x400  }
0x208: {  	v7 =	vld [tilespmem:s22+$0x0];
	v8 =	vadd.s32 v1, v8;
	_ =	sdelay $0x1  }
0x209: {  	v10 =	vsub.s32 v10, v3;
	[tilespmem:v9+s4+$0x0] =	vst.idx.add.s32.msk vm4, v2  }
0x20a: {  	vm3 =	vlt.u32 v10, $0x400;
	v9 =	vld [tilespmem:s24+$0x0]  }
0x20b: {  	v10 =	vadd.s32 v1, v10  }
0x20c: {  	v7 =	vsub.s32 v7, v3;
	[tilespmem:v8+s4+$0x0] =	vst.idx.add.s32.msk vm2, v2  }
0x20d: {  	vm2 =	vlt.u32 v7, $0x400;
	v8 =	vld [tilespmem:s25+$0x0]  }
0x20e: {  	[tilespmem:v6+s4+$0x0] =	vst.idx.add.s32.msk vm1, v2;
	v7 =	vadd.s32 v1, v7  }
0x20f: {  	v6 =	vld [tilespmem:s21+$0x10];
	v9 =	vsub.s32 v9, v3  }
0x210: {  	[tilespmem:v10+s4+$0x0] =	vst.idx.add.s32.msk vm3, v2;
	vm1 =	vlt.u32 v9, $0x400  }
0x211: {  	v9 =	vadd.s32 v1, v9;
	v10 =	vld [tilespmem:s23+$0x10]  }
0x212: {  	v8 =	vsub.s32 v8, v3  }
0x213: {  	[tilespmem:v7+s4+$0x0] =	vst.idx.add.s32.msk vm2, v2;
	vm2 =	vlt.u32 v8, $0x400  }
0x214: {  	v7 =	vld [tilespmem:s22+$0x10];
	v8 =	vadd.s32 v1, v8  }
0x215: {  	[tilespmem:v5+s4+$0x0] =	vst.idx.add.s32.msk vm0, v2;
	v6 =	vsub.s32 v6, v3  }
0x216: {  	v10 =	vsub.s32 v10, v3;
	[tilespmem:v9+s4+$0x0] =	vst.idx.add.s32.msk vm1, v2;
	vm1 =	vlt.u32 v6, $0x400  }
0x217: {  	v5 =	vld [tilespmem:s20+$0x20];
	v6 =	vadd.s32 v1, v6;
	vm0 =	vlt.u32 v10, $0x400  }
0x218: {  	v10 =	vadd.s32 v1, v10;
	v9 =	vld [tilespmem:s24+$0x10]  }
0x219: {  	v7 =	vsub.s32 v7, v3;
	[tilespmem:v8+s4+$0x0] =	vst.idx.add.s32.msk vm2, v2  }
0x21a: {  	vm2 =	vlt.u32 v7, $0x400;
	v8 =	vld [tilespmem:s25+$0x10]  }
0x21b: {  	v7 =	vadd.s32 v1, v7  }
0x21c: {  	v5 =	vsub.s32 v5, v3;
	[tilespmem:v6+s4+$0x0] =	vst.idx.add.s32.msk vm1, v2  }
0x21d: {  	v9 =	vsub.s32 v9, v3;
	[tilespmem:v10+s4+$0x0] =	vst.idx.add.s32.msk vm0, v2;
	vm0 =	vlt.u32 v5, $0x400  }
0x21e: {  	v5 =	vadd.s32 v1, v5;
	vm1 =	vlt.u32 v9, $0x400;
	v6 =	vld [tilespmem:s21+$0x20]  }
0x21f: {  	v9 =	vadd.s32 v1, v9;
	v10 =	vld [tilespmem:s23+$0x20];
	v8 =	vsub.s32 v8, v3  }
0x220: {  	[tilespmem:v7+s4+$0x0] =	vst.idx.add.s32.msk vm2, v2;
	vm2 =	vlt.u32 v8, $0x400  }
0x221: {  	v7 =	vld [tilespmem:s22+$0x20];
	v8 =	vadd.s32 v1, v8;
	_ =	sdelay $0x1  }
0x222: {  	[tilespmem:v5+s4+$0x0] =	vst.idx.add.s32.msk vm0, v2  }
0x223: {  	v6 =	vsub.s32 v6, v3;
	[tilespmem:v9+s4+$0x0] =	vst.idx.add.s32.msk vm1, v2  }
0x224: {  	v10 =	vsub.s32 v10, v3;
	vm1 =	vlt.u32 v6, $0x400;
	v9 =	vld [tilespmem:s24+$0x20]  }
0x225: {  	v6 =	vadd.s32 v1, v6;
	vm0 =	vlt.u32 v10, $0x400;
	v7 =	vsub.s32 v7, v3;
	[tilespmem:v8+s4+$0x0] =	vst.idx.add.s32.msk vm2, v2  }
0x226: {  	v10 =	vadd.s32 v1, v10;
	vm2 =	vlt.u32 v7, $0x400;
	v8 =	vld [tilespmem:s25+$0x20]  }
0x227: {  	v7 =	vadd.s32 v1, v7;
	_ =	sdelay $0x1  }
0x228: {  	v5 =	vld [tilespmem:s20+$0x30];
	v9 =	vsub.s32 v9, v3  }
0x229: {  	[tilespmem:v6+s4+$0x0] =	vst.idx.add.s32.msk vm1, v2;
	vm1 =	vlt.u32 v9, $0x400  }
0x22a: {  	[tilespmem:v10+s4+$0x0] =	vst.idx.add.s32.msk vm0, v2;
	v9 =	vadd.s32 v1, v9;
	v8 =	vsub.s32 v8, v3  }
0x22b: {  	[tilespmem:v7+s4+$0x0] =	vst.idx.add.s32.msk vm2, v2;
	vm2 =	vlt.u32 v8, $0x400  }
0x22c: {  	v6 =	vld [tilespmem:s21+$0x30];
	v8 =	vadd.s32 v1, v8  }
0x22d: {  	v10 =	vld [tilespmem:s23+$0x30]  }
0x22e: {  	v7 =	vld [tilespmem:s22+$0x30]  }
0x22f: {  	[tilespmem:v9+s4+$0x0] =	vst.idx.add.s32.msk vm1, v2  }
0x230: {  	v9 =	vld [tilespmem:s24+$0x30]  }
0x231: {  	v4 =	vsub.s32 v4, v3;
	[tilespmem:v8+s4+$0x0] =	vst.idx.add.s32.msk vm2, v2  }
0x232: {  	v5 =	vsub.s32 v5, v3;
	vm0 =	vlt.u32 v4, $0x400;
	v8 =	vld [tilespmem:s25+$0x30]  }
0x233: {  	v4 =	vadd.s32 v1, v4;
	v10 =	vsub.s32 v10, v3;
	vm1 =	vlt.u32 v5, $0x400  }
0x234: {  	v6 =	vsub.s32 v6, v3;
	v5 =	vadd.s32 v1, v5;
	vm4 =	vlt.u32 v10, $0x400  }
0x235: {  	v10 =	vadd.s32 v1, v10;
	v7 =	vsub.s32 v7, v3;
	vm2 =	vlt.u32 v6, $0x400  }
0x236: {  	v6 =	vadd.s32 v1, v6;
	vm3 =	vlt.u32 v7, $0x400;
	v9 =	vsub.s32 v9, v3  }
0x237: {  	v7 =	vadd.s32 v1, v7;
	vm5 =	vlt.u32 v9, $0x400;
	v8 =	vsub.s32 v8, v3  }
0x238: {  	[tilespmem:v4+s4+$0x0] =	vst.idx.add.s32.msk vm0, v2;
	v4 =	vadd.s32 v1, v9;
	vm0 =	vlt.u32 v8, $0x400  }
0x239: {  	[tilespmem:v5+s4+$0x0] =	vst.idx.add.s32.msk vm1, v2;
	v5 =	vadd.s32 v1, v8  }
0x23a: {  	[tilespmem:v10+s4+$0x0] =	vst.idx.add.s32.msk vm4, v2  }
0x23b: {  	[tilespmem:v6+s4+$0x0] =	vst.idx.add.s32.msk vm2, v2  }
0x23c: {  	[tilespmem:v7+s4+$0x0] =	vst.idx.add.s32.msk vm3, v2  }
0x23d: {  	[tilespmem:v4+s4+$0x0] =	vst.idx.add.s32.msk vm5, v2  }
0x23e: {  	[tilespmem:v5+s4+$0x0] =	vst.idx.add.s32.msk vm0, v2  }
0x23f: {  	_ =	swait.ge [sflag:s16], $0x4000  }
0x240: {  	[sflag:s16] =	ssyncset.done $0x0  }
0x241: {  	s26 =	simm.s32 $0xC040;
	[sflag:s16] =	ssyncadd.s32 $0xFFFFC000  }
0x242: {  	v4 =	vld [tilespmem:s26+$0xFFFFFFC0];
	_ =	sdelay $0x4  }
0x243: {  	v4 =	vsub.s32 v4, v3  }
0x244: {  	vm0 =	vlt.u32 v4, $0x400  }
0x245: {  	v4 =	vadd.s32 v1, v4;
	_ =	sdelay $0x2  }
0x246: {  	s20 =	simm.s32 $0xC0C0  }
0x247: {  	v5 =	vld [tilespmem:s20+$0xFFFFFFC0]  }
0x248: {  	[tilespmem:v4+s4+$0x0] =	vst.idx.add.s32.msk vm0, v2  }
0x249: {  	v4 =	vld [tilespmem:s26+$0xFFFFFFD0];
	_ =	sdelay $0x2  }
0x24a: {  	v5 =	vsub.s32 v5, v3  }
0x24b: {  	vm1 =	vlt.u32 v5, $0x400  }
0x24c: {  	v5 =	vadd.s32 v1, v5;
	v4 =	vsub.s32 v4, v3  }
0x24d: {  	vm0 =	vlt.u32 v4, $0x400  }
0x24e: {  	v4 =	vadd.s32 v1, v4;
	_ =	sdelay $0x2  }
0x24f: {  	[tilespmem:v5+s4+$0x0] =	vst.idx.add.s32.msk vm1, v2  }
0x250: {  	v5 =	vld [tilespmem:s20+$0xFFFFFFD0]  }
0x251: {  	[tilespmem:v4+s4+$0x0] =	vst.idx.add.s32.msk vm0, v2  }
0x252: {  	v4 =	vld [tilespmem:s26+$0xFFFFFFE0];
	_ =	sdelay $0x3  }
0x253: {  	s21 =	simm.s32 $0xC140;
	v5 =	vsub.s32 v5, v3  }
0x254: {  	v6 =	vld [tilespmem:s21+$0xFFFFFFC0];
	vm1 =	vlt.u32 v5, $0x400;
	v4 =	vsub.s32 v4, v3  }
0x255: {  	v5 =	vadd.s32 v1, v5;
	vm0 =	vlt.u32 v4, $0x400  }
0x256: {  	v4 =	vadd.s32 v1, v4;
	_ =	sdelay $0x2  }
0x257: {  	v6 =	vsub.s32 v6, v3  }
0x258: {  	vm2 =	vlt.u32 v6, $0x400;
	[tilespmem:v5+s4+$0x0] =	vst.idx.add.s32.msk vm1, v2  }
0x259: {  	v6 =	vadd.s32 v1, v6;
	[tilespmem:v4+s4+$0x0] =	vst.idx.add.s32.msk vm0, v2  }
0x25a: {  	v4 =	vld [tilespmem:s26+$0xFFFFFFF0]  }
0x25b: {  	v5 =	vld [tilespmem:s20+$0xFFFFFFE0];
	_ =	sdelay $0x2  }
0x25c: {  	[tilespmem:v6+s4+$0x0] =	vst.idx.add.s32.msk vm2, v2  }
0x25d: {  	v6 =	vld [tilespmem:s21+$0xFFFFFFD0];
	v4 =	vsub.s32 v4, v3  }
0x25e: {  	v5 =	vsub.s32 v5, v3;
	vm0 =	vlt.u32 v4, $0x400  }
0x25f: {  	s22 =	simm.s32 $0xC1C0;
	vm1 =	vlt.u32 v5, $0x400;
	v4 =	vadd.s32 v1, v4  }
0x260: {  	v7 =	vld [tilespmem:s22+$0xFFFFFFC0];
	v5 =	vadd.s32 v1, v5;
	_ =	sdelay $0x1  }
0x261: {  	v6 =	vsub.s32 v6, v3  }
0x262: {  	vm2 =	vlt.u32 v6, $0x400  }
0x263: {  	[tilespmem:v4+s4+$0x0] =	vst.idx.add.s32.msk vm0, v2;
	v4 =	vadd.s32 v1, v6  }
0x264: {  	[tilespmem:v5+s4+$0x0] =	vst.idx.add.s32.msk vm1, v2;
	v6 =	vsub.s32 v7, v3  }
0x265: {  	v7 =	vld [tilespmem:s26+$0x0];
	vm0 =	vlt.u32 v6, $0x400  }
0x266: {  	v5 =	vadd.s32 v1, v6;
	v6 =	vld [tilespmem:s20+$0xFFFFFFF0];
	_ =	sdelay $0x1  }
0x267: {  	[tilespmem:v4+s4+$0x0] =	vst.idx.add.s32.msk vm2, v2  }
0x268: {  	v4 =	vld [tilespmem:s21+$0xFFFFFFE0]  }
0x269: {  	v7 =	vsub.s32 v7, v3  }
0x26a: {  	vm1 =	vlt.u32 v7, $0x400;
	[tilespmem:v5+s4+$0x0] =	vst.idx.add.s32.msk vm0, v2;
	v5 =	vsub.s32 v6, v3  }
0x26b: {  	v6 =	vadd.s32 v1, v7;
	v7 =	vld [tilespmem:s22+$0xFFFFFFD0];
	vm0 =	vlt.u32 v5, $0x400  }
0x26c: {  	v5 =	vadd.s32 v1, v5  }
0x26d: {  	s23 =	simm.s32 $0xC240;
	v4 =	vsub.s32 v4, v3  }
0x26e: {  	v8 =	vld [tilespmem:s23+$0xFFFFFFC0];
	vm2 =	vlt.u32 v4, $0x400  }
0x26f: {  	v4 =	vadd.s32 v1, v4  }
0x270: {  	[tilespmem:v6+s4+$0x0] =	vst.idx.add.s32.msk vm1, v2;
	v6 =	vsub.s32 v7, v3  }
0x271: {  	vm1 =	vlt.u32 v6, $0x400;
	[tilespmem:v5+s4+$0x0] =	vst.idx.add.s32.msk vm0, v2  }
0x272: {  	v5 =	vadd.s32 v1, v6;
	v6 =	vld [tilespmem:s20+$0x0]  }
0x273: {  	v7 =	vsub.s32 v8, v3;
	v8 =	vld [tilespmem:s26+$0x10]  }
0x274: {  	vm0 =	vlt.u32 v7, $0x400;
	[tilespmem:v4+s4+$0x0] =	vst.idx.add.s32.msk vm2, v2  }
0x275: {  	v4 =	vadd.s32 v1, v7;
	v7 =	vld [tilespmem:s21+$0xFFFFFFF0];
	_ =	sdelay $0x1  }
0x276: {  	[tilespmem:v5+s4+$0x0] =	vst.idx.add.s32.msk vm1, v2;
	v5 =	vsub.s32 v6, v3  }
0x277: {  	v8 =	vsub.s32 v8, v3;
	v6 =	vld [tilespmem:s22+$0xFFFFFFE0];
	vm1 =	vlt.u32 v5, $0x400  }
0x278: {  	vm2 =	vlt.u32 v8, $0x400;
	v5 =	vadd.s32 v1, v5  }
0x279: {  	[tilespmem:v4+s4+$0x0] =	vst.idx.add.s32.msk vm0, v2;
	v4 =	vsub.s32 v7, v3;
	v7 =	vadd.s32 v1, v8  }
0x27a: {  	v8 =	vld [tilespmem:s23+$0xFFFFFFD0];
	vm0 =	vlt.u32 v4, $0x400  }
0x27b: {  	s24 =	simm.s32 $0xC2C0;
	v4 =	vadd.s32 v1, v4  }
0x27c: {  	v9 =	vld [tilespmem:s24+$0xFFFFFFC0];
	v6 =	vsub.s32 v6, v3  }
0x27d: {  	vm3 =	vlt.u32 v6, $0x400;
	[tilespmem:v5+s4+$0x0] =	vst.idx.add.s32.msk vm1, v2  }
0x27e: {  	v5 =	vadd.s32 v1, v6;
	[tilespmem:v7+s4+$0x0] =	vst.idx.add.s32.msk vm2, v2  }
0x27f: {  	v6 =	vsub.s32 v8, v3;
	v7 =	vld [tilespmem:s26+$0x20]  }
0x280: {  	vm1 =	vlt.u32 v6, $0x400;
	[tilespmem:v4+s4+$0x0] =	vst.idx.add.s32.msk vm0, v2  }
0x281: {  	v8 =	vsub.s32 v9, v3;
	v4 =	vadd.s32 v1, v6;
	v6 =	vld [tilespmem:s21+$0x0]  }
0x282: {  	v9 =	vld [tilespmem:s20+$0x10];
	vm0 =	vlt.u32 v8, $0x400  }
0x283: {  	[tilespmem:v5+s4+$0x0] =	vst.idx.add.s32.msk vm3, v2;
	v5 =	vadd.s32 v1, v8  }
0x284: {  	s25 =	simm.s32 $0xC340;
	v8 =	vld [tilespmem:s22+$0xFFFFFFF0];
	v7 =	vsub.s32 v7, v3  }
0x285: {  	v10 =	vld [tilespmem:s25+$0xFFFFFFC0];
	vm3 =	vlt.u32 v7, $0x400  }
0x286: {  	[tilespmem:v4+s4+$0x0] =	vst.idx.add.s32.msk vm1, v2;
	v4 =	vadd.s32 v1, v7;
	v6 =	vsub.s32 v6, v3  }
0x287: {  	v7 =	vsub.s32 v9, v3;
	v11 =	vld [tilespmem:s23+$0xFFFFFFE0];
	vm1 =	vlt.u32 v6, $0x400  }
0x288: {  	v6 =	vadd.s32 v1, v6;
	[tilespmem:v5+s4+$0x0] =	vst.idx.add.s32.msk vm0, v2;
	vm0 =	vlt.u32 v7, $0x400  }
0x289: {  	v5 =	vadd.s32 v1, v7;
	v8 =	vsub.s32 v8, v3  }
0x28a: {  	v9 =	vld [tilespmem:s24+$0xFFFFFFD0];
	vm2 =	vlt.u32 v8, $0x400  }
0x28b: {  	v10 =	vsub.s32 v10, v3;
	v7 =	vadd.s32 v1, v8;
	[tilespmem:v4+s4+$0x0] =	vst.idx.add.s32.msk vm3, v2  }
0x28c: {  	s28 =	simm.s32 $0x300;
	v8 =	vadd.s32 v1, v10;
	vm3 =	vlt.u32 v10, $0x400;
	v10 =	vsub.s32 v11, v3;
	v4 =	vld [tilespmem:s26+$0x30]  }
.LBB2_12:
0x28d: {  	s28 =	sadd.s32 $0x80, s28;
	vm4 =	vlt.u32 v10, $0x400;
	[tilespmem:v6+s4+$0x0] =	vst.idx.add.s32.msk vm1, v2;
	s26 =	smov.u32 s23;
	s23 =	smov.u32 s24  }
0x28e: {  	v6 =	vadd.s32 v1, v10;
	s24 =	smov.u32 s25;
	p0 =	slt.u32 s28, $0x3F80;
	[tilespmem:v5+s4+$0x0] =	vst.idx.add.s32.msk vm0, v2  }
0x28f: {  	v5 =	vsub.s32 v9, v3;
	v9 =	vld [tilespmem:s20+$0x20]  }
0x290: {  	vm0 =	vlt.u32 v5, $0x400;
	[tilespmem:v7+s4+$0x0] =	vst.idx.add.s32.msk vm2, v2  }
0x291: {  	v5 =	vadd.s32 v1, v5;
	v7 =	vld [tilespmem:s22+$0x0];
	v4 =	vsub.s32 v4, v3  }
0x292: {  	v10 =	vld [tilespmem:s21+$0x10];
	vm2 =	vlt.u32 v4, $0x400  }
0x293: {  	v4 =	vadd.s32 v1, v4;
	[tilespmem:v6+s4+$0x0] =	vst.idx.add.s32.msk vm4, v2  }
0x294: {  	s25 =	sadd.s32 $0x80, s25;
	v11 =	vld [tilespmem:s26+$0xFFFFFFF0];
	v6 =	vsub.s32 v9, v3  }
0x295: {  	v12 =	vld [tilespmem:s25+$0xFFFFFFC0];
	vm4 =	vlt.u32 v6, $0x400  }
0x296: {  	v13 =	vadd.s32 v1, v6;
	[tilespmem:v5+s4+$0x0] =	vst.idx.add.s32.msk vm0, v2;
	v5 =	vsub.s32 v7, v3  }
0x297: {  	v14 =	vld [tilespmem:s23+$0xFFFFFFE0];
	vm1 =	vlt.u32 v5, $0x400;
	v7 =	vsub.s32 v10, v3  }
.Ltmp5:
0x298: {  	v6 =	vadd.s32 v1, v5;
	vm0 =	vlt.u32 v7, $0x400;
	[tilespmem:v4+s4+$0x0] =	vst.idx.add.s32.msk vm2, v2;
	(pc) =	sbr.rel @p0 .LBB2_12-.Ltmp5, $4  }
0x299: {  	v5 =	vadd.s32 v1, v7;
	[tilespmem:v8+s4+$0x0] =	vst.idx.add.s32.msk vm3, v2;
	v4 =	vsub.s32 v11, v3  }
0x29a: {  	v9 =	vld [tilespmem:s24+$0xFFFFFFD0];
	vm2 =	vlt.u32 v4, $0x400  }
0x29b: {  	v8 =	vsub.s32 v12, v3;
	v7 =	vadd.s32 v1, v4;
	[tilespmem:v13+s4+$0x0] =	vst.idx.add.s32.msk vm4, v2  }
0x29c: {  	vm3 =	vlt.u32 v8, $0x400;
	v8 =	vadd.s32 v1, v8;
	v10 =	vsub.s32 v14, v3;
	v4 =	vld [tilespmem:s20+$0x30];
	s20 =	smov.u32 s21;
	s21 =	smov.u32 s22;
	s22 =	smov.u32 s26  }
0x29d: {  	_ =	sdelay $0x4  }
0x29e: {  	[tilespmem:v8+s4+$0x0] =	vst.idx.add.s32.msk vm3, v2  }
0x29f: {  	v8 =	vld [tilespmem:s25+$0xFFFFFFD0];
	_ =	sdelay $0x2  }
0x2a0: {  	v9 =	vsub.s32 v9, v3  }
0x2a1: {  	vm11 =	vlt.u32 v9, $0x400  }
0x2a2: {  	v9 =	vadd.s32 v1, v9;
	v8 =	vsub.s32 v8, v3  }
0x2a3: {  	vm4 =	vlt.u32 v8, $0x400  }
0x2a4: {  	v8 =	vadd.s32 v1, v8;
	_ =	sdelay $0x2  }
0x2a5: {  	[tilespmem:v9+s4+$0x0] =	vst.idx.add.s32.msk vm11, v2  }
0x2a6: {  	v9 =	vld [tilespmem:s24+$0xFFFFFFE0]  }
0x2a7: {  	[tilespmem:v8+s4+$0x0] =	vst.idx.add.s32.msk vm4, v2  }
0x2a8: {  	v8 =	vld [tilespmem:s25+$0xFFFFFFE0];
	_ =	sdelay $0x1  }
0x2a9: {  	vm12 =	vlt.u32 v10, $0x400  }
0x2aa: {  	v62 =	vadd.s32 v1, v10;
	v9 =	vsub.s32 v9, v3  }
0x2ab: {  	vm13 =	vlt.u32 v9, $0x400  }
0x2ac: {  	v9 =	vadd.s32 v1, v9;
	v8 =	vsub.s32 v8, v3  }
0x2ad: {  	vm5 =	vlt.u32 v8, $0x400  }
0x2ae: {  	v8 =	vadd.s32 v1, v8  }
0x2af: {  	[tilespmem:v62+s4+$0x0] =	vst.idx.add.s32.msk vm12, v2  }
0x2b0: {  	v10 =	vld [tilespmem:s23+$0xFFFFFFF0]  }
0x2b1: {  	[tilespmem:v9+s4+$0x0] =	vst.idx.add.s32.msk vm13, v2  }
0x2b2: {  	v9 =	vld [tilespmem:s24+$0xFFFFFFF0]  }
0x2b3: {  	[tilespmem:v8+s4+$0x0] =	vst.idx.add.s32.msk vm5, v2  }
0x2b4: {  	v8 =	vld [tilespmem:s25+$0xFFFFFFF0]  }
0x2b5: {  	v10 =	vsub.s32 v10, v3  }
0x2b6: {  	vm14 =	vlt.u32 v10, $0x400  }
0x2b7: {  	v10 =	vadd.s32 v1, v10;
	v9 =	vsub.s32 v9, v3  }
0x2b8: {  	vm15 =	vlt.u32 v9, $0x400  }
0x2b9: {  	v9 =	vadd.s32 v1, v9;
	v8 =	vsub.s32 v8, v3  }
0x2ba: {  	[tilespmem:v7+s4+$0x0] =	vst.idx.add.s32.msk vm2, v2;
	vm5 =	vlt.u32 v8, $0x400  }
0x2bb: {  	v7 =	vld [tilespmem:s22+$0x0];
	v8 =	vadd.s32 v1, v8  }
0x2bc: {  	[tilespmem:v10+s4+$0x0] =	vst.idx.add.s32.msk vm14, v2  }
0x2bd: {  	v10 =	vld [tilespmem:s23+$0x0]  }
0x2be: {  	[tilespmem:v9+s4+$0x0] =	vst.idx.add.s32.msk vm15, v2  }
0x2bf: {  	v9 =	vld [tilespmem:s24+$0x0]  }
0x2c0: {  	v7 =	vsub.s32 v7, v3;
	[tilespmem:v8+s4+$0x0] =	vst.idx.add.s32.msk vm5, v2  }
0x2c1: {  	vm6 =	vlt.u32 v7, $0x400;
	v8 =	vld [tilespmem:s25+$0x0]  }
0x2c2: {  	v7 =	vadd.s32 v1, v7;
	v10 =	vsub.s32 v10, v3  }
0x2c3: {  	[tilespmem:v6+s4+$0x0] =	vst.idx.add.s32.msk vm1, v2;
	vm7 =	vlt.u32 v10, $0x400  }
0x2c4: {  	v6 =	vld [tilespmem:s21+$0x10];
	v10 =	vadd.s32 v1, v10;
	v9 =	vsub.s32 v9, v3  }
0x2c5: {  	vm8 =	vlt.u32 v9, $0x400  }
0x2c6: {  	v9 =	vadd.s32 v1, v9;
	v8 =	vsub.s32 v8, v3  }
0x2c7: {  	[tilespmem:v7+s4+$0x0] =	vst.idx.add.s32.msk vm6, v2;
	vm9 =	vlt.u32 v8, $0x400  }
0x2c8: {  	v7 =	vld [tilespmem:s22+$0x10];
	v8 =	vadd.s32 v1, v8  }
0x2c9: {  	v6 =	vsub.s32 v6, v3;
	[tilespmem:v10+s4+$0x0] =	vst.idx.add.s32.msk vm7, v2  }
0x2ca: {  	vm10 =	vlt.u32 v6, $0x400;
	v10 =	vld [tilespmem:s23+$0x10]  }
0x2cb: {  	v6 =	vadd.s32 v1, v6;
	[tilespmem:v9+s4+$0x0] =	vst.idx.add.s32.msk vm8, v2  }
0x2cc: {  	v9 =	vld [tilespmem:s24+$0x10]  }
0x2cd: {  	v7 =	vsub.s32 v7, v3;
	[tilespmem:v8+s4+$0x0] =	vst.idx.add.s32.msk vm9, v2  }
0x2ce: {  	vm11 =	vlt.u32 v7, $0x400;
	v8 =	vld [tilespmem:s25+$0x10]  }
0x2cf: {  	v7 =	vadd.s32 v1, v7;
	v10 =	vsub.s32 v10, v3  }
0x2d0: {  	[tilespmem:v6+s4+$0x0] =	vst.idx.add.s32.msk vm10, v2;
	vm12 =	vlt.u32 v10, $0x400  }
0x2d1: {  	v6 =	vld [tilespmem:s21+$0x20];
	v10 =	vadd.s32 v1, v10;
	v9 =	vsub.s32 v9, v3  }
0x2d2: {  	[tilespmem:v5+s4+$0x0] =	vst.idx.add.s32.msk vm0, v2;
	vm13 =	vlt.u32 v9, $0x400  }
0x2d3: {  	v5 =	vld [tilespmem:s20+$0x20];
	v9 =	vadd.s32 v1, v9;
	v8 =	vsub.s32 v8, v3  }
0x2d4: {  	[tilespmem:v7+s4+$0x0] =	vst.idx.add.s32.msk vm11, v2;
	vm14 =	vlt.u32 v8, $0x400  }
0x2d5: {  	v7 =	vld [tilespmem:s22+$0x20];
	v8 =	vadd.s32 v1, v8  }
0x2d6: {  	v6 =	vsub.s32 v6, v3;
	[tilespmem:v10+s4+$0x0] =	vst.idx.add.s32.msk vm12, v2  }
0x2d7: {  	vm4 =	vlt.u32 v6, $0x400;
	v10 =	vld [tilespmem:s23+$0x20]  }
0x2d8: {  	v5 =	vsub.s32 v5, v3;
	v6 =	vadd.s32 v1, v6;
	[tilespmem:v9+s4+$0x0] =	vst.idx.add.s32.msk vm13, v2  }
0x2d9: {  	vm15 =	vlt.u32 v5, $0x400;
	v9 =	vld [tilespmem:s24+$0x20]  }
0x2da: {  	v7 =	vsub.s32 v7, v3;
	v5 =	vadd.s32 v1, v5;
	[tilespmem:v8+s4+$0x0] =	vst.idx.add.s32.msk vm14, v2  }
0x2db: {  	vm5 =	vlt.u32 v7, $0x400;
	v8 =	vld [tilespmem:s25+$0x20]  }
0x2dc: {  	v7 =	vadd.s32 v1, v7;
	v10 =	vsub.s32 v10, v3  }
0x2dd: {  	[tilespmem:v6+s4+$0x0] =	vst.idx.add.s32.msk vm4, v2;
	vm6 =	vlt.u32 v10, $0x400  }
0x2de: {  	v6 =	vld [tilespmem:s21+$0x30];
	v10 =	vadd.s32 v1, v10;
	v9 =	vsub.s32 v9, v3  }
0x2df: {  	[tilespmem:v5+s4+$0x0] =	vst.idx.add.s32.msk vm15, v2;
	vm7 =	vlt.u32 v9, $0x400  }
0x2e0: {  	v5 =	vld [tilespmem:s20+$0x30];
	v9 =	vadd.s32 v1, v9;
	v8 =	vsub.s32 v8, v3  }
0x2e1: {  	[tilespmem:v7+s4+$0x0] =	vst.idx.add.s32.msk vm5, v2;
	vm8 =	vlt.u32 v8, $0x400  }
0x2e2: {  	v7 =	vld [tilespmem:s22+$0x30];
	v8 =	vadd.s32 v1, v8  }
0x2e3: {  	[tilespmem:v10+s4+$0x0] =	vst.idx.add.s32.msk vm6, v2  }
0x2e4: {  	v10 =	vld [tilespmem:s23+$0x30]  }
0x2e5: {  	[tilespmem:v9+s4+$0x0] =	vst.idx.add.s32.msk vm7, v2  }
0x2e6: {  	v9 =	vld [tilespmem:s24+$0x30]  }
0x2e7: {  	v6 =	vsub.s32 v6, v3;
	[tilespmem:v8+s4+$0x0] =	vst.idx.add.s32.msk vm8, v2  }
0x2e8: {  	vm11 =	vlt.u32 v6, $0x400;
	v5 =	vsub.s32 v5, v3;
	v8 =	vld [tilespmem:s25+$0x30]  }
0x2e9: {  	v4 =	vsub.s32 v4, v3;
	v6 =	vadd.s32 v1, v6;
	vm10 =	vlt.u32 v5, $0x400  }
0x2ea: {  	v5 =	vadd.s32 v1, v5;
	v7 =	vsub.s32 v7, v3;
	vm9 =	vlt.u32 v4, $0x400  }
0x2eb: {  	v4 =	vadd.s32 v1, v4;
	vm12 =	vlt.u32 v7, $0x400;
	v10 =	vsub.s32 v10, v3  }
0x2ec: {  	v7 =	vadd.s32 v1, v7;
	vm13 =	vlt.u32 v10, $0x400;
	v9 =	vsub.s32 v9, v3  }
0x2ed: {  	v10 =	vadd.s32 v1, v10;
	vm14 =	vlt.u32 v9, $0x400;
	v3 =	vsub.s32 v8, v3  }
0x2ee: {  	[tilespmem:v6+s4+$0x0] =	vst.idx.add.s32.msk vm11, v2;
	v63 =	vadd.s32 v1, v9;
	vm15 =	vlt.u32 v3, $0x400  }
0x2ef: {  	[tilespmem:v5+s4+$0x0] =	vst.idx.add.s32.msk vm10, v2;
	v3 =	vadd.s32 v1, v3  }
0x2f0: {  	[tilespmem:v4+s4+$0x0] =	vst.idx.add.s32.msk vm9, v2  }
0x2f1: {  	[tilespmem:v7+s4+$0x0] =	vst.idx.add.s32.msk vm12, v2  }
0x2f2: {  	s19 =	sadd.s32 $0x1, s19;
	[tilespmem:v10+s4+$0x0] =	vst.idx.add.s32.msk vm13, v2  }
0x2f3: {  	p0 =	sne.s32 s19, s10;
	[tilespmem:v63+s4+$0x0] =	vst.idx.add.s32.msk vm14, v2  }
.Ltmp6:
0x2f4: {  	[tilespmem:v3+s4+$0x0] =	vst.idx.add.s32.msk vm15, v2;
	(pc) =	sbr.rel @p0 .LBB2_1-.Ltmp6, $4  }
0x2f5: {  	[hbm4b:s9+s17] =	stream.strided.scatter [tilespmem:s4], [sflag:$0x3], $0x8000, s18, s17, $0x38;
	[tilespmem:$0x10080] =	vst v63  }
0x2f6: {  	_ =	swait.ge [sflag:s12], $0x8000  }
0x2f7: {  	[sflag:s12] =	ssyncset.done $0x0  }
0x2f8: {  	[sflag:s12] =	ssyncadd.s32 $0xFFFF8000  }
0x2f9: {  	_ =	sfence.sel $0x180000  }
0x2fa: {  	[bflag:$0x0] =	sbarrier.arrive $0xFFFF  }
0x2fb: {  	p0 =	sne.s32 s2, $0x0;
	_ =	strace $0x90000050  }
0x2fc: {  	s0 =	sadd.s32 @!p0 $0x100000, s0;
	[bflag:$0x2] =	sbarrier.arrive $0xFFFF  }
0x2fd: {  	[sflag:s0] =	ssyncadd.tile.s32 @!p0 $0x1;
	_ =	shalt  }
.Lfunc_end2:
_tile_overlayer_lowered:
.L_overlay_start_2:
0x2fe: {  	(tag) =	ssettag $0x2  }
0x2ff: {  	s0 =	rddreg [dreg:$0x0];
	s2 =	stileid.u32  }
0x300: {  	s1 =	rddreg [dreg:$0x1];
	p0 =	sne.s32 s2, $0x0  }
0x301: {  	s3 =	rddreg [dreg:$0x2];
	[bflag:$0x3] =	sbarrier.arrive $0xFFFF;
	s2 =	simm.s32 @!p0 $0x1C03  }
0x302: {  	[timem:s3], [sflag:s2] =	dma.local @!p0 [hbm:s0], s1  }
0x303: {  	s0 =	simm.s32 @!p0 $0x3  }
0x304: {  	_ =	swait.ge @!p0 [sflag:s0], s1  }
0x305: {  	s1 =	ssub.s32 @!p0 $0x0, s1;
	[sflag:s0] =	ssyncset.done @!p0 $0x0  }
0x306: {  	[sflag:s0] =	ssyncadd.s32 @!p0 s1  }
0x307: {  	[bflag:$0x3] =	sbarrier.arrive $0xFFFF  }
0x308: {  	_ =	shalt  }

// kernel: sparse-core-data-format-call.cloned.1.call-start
scs
called_computation_lowered:
.L_overlay_start_0:
0x0: {  	s2 =	sld [smem:$0x3FD9]  }
0x1: {  	s3 =	sld [smem:$0x3FFE];
	_ =	sdelay $0x1  }
0x2: {  	s1 =	srdreg.scid  }
0x3: {  	s0 =	sand.u32 $0x1, s1  }
0x4: {  	s15 =	sshll.u32 s0, $0xA;
	s2 =	sadd.s32 s3, s2  }
0x5: {  	s2 =	sadd.s32 s2, s15  }
0x6: {  	[smem:$0x3FC4] =	sst s2  }
0x7: {  	_ = 	snop  }
0x8: {  	s2 =	sld [smem:$0x3FD0];
	_ =	sdelay $0x2  }
0x9: {  	s16 =	simm.s32 $0xA;
	s4 =	simm.s32 $0x10  }
0xa: {  	[smem:s4], [sflag:s16] =	dma.local [hbm:s2], $0x1  }
0xb: {  	_ =	swait.eq [sflag:s16], $0x1  }
0xc: {  	[sflag:s16] =	ssyncset.done $0x0  }
0xd: {  	[sflag:s16] =	ssyncadd.s32 $0xFFFFFFFF  }
0xe: {  	s17 =	sld [smem:$0x11];
	(tm) =	ssettm $0x1  }
0xf: {  	s18 =	sld [smem:$0x3FFB];
	_ =	sdelay $0x3  }
0x10: {  	_ =	strace s18  }
0x11: {  	s3 =	sld [smem:$0x3FFC];
	_ =	sdelay $0x3  }
0x12: {  	_ =	strace s3  }
0x13: {  	s3 =	sld [smem:$0x3FFD];
	_ =	sdelay $0x3  }
0x14: {  	_ =	strace s3  }
0x15: {  	_ =	strace $0x8FFFFFFF  }
0x16: {  	s19 =	sld [smem:$0x3FDB];
	_ =	sdelay $0x1  }
0x17: {  	s20 =	simm.s32 $_scs_section_size  }
0x18: {  	s5 =	simm.s32 $_size__tile_overlayer_lowered;
	s6 =	simm.s32 $_tile_overlayer_lowered  }
0x19: {  	s23 =	simm.s32 $0x1BFF;
	s22 =	sshll.u32 s6, $0x1;
	s3 =	sadd.s32 s20, s19  }
0x1a: {  	s7 =	simm.s32 $0x0;
	s21 =	sshll.u32 s5, $0x1;
	s5 =	sadd.s32 s22, s3  }
0x1b: {  	[timem:s7], [sflag:s23] =	dma.local [hbm:s5], s21  }
0x1c: {  	_ =	swait.ge [sflag:s23], s21  }
0x1d: {  	s4 =	ssub.s32 $0x0, s21;
	[sflag:s23] =	ssyncset.done $0x0  }
0x1e: {  	[sflag:s23] =	ssyncadd.s32 s4;
	_ =	sdelay $0x1  }
0x1f: {  	s24 =	simm.s32 $0x1B8B  }
0x20: {  	_ =	swait.ge [sflag:s24], $0x1  }
0x21: {  	[sflag:s24] =	ssyncset.done $0x0  }
0x22: {  	s26 =	simm.s32 $0x1B8E;
	s25 =	sld [smem:$0x3FFE];
	[sflag:s24] =	ssyncadd.s32 $0xFFFFFFFF  }
0x23: {  	s27 =	simm.s32 $execute0_lowered;
	[smem:$0x3FD2] =	sst s26  }
0x24: {  	s5 =	sshll.u32 s27, $0x1;
	_ =	strace $0x80000046;
	[dreg:$0x1] =	wrdreg $0xFFFFFFFF  }
0x25: {  	s28 =	simm.s32 $_size_execute0_lowered;
	s3 =	sadd.s32 s3, s5;
	[dreg:$0x0] =	wrdreg $0x0  }
0x26: {  	s5 =	sshll.u32 s28, $0x1;
	[dreg:$0x2] =	wrdreg s3  }
0x27: {  	[dreg:$0x3] =	wrdreg s5  }
0x28: {  	[dreg:$0x4] =	wrdreg $0xC0  }
0x29: {  	_ =	task [dreg:s7], $0x5FFFF  }
0x2a: {  	[dreg:$0x1] =	wrdreg $0xFFFFFFFF  }
0x2b: {  	[dreg:$0x0] =	wrdreg $0x60  }
0x2c: {  	[dreg:$0x2] =	wrdreg s25  }
0x2d: {  	[dreg:$0x3] =	wrdreg s17  }
0x2e: {  	[dreg:$0x4] =	wrdreg $0x9  }
0x2f: {  	_ =	task.clear_ibuf [dreg:s7], $0x5FFFF;
	_ =	strace $0x90000046  }
0x30: {  	s29 =	simm.s32 $0x9;
	_ =	strace $0x80000048  }
0x31: {  	_ =	swait.ge [sflag:s29], $0x1  }
0x32: {  	[sflag:s29] =	ssyncadd.s32 $0xFFFFFFFF  }
0x33: {  	_ =	strace $0x90000048  }
0x34: {  	_ =	sfence  }
0x35: {  	s30 =	sld [smem:$0x0];
	_ =	sdelay $0x2  }
0x36: {  	s31 =	sshll.u32 s1, $0xD;
	s1 =	sshrl.u32 s1, $0x2  }
0x37: {  	s3 =	sand.u32 $0x4000, s31;
	s1 =	sadd.s32 s1, s30  }
0x38: {  	s0 =	sor.u32 s3, s0;
	s1 =	sshll.u32 s1, $0x11  }
0x39: {  	s0 =	sor.u32 s1, s0  }
0x3a: {  	s0 =	sadd.s32 $0x8F2B, s0  }
0x3b: {  	[sflag:s0] =	ssyncadd.remote.s32 $0x1  }
0x3c: {  	_ =	sfence.sel $0xFFFF  }
0x3d: {  	[dreg:$0x0] =	wrdreg $0xFFFFFFFF;
	(pc) =	sbr.abs _section_cstart, $3  }
0x3e: {  	[dreg:$0x1] =	wrdreg $0xFFFFFFFF  }
0x3f: {  	_ =	task.clear_ibuf [dreg:s7], $0x2FFFF;
	_ =	strace $0x9FFFFFFF  }
0x40: {  	(tm) =	ssettm $0x7FFFFFFF  }
0x41: {  	_ =	shalt  }
tec
execute0_lowered:
.L_overlay_start_1:
0x0: {  	(tag) =	ssettag $0x1  }
0x1: {  	s1 =	rddreg [dreg:$0x0]  }
0x2: {  	s2 =	rddreg [dreg:$0x1]  }
0x3: {  	s0 =	rddreg [dreg:$0x2];
	_ =	strace $0x80000047;
	s4 =	srdreg.scid  }
0x4: {  	s6 =	simm.s32 $0x2;
	s11 =	simm.s32 $0x0;
	p0 =	por $0x0, $0x0  }
.Ltmp0:
0x5: {  	s7 =	simm.s32 $0x4000;
	s12 =	simm.s32 $0x0;
	(pc) =	sbr.rel .LBB1_1-.Ltmp0, $4  }
0x6: {  	s9 =	simm.s32 $0x0;
	s3 =	sadd.s32 $0x83800, s1;
	s5 =	sshll.u32 s4, $0x4  }
0x7: {  	s1 =	stileid.u32;
	s4 =	simm.s32 $0x1;
	s5 =	sand.u32 $0x10, s5  }
0x8: {  	s8 =	simm.s32 $0x0;
	[sflag:s4] =	ssyncpa.u1 $0x0;
	s5 =	sor.u32 s1, s5  }
0x9: {  	[sflag:s6] =	ssyncpa.u1 $0x0;
	s6 =	simm.s32 $0x800;
	s10 =	smov.u32 s5  }
.LBB1_7:
0xa: {  	s13 =	sadd.s32 $0x10, s9  }
0xb: {  	s11 =	sadd.s32 $0x20, s10;
	s15 =	smov.u32 s10;
	p2 =	sgt.s32 s13, $0x7F  }
0xc: {  	p1 =	slt.u32 s8, $0x2;
	s15 =	smov.u32 @p2 s11  }
0xd: {  	s8 =	sadd.s32 $0x1, s8;
	s13 =	simm.s32 @p2 $0x0;
	p2 =	sgt.s32 s15, $0x1FF  }
0xe: {  	s15 =	smov.u32 @p2 s5;
	p2 =	sne.s32 s8, $0x82  }
.Ltmp1:
0xf: {  	_ = 	snop;
	(pc) =	sbr.rel @!p2 .LBB1_8-.Ltmp1, $4  }
0x10: {  	s14 =	simm.s32 @!p1 $0x2  }
0x11: {  	s12 =	smov.u32 s10;
	_ =	swait.ge @!p1 [sflag:s14], $0x4000  }
0x12: {  	p0 =	por !p0, !p0;
	s11 =	smov.u32 s9;
	[sflag:s14] =	ssyncset.done @!p1 $0x0  }
0x13: {  	s9 =	smov.u32 s13;
	[sflag:s14] =	ssyncadd.s32 @!p1 $0xFFFFC000;
	s10 =	smov.u32 s15  }
.LBB1_1:
0x14: {  	p1 =	sgt.u32 s8, $0x7F  }
0x15: {  	s13 =	sxor.u32 @!p1 $0xFFFFFFFF, s8;
	s14 =	sshll.u32 @!p1 s10, $0xE  }
0x16: {  	s15 =	sshll.u32 @!p1 s9, $0x7;
	s13 =	sshll.u32 @!p1 s13, $0xE;
	s14 =	sadd.s32 @!p1 s3, s14  }
0x17: {  	s13 =	sand.u32 @!p1 $0x4000, s13;
	s14 =	sadd.s32 @!p1 s15, s14;
	s15 =	simm.s32 @!p1 $0x0  }
0x18: {  	[tilespmem:s13], [sflag:$0x1] =	stream.linear.gather @!p1 [hbm4b:s14+s15], $0x4000, $0x38;
	[tilespmem:$0x10000] =	vst v63  }
0x19: {  	p1 =	seq.s32 s8, $0x0  }
0x1a: {  	p2 =	seq.s32 @!p1 s8, $0x81  }
0x1b: {  	p1 =	por p1, p2  }
.Ltmp2:
0x1c: {  	_ = 	snop;
	(pc) =	sbr.rel @p1 .LBB1_7-.Ltmp2, $1  }
0x1d: {  	_ =	sdelay $0x3  }
0x1e: {  	s13 =	simm.s32 $0x1;
	_ =	swait.ge [sflag:s4], $0x4000;
	s16 =	sshll.u32 s8, $0xE  }
0x1f: {  	s13 =	simm.s32 @!p0 $0x0;
	[sflag:s4] =	ssyncset.done $0x0;
	s31 =	sand.u32 $0x4000, s16  }
0x20: {  	s16 =	simm.s32 $0x0;
	s14 =	sshll.u32 s13, $0xE;
	[sflag:s4] =	ssyncadd.s32 $0xFFFFC000  }
0x21: {  	s13 =	sor.u32 $0x8040, s14;
	s15 =	sor.u32 $0x40, s14;
	s14 =	sor.u32 $0x8000, s31  }
.LBB1_3:
0x22: {  	v0 =	vmov s15;
	_ =	sdelay $0x3  }
0x23: {  	s18 =	simm.s32 $0x0  }
0x24: {  	v6 =	vld.idx.msk [tilespmem:v0+s18+$0x30 ss:$0x1], $0xffff  }
0x25: {  	v7 =	vld.idx.msk [tilespmem:v0+s18+$0xFFFFFFC0 ss:$0x1], $0xffff  }
0x26: {  	v5 =	vld.idx.msk [tilespmem:v0+s18+$0xFFFFFFD0 ss:$0x1], $0xffff  }
0x27: {  	v4 =	vld.idx.msk [tilespmem:v0+s18+$0xFFFFFFE0 ss:$0x1], $0xffff  }
0x28: {  	v3 =	vld.idx.msk [tilespmem:v0+s18+$0xFFFFFFF0 ss:$0x1], $0xffff  }
0x29: {  	v1 =	vld.idx.msk [tilespmem:v0+s18+$0x0 ss:$0x1], $0xffff  }
0x2a: {  	v2 =	vld.idx.msk [tilespmem:v0+s18+$0x10 ss:$0x1], $0xffff;
	[tilespmem:s13+$0x30] =	vst v6  }
0x2b: {  	s17 =	simm.s32 $0x80;
	s19 =	simm.s32 $0x400;
	[tilespmem:s13+$0xFFFFFFC0] =	vst v7;
	v6 =	vld.idx.msk [tilespmem:v0+s18+$0x20 ss:$0x1], $0xffff;
	s18 =	smov.u32 s13  }
.LBB1_4:
0x2c: {  	p1 =	sne.s32 s19, $0xE00;
	v7 =	vld.idx.msk [tilespmem:v0+s17+$0x30 ss:$0x1], $0xffff;
	[tilespmem:s18+$0xFFFFFFD0] =	vst v5  }
0x2d: {  	v8 =	vld.idx.msk [tilespmem:v0+s17+$0xFFFFFFC0 ss:$0x1], $0xffff;
	[tilespmem:s18+$0xFFFFFFE0] =	vst v4  }
0x2e: {  	v5 =	vld.idx.msk [tilespmem:v0+s17+$0xFFFFFFD0 ss:$0x1], $0xffff;
	[tilespmem:s18+$0xFFFFFFF0] =	vst v3  }
.Ltmp3:
0x2f: {  	v4 =	vld.idx.msk [tilespmem:v0+s17+$0xFFFFFFE0 ss:$0x1], $0xffff;
	[tilespmem:s18+$0x0] =	vst v1;
	(pc) =	sbr.rel @p1 .LBB1_4-.Ltmp3, $4  }
0x30: {  	v3 =	vld.idx.msk [tilespmem:v0+s17+$0xFFFFFFF0 ss:$0x1], $0xffff;
	[tilespmem:s18+$0x10] =	vst v2  }
0x31: {  	v1 =	vld.idx.msk [tilespmem:v0+s17+$0x0 ss:$0x1], $0xffff;
	[tilespmem:s18+$0x20] =	vst v6;
	s18 =	sadd.s32 $0x800, s18  }
0x32: {  	v2 =	vld.idx.msk [tilespmem:v0+s17+$0x10 ss:$0x1], $0xffff;
	[tilespmem:s18+$0x30] =	vst v7  }
0x33: {  	[tilespmem:s18+$0xFFFFFFC0] =	vst v8;
	v6 =	vld.idx.msk [tilespmem:v0+s17+$0x20 ss:$0x1], $0xffff;
	s17 =	sshra.s32 s19, $0x2;
	s19 =	sadd.s32 $0x200, s19  }
0x34: {  	_ =	sdelay $0x2  }
0x35: {  	[tilespmem:s18+$0xFFFFFFD0] =	vst v5  }
0x36: {  	v56 =	vld.idx.msk [tilespmem:v0+s17+$0x30 ss:$0x1], $0xffff;
	[tilespmem:s18+$0xFFFFFFE0] =	vst v4  }
0x37: {  	v57 =	vld.idx.msk [tilespmem:v0+s17+$0xFFFFFFC0 ss:$0x1], $0xffff;
	[tilespmem:s18+$0xFFFFFFF0] =	vst v3  }
0x38: {  	v58 =	vld.idx.msk [tilespmem:v0+s17+$0xFFFFFFD0 ss:$0x1], $0xffff;
	[tilespmem:s18+$0x0] =	vst v1  }
0x39: {  	v59 =	vld.idx.msk [tilespmem:v0+s17+$0xFFFFFFE0 ss:$0x1], $0xffff;
	[tilespmem:s18+$0x10] =	vst v2  }
0x3a: {  	v60 =	vld.idx.msk [tilespmem:v0+s17+$0xFFFFFFF0 ss:$0x1], $0xffff;
	s31 =	sadd.s32 $0x800, s18;
	[tilespmem:s18+$0x20] =	vst v6  }
0x3b: {  	v61 =	vld.idx.msk [tilespmem:v0+s17+$0x0 ss:$0x1], $0xffff;
	[tilespmem:s31+$0x30] =	vst v56  }
0x3c: {  	v62 =	vld.idx.msk [tilespmem:v0+s17+$0x10 ss:$0x1], $0xffff;
	s16 =	sadd.s32 $0x1, s16;
	[tilespmem:s31+$0xFFFFFFC0] =	vst v57  }
0x3d: {  	v63 =	vld.idx.msk [tilespmem:v0+s17+$0x20 ss:$0x1], $0xffff;
	p1 =	sne.s32 s16, $0x10;
	[tilespmem:s31+$0xFFFFFFD0] =	vst v58  }
.Ltmp4:
0x3e: {  	[tilespmem:s31+$0xFFFFFFE0] =	vst v59;
	(pc) =	sbr.rel @p1 .LBB1_3-.Ltmp4, $4  }
0x3f: {  	[tilespmem:s31+$0xFFFFFFF0] =	vst v60  }
0x40: {  	[tilespmem:s31+$0x0] =	vst v61  }
0x41: {  	[tilespmem:s31+$0x10] =	vst v62  }
0x42: {  	s13 =	sadd.s32 $0x80, s13;
	s15 =	sadd.s32 $0x400, s15;
	[tilespmem:s31+$0x20] =	vst v63  }
.Ltmp5:
0x43: {  	(pc) =	sbr.rel .LBB1_7-.Ltmp5, $4  }
0x44: {  	s12 =	sshll.u32 s12, $0xE;
	s11 =	sshll.u32 s11, $0x4  }
0x45: {  	s11 =	sand.u32 $0x7F0, s11;
	s12 =	sadd.s32 s2, s12  }
0x46: {  	s11 =	sadd.s32 s11, s12  }
0x47: {  	[hbm4b:s11+s6] =	stream.strided.scatter [tilespmem:s14], [sflag:$0x2], $0x4000, s7, s6, $0x38;
	[tilespmem:$0x10000] =	vst v63  }
.LBB1_8:
0x48: {  	_ =	sfence.sel $0x180000  }
0x49: {  	s2 =	simm.s32 $0x1;
	[bflag:$0x0] =	sbarrier.arrive $0xFFFF  }
0x4a: {  	s31 =	simm.s32 $0x2;
	[sflag:s2] =	ssyncpa.u1 $0x1  }
0x4b: {  	[sflag:s31] =	ssyncpa.u1 $0x1  }
0x4c: {  	p0 =	sne.s32 s1, $0x0;
	_ =	strace $0x90000047  }
0x4d: {  	s0 =	sadd.s32 @!p0 $0x100000, s0;
	[bflag:$0x2] =	sbarrier.arrive $0xFFFF  }
0x4e: {  	[sflag:s0] =	ssyncadd.tile.s32 @!p0 $0x1;
	_ =	shalt  }
.Lfunc_end1:
_tile_overlayer_lowered:
.L_overlay_start_2:
0x4f: {  	(tag) =	ssettag $0x2  }
0x50: {  	s0 =	rddreg [dreg:$0x0];
	s2 =	stileid.u32  }
0x51: {  	s1 =	rddreg [dreg:$0x1];
	p0 =	sne.s32 s2, $0x0  }
0x52: {  	s3 =	rddreg [dreg:$0x2];
	[bflag:$0x3] =	sbarrier.arrive $0xFFFF;
	s2 =	simm.s32 @!p0 $0x1C01  }
0x53: {  	[timem:s3], [sflag:s2] =	dma.local @!p0 [hbm:s0], s1  }
0x54: {  	s0 =	simm.s32 @!p0 $0x1  }
0x55: {  	_ =	swait.ge @!p0 [sflag:s0], s1  }
0x56: {  	s1 =	ssub.s32 @!p0 $0x0, s1;
	[sflag:s0] =	ssyncset.done @!p0 $0x0  }
0x57: {  	[sflag:s0] =	ssyncadd.s32 @!p0 s1  }
0x58: {  	[bflag:$0x3] =	sbarrier.arrive $0xFFFF  }
0x59: {  	_ =	shalt  }

</sc_bundles>
